<compile_context>
chip_gen: v7x
topology: tpu7x:2x2x1
jax: 0.10.2.dev20260603
libtpu: 0.0.44.dev20260713+nightly
codegen_flags: <defaults>
</compile_context>

<pallas_src>
import functools

import jax
import jax.numpy as jnp
from jax import lax
from jax.experimental import pallas as pl
from jax.experimental.pallas import tpu as pltpu
from jax.experimental.pallas import tpu_sc as plsc

Q_INV = 0.0625
L = 17
N_PIX = 4 * 512 * 512
NW = 32
PER_W = N_PIX // NW
CHUNK = 8192
ROWS = CHUNK // 512
N_CHUNKS = PER_W // CHUNK
TEC_PER_IMG = 8

LUT_N = L * L * L
LUT_PAD = 4928
RAW_PAD = LUT_PAD * 3
MAGIC = 12582912.0


def _lut_body(x_hbm, w_hbm, out_hbm, raw, wr, wg, wb,
              b00, b01, b02, b10, b11, b12, b20, b21, b22,
              si0, si1, si2, so0, so1, so2):
    sets = ((b00, b01, b02), (b10, b11, b12), (b20, b21, b22))
    isems = (si0, si1, si2)
    osems = (so0, so1, so2)

    wid = lax.axis_index("s") * 2 + lax.axis_index("c")
    img = wid // TEC_PER_IMG
    row0 = (wid % TEC_PER_IMG) * (PER_W // 512)
    planes = (img * 3, img * 3 + 1, img * 3 + 2)

    def fire_in(c):
        s, r0 = c % 3, row0 + c * ROWS
        return [pltpu.async_copy(x_hbm.at[p, pl.ds(r0, ROWS), :], buf, isems[s])
                for p, buf in zip(planes, sets[s])]

    def fire_out(c):
        s, r0 = c % 3, row0 + c * ROWS
        return [pltpu.async_copy(buf, out_hbm.at[p, pl.ds(r0, ROWS), :], osems[s])
                for p, buf in zip(planes, sets[s])]

    in_h = {0: fire_in(0)}

    pltpu.sync_copy(w_hbm, raw)

    @plsc.parallel_loop(0, LUT_PAD // 16, 1, unroll=2)
    def prep(i):
        base = i * 48
        lane = lax.iota(jnp.int32, 16) * 3 + base
        for ch, plane in enumerate((wr, wg, wb)):
            v = plsc.load_gather(raw, [lane + ch]) * 127.0
            v = (v + MAGIC) - MAGIC
            v = jnp.clip(v, -127.0, 127.0)
            plane[pl.ds(i * 16, 16)] = v * (1.0 / 127.0)

    def cell(v):
        q = v * (255.0 * Q_INV)
        ii = q.astype(jnp.int32)
        return ii, q - ii.astype(jnp.float32)

    def compute(c):
        rb, gb, bb = sets[c % 3]

        def step(o):
            row = o >> 9
            col = o & 511
            ri, fr = cell(rb[row, pl.ds(col, 16)])
            gi, fg = cell(gb[row, pl.ds(col, 16)])
            bi, fb = cell(bb[row, pl.ds(col, 16)])

            base = ri * (L * L) + gi * L + bi
            idx = (base, base + 1, base + L, base + L + 1,
                   base + L * L, base + L * L + 1,
                   base + L * L + L, base + L * L + L + 1)

            ur, ug, ub = 1.0 - fr, 1.0 - fg, 1.0 - fb
            w00, w01, w10, w11 = ur * ug, ur * fg, fr * ug, fr * fg
            wt = (w00 * ub, w00 * fb, w01 * ub, w01 * fb,
                  w10 * ub, w10 * fb, w11 * ub, w11 * fb)

            for plane, obuf in ((wr, rb), (wg, gb), (wb, bb)):
                t = [wt[k] * plsc.load_gather(plane, [idx[k]]) for k in range(8)]
                acc = ((t[0] + t[1]) + (t[2] + t[3])) + ((t[4] + t[5]) + (t[6] + t[7]))
                obuf[row, pl.ds(col, 16)] = jnp.clip(acc, 0.0, 1.0)

        plsc.parallel_loop(0, CHUNK, 16, unroll=2)(step)

    out_h = {}
    for c in range(N_CHUNKS):
        nxt = c + 1
        if nxt < N_CHUNKS:
            if nxt - 3 >= 0:
                for h in out_h.pop(nxt - 3):
                    h.wait()
            in_h[nxt] = fire_in(nxt)
        for h in in_h.pop(c):
            h.wait()
        compute(c)
        out_h[c] = fire_out(c)
    for c in sorted(out_h):
        for h in out_h[c]:
            h.wait()


@functools.cache
def _lut_call():
    return pl.kernel(
        _lut_body,
        mesh=plsc.VectorSubcoreMesh(
            core_axis_name="c", subcore_axis_name="s",
            num_cores=2, num_subcores=16,
        ),
        out_type=jax.ShapeDtypeStruct((12, 512, 512), jnp.float32),
        compiler_params=pltpu.CompilerParams(
            needs_layout_passes=False, use_tc_tiling_on_sc=True),
        scratch_types=(
            [pltpu.VMEM((RAW_PAD,), jnp.float32)]
            + [pltpu.VMEM((LUT_PAD,), jnp.float32)] * 3
            + [pltpu.VMEM((ROWS, 512), jnp.float32)] * 9
            + [pltpu.SemaphoreType.DMA] * 6
        ),
    )


def kernel(x, weight_s3_3d):
    B, C, H, W = x.shape
    x3 = x.reshape(B * C, H, W)
    wf = jnp.pad(weight_s3_3d.reshape(-1), (0, RAW_PAD - LUT_N * 3))
    out = _lut_call()(x3, wf)
    return out.reshape(B, C, H, W)

# --- scband reference (transcript-rebuilt; emitter-appended) ---
"""Pipeline reference for scband-finetune-61658550501869 (READ-ONLY COPY).

The authoritative reference and input builder live on the scoring server;
editing this copy changes nothing except your own understanding.
"""

import jax, jax.numpy as jnp
import numpy as np

Q = 16  # 2**interval, interval=4
L = 17  # 2**(8-interval) + 1


def setup_inputs(seed: int = 0) -> dict:
    key = jax.random.key(seed)
    k1, k2 = jax.random.split(key)
    x = jax.random.uniform(k1, (4, 3, 512, 512), dtype=jnp.float32)
    weight_s3_3d = jax.random.uniform(k2, (L * L * L, 3, 1, 1), dtype=jnp.float32, minval=-1.0, maxval=1.0)
    return {"x": x, "weight_s3_3d": weight_s3_3d}


def _round_bpda(v):
    # Backward Pass Differentiable Approximation: round in fwd, identity in bwd
    return v + jax.lax.stop_gradient(jnp.round(v) - v)


def reference(x, weight_s3_3d):
    B, C, H, W = x.shape
    img = jnp.transpose(x, (0, 2, 3, 1)).reshape(-1, 3) * 255.0
    # _prepare_3d_lut_weights
    w = weight_s3_3d * 127.0
    w = _round_bpda(w)
    w = jnp.clip(w, -127.0, 127.0)
    wf = w[:, :, 0, 0]  # [L^3, 3]
    # _get_3d_indices_and_fractions
    r, g, b = img[:, 0], img[:, 1], img[:, 2]
    r1 = jnp.clip(jnp.floor(r / Q).astype(jnp.int32), 0, L - 1)
    g1 = jnp.clip(jnp.floor(g / Q).astype(jnp.int32), 0, L - 1)
    b1 = jnp.clip(jnp.floor(b / Q).astype(jnp.int32), 0, L - 1)
    fr = r % Q
    fg = g % Q
    fb = b % Q
    r2 = jnp.clip(r1 + 1, 0, L - 1)
    g2 = jnp.clip(g1 + 1, 0, L - 1)
    b2 = jnp.clip(b1 + 1, 0, L - 1)
    # _get_3d_lut_corners (gathers from tiny replicated table)
    def corner(ri, gi, bi):
        return jnp.take(wf, ri * L * L + gi * L + bi, axis=0)
    p000 = corner(r1, g1, b1)
    p001 = corner(r1, g1, b2)
    p010 = corner(r1, g2, b1)
    p011 = corner(r1, g2, b2)
    p100 = corner(r2, g1, b1)
    p101 = corner(r2, g1, b2)
    p110 = corner(r2, g2, b1)
    p111 = corner(r2, g2, b2)
    # _perform_3d_interpolation (trilinear)
    frn = (fr / Q)[:, None]
    fgn = (fg / Q)[:, None]
    fbn = (fb / Q)[:, None]
    c00 = p000 * (1 - frn) + p100 * frn
    c01 = p001 * (1 - frn) + p101 * frn
    c10 = p010 * (1 - frn) + p110 * frn
    c11 = p011 * (1 - frn) + p111 * frn
    c0 = c00 * (1 - fgn) + c10 * fgn
    c1 = c01 * (1 - fgn) + c11 * fgn
    out = c0 * (1 - fbn) + c1 * fbn
    out = out.reshape(B, H, W, 3)
    out = jnp.transpose(out, (0, 3, 1, 2))
    return jnp.clip(out / 127.0, 0.0, 1.0)

if __name__ == "__main__":
    import jax
    _d = setup_inputs()
    print(jax.jit(kernel)(*tuple(_d.values())))

</pallas_src>

<mosaic_0001>
#map = affine_map<(d0, d1) -> (0, 0, 0)>
#map1 = affine_map<(d0, d1) -> (0)>
module attributes {stable_mosaic.version = 14 : i64} {
  func.func @_lut_body(%arg0: i32, %arg1: i32, %arg2: memref<12x512x512xf32, #tpu.memory_space<hbm>>, %arg3: memref<14784xf32, #tpu.memory_space<hbm>>, %arg4: memref<12x512x512xf32, #tpu.memory_space<hbm>>, %arg5: memref<14784xf32, #tpu.memory_space<vmem>>, %arg6: memref<4928xf32, #tpu.memory_space<vmem>>, %arg7: memref<4928xf32, #tpu.memory_space<vmem>>, %arg8: memref<4928xf32, #tpu.memory_space<vmem>>, %arg9: memref<16x512xf32, #tpu.memory_space<vmem>>, %arg10: memref<16x512xf32, #tpu.memory_space<vmem>>, %arg11: memref<16x512xf32, #tpu.memory_space<vmem>>, %arg12: memref<16x512xf32, #tpu.memory_space<vmem>>, %arg13: memref<16x512xf32, #tpu.memory_space<vmem>>, %arg14: memref<16x512xf32, #tpu.memory_space<vmem>>, %arg15: memref<16x512xf32, #tpu.memory_space<vmem>>, %arg16: memref<16x512xf32, #tpu.memory_space<vmem>>, %arg17: memref<16x512xf32, #tpu.memory_space<vmem>>, %arg18: memref<!tpu.dma_semaphore, #tpu.memory_space<semaphore_mem>>, %arg19: memref<!tpu.dma_semaphore, #tpu.memory_space<semaphore_mem>>, %arg20: memref<!tpu.dma_semaphore, #tpu.memory_space<semaphore_mem>>, %arg21: memref<!tpu.dma_semaphore, #tpu.memory_space<semaphore_mem>>, %arg22: memref<!tpu.dma_semaphore, #tpu.memory_space<semaphore_mem>>, %arg23: memref<!tpu.dma_semaphore, #tpu.memory_space<semaphore_mem>>) attributes {dimension_semantics = [#tpu.dimension_semantics<core_parallel>, #tpu.dimension_semantics<subcore_parallel>], iteration_bounds = array<i64: 2, 16>, scalar_prefetch = 0 : i64, scratch_operands = 19 : i64, tpu.core_type = #tpu.core_type<sc_vector_subcore>, window_params = [{transform_indices = #map}, {transform_indices = #map1}, {transform_indices = #map}]} {
    %mul3A = arith.constant 2 : i32
    %mul3A_0 = arith.muli %arg1, %mul3A : i32
    %add3A = arith.addi %mul3A_0, %arg0 : i32
    %jit3A = arith.constant 8 : i32
    %div3A = arith.divsi %add3A, %jit3A : i32
    %sign3A = arith.constant 0 : i32
    %sign3A_1 = arith.cmpi sgt, %add3A, %sign3A : i32
    %sign3A_2 = arith.extui %sign3A_1 : i1 to i32
    %sign3A_3 = arith.constant 0 : i32
    %sign3A_4 = arith.cmpi slt, %add3A, %sign3A_3 : i32
    %sign3A_5 = arith.extui %sign3A_4 : i1 to i32
    %sign3A_6 = arith.subi %sign3A_2, %sign3A_5 : i32
    %sign3A_7 = arith.constant 0 : i32
    %sign3A_8 = arith.cmpi sgt, %jit3A, %sign3A_7 : i32
    %sign3A_9 = arith.extui %sign3A_8 : i1 to i32
    %sign3A_10 = arith.constant 0 : i32
    %sign3A_11 = arith.cmpi slt, %jit3A, %sign3A_10 : i32
    %sign3A_12 = arith.extui %sign3A_11 : i1 to i32
    %sign3A_13 = arith.subi %sign3A_9, %sign3A_12 : i32
    %ne3A = arith.cmpi ne, %sign3A_6, %sign3A_13 : i32
    %rem3A = arith.remsi %add3A, %jit3A : i32
    %ne3A_14 = arith.constant 0 : i32
    %ne3A_15 = arith.cmpi ne, %rem3A, %ne3A_14 : i32
    %and3A = arith.andi %ne3A, %ne3A_15 : i1
    %sub3A = arith.constant 1 : i32
    %sub3A_16 = arith.subi %div3A, %sub3A : i32
    %select_n3A = arith.select %and3A, %sub3A_16, %div3A : i32
    %jit3A_17 = arith.constant 8 : i32
    %eq3A = arith.constant 0 : i32
    %eq3A_18 = arith.cmpi eq, %jit3A_17, %eq3A : i32
    %jit3A_19 = arith.constant 1 : i32
    %select_n3A_20 = arith.select %eq3A_18, %jit3A_19, %jit3A_17 : i32
    %rem3A_21 = arith.remsi %add3A, %select_n3A_20 : i32
    %ne3A_22 = arith.constant 0 : i32
    %ne3A_23 = arith.cmpi ne, %rem3A_21, %ne3A_22 : i32
    %lt3A = arith.constant 0 : i32
    %lt3A_24 = arith.cmpi slt, %rem3A_21, %lt3A : i32
    %lt3A_25 = arith.constant 0 : i32
    %lt3A_26 = arith.cmpi slt, %select_n3A_20, %lt3A_25 : i32
    %ne3A_27 = arith.xori %lt3A_24, %lt3A_26 : i1
    %and3A_28 = arith.andi %ne3A_27, %ne3A_23 : i1
    %add3A_29 = arith.addi %rem3A_21, %select_n3A_20 : i32
    %select_n3A_30 = arith.select %and3A_28, %add3A_29, %rem3A_21 : i32
    %mul3A_31 = arith.constant 64 : i32
    %mul3A_32 = arith.muli %select_n3A_30, %mul3A_31 : i32
    %mul3A_33 = arith.constant 3 : i32
    %mul3A_34 = arith.muli %select_n3A, %mul3A_33 : i32
    %mul3A_35 = arith.constant 3 : i32
    %mul3A_36 = arith.muli %select_n3A, %mul3A_35 : i32
    %add3A_37 = arith.constant 1 : i32
    %add3A_38 = arith.addi %mul3A_36, %add3A_37 : i32
    %mul3A_39 = arith.constant 3 : i32
    %mul3A_40 = arith.muli %select_n3A, %mul3A_39 : i32
    %add3A_41 = arith.constant 2 : i32
    %add3A_42 = arith.addi %mul3A_40, %add3A_41 : i32
    %add3A_43 = arith.constant 0 : i32
    %add3A_44 = arith.addi %mul3A_32, %add3A_43 : i32
    %dma_start3A = arith.constant 0 : i32
    %dma_start3A_45 = tpu.memref_slice %arg2[%mul3A_34, %add3A_44, %dma_start3A] : memref<12x512x512xf32, #tpu.memory_space<hbm>> -> memref<1x16x512xf32, #tpu.memory_space<hbm>>
    %dma_start3A_46 = tpu.memref_squeeze %dma_start3A_45 : memref<1x16x512xf32, #tpu.memory_space<hbm>> -> memref<16x512xf32, #tpu.memory_space<hbm>>
    %dma_start3A_47 = arith.constant 0 : i32
    %dma_start3A_48 = tpu.memref_slice %arg2[%mul3A_34, %add3A_44, %dma_start3A_47] : memref<12x512x512xf32, #tpu.memory_space<hbm>> -> memref<1x16x512xf32, #tpu.memory_space<hbm>>
    %dma_start3A_49 = tpu.memref_squeeze %dma_start3A_48 : memref<1x16x512xf32, #tpu.memory_space<hbm>> -> memref<16x512xf32, #tpu.memory_space<hbm>>
    tpu.enqueue_dma source(%dma_start3A_49 : memref<16x512xf32, #tpu.memory_space<hbm>>) target(%arg9 : memref<16x512xf32, #tpu.memory_space<vmem>>) target_semaphore(%arg18 : memref<!tpu.dma_semaphore, #tpu.memory_space<semaphore_mem>>)
    %dma_start3A_50 = arith.constant 0 : i32
    %dma_start3A_51 = tpu.memref_slice %arg2[%add3A_38, %add3A_44, %dma_start3A_50] : memref<12x512x512xf32, #tpu.memory_space<hbm>> -> memref<1x16x512xf32, #tpu.memory_space<hbm>>
    %dma_start3A_52 = tpu.memref_squeeze %dma_start3A_51 : memref<1x16x512xf32, #tpu.memory_space<hbm>> -> memref<16x512xf32, #tpu.memory_space<hbm>>
    %dma_start3A_53 = arith.constant 0 : i32
    %dma_start3A_54 = tpu.memref_slice %arg2[%add3A_38, %add3A_44, %dma_start3A_53] : memref<12x512x512xf32, #tpu.memory_space<hbm>> -> memref<1x16x512xf32, #tpu.memory_space<hbm>>
    %dma_start3A_55 = tpu.memref_squeeze %dma_start3A_54 : memref<1x16x512xf32, #tpu.memory_space<hbm>> -> memref<16x512xf32, #tpu.memory_space<hbm>>
    tpu.enqueue_dma source(%dma_start3A_55 : memref<16x512xf32, #tpu.memory_space<hbm>>) target(%arg10 : memref<16x512xf32, #tpu.memory_space<vmem>>) target_semaphore(%arg18 : memref<!tpu.dma_semaphore, #tpu.memory_space<semaphore_mem>>)
    %dma_start3A_56 = arith.constant 0 : i32
    %dma_start3A_57 = tpu.memref_slice %arg2[%add3A_42, %add3A_44, %dma_start3A_56] : memref<12x512x512xf32, #tpu.memory_space<hbm>> -> memref<1x16x512xf32, #tpu.memory_space<hbm>>
    %dma_start3A_58 = tpu.memref_squeeze %dma_start3A_57 : memref<1x16x512xf32, #tpu.memory_space<hbm>> -> memref<16x512xf32, #tpu.memory_space<hbm>>
    %dma_start3A_59 = arith.constant 0 : i32
    %dma_start3A_60 = tpu.memref_slice %arg2[%add3A_42, %add3A_44, %dma_start3A_59] : memref<12x512x512xf32, #tpu.memory_space<hbm>> -> memref<1x16x512xf32, #tpu.memory_space<hbm>>
    %dma_start3A_61 = tpu.memref_squeeze %dma_start3A_60 : memref<1x16x512xf32, #tpu.memory_space<hbm>> -> memref<16x512xf32, #tpu.memory_space<hbm>>
    tpu.enqueue_dma source(%dma_start3A_61 : memref<16x512xf32, #tpu.memory_space<hbm>>) target(%arg11 : memref<16x512xf32, #tpu.memory_space<vmem>>) target_semaphore(%arg18 : memref<!tpu.dma_semaphore, #tpu.memory_space<semaphore_mem>>)
    "tpu.region"() ({
      %run_scoped3A = tpu.sem_alloc : memref<!tpu.dma_semaphore, #tpu.memory_space<semaphore_mem>>
      tpu.enqueue_dma source(%arg3 : memref<14784xf32, #tpu.memory_space<hbm>>) target(%arg5 : memref<14784xf32, #tpu.memory_space<vmem>>) target_semaphore(%run_scoped3A : memref<!tpu.dma_semaphore, #tpu.memory_space<semaphore_mem>>)
      tpu.wait_dma2 semaphore(%run_scoped3A : memref<!tpu.dma_semaphore, #tpu.memory_space<semaphore_mem>>) src(%arg3 : memref<14784xf32, #tpu.memory_space<hbm>>) dst(%arg5 : memref<14784xf32, #tpu.memory_space<vmem>>)
      tpu.yield
    }) : () -> ()
    %parallel_loop3A = arith.constant 0 : i32
    %parallel_loop3A_62 = arith.constant 308 : i32
    %parallel_loop3A_63 = arith.constant 1 : i32
    scf.for %parallel_loop3A_359 = %parallel_loop3A to %parallel_loop3A_62 step %parallel_loop3A_63  : i32 {
      %parallel_loop3A_360 = arith.constant 48 : i32
      %parallel_loop3A_361 = arith.muli %parallel_loop3A_359, %parallel_loop3A_360 : i32
      %parallel_loop3A_362 = tpu.iota {dimensions = array<i32: 0>} : vector<16xi32>
      %parallel_loop3A_363 = arith.constant 3 : i32
      %parallel_loop3A_364 = vector.broadcast %parallel_loop3A_363 : i32 to vector<16xi32>
      %parallel_loop3A_365 = arith.muli %parallel_loop3A_362, %parallel_loop3A_364 : vector<16xi32>
      %parallel_loop3A_366 = vector.broadcast %parallel_loop3A_361 : i32 to vector<16xi32>
      %parallel_loop3A_367 = arith.addi %parallel_loop3A_365, %parallel_loop3A_366 : vector<16xi32>
      %parallel_loop3A_368 = arith.constant 0 : i32
      %parallel_loop3A_369 = vector.broadcast %parallel_loop3A_368 : i32 to vector<16xi32>
      %parallel_loop3A_370 = arith.addi %parallel_loop3A_367, %parallel_loop3A_369 : vector<16xi32>
      %parallel_loop3A_371 = tpu.vector_load_idx %arg5[%parallel_loop3A_370] : memref<14784xf32, #tpu.memory_space<vmem>>[vector<16xi32>], vector<16xf32>,
      %parallel_loop3A_372 = arith.constant 1.270000e+02 : f32
      %parallel_loop3A_373 = vector.broadcast %parallel_loop3A_372 : f32 to vector<16xf32>
      %parallel_loop3A_374 = arith.mulf %parallel_loop3A_371, %parallel_loop3A_373 : vector<16xf32>
      %parallel_loop3A_375 = arith.constant 0x4B400000 : f32
      %parallel_loop3A_376 = vector.broadcast %parallel_loop3A_375 : f32 to vector<16xf32>
      %parallel_loop3A_377 = arith.addf %parallel_loop3A_374, %parallel_loop3A_376 : vector<16xf32>
      %parallel_loop3A_378 = arith.constant 0x4B400000 : f32
      %parallel_loop3A_379 = vector.broadcast %parallel_loop3A_378 : f32 to vector<16xf32>
      %parallel_loop3A_380 = arith.subf %parallel_loop3A_377, %parallel_loop3A_379 : vector<16xf32>
      %parallel_loop3A_381 = arith.constant -1.270000e+02 : f32
      %parallel_loop3A_382 = arith.constant 1.270000e+02 : f32
      %parallel_loop3A_383 = vector.broadcast %parallel_loop3A_381 : f32 to vector<16xf32>
      %parallel_loop3A_384 = arith.maximumf %parallel_loop3A_383, %parallel_loop3A_380 : vector<16xf32>
      %parallel_loop3A_385 = vector.broadcast %parallel_loop3A_382 : f32 to vector<16xf32>
      %parallel_loop3A_386 = arith.minimumf %parallel_loop3A_385, %parallel_loop3A_384 : vector<16xf32>
      %parallel_loop3A_387 = arith.constant 0.00787401571 : f32
      %parallel_loop3A_388 = vector.broadcast %parallel_loop3A_387 : f32 to vector<16xf32>
      %parallel_loop3A_389 = arith.mulf %parallel_loop3A_386, %parallel_loop3A_388 : vector<16xf32>
      %parallel_loop3A_390 = arith.constant 16 : i32
      %parallel_loop3A_391 = arith.muli %parallel_loop3A_359, %parallel_loop3A_390 : i32
      %parallel_loop3A_392 = arith.index_cast %parallel_loop3A_391 : i32 to index
      %parallel_loop3A_393 = tpu.vector_load %arg6[%parallel_loop3A_392] {strides = array<i32>} : memref<4928xf32, #tpu.memory_space<vmem>>, vector<16xf32>,
      tpu.vector_store %arg6[%parallel_loop3A_392], %parallel_loop3A_389 {strides = array<i32>} : memref<4928xf32, #tpu.memory_space<vmem>>, vector<16xf32>,
      %parallel_loop3A_394 = arith.constant 1 : i32
      %parallel_loop3A_395 = vector.broadcast %parallel_loop3A_394 : i32 to vector<16xi32>
      %parallel_loop3A_396 = arith.addi %parallel_loop3A_367, %parallel_loop3A_395 : vector<16xi32>
      %parallel_loop3A_397 = tpu.vector_load_idx %arg5[%parallel_loop3A_396] : memref<14784xf32, #tpu.memory_space<vmem>>[vector<16xi32>], vector<16xf32>,
      %parallel_loop3A_398 = arith.constant 1.270000e+02 : f32
      %parallel_loop3A_399 = vector.broadcast %parallel_loop3A_398 : f32 to vector<16xf32>
      %parallel_loop3A_400 = arith.mulf %parallel_loop3A_397, %parallel_loop3A_399 : vector<16xf32>
      %parallel_loop3A_401 = arith.constant 0x4B400000 : f32
      %parallel_loop3A_402 = vector.broadcast %parallel_loop3A_401 : f32 to vector<16xf32>
      %parallel_loop3A_403 = arith.addf %parallel_loop3A_400, %parallel_loop3A_402 : vector<16xf32>
      %parallel_loop3A_404 = arith.constant 0x4B400000 : f32
      %parallel_loop3A_405 = vector.broadcast %parallel_loop3A_404 : f32 to vector<16xf32>
      %parallel_loop3A_406 = arith.subf %parallel_loop3A_403, %parallel_loop3A_405 : vector<16xf32>
      %parallel_loop3A_407 = arith.constant -1.270000e+02 : f32
      %parallel_loop3A_408 = arith.constant 1.270000e+02 : f32
      %parallel_loop3A_409 = vector.broadcast %parallel_loop3A_407 : f32 to vector<16xf32>
      %parallel_loop3A_410 = arith.maximumf %parallel_loop3A_409, %parallel_loop3A_406 : vector<16xf32>
      %parallel_loop3A_411 = vector.broadcast %parallel_loop3A_408 : f32 to vector<16xf32>
      %parallel_loop3A_412 = arith.minimumf %parallel_loop3A_411, %parallel_loop3A_410 : vector<16xf32>
      %parallel_loop3A_413 = arith.constant 0.00787401571 : f32
      %parallel_loop3A_414 = vector.broadcast %parallel_loop3A_413 : f32 to vector<16xf32>
      %parallel_loop3A_415 = arith.mulf %parallel_loop3A_412, %parallel_loop3A_414 : vector<16xf32>
      %parallel_loop3A_416 = arith.constant 16 : i32
      %parallel_loop3A_417 = arith.muli %parallel_loop3A_359, %parallel_loop3A_416 : i32
      %parallel_loop3A_418 = arith.index_cast %parallel_loop3A_417 : i32 to index
      %parallel_loop3A_419 = tpu.vector_load %arg7[%parallel_loop3A_418] {strides = array<i32>} : memref<4928xf32, #tpu.memory_space<vmem>>, vector<16xf32>,
      tpu.vector_store %arg7[%parallel_loop3A_418], %parallel_loop3A_415 {strides = array<i32>} : memref<4928xf32, #tpu.memory_space<vmem>>, vector<16xf32>,
      %parallel_loop3A_420 = arith.constant 2 : i32
      %parallel_loop3A_421 = vector.broadcast %parallel_loop3A_420 : i32 to vector<16xi32>
      %parallel_loop3A_422 = arith.addi %parallel_loop3A_367, %parallel_loop3A_421 : vector<16xi32>
      %parallel_loop3A_423 = tpu.vector_load_idx %arg5[%parallel_loop3A_422] : memref<14784xf32, #tpu.memory_space<vmem>>[vector<16xi32>], vector<16xf32>,
      %parallel_loop3A_424 = arith.constant 1.270000e+02 : f32
      %parallel_loop3A_425 = vector.broadcast %parallel_loop3A_424 : f32 to vector<16xf32>
      %parallel_loop3A_426 = arith.mulf %parallel_loop3A_423, %parallel_loop3A_425 : vector<16xf32>
      %parallel_loop3A_427 = arith.constant 0x4B400000 : f32
      %parallel_loop3A_428 = vector.broadcast %parallel_loop3A_427 : f32 to vector<16xf32>
      %parallel_loop3A_429 = arith.addf %parallel_loop3A_426, %parallel_loop3A_428 : vector<16xf32>
      %parallel_loop3A_430 = arith.constant 0x4B400000 : f32
      %parallel_loop3A_431 = vector.broadcast %parallel_loop3A_430 : f32 to vector<16xf32>
      %parallel_loop3A_432 = arith.subf %parallel_loop3A_429, %parallel_loop3A_431 : vector<16xf32>
      %parallel_loop3A_433 = arith.constant -1.270000e+02 : f32
      %parallel_loop3A_434 = arith.constant 1.270000e+02 : f32
      %parallel_loop3A_435 = vector.broadcast %parallel_loop3A_433 : f32 to vector<16xf32>
      %parallel_loop3A_436 = arith.maximumf %parallel_loop3A_435, %parallel_loop3A_432 : vector<16xf32>
      %parallel_loop3A_437 = vector.broadcast %parallel_loop3A_434 : f32 to vector<16xf32>
      %parallel_loop3A_438 = arith.minimumf %parallel_loop3A_437, %parallel_loop3A_436 : vector<16xf32>
      %parallel_loop3A_439 = arith.constant 0.00787401571 : f32
      %parallel_loop3A_440 = vector.broadcast %parallel_loop3A_439 : f32 to vector<16xf32>
      %parallel_loop3A_441 = arith.mulf %parallel_loop3A_438, %parallel_loop3A_440 : vector<16xf32>
      %parallel_loop3A_442 = arith.constant 16 : i32
      %parallel_loop3A_443 = arith.muli %parallel_loop3A_359, %parallel_loop3A_442 : i32
      %parallel_loop3A_444 = arith.index_cast %parallel_loop3A_443 : i32 to index
      %parallel_loop3A_445 = tpu.vector_load %arg8[%parallel_loop3A_444] {strides = array<i32>} : memref<4928xf32, #tpu.memory_space<vmem>>, vector<16xf32>,
      tpu.vector_store %arg8[%parallel_loop3A_444], %parallel_loop3A_441 {strides = array<i32>} : memref<4928xf32, #tpu.memory_space<vmem>>, vector<16xf32>,
    } {sc.loop_unroll_factor = 2 : i64, sc.parallel_access}
    %add3A_64 = arith.constant 16 : i32
    %add3A_65 = arith.addi %mul3A_32, %add3A_64 : i32
    %dma_start3A_66 = arith.constant 0 : i32
    %dma_start3A_67 = tpu.memref_slice %arg2[%mul3A_34, %add3A_65, %dma_start3A_66] : memref<12x512x512xf32, #tpu.memory_space<hbm>> -> memref<1x16x512xf32, #tpu.memory_space<hbm>>
    %dma_start3A_68 = tpu.memref_squeeze %dma_start3A_67 : memref<1x16x512xf32, #tpu.memory_space<hbm>> -> memref<16x512xf32, #tpu.memory_space<hbm>>
    %dma_start3A_69 = arith.constant 0 : i32
    %dma_start3A_70 = tpu.memref_slice %arg2[%mul3A_34, %add3A_65, %dma_start3A_69] : memref<12x512x512xf32, #tpu.memory_space<hbm>> -> memref<1x16x512xf32, #tpu.memory_space<hbm>>
    %dma_start3A_71 = tpu.memref_squeeze %dma_start3A_70 : memref<1x16x512xf32, #tpu.memory_space<hbm>> -> memref<16x512xf32, #tpu.memory_space<hbm>>
    tpu.enqueue_dma source(%dma_start3A_71 : memref<16x512xf32, #tpu.memory_space<hbm>>) target(%arg12 : memref<16x512xf32, #tpu.memory_space<vmem>>) target_semaphore(%arg19 : memref<!tpu.dma_semaphore, #tpu.memory_space<semaphore_mem>>)
    %dma_start3A_72 = arith.constant 0 : i32
    %dma_start3A_73 = tpu.memref_slice %arg2[%add3A_38, %add3A_65, %dma_start3A_72] : memref<12x512x512xf32, #tpu.memory_space<hbm>> -> memref<1x16x512xf32, #tpu.memory_space<hbm>>
    %dma_start3A_74 = tpu.memref_squeeze %dma_start3A_73 : memref<1x16x512xf32, #tpu.memory_space<hbm>> -> memref<16x512xf32, #tpu.memory_space<hbm>>
    %dma_start3A_75 = arith.constant 0 : i32
    %dma_start3A_76 = tpu.memref_slice %arg2[%add3A_38, %add3A_65, %dma_start3A_75] : memref<12x512x512xf32, #tpu.memory_space<hbm>> -> memref<1x16x512xf32, #tpu.memory_space<hbm>>
    %dma_start3A_77 = tpu.memref_squeeze %dma_start3A_76 : memref<1x16x512xf32, #tpu.memory_space<hbm>> -> memref<16x512xf32, #tpu.memory_space<hbm>>
    tpu.enqueue_dma source(%dma_start3A_77 : memref<16x512xf32, #tpu.memory_space<hbm>>) target(%arg13 : memref<16x512xf32, #tpu.memory_space<vmem>>) target_semaphore(%arg19 : memref<!tpu.dma_semaphore, #tpu.memory_space<semaphore_mem>>)
    %dma_start3A_78 = arith.constant 0 : i32
    %dma_start3A_79 = tpu.memref_slice %arg2[%add3A_42, %add3A_65, %dma_start3A_78] : memref<12x512x512xf32, #tpu.memory_space<hbm>> -> memref<1x16x512xf32, #tpu.memory_space<hbm>>
    %dma_start3A_80 = tpu.memref_squeeze %dma_start3A_79 : memref<1x16x512xf32, #tpu.memory_space<hbm>> -> memref<16x512xf32, #tpu.memory_space<hbm>>
    %dma_start3A_81 = arith.constant 0 : i32
    %dma_start3A_82 = tpu.memref_slice %arg2[%add3A_42, %add3A_65, %dma_start3A_81] : memref<12x512x512xf32, #tpu.memory_space<hbm>> -> memref<1x16x512xf32, #tpu.memory_space<hbm>>
    %dma_start3A_83 = tpu.memref_squeeze %dma_start3A_82 : memref<1x16x512xf32, #tpu.memory_space<hbm>> -> memref<16x512xf32, #tpu.memory_space<hbm>>
    tpu.enqueue_dma source(%dma_start3A_83 : memref<16x512xf32, #tpu.memory_space<hbm>>) target(%arg14 : memref<16x512xf32, #tpu.memory_space<vmem>>) target_semaphore(%arg19 : memref<!tpu.dma_semaphore, #tpu.memory_space<semaphore_mem>>)
    %dma_wait3A = arith.constant 0 : i32
    %dma_wait3A_84 = tpu.memref_slice %arg2[%mul3A_34, %add3A_44, %dma_wait3A] : memref<12x512x512xf32, #tpu.memory_space<hbm>> -> memref<1x16x512xf32, #tpu.memory_space<hbm>>
    %dma_wait3A_85 = tpu.memref_squeeze %dma_wait3A_84 : memref<1x16x512xf32, #tpu.memory_space<hbm>> -> memref<16x512xf32, #tpu.memory_space<hbm>>
    %dma_wait3A_86 = arith.constant 0 : i32
    %dma_wait3A_87 = tpu.memref_slice %arg2[%mul3A_34, %add3A_44, %dma_wait3A_86] : memref<12x512x512xf32, #tpu.memory_space<hbm>> -> memref<1x16x512xf32, #tpu.memory_space<hbm>>
    %dma_wait3A_88 = tpu.memref_squeeze %dma_wait3A_87 : memref<1x16x512xf32, #tpu.memory_space<hbm>> -> memref<16x512xf32, #tpu.memory_space<hbm>>
    tpu.wait_dma2 semaphore(%arg18 : memref<!tpu.dma_semaphore, #tpu.memory_space<semaphore_mem>>) src(%dma_wait3A_88 : memref<16x512xf32, #tpu.memory_space<hbm>>) dst(%arg9 : memref<16x512xf32, #tpu.memory_space<vmem>>)
    %dma_wait3A_89 = arith.constant 0 : i32
    %dma_wait3A_90 = tpu.memref_slice %arg2[%add3A_38, %add3A_44, %dma_wait3A_89] : memref<12x512x512xf32, #tpu.memory_space<hbm>> -> memref<1x16x512xf32, #tpu.memory_space<hbm>>
    %dma_wait3A_91 = tpu.memref_squeeze %dma_wait3A_90 : memref<1x16x512xf32, #tpu.memory_space<hbm>> -> memref<16x512xf32, #tpu.memory_space<hbm>>
    %dma_wait3A_92 = arith.constant 0 : i32
    %dma_wait3A_93 = tpu.memref_slice %arg2[%add3A_38, %add3A_44, %dma_wait3A_92] : memref<12x512x512xf32, #tpu.memory_space<hbm>> -> memref<1x16x512xf32, #tpu.memory_space<hbm>>
    %dma_wait3A_94 = tpu.memref_squeeze %dma_wait3A_93 : memref<1x16x512xf32, #tpu.memory_space<hbm>> -> memref<16x512xf32, #tpu.memory_space<hbm>>
    tpu.wait_dma2 semaphore(%arg18 : memref<!tpu.dma_semaphore, #tpu.memory_space<semaphore_mem>>) src(%dma_wait3A_94 : memref<16x512xf32, #tpu.memory_space<hbm>>) dst(%arg10 : memref<16x512xf32, #tpu.memory_space<vmem>>)
    %dma_wait3A_95 = arith.constant 0 : i32
    %dma_wait3A_96 = tpu.memref_slice %arg2[%add3A_42, %add3A_44, %dma_wait3A_95] : memref<12x512x512xf32, #tpu.memory_space<hbm>> -> memref<1x16x512xf32, #tpu.memory_space<hbm>>
    %dma_wait3A_97 = tpu.memref_squeeze %dma_wait3A_96 : memref<1x16x512xf32, #tpu.memory_space<hbm>> -> memref<16x512xf32, #tpu.memory_space<hbm>>
    %dma_wait3A_98 = arith.constant 0 : i32
    %dma_wait3A_99 = tpu.memref_slice %arg2[%add3A_42, %add3A_44, %dma_wait3A_98] : memref<12x512x512xf32, #tpu.memory_space<hbm>> -> memref<1x16x512xf32, #tpu.memory_space<hbm>>
    %dma_wait3A_100 = tpu.memref_squeeze %dma_wait3A_99 : memref<1x16x512xf32, #tpu.memory_space<hbm>> -> memref<16x512xf32, #tpu.memory_space<hbm>>
    tpu.wait_dma2 semaphore(%arg18 : memref<!tpu.dma_semaphore, #tpu.memory_space<semaphore_mem>>) src(%dma_wait3A_100 : memref<16x512xf32, #tpu.memory_space<hbm>>) dst(%arg11 : memref<16x512xf32, #tpu.memory_space<vmem>>)
    %parallel_loop3A_101 = arith.constant 0 : i32
    %parallel_loop3A_102 = arith.constant 8192 : i32
    %parallel_loop3A_103 = arith.constant 16 : i32
    scf.for %parallel_loop3A_359 = %parallel_loop3A_101 to %parallel_loop3A_102 step %parallel_loop3A_103  : i32 {
      %parallel_loop3A_360 = arith.constant 9 : i32
      %parallel_loop3A_361 = arith.shrsi %parallel_loop3A_359, %parallel_loop3A_360 : i32
      %parallel_loop3A_362 = arith.constant 511 : i32
      %parallel_loop3A_363 = arith.andi %parallel_loop3A_359, %parallel_loop3A_362 : i32
      %parallel_loop3A_364 = arith.index_cast %parallel_loop3A_361 : i32 to index
      %parallel_loop3A_365 = arith.index_cast %parallel_loop3A_363 : i32 to index
      %parallel_loop3A_366 = tpu.vector_load %arg9[%parallel_loop3A_364, %parallel_loop3A_365] {strides = array<i32>} : memref<16x512xf32, #tpu.memory_space<vmem>>, vector<16xf32>,
      %parallel_loop3A_367 = arith.constant 1.593750e+01 : f32
      %parallel_loop3A_368 = vector.broadcast %parallel_loop3A_367 : f32 to vector<16xf32>
      %parallel_loop3A_369 = arith.mulf %parallel_loop3A_366, %parallel_loop3A_368 : vector<16xf32>
      %parallel_loop3A_370 = arith.fptosi %parallel_loop3A_369 : vector<16xf32> to vector<16xi32>
      %parallel_loop3A_371 = arith.sitofp %parallel_loop3A_370 : vector<16xi32> to vector<16xf32>
      %parallel_loop3A_372 = arith.subf %parallel_loop3A_369, %parallel_loop3A_371 : vector<16xf32>
      %parallel_loop3A_373 = arith.index_cast %parallel_loop3A_361 : i32 to index
      %parallel_loop3A_374 = arith.index_cast %parallel_loop3A_363 : i32 to index
      %parallel_loop3A_375 = tpu.vector_load %arg10[%parallel_loop3A_373, %parallel_loop3A_374] {strides = array<i32>} : memref<16x512xf32, #tpu.memory_space<vmem>>, vector<16xf32>,
      %parallel_loop3A_376 = arith.constant 1.593750e+01 : f32
      %parallel_loop3A_377 = vector.broadcast %parallel_loop3A_376 : f32 to vector<16xf32>
      %parallel_loop3A_378 = arith.mulf %parallel_loop3A_375, %parallel_loop3A_377 : vector<16xf32>
      %parallel_loop3A_379 = arith.fptosi %parallel_loop3A_378 : vector<16xf32> to vector<16xi32>
      %parallel_loop3A_380 = arith.sitofp %parallel_loop3A_379 : vector<16xi32> to vector<16xf32>
      %parallel_loop3A_381 = arith.subf %parallel_loop3A_378, %parallel_loop3A_380 : vector<16xf32>
      %parallel_loop3A_382 = arith.index_cast %parallel_loop3A_361 : i32 to index
      %parallel_loop3A_383 = arith.index_cast %parallel_loop3A_363 : i32 to index
      %parallel_loop3A_384 = tpu.vector_load %arg11[%parallel_loop3A_382, %parallel_loop3A_383] {strides = array<i32>} : memref<16x512xf32, #tpu.memory_space<vmem>>, vector<16xf32>,
      %parallel_loop3A_385 = arith.constant 1.593750e+01 : f32
      %parallel_loop3A_386 = vector.broadcast %parallel_loop3A_385 : f32 to vector<16xf32>
      %parallel_loop3A_387 = arith.mulf %parallel_loop3A_384, %parallel_loop3A_386 : vector<16xf32>
      %parallel_loop3A_388 = arith.fptosi %parallel_loop3A_387 : vector<16xf32> to vector<16xi32>
      %parallel_loop3A_389 = arith.sitofp %parallel_loop3A_388 : vector<16xi32> to vector<16xf32>
      %parallel_loop3A_390 = arith.subf %parallel_loop3A_387, %parallel_loop3A_389 : vector<16xf32>
      %parallel_loop3A_391 = arith.constant 289 : i32
      %parallel_loop3A_392 = vector.broadcast %parallel_loop3A_391 : i32 to vector<16xi32>
      %parallel_loop3A_393 = arith.muli %parallel_loop3A_370, %parallel_loop3A_392 : vector<16xi32>
      %parallel_loop3A_394 = arith.constant 17 : i32
      %parallel_loop3A_395 = vector.broadcast %parallel_loop3A_394 : i32 to vector<16xi32>
      %parallel_loop3A_396 = arith.muli %parallel_loop3A_379, %parallel_loop3A_395 : vector<16xi32>
      %parallel_loop3A_397 = arith.addi %parallel_loop3A_393, %parallel_loop3A_396 : vector<16xi32>
      %parallel_loop3A_398 = arith.addi %parallel_loop3A_397, %parallel_loop3A_388 : vector<16xi32>
      %parallel_loop3A_399 = arith.constant 1 : i32
      %parallel_loop3A_400 = vector.broadcast %parallel_loop3A_399 : i32 to vector<16xi32>
      %parallel_loop3A_401 = arith.addi %parallel_loop3A_398, %parallel_loop3A_400 : vector<16xi32>
      %parallel_loop3A_402 = arith.constant 17 : i32
      %parallel_loop3A_403 = vector.broadcast %parallel_loop3A_402 : i32 to vector<16xi32>
      %parallel_loop3A_404 = arith.addi %parallel_loop3A_398, %parallel_loop3A_403 : vector<16xi32>
      %parallel_loop3A_405 = arith.constant 17 : i32
      %parallel_loop3A_406 = vector.broadcast %parallel_loop3A_405 : i32 to vector<16xi32>
      %parallel_loop3A_407 = arith.addi %parallel_loop3A_398, %parallel_loop3A_406 : vector<16xi32>
      %parallel_loop3A_408 = arith.constant 1 : i32
      %parallel_loop3A_409 = vector.broadcast %parallel_loop3A_408 : i32 to vector<16xi32>
      %parallel_loop3A_410 = arith.addi %parallel_loop3A_407, %parallel_loop3A_409 : vector<16xi32>
      %parallel_loop3A_411 = arith.constant 289 : i32
      %parallel_loop3A_412 = vector.broadcast %parallel_loop3A_411 : i32 to vector<16xi32>
      %parallel_loop3A_413 = arith.addi %parallel_loop3A_398, %parallel_loop3A_412 : vector<16xi32>
      %parallel_loop3A_414 = arith.constant 289 : i32
      %parallel_loop3A_415 = vector.broadcast %parallel_loop3A_414 : i32 to vector<16xi32>
      %parallel_loop3A_416 = arith.addi %parallel_loop3A_398, %parallel_loop3A_415 : vector<16xi32>
      %parallel_loop3A_417 = arith.constant 1 : i32
      %parallel_loop3A_418 = vector.broadcast %parallel_loop3A_417 : i32 to vector<16xi32>
      %parallel_loop3A_419 = arith.addi %parallel_loop3A_416, %parallel_loop3A_418 : vector<16xi32>
      %parallel_loop3A_420 = arith.constant 289 : i32
      %parallel_loop3A_421 = vector.broadcast %parallel_loop3A_420 : i32 to vector<16xi32>
      %parallel_loop3A_422 = arith.addi %parallel_loop3A_398, %parallel_loop3A_421 : vector<16xi32>
      %parallel_loop3A_423 = arith.constant 17 : i32
      %parallel_loop3A_424 = vector.broadcast %parallel_loop3A_423 : i32 to vector<16xi32>
      %parallel_loop3A_425 = arith.addi %parallel_loop3A_422, %parallel_loop3A_424 : vector<16xi32>
      %parallel_loop3A_426 = arith.constant 289 : i32
      %parallel_loop3A_427 = vector.broadcast %parallel_loop3A_426 : i32 to vector<16xi32>
      %parallel_loop3A_428 = arith.addi %parallel_loop3A_398, %parallel_loop3A_427 : vector<16xi32>
      %parallel_loop3A_429 = arith.constant 17 : i32
      %parallel_loop3A_430 = vector.broadcast %parallel_loop3A_429 : i32 to vector<16xi32>
      %parallel_loop3A_431 = arith.addi %parallel_loop3A_428, %parallel_loop3A_430 : vector<16xi32>
      %parallel_loop3A_432 = arith.constant 1 : i32
      %parallel_loop3A_433 = vector.broadcast %parallel_loop3A_432 : i32 to vector<16xi32>
      %parallel_loop3A_434 = arith.addi %parallel_loop3A_431, %parallel_loop3A_433 : vector<16xi32>
      %parallel_loop3A_435 = arith.constant 1.000000e+00 : f32
      %parallel_loop3A_436 = vector.broadcast %parallel_loop3A_435 : f32 to vector<16xf32>
      %parallel_loop3A_437 = arith.subf %parallel_loop3A_436, %parallel_loop3A_372 : vector<16xf32>
      %parallel_loop3A_438 = arith.constant 1.000000e+00 : f32
      %parallel_loop3A_439 = vector.broadcast %parallel_loop3A_438 : f32 to vector<16xf32>
      %parallel_loop3A_440 = arith.subf %parallel_loop3A_439, %parallel_loop3A_381 : vector<16xf32>
      %parallel_loop3A_441 = arith.constant 1.000000e+00 : f32
      %parallel_loop3A_442 = vector.broadcast %parallel_loop3A_441 : f32 to vector<16xf32>
      %parallel_loop3A_443 = arith.subf %parallel_loop3A_442, %parallel_loop3A_390 : vector<16xf32>
      %parallel_loop3A_444 = arith.mulf %parallel_loop3A_437, %parallel_loop3A_440 : vector<16xf32>
      %parallel_loop3A_445 = arith.mulf %parallel_loop3A_437, %parallel_loop3A_381 : vector<16xf32>
      %parallel_loop3A_446 = arith.mulf %parallel_loop3A_372, %parallel_loop3A_440 : vector<16xf32>
      %parallel_loop3A_447 = arith.mulf %parallel_loop3A_372, %parallel_loop3A_381 : vector<16xf32>
      %parallel_loop3A_448 = arith.mulf %parallel_loop3A_444, %parallel_loop3A_443 : vector<16xf32>
      %parallel_loop3A_449 = arith.mulf %parallel_loop3A_444, %parallel_loop3A_390 : vector<16xf32>
      %parallel_loop3A_450 = arith.mulf %parallel_loop3A_445, %parallel_loop3A_443 : vector<16xf32>
      %parallel_loop3A_451 = arith.mulf %parallel_loop3A_445, %parallel_loop3A_390 : vector<16xf32>
      %parallel_loop3A_452 = arith.mulf %parallel_loop3A_446, %parallel_loop3A_443 : vector<16xf32>
      %parallel_loop3A_453 = arith.mulf %parallel_loop3A_446, %parallel_loop3A_390 : vector<16xf32>
      %parallel_loop3A_454 = arith.mulf %parallel_loop3A_447, %parallel_loop3A_443 : vector<16xf32>
      %parallel_loop3A_455 = arith.mulf %parallel_loop3A_447, %parallel_loop3A_390 : vector<16xf32>
      %parallel_loop3A_456 = tpu.vector_load_idx %arg6[%parallel_loop3A_398] : memref<4928xf32, #tpu.memory_space<vmem>>[vector<16xi32>], vector<16xf32>,
      %parallel_loop3A_457 = arith.mulf %parallel_loop3A_448, %parallel_loop3A_456 : vector<16xf32>
      %parallel_loop3A_458 = tpu.vector_load_idx %arg6[%parallel_loop3A_401] : memref<4928xf32, #tpu.memory_space<vmem>>[vector<16xi32>], vector<16xf32>,
      %parallel_loop3A_459 = arith.mulf %parallel_loop3A_449, %parallel_loop3A_458 : vector<16xf32>
      %parallel_loop3A_460 = tpu.vector_load_idx %arg6[%parallel_loop3A_404] : memref<4928xf32, #tpu.memory_space<vmem>>[vector<16xi32>], vector<16xf32>,
      %parallel_loop3A_461 = arith.mulf %parallel_loop3A_450, %parallel_loop3A_460 : vector<16xf32>
      %parallel_loop3A_462 = tpu.vector_load_idx %arg6[%parallel_loop3A_410] : memref<4928xf32, #tpu.memory_space<vmem>>[vector<16xi32>], vector<16xf32>,
      %parallel_loop3A_463 = arith.mulf %parallel_loop3A_451, %parallel_loop3A_462 : vector<16xf32>
      %parallel_loop3A_464 = tpu.vector_load_idx %arg6[%parallel_loop3A_413] : memref<4928xf32, #tpu.memory_space<vmem>>[vector<16xi32>], vector<16xf32>,
      %parallel_loop3A_465 = arith.mulf %parallel_loop3A_452, %parallel_loop3A_464 : vector<16xf32>
      %parallel_loop3A_466 = tpu.vector_load_idx %arg6[%parallel_loop3A_419] : memref<4928xf32, #tpu.memory_space<vmem>>[vector<16xi32>], vector<16xf32>,
      %parallel_loop3A_467 = arith.mulf %parallel_loop3A_453, %parallel_loop3A_466 : vector<16xf32>
      %parallel_loop3A_468 = tpu.vector_load_idx %arg6[%parallel_loop3A_425] : memref<4928xf32, #tpu.memory_space<vmem>>[vector<16xi32>], vector<16xf32>,
      %parallel_loop3A_469 = arith.mulf %parallel_loop3A_454, %parallel_loop3A_468 : vector<16xf32>
      %parallel_loop3A_470 = tpu.vector_load_idx %arg6[%parallel_loop3A_434] : memref<4928xf32, #tpu.memory_space<vmem>>[vector<16xi32>], vector<16xf32>,
      %parallel_loop3A_471 = arith.mulf %parallel_loop3A_455, %parallel_loop3A_470 : vector<16xf32>
      %parallel_loop3A_472 = arith.addf %parallel_loop3A_457, %parallel_loop3A_459 : vector<16xf32>
      %parallel_loop3A_473 = arith.addf %parallel_loop3A_461, %parallel_loop3A_463 : vector<16xf32>
      %parallel_loop3A_474 = arith.addf %parallel_loop3A_472, %parallel_loop3A_473 : vector<16xf32>
      %parallel_loop3A_475 = arith.addf %parallel_loop3A_465, %parallel_loop3A_467 : vector<16xf32>
      %parallel_loop3A_476 = arith.addf %parallel_loop3A_469, %parallel_loop3A_471 : vector<16xf32>
      %parallel_loop3A_477 = arith.addf %parallel_loop3A_475, %parallel_loop3A_476 : vector<16xf32>
      %parallel_loop3A_478 = arith.addf %parallel_loop3A_474, %parallel_loop3A_477 : vector<16xf32>
      %parallel_loop3A_479 = arith.constant 0.000000e+00 : f32
      %parallel_loop3A_480 = arith.constant 1.000000e+00 : f32
      %parallel_loop3A_481 = vector.broadcast %parallel_loop3A_479 : f32 to vector<16xf32>
      %parallel_loop3A_482 = arith.maximumf %parallel_loop3A_481, %parallel_loop3A_478 : vector<16xf32>
      %parallel_loop3A_483 = vector.broadcast %parallel_loop3A_480 : f32 to vector<16xf32>
      %parallel_loop3A_484 = arith.minimumf %parallel_loop3A_483, %parallel_loop3A_482 : vector<16xf32>
      %parallel_loop3A_485 = arith.index_cast %parallel_loop3A_361 : i32 to index
      %parallel_loop3A_486 = arith.index_cast %parallel_loop3A_363 : i32 to index
      %parallel_loop3A_487 = tpu.vector_load %arg9[%parallel_loop3A_485, %parallel_loop3A_486] {strides = array<i32>} : memref<16x512xf32, #tpu.memory_space<vmem>>, vector<16xf32>,
      tpu.vector_store %arg9[%parallel_loop3A_485, %parallel_loop3A_486], %parallel_loop3A_484 {strides = array<i32>} : memref<16x512xf32, #tpu.memory_space<vmem>>, vector<16xf32>,
      %parallel_loop3A_488 = tpu.vector_load_idx %arg7[%parallel_loop3A_398] : memref<4928xf32, #tpu.memory_space<vmem>>[vector<16xi32>], vector<16xf32>,
      %parallel_loop3A_489 = arith.mulf %parallel_loop3A_448, %parallel_loop3A_488 : vector<16xf32>
      %parallel_loop3A_490 = tpu.vector_load_idx %arg7[%parallel_loop3A_401] : memref<4928xf32, #tpu.memory_space<vmem>>[vector<16xi32>], vector<16xf32>,
      %parallel_loop3A_491 = arith.mulf %parallel_loop3A_449, %parallel_loop3A_490 : vector<16xf32>
      %parallel_loop3A_492 = tpu.vector_load_idx %arg7[%parallel_loop3A_404] : memref<4928xf32, #tpu.memory_space<vmem>>[vector<16xi32>], vector<16xf32>,
      %parallel_loop3A_493 = arith.mulf %parallel_loop3A_450, %parallel_loop3A_492 : vector<16xf32>
      %parallel_loop3A_494 = tpu.vector_load_idx %arg7[%parallel_loop3A_410] : memref<4928xf32, #tpu.memory_space<vmem>>[vector<16xi32>], vector<16xf32>,
      %parallel_loop3A_495 = arith.mulf %parallel_loop3A_451, %parallel_loop3A_494 : vector<16xf32>
      %parallel_loop3A_496 = tpu.vector_load_idx %arg7[%parallel_loop3A_413] : memref<4928xf32, #tpu.memory_space<vmem>>[vector<16xi32>], vector<16xf32>,
      %parallel_loop3A_497 = arith.mulf %parallel_loop3A_452, %parallel_loop3A_496 : vector<16xf32>
      %parallel_loop3A_498 = tpu.vector_load_idx %arg7[%parallel_loop3A_419] : memref<4928xf32, #tpu.memory_space<vmem>>[vector<16xi32>], vector<16xf32>,
      %parallel_loop3A_499 = arith.mulf %parallel_loop3A_453, %parallel_loop3A_498 : vector<16xf32>
      %parallel_loop3A_500 = tpu.vector_load_idx %arg7[%parallel_loop3A_425] : memref<4928xf32, #tpu.memory_space<vmem>>[vector<16xi32>], vector<16xf32>,
      %parallel_loop3A_501 = arith.mulf %parallel_loop3A_454, %parallel_loop3A_500 : vector<16xf32>
      %parallel_loop3A_502 = tpu.vector_load_idx %arg7[%parallel_loop3A_434] : memref<4928xf32, #tpu.memory_space<vmem>>[vector<16xi32>], vector<16xf32>,
      %parallel_loop3A_503 = arith.mulf %parallel_loop3A_455, %parallel_loop3A_502 : vector<16xf32>
      %parallel_loop3A_504 = arith.addf %parallel_loop3A_489, %parallel_loop3A_491 : vector<16xf32>
      %parallel_loop3A_505 = arith.addf %parallel_loop3A_493, %parallel_loop3A_495 : vector<16xf32>
      %parallel_loop3A_506 = arith.addf %parallel_loop3A_504, %parallel_loop3A_505 : vector<16xf32>
      %parallel_loop3A_507 = arith.addf %parallel_loop3A_497, %parallel_loop3A_499 : vector<16xf32>
      %parallel_loop3A_508 = arith.addf %parallel_loop3A_501, %parallel_loop3A_503 : vector<16xf32>
      %parallel_loop3A_509 = arith.addf %parallel_loop3A_507, %parallel_loop3A_508 : vector<16xf32>
      %parallel_loop3A_510 = arith.addf %parallel_loop3A_506, %parallel_loop3A_509 : vector<16xf32>
      %parallel_loop3A_511 = arith.constant 0.000000e+00 : f32
      %parallel_loop3A_512 = arith.constant 1.000000e+00 : f32
      %parallel_loop3A_513 = vector.broadcast %parallel_loop3A_511 : f32 to vector<16xf32>
      %parallel_loop3A_514 = arith.maximumf %parallel_loop3A_513, %parallel_loop3A_510 : vector<16xf32>
      %parallel_loop3A_515 = vector.broadcast %parallel_loop3A_512 : f32 to vector<16xf32>
      %parallel_loop3A_516 = arith.minimumf %parallel_loop3A_515, %parallel_loop3A_514 : vector<16xf32>
      %parallel_loop3A_517 = arith.index_cast %parallel_loop3A_361 : i32 to index
      %parallel_loop3A_518 = arith.index_cast %parallel_loop3A_363 : i32 to index
      %parallel_loop3A_519 = tpu.vector_load %arg10[%parallel_loop3A_517, %parallel_loop3A_518] {strides = array<i32>} : memref<16x512xf32, #tpu.memory_space<vmem>>, vector<16xf32>,
      tpu.vector_store %arg10[%parallel_loop3A_517, %parallel_loop3A_518], %parallel_loop3A_516 {strides = array<i32>} : memref<16x512xf32, #tpu.memory_space<vmem>>, vector<16xf32>,
      %parallel_loop3A_520 = tpu.vector_load_idx %arg8[%parallel_loop3A_398] : memref<4928xf32, #tpu.memory_space<vmem>>[vector<16xi32>], vector<16xf32>,
      %parallel_loop3A_521 = arith.mulf %parallel_loop3A_448, %parallel_loop3A_520 : vector<16xf32>
      %parallel_loop3A_522 = tpu.vector_load_idx %arg8[%parallel_loop3A_401] : memref<4928xf32, #tpu.memory_space<vmem>>[vector<16xi32>], vector<16xf32>,
      %parallel_loop3A_523 = arith.mulf %parallel_loop3A_449, %parallel_loop3A_522 : vector<16xf32>
      %parallel_loop3A_524 = tpu.vector_load_idx %arg8[%parallel_loop3A_404] : memref<4928xf32, #tpu.memory_space<vmem>>[vector<16xi32>], vector<16xf32>,
      %parallel_loop3A_525 = arith.mulf %parallel_loop3A_450, %parallel_loop3A_524 : vector<16xf32>
      %parallel_loop3A_526 = tpu.vector_load_idx %arg8[%parallel_loop3A_410] : memref<4928xf32, #tpu.memory_space<vmem>>[vector<16xi32>], vector<16xf32>,
      %parallel_loop3A_527 = arith.mulf %parallel_loop3A_451, %parallel_loop3A_526 : vector<16xf32>
      %parallel_loop3A_528 = tpu.vector_load_idx %arg8[%parallel_loop3A_413] : memref<4928xf32, #tpu.memory_space<vmem>>[vector<16xi32>], vector<16xf32>,
      %parallel_loop3A_529 = arith.mulf %parallel_loop3A_452, %parallel_loop3A_528 : vector<16xf32>
      %parallel_loop3A_530 = tpu.vector_load_idx %arg8[%parallel_loop3A_419] : memref<4928xf32, #tpu.memory_space<vmem>>[vector<16xi32>], vector<16xf32>,
      %parallel_loop3A_531 = arith.mulf %parallel_loop3A_453, %parallel_loop3A_530 : vector<16xf32>
      %parallel_loop3A_532 = tpu.vector_load_idx %arg8[%parallel_loop3A_425] : memref<4928xf32, #tpu.memory_space<vmem>>[vector<16xi32>], vector<16xf32>,
      %parallel_loop3A_533 = arith.mulf %parallel_loop3A_454, %parallel_loop3A_532 : vector<16xf32>
      %parallel_loop3A_534 = tpu.vector_load_idx %arg8[%parallel_loop3A_434] : memref<4928xf32, #tpu.memory_space<vmem>>[vector<16xi32>], vector<16xf32>,
      %parallel_loop3A_535 = arith.mulf %parallel_loop3A_455, %parallel_loop3A_534 : vector<16xf32>
      %parallel_loop3A_536 = arith.addf %parallel_loop3A_521, %parallel_loop3A_523 : vector<16xf32>
      %parallel_loop3A_537 = arith.addf %parallel_loop3A_525, %parallel_loop3A_527 : vector<16xf32>
      %parallel_loop3A_538 = arith.addf %parallel_loop3A_536, %parallel_loop3A_537 : vector<16xf32>
      %parallel_loop3A_539 = arith.addf %parallel_loop3A_529, %parallel_loop3A_531 : vector<16xf32>
      %parallel_loop3A_540 = arith.addf %parallel_loop3A_533, %parallel_loop3A_535 : vector<16xf32>
      %parallel_loop3A_541 = arith.addf %parallel_loop3A_539, %parallel_loop3A_540 : vector<16xf32>
      %parallel_loop3A_542 = arith.addf %parallel_loop3A_538, %parallel_loop3A_541 : vector<16xf32>
      %parallel_loop3A_543 = arith.constant 0.000000e+00 : f32
      %parallel_loop3A_544 = arith.constant 1.000000e+00 : f32
      %parallel_loop3A_545 = vector.broadcast %parallel_loop3A_543 : f32 to vector<16xf32>
      %parallel_loop3A_546 = arith.maximumf %parallel_loop3A_545, %parallel_loop3A_542 : vector<16xf32>
      %parallel_loop3A_547 = vector.broadcast %parallel_loop3A_544 : f32 to vector<16xf32>
      %parallel_loop3A_548 = arith.minimumf %parallel_loop3A_547, %parallel_loop3A_546 : vector<16xf32>
      %parallel_loop3A_549 = arith.index_cast %parallel_loop3A_361 : i32 to index
      %parallel_loop3A_550 = arith.index_cast %parallel_loop3A_363 : i32 to index
      %parallel_loop3A_551 = tpu.vector_load %arg11[%parallel_loop3A_549, %parallel_loop3A_550] {strides = array<i32>} : memref<16x512xf32, #tpu.memory_space<vmem>>, vector<16xf32>,
      tpu.vector_store %arg11[%parallel_loop3A_549, %parallel_loop3A_550], %parallel_loop3A_548 {strides = array<i32>} : memref<16x512xf32, #tpu.memory_space<vmem>>, vector<16xf32>,
    } {sc.loop_unroll_factor = 2 : i64, sc.parallel_access}
    %add3A_104 = arith.constant 0 : i32
    %add3A_105 = arith.addi %mul3A_32, %add3A_104 : i32
    %dma_start3A_106 = arith.constant 0 : i32
    %dma_start3A_107 = tpu.memref_slice %arg4[%mul3A_34, %add3A_105, %dma_start3A_106] : memref<12x512x512xf32, #tpu.memory_space<hbm>> -> memref<1x16x512xf32, #tpu.memory_space<hbm>>
    %dma_start3A_108 = tpu.memref_squeeze %dma_start3A_107 : memref<1x16x512xf32, #tpu.memory_space<hbm>> -> memref<16x512xf32, #tpu.memory_space<hbm>>
    %dma_start3A_109 = arith.constant 0 : i32
    %dma_start3A_110 = tpu.memref_slice %arg4[%mul3A_34, %add3A_105, %dma_start3A_109] : memref<12x512x512xf32, #tpu.memory_space<hbm>> -> memref<1x16x512xf32, #tpu.memory_space<hbm>>
    %dma_start3A_111 = tpu.memref_squeeze %dma_start3A_110 : memref<1x16x512xf32, #tpu.memory_space<hbm>> -> memref<16x512xf32, #tpu.memory_space<hbm>>
    tpu.enqueue_dma source(%arg9 : memref<16x512xf32, #tpu.memory_space<vmem>>) target(%dma_start3A_111 : memref<16x512xf32, #tpu.memory_space<hbm>>) target_semaphore(%arg21 : memref<!tpu.dma_semaphore, #tpu.memory_space<semaphore_mem>>)
    %dma_start3A_112 = arith.constant 0 : i32
    %dma_start3A_113 = tpu.memref_slice %arg4[%add3A_38, %add3A_105, %dma_start3A_112] : memref<12x512x512xf32, #tpu.memory_space<hbm>> -> memref<1x16x512xf32, #tpu.memory_space<hbm>>
    %dma_start3A_114 = tpu.memref_squeeze %dma_start3A_113 : memref<1x16x512xf32, #tpu.memory_space<hbm>> -> memref<16x512xf32, #tpu.memory_space<hbm>>
    %dma_start3A_115 = arith.constant 0 : i32
    %dma_start3A_116 = tpu.memref_slice %arg4[%add3A_38, %add3A_105, %dma_start3A_115] : memref<12x512x512xf32, #tpu.memory_space<hbm>> -> memref<1x16x512xf32, #tpu.memory_space<hbm>>
    %dma_start3A_117 = tpu.memref_squeeze %dma_start3A_116 : memref<1x16x512xf32, #tpu.memory_space<hbm>> -> memref<16x512xf32, #tpu.memory_space<hbm>>
    tpu.enqueue_dma source(%arg10 : memref<16x512xf32, #tpu.memory_space<vmem>>) target(%dma_start3A_117 : memref<16x512xf32, #tpu.memory_space<hbm>>) target_semaphore(%arg21 : memref<!tpu.dma_semaphore, #tpu.memory_space<semaphore_mem>>)
    %dma_start3A_118 = arith.constant 0 : i32
    %dma_start3A_119 = tpu.memref_slice %arg4[%add3A_42, %add3A_105, %dma_start3A_118] : memref<12x512x512xf32, #tpu.memory_space<hbm>> -> memref<1x16x512xf32, #tpu.memory_space<hbm>>
    %dma_start3A_120 = tpu.memref_squeeze %dma_start3A_119 : memref<1x16x512xf32, #tpu.memory_space<hbm>> -> memref<16x512xf32, #tpu.memory_space<hbm>>
    %dma_start3A_121 = arith.constant 0 : i32
    %dma_start3A_122 = tpu.memref_slice %arg4[%add3A_42, %add3A_105, %dma_start3A_121] : memref<12x512x512xf32, #tpu.memory_space<hbm>> -> memref<1x16x512xf32, #tpu.memory_space<hbm>>
    %dma_start3A_123 = tpu.memref_squeeze %dma_start3A_122 : memref<1x16x512xf32, #tpu.memory_space<hbm>> -> memref<16x512xf32, #tpu.memory_space<hbm>>
    tpu.enqueue_dma source(%arg11 : memref<16x512xf32, #tpu.memory_space<vmem>>) target(%dma_start3A_123 : memref<16x512xf32, #tpu.memory_space<hbm>>) target_semaphore(%arg21 : memref<!tpu.dma_semaphore, #tpu.memory_space<semaphore_mem>>)
    %add3A_124 = arith.constant 32 : i32
    %add3A_125 = arith.addi %mul3A_32, %add3A_124 : i32
    %dma_start3A_126 = arith.constant 0 : i32
    %dma_start3A_127 = tpu.memref_slice %arg2[%mul3A_34, %add3A_125, %dma_start3A_126] : memref<12x512x512xf32, #tpu.memory_space<hbm>> -> memref<1x16x512xf32, #tpu.memory_space<hbm>>
    %dma_start3A_128 = tpu.memref_squeeze %dma_start3A_127 : memref<1x16x512xf32, #tpu.memory_space<hbm>> -> memref<16x512xf32, #tpu.memory_space<hbm>>
    %dma_start3A_129 = arith.constant 0 : i32
    %dma_start3A_130 = tpu.memref_slice %arg2[%mul3A_34, %add3A_125, %dma_start3A_129] : memref<12x512x512xf32, #tpu.memory_space<hbm>> -> memref<1x16x512xf32, #tpu.memory_space<hbm>>
    %dma_start3A_131 = tpu.memref_squeeze %dma_start3A_130 : memref<1x16x512xf32, #tpu.memory_space<hbm>> -> memref<16x512xf32, #tpu.memory_space<hbm>>
    tpu.enqueue_dma source(%dma_start3A_131 : memref<16x512xf32, #tpu.memory_space<hbm>>) target(%arg15 : memref<16x512xf32, #tpu.memory_space<vmem>>) target_semaphore(%arg20 : memref<!tpu.dma_semaphore, #tpu.memory_space<semaphore_mem>>)
    %dma_start3A_132 = arith.constant 0 : i32
    %dma_start3A_133 = tpu.memref_slice %arg2[%add3A_38, %add3A_125, %dma_start3A_132] : memref<12x512x512xf32, #tpu.memory_space<hbm>> -> memref<1x16x512xf32, #tpu.memory_space<hbm>>
    %dma_start3A_134 = tpu.memref_squeeze %dma_start3A_133 : memref<1x16x512xf32, #tpu.memory_space<hbm>> -> memref<16x512xf32, #tpu.memory_space<hbm>>
    %dma_start3A_135 = arith.constant 0 : i32
    %dma_start3A_136 = tpu.memref_slice %arg2[%add3A_38, %add3A_125, %dma_start3A_135] : memref<12x512x512xf32, #tpu.memory_space<hbm>> -> memref<1x16x512xf32, #tpu.memory_space<hbm>>
    %dma_start3A_137 = tpu.memref_squeeze %dma_start3A_136 : memref<1x16x512xf32, #tpu.memory_space<hbm>> -> memref<16x512xf32, #tpu.memory_space<hbm>>
    tpu.enqueue_dma source(%dma_start3A_137 : memref<16x512xf32, #tpu.memory_space<hbm>>) target(%arg16 : memref<16x512xf32, #tpu.memory_space<vmem>>) target_semaphore(%arg20 : memref<!tpu.dma_semaphore, #tpu.memory_space<semaphore_mem>>)
    %dma_start3A_138 = arith.constant 0 : i32
    %dma_start3A_139 = tpu.memref_slice %arg2[%add3A_42, %add3A_125, %dma_start3A_138] : memref<12x512x512xf32, #tpu.memory_space<hbm>> -> memref<1x16x512xf32, #tpu.memory_space<hbm>>
    %dma_start3A_140 = tpu.memref_squeeze %dma_start3A_139 : memref<1x16x512xf32, #tpu.memory_space<hbm>> -> memref<16x512xf32, #tpu.memory_space<hbm>>
    %dma_start3A_141 = arith.constant 0 : i32
    %dma_start3A_142 = tpu.memref_slice %arg2[%add3A_42, %add3A_125, %dma_start3A_141] : memref<12x512x512xf32, #tpu.memory_space<hbm>> -> memref<1x16x512xf32, #tpu.memory_space<hbm>>
    %dma_start3A_143 = tpu.memref_squeeze %dma_start3A_142 : memref<1x16x512xf32, #tpu.memory_space<hbm>> -> memref<16x512xf32, #tpu.memory_space<hbm>>
    tpu.enqueue_dma source(%dma_start3A_143 : memref<16x512xf32, #tpu.memory_space<hbm>>) target(%arg17 : memref<16x512xf32, #tpu.memory_space<vmem>>) target_semaphore(%arg20 : memref<!tpu.dma_semaphore, #tpu.memory_space<semaphore_mem>>)
    %dma_wait3A_144 = arith.constant 0 : i32
    %dma_wait3A_145 = tpu.memref_slice %arg2[%mul3A_34, %add3A_65, %dma_wait3A_144] : memref<12x512x512xf32, #tpu.memory_space<hbm>> -> memref<1x16x512xf32, #tpu.memory_space<hbm>>
    %dma_wait3A_146 = tpu.memref_squeeze %dma_wait3A_145 : memref<1x16x512xf32, #tpu.memory_space<hbm>> -> memref<16x512xf32, #tpu.memory_space<hbm>>
    %dma_wait3A_147 = arith.constant 0 : i32
    %dma_wait3A_148 = tpu.memref_slice %arg2[%mul3A_34, %add3A_65, %dma_wait3A_147] : memref<12x512x512xf32, #tpu.memory_space<hbm>> -> memref<1x16x512xf32, #tpu.memory_space<hbm>>
    %dma_wait3A_149 = tpu.memref_squeeze %dma_wait3A_148 : memref<1x16x512xf32, #tpu.memory_space<hbm>> -> memref<16x512xf32, #tpu.memory_space<hbm>>
    tpu.wait_dma2 semaphore(%arg19 : memref<!tpu.dma_semaphore, #tpu.memory_space<semaphore_mem>>) src(%dma_wait3A_149 : memref<16x512xf32, #tpu.memory_space<hbm>>) dst(%arg12 : memref<16x512xf32, #tpu.memory_space<vmem>>)
    %dma_wait3A_150 = arith.constant 0 : i32
    %dma_wait3A_151 = tpu.memref_slice %arg2[%add3A_38, %add3A_65, %dma_wait3A_150] : memref<12x512x512xf32, #tpu.memory_space<hbm>> -> memref<1x16x512xf32, #tpu.memory_space<hbm>>
    %dma_wait3A_152 = tpu.memref_squeeze %dma_wait3A_151 : memref<1x16x512xf32, #tpu.memory_space<hbm>> -> memref<16x512xf32, #tpu.memory_space<hbm>>
    %dma_wait3A_153 = arith.constant 0 : i32
    %dma_wait3A_154 = tpu.memref_slice %arg2[%add3A_38, %add3A_65, %dma_wait3A_153] : memref<12x512x512xf32, #tpu.memory_space<hbm>> -> memref<1x16x512xf32, #tpu.memory_space<hbm>>
    %dma_wait3A_155 = tpu.memref_squeeze %dma_wait3A_154 : memref<1x16x512xf32, #tpu.memory_space<hbm>> -> memref<16x512xf32, #tpu.memory_space<hbm>>
    tpu.wait_dma2 semaphore(%arg19 : memref<!tpu.dma_semaphore, #tpu.memory_space<semaphore_mem>>) src(%dma_wait3A_155 : memref<16x512xf32, #tpu.memory_space<hbm>>) dst(%arg13 : memref<16x512xf32, #tpu.memory_space<vmem>>)
    %dma_wait3A_156 = arith.constant 0 : i32
    %dma_wait3A_157 = tpu.memref_slice %arg2[%add3A_42, %add3A_65, %dma_wait3A_156] : memref<12x512x512xf32, #tpu.memory_space<hbm>> -> memref<1x16x512xf32, #tpu.memory_space<hbm>>
    %dma_wait3A_158 = tpu.memref_squeeze %dma_wait3A_157 : memref<1x16x512xf32, #tpu.memory_space<hbm>> -> memref<16x512xf32, #tpu.memory_space<hbm>>
    %dma_wait3A_159 = arith.constant 0 : i32
    %dma_wait3A_160 = tpu.memref_slice %arg2[%add3A_42, %add3A_65, %dma_wait3A_159] : memref<12x512x512xf32, #tpu.memory_space<hbm>> -> memref<1x16x512xf32, #tpu.memory_space<hbm>>
    %dma_wait3A_161 = tpu.memref_squeeze %dma_wait3A_160 : memref<1x16x512xf32, #tpu.memory_space<hbm>> -> memref<16x512xf32, #tpu.memory_space<hbm>>
    tpu.wait_dma2 semaphore(%arg19 : memref<!tpu.dma_semaphore, #tpu.memory_space<semaphore_mem>>) src(%dma_wait3A_161 : memref<16x512xf32, #tpu.memory_space<hbm>>) dst(%arg14 : memref<16x512xf32, #tpu.memory_space<vmem>>)
    %parallel_loop3A_162 = arith.constant 0 : i32
    %parallel_loop3A_163 = arith.constant 8192 : i32
    %parallel_loop3A_164 = arith.constant 16 : i32
    scf.for %parallel_loop3A_359 = %parallel_loop3A_162 to %parallel_loop3A_163 step %parallel_loop3A_164  : i32 {
      %parallel_loop3A_360 = arith.constant 9 : i32
      %parallel_loop3A_361 = arith.shrsi %parallel_loop3A_359, %parallel_loop3A_360 : i32
      %parallel_loop3A_362 = arith.constant 511 : i32
      %parallel_loop3A_363 = arith.andi %parallel_loop3A_359, %parallel_loop3A_362 : i32
      %parallel_loop3A_364 = arith.index_cast %parallel_loop3A_361 : i32 to index
      %parallel_loop3A_365 = arith.index_cast %parallel_loop3A_363 : i32 to index
      %parallel_loop3A_366 = tpu.vector_load %arg12[%parallel_loop3A_364, %parallel_loop3A_365] {strides = array<i32>} : memref<16x512xf32, #tpu.memory_space<vmem>>, vector<16xf32>,
      %parallel_loop3A_367 = arith.constant 1.593750e+01 : f32
      %parallel_loop3A_368 = vector.broadcast %parallel_loop3A_367 : f32 to vector<16xf32>
      %parallel_loop3A_369 = arith.mulf %parallel_loop3A_366, %parallel_loop3A_368 : vector<16xf32>
      %parallel_loop3A_370 = arith.fptosi %parallel_loop3A_369 : vector<16xf32> to vector<16xi32>
      %parallel_loop3A_371 = arith.sitofp %parallel_loop3A_370 : vector<16xi32> to vector<16xf32>
      %parallel_loop3A_372 = arith.subf %parallel_loop3A_369, %parallel_loop3A_371 : vector<16xf32>
      %parallel_loop3A_373 = arith.index_cast %parallel_loop3A_361 : i32 to index
      %parallel_loop3A_374 = arith.index_cast %parallel_loop3A_363 : i32 to index
      %parallel_loop3A_375 = tpu.vector_load %arg13[%parallel_loop3A_373, %parallel_loop3A_374] {strides = array<i32>} : memref<16x512xf32, #tpu.memory_space<vmem>>, vector<16xf32>,
      %parallel_loop3A_376 = arith.constant 1.593750e+01 : f32
      %parallel_loop3A_377 = vector.broadcast %parallel_loop3A_376 : f32 to vector<16xf32>
      %parallel_loop3A_378 = arith.mulf %parallel_loop3A_375, %parallel_loop3A_377 : vector<16xf32>
      %parallel_loop3A_379 = arith.fptosi %parallel_loop3A_378 : vector<16xf32> to vector<16xi32>
      %parallel_loop3A_380 = arith.sitofp %parallel_loop3A_379 : vector<16xi32> to vector<16xf32>
      %parallel_loop3A_381 = arith.subf %parallel_loop3A_378, %parallel_loop3A_380 : vector<16xf32>
      %parallel_loop3A_382 = arith.index_cast %parallel_loop3A_361 : i32 to index
      %parallel_loop3A_383 = arith.index_cast %parallel_loop3A_363 : i32 to index
      %parallel_loop3A_384 = tpu.vector_load %arg14[%parallel_loop3A_382, %parallel_loop3A_383] {strides = array<i32>} : memref<16x512xf32, #tpu.memory_space<vmem>>, vector<16xf32>,
      %parallel_loop3A_385 = arith.constant 1.593750e+01 : f32
      %parallel_loop3A_386 = vector.broadcast %parallel_loop3A_385 : f32 to vector<16xf32>
      %parallel_loop3A_387 = arith.mulf %parallel_loop3A_384, %parallel_loop3A_386 : vector<16xf32>
      %parallel_loop3A_388 = arith.fptosi %parallel_loop3A_387 : vector<16xf32> to vector<16xi32>
      %parallel_loop3A_389 = arith.sitofp %parallel_loop3A_388 : vector<16xi32> to vector<16xf32>
      %parallel_loop3A_390 = arith.subf %parallel_loop3A_387, %parallel_loop3A_389 : vector<16xf32>
      %parallel_loop3A_391 = arith.constant 289 : i32
      %parallel_loop3A_392 = vector.broadcast %parallel_loop3A_391 : i32 to vector<16xi32>
      %parallel_loop3A_393 = arith.muli %parallel_loop3A_370, %parallel_loop3A_392 : vector<16xi32>
      %parallel_loop3A_394 = arith.constant 17 : i32
      %parallel_loop3A_395 = vector.broadcast %parallel_loop3A_394 : i32 to vector<16xi32>
      %parallel_loop3A_396 = arith.muli %parallel_loop3A_379, %parallel_loop3A_395 : vector<16xi32>
      %parallel_loop3A_397 = arith.addi %parallel_loop3A_393, %parallel_loop3A_396 : vector<16xi32>
      %parallel_loop3A_398 = arith.addi %parallel_loop3A_397, %parallel_loop3A_388 : vector<16xi32>
      %parallel_loop3A_399 = arith.constant 1 : i32
      %parallel_loop3A_400 = vector.broadcast %parallel_loop3A_399 : i32 to vector<16xi32>
      %parallel_loop3A_401 = arith.addi %parallel_loop3A_398, %parallel_loop3A_400 : vector<16xi32>
      %parallel_loop3A_402 = arith.constant 17 : i32
      %parallel_loop3A_403 = vector.broadcast %parallel_loop3A_402 : i32 to vector<16xi32>
      %parallel_loop3A_404 = arith.addi %parallel_loop3A_398, %parallel_loop3A_403 : vector<16xi32>
      %parallel_loop3A_405 = arith.constant 17 : i32
      %parallel_loop3A_406 = vector.broadcast %parallel_loop3A_405 : i32 to vector<16xi32>
      %parallel_loop3A_407 = arith.addi %parallel_loop3A_398, %parallel_loop3A_406 : vector<16xi32>
      %parallel_loop3A_408 = arith.constant 1 : i32
      %parallel_loop3A_409 = vector.broadcast %parallel_loop3A_408 : i32 to vector<16xi32>
      %parallel_loop3A_410 = arith.addi %parallel_loop3A_407, %parallel_loop3A_409 : vector<16xi32>
      %parallel_loop3A_411 = arith.constant 289 : i32
      %parallel_loop3A_412 = vector.broadcast %parallel_loop3A_411 : i32 to vector<16xi32>
      %parallel_loop3A_413 = arith.addi %parallel_loop3A_398, %parallel_loop3A_412 : vector<16xi32>
      %parallel_loop3A_414 = arith.constant 289 : i32
      %parallel_loop3A_415 = vector.broadcast %parallel_loop3A_414 : i32 to vector<16xi32>
      %parallel_loop3A_416 = arith.addi %parallel_loop3A_398, %parallel_loop3A_415 : vector<16xi32>
      %parallel_loop3A_417 = arith.constant 1 : i32
      %parallel_loop3A_418 = vector.broadcast %parallel_loop3A_417 : i32 to vector<16xi32>
      %parallel_loop3A_419 = arith.addi %parallel_loop3A_416, %parallel_loop3A_418 : vector<16xi32>
      %parallel_loop3A_420 = arith.constant 289 : i32
      %parallel_loop3A_421 = vector.broadcast %parallel_loop3A_420 : i32 to vector<16xi32>
      %parallel_loop3A_422 = arith.addi %parallel_loop3A_398, %parallel_loop3A_421 : vector<16xi32>
      %parallel_loop3A_423 = arith.constant 17 : i32
      %parallel_loop3A_424 = vector.broadcast %parallel_loop3A_423 : i32 to vector<16xi32>
      %parallel_loop3A_425 = arith.addi %parallel_loop3A_422, %parallel_loop3A_424 : vector<16xi32>
      %parallel_loop3A_426 = arith.constant 289 : i32
      %parallel_loop3A_427 = vector.broadcast %parallel_loop3A_426 : i32 to vector<16xi32>
      %parallel_loop3A_428 = arith.addi %parallel_loop3A_398, %parallel_loop3A_427 : vector<16xi32>
      %parallel_loop3A_429 = arith.constant 17 : i32
      %parallel_loop3A_430 = vector.broadcast %parallel_loop3A_429 : i32 to vector<16xi32>
      %parallel_loop3A_431 = arith.addi %parallel_loop3A_428, %parallel_loop3A_430 : vector<16xi32>
      %parallel_loop3A_432 = arith.constant 1 : i32
      %parallel_loop3A_433 = vector.broadcast %parallel_loop3A_432 : i32 to vector<16xi32>
      %parallel_loop3A_434 = arith.addi %parallel_loop3A_431, %parallel_loop3A_433 : vector<16xi32>
      %parallel_loop3A_435 = arith.constant 1.000000e+00 : f32
      %parallel_loop3A_436 = vector.broadcast %parallel_loop3A_435 : f32 to vector<16xf32>
      %parallel_loop3A_437 = arith.subf %parallel_loop3A_436, %parallel_loop3A_372 : vector<16xf32>
      %parallel_loop3A_438 = arith.constant 1.000000e+00 : f32
      %parallel_loop3A_439 = vector.broadcast %parallel_loop3A_438 : f32 to vector<16xf32>
      %parallel_loop3A_440 = arith.subf %parallel_loop3A_439, %parallel_loop3A_381 : vector<16xf32>
      %parallel_loop3A_441 = arith.constant 1.000000e+00 : f32
      %parallel_loop3A_442 = vector.broadcast %parallel_loop3A_441 : f32 to vector<16xf32>
      %parallel_loop3A_443 = arith.subf %parallel_loop3A_442, %parallel_loop3A_390 : vector<16xf32>
      %parallel_loop3A_444 = arith.mulf %parallel_loop3A_437, %parallel_loop3A_440 : vector<16xf32>
      %parallel_loop3A_445 = arith.mulf %parallel_loop3A_437, %parallel_loop3A_381 : vector<16xf32>
      %parallel_loop3A_446 = arith.mulf %parallel_loop3A_372, %parallel_loop3A_440 : vector<16xf32>
      %parallel_loop3A_447 = arith.mulf %parallel_loop3A_372, %parallel_loop3A_381 : vector<16xf32>
      %parallel_loop3A_448 = arith.mulf %parallel_loop3A_444, %parallel_loop3A_443 : vector<16xf32>
      %parallel_loop3A_449 = arith.mulf %parallel_loop3A_444, %parallel_loop3A_390 : vector<16xf32>
      %parallel_loop3A_450 = arith.mulf %parallel_loop3A_445, %parallel_loop3A_443 : vector<16xf32>
      %parallel_loop3A_451 = arith.mulf %parallel_loop3A_445, %parallel_loop3A_390 : vector<16xf32>
      %parallel_loop3A_452 = arith.mulf %parallel_loop3A_446, %parallel_loop3A_443 : vector<16xf32>
      %parallel_loop3A_453 = arith.mulf %parallel_loop3A_446, %parallel_loop3A_390 : vector<16xf32>
      %parallel_loop3A_454 = arith.mulf %parallel_loop3A_447, %parallel_loop3A_443 : vector<16xf32>
      %parallel_loop3A_455 = arith.mulf %parallel_loop3A_447, %parallel_loop3A_390 : vector<16xf32>
      %parallel_loop3A_456 = tpu.vector_load_idx %arg6[%parallel_loop3A_398] : memref<4928xf32, #tpu.memory_space<vmem>>[vector<16xi32>], vector<16xf32>,
      %parallel_loop3A_457 = arith.mulf %parallel_loop3A_448, %parallel_loop3A_456 : vector<16xf32>
      %parallel_loop3A_458 = tpu.vector_load_idx %arg6[%parallel_loop3A_401] : memref<4928xf32, #tpu.memory_space<vmem>>[vector<16xi32>], vector<16xf32>,
      %parallel_loop3A_459 = arith.mulf %parallel_loop3A_449, %parallel_loop3A_458 : vector<16xf32>
      %parallel_loop3A_460 = tpu.vector_load_idx %arg6[%parallel_loop3A_404] : memref<4928xf32, #tpu.memory_space<vmem>>[vector<16xi32>], vector<16xf32>,
      %parallel_loop3A_461 = arith.mulf %parallel_loop3A_450, %parallel_loop3A_460 : vector<16xf32>
      %parallel_loop3A_462 = tpu.vector_load_idx %arg6[%parallel_loop3A_410] : memref<4928xf32, #tpu.memory_space<vmem>>[vector<16xi32>], vector<16xf32>,
      %parallel_loop3A_463 = arith.mulf %parallel_loop3A_451, %parallel_loop3A_462 : vector<16xf32>
      %parallel_loop3A_464 = tpu.vector_load_idx %arg6[%parallel_loop3A_413] : memref<4928xf32, #tpu.memory_space<vmem>>[vector<16xi32>], vector<16xf32>,
      %parallel_loop3A_465 = arith.mulf %parallel_loop3A_452, %parallel_loop3A_464 : vector<16xf32>
      %parallel_loop3A_466 = tpu.vector_load_idx %arg6[%parallel_loop3A_419] : memref<4928xf32, #tpu.memory_space<vmem>>[vector<16xi32>], vector<16xf32>,
      %parallel_loop3A_467 = arith.mulf %parallel_loop3A_453, %parallel_loop3A_466 : vector<16xf32>
      %parallel_loop3A_468 = tpu.vector_load_idx %arg6[%parallel_loop3A_425] : memref<4928xf32, #tpu.memory_space<vmem>>[vector<16xi32>], vector<16xf32>,
      %parallel_loop3A_469 = arith.mulf %parallel_loop3A_454, %parallel_loop3A_468 : vector<16xf32>
      %parallel_loop3A_470 = tpu.vector_load_idx %arg6[%parallel_loop3A_434] : memref<4928xf32, #tpu.memory_space<vmem>>[vector<16xi32>], vector<16xf32>,
      %parallel_loop3A_471 = arith.mulf %parallel_loop3A_455, %parallel_loop3A_470 : vector<16xf32>
      %parallel_loop3A_472 = arith.addf %parallel_loop3A_457, %parallel_loop3A_459 : vector<16xf32>
      %parallel_loop3A_473 = arith.addf %parallel_loop3A_461, %parallel_loop3A_463 : vector<16xf32>
      %parallel_loop3A_474 = arith.addf %parallel_loop3A_472, %parallel_loop3A_473 : vector<16xf32>
      %parallel_loop3A_475 = arith.addf %parallel_loop3A_465, %parallel_loop3A_467 : vector<16xf32>
      %parallel_loop3A_476 = arith.addf %parallel_loop3A_469, %parallel_loop3A_471 : vector<16xf32>
      %parallel_loop3A_477 = arith.addf %parallel_loop3A_475, %parallel_loop3A_476 : vector<16xf32>
      %parallel_loop3A_478 = arith.addf %parallel_loop3A_474, %parallel_loop3A_477 : vector<16xf32>
      %parallel_loop3A_479 = arith.constant 0.000000e+00 : f32
      %parallel_loop3A_480 = arith.constant 1.000000e+00 : f32
      %parallel_loop3A_481 = vector.broadcast %parallel_loop3A_479 : f32 to vector<16xf32>
      %parallel_loop3A_482 = arith.maximumf %parallel_loop3A_481, %parallel_loop3A_478 : vector<16xf32>
      %parallel_loop3A_483 = vector.broadcast %parallel_loop3A_480 : f32 to vector<16xf32>
      %parallel_loop3A_484 = arith.minimumf %parallel_loop3A_483, %parallel_loop3A_482 : vector<16xf32>
      %parallel_loop3A_485 = arith.index_cast %parallel_loop3A_361 : i32 to index
      %parallel_loop3A_486 = arith.index_cast %parallel_loop3A_363 : i32 to index
      %parallel_loop3A_487 = tpu.vector_load %arg12[%parallel_loop3A_485, %parallel_loop3A_486] {strides = array<i32>} : memref<16x512xf32, #tpu.memory_space<vmem>>, vector<16xf32>,
      tpu.vector_store %arg12[%parallel_loop3A_485, %parallel_loop3A_486], %parallel_loop3A_484 {strides = array<i32>} : memref<16x512xf32, #tpu.memory_space<vmem>>, vector<16xf32>,
      %parallel_loop3A_488 = tpu.vector_load_idx %arg7[%parallel_loop3A_398] : memref<4928xf32, #tpu.memory_space<vmem>>[vector<16xi32>], vector<16xf32>,
      %parallel_loop3A_489 = arith.mulf %parallel_loop3A_448, %parallel_loop3A_488 : vector<16xf32>
      %parallel_loop3A_490 = tpu.vector_load_idx %arg7[%parallel_loop3A_401] : memref<4928xf32, #tpu.memory_space<vmem>>[vector<16xi32>], vector<16xf32>,
      %parallel_loop3A_491 = arith.mulf %parallel_loop3A_449, %parallel_loop3A_490 : vector<16xf32>
      %parallel_loop3A_492 = tpu.vector_load_idx %arg7[%parallel_loop3A_404] : memref<4928xf32, #tpu.memory_space<vmem>>[vector<16xi32>], vector<16xf32>,
      %parallel_loop3A_493 = arith.mulf %parallel_loop3A_450, %parallel_loop3A_492 : vector<16xf32>
      %parallel_loop3A_494 = tpu.vector_load_idx %arg7[%parallel_loop3A_410] : memref<4928xf32, #tpu.memory_space<vmem>>[vector<16xi32>], vector<16xf32>,
      %parallel_loop3A_495 = arith.mulf %parallel_loop3A_451, %parallel_loop3A_494 : vector<16xf32>
      %parallel_loop3A_496 = tpu.vector_load_idx %arg7[%parallel_loop3A_413] : memref<4928xf32, #tpu.memory_space<vmem>>[vector<16xi32>], vector<16xf32>,
      %parallel_loop3A_497 = arith.mulf %parallel_loop3A_452, %parallel_loop3A_496 : vector<16xf32>
      %parallel_loop3A_498 = tpu.vector_load_idx %arg7[%parallel_loop3A_419] : memref<4928xf32, #tpu.memory_space<vmem>>[vector<16xi32>], vector<16xf32>,
      %parallel_loop3A_499 = arith.mulf %parallel_loop3A_453, %parallel_loop3A_498 : vector<16xf32>
      %parallel_loop3A_500 = tpu.vector_load_idx %arg7[%parallel_loop3A_425] : memref<4928xf32, #tpu.memory_space<vmem>>[vector<16xi32>], vector<16xf32>,
      %parallel_loop3A_501 = arith.mulf %parallel_loop3A_454, %parallel_loop3A_500 : vector<16xf32>
      %parallel_loop3A_502 = tpu.vector_load_idx %arg7[%parallel_loop3A_434] : memref<4928xf32, #tpu.memory_space<vmem>>[vector<16xi32>], vector<16xf32>,
      %parallel_loop3A_503 = arith.mulf %parallel_loop3A_455, %parallel_loop3A_502 : vector<16xf32>
      %parallel_loop3A_504 = arith.addf %parallel_loop3A_489, %parallel_loop3A_491 : vector<16xf32>
      %parallel_loop3A_505 = arith.addf %parallel_loop3A_493, %parallel_loop3A_495 : vector<16xf32>
      %parallel_loop3A_506 = arith.addf %parallel_loop3A_504, %parallel_loop3A_505 : vector<16xf32>
      %parallel_loop3A_507 = arith.addf %parallel_loop3A_497, %parallel_loop3A_499 : vector<16xf32>
      %parallel_loop3A_508 = arith.addf %parallel_loop3A_501, %parallel_loop3A_503 : vector<16xf32>
      %parallel_loop3A_509 = arith.addf %parallel_loop3A_507, %parallel_loop3A_508 : vector<16xf32>
      %parallel_loop3A_510 = arith.addf %parallel_loop3A_506, %parallel_loop3A_509 : vector<16xf32>
      %parallel_loop3A_511 = arith.constant 0.000000e+00 : f32
      %parallel_loop3A_512 = arith.constant 1.000000e+00 : f32
      %parallel_loop3A_513 = vector.broadcast %parallel_loop3A_511 : f32 to vector<16xf32>
      %parallel_loop3A_514 = arith.maximumf %parallel_loop3A_513, %parallel_loop3A_510 : vector<16xf32>
      %parallel_loop3A_515 = vector.broadcast %parallel_loop3A_512 : f32 to vector<16xf32>
      %parallel_loop3A_516 = arith.minimumf %parallel_loop3A_515, %parallel_loop3A_514 : vector<16xf32>
      %parallel_loop3A_517 = arith.index_cast %parallel_loop3A_361 : i32 to index
      %parallel_loop3A_518 = arith.index_cast %parallel_loop3A_363 : i32 to index
      %parallel_loop3A_519 = tpu.vector_load %arg13[%parallel_loop3A_517, %parallel_loop3A_518] {strides = array<i32>} : memref<16x512xf32, #tpu.memory_space<vmem>>, vector<16xf32>,
      tpu.vector_store %arg13[%parallel_loop3A_517, %parallel_loop3A_518], %parallel_loop3A_516 {strides = array<i32>} : memref<16x512xf32, #tpu.memory_space<vmem>>, vector<16xf32>,
      %parallel_loop3A_520 = tpu.vector_load_idx %arg8[%parallel_loop3A_398] : memref<4928xf32, #tpu.memory_space<vmem>>[vector<16xi32>], vector<16xf32>,
      %parallel_loop3A_521 = arith.mulf %parallel_loop3A_448, %parallel_loop3A_520 : vector<16xf32>
      %parallel_loop3A_522 = tpu.vector_load_idx %arg8[%parallel_loop3A_401] : memref<4928xf32, #tpu.memory_space<vmem>>[vector<16xi32>], vector<16xf32>,
      %parallel_loop3A_523 = arith.mulf %parallel_loop3A_449, %parallel_loop3A_522 : vector<16xf32>
      %parallel_loop3A_524 = tpu.vector_load_idx %arg8[%parallel_loop3A_404] : memref<4928xf32, #tpu.memory_space<vmem>>[vector<16xi32>], vector<16xf32>,
      %parallel_loop3A_525 = arith.mulf %parallel_loop3A_450, %parallel_loop3A_524 : vector<16xf32>
      %parallel_loop3A_526 = tpu.vector_load_idx %arg8[%parallel_loop3A_410] : memref<4928xf32, #tpu.memory_space<vmem>>[vector<16xi32>], vector<16xf32>,
      %parallel_loop3A_527 = arith.mulf %parallel_loop3A_451, %parallel_loop3A_526 : vector<16xf32>
      %parallel_loop3A_528 = tpu.vector_load_idx %arg8[%parallel_loop3A_413] : memref<4928xf32, #tpu.memory_space<vmem>>[vector<16xi32>], vector<16xf32>,
      %parallel_loop3A_529 = arith.mulf %parallel_loop3A_452, %parallel_loop3A_528 : vector<16xf32>
      %parallel_loop3A_530 = tpu.vector_load_idx %arg8[%parallel_loop3A_419] : memref<4928xf32, #tpu.memory_space<vmem>>[vector<16xi32>], vector<16xf32>,
      %parallel_loop3A_531 = arith.mulf %parallel_loop3A_453, %parallel_loop3A_530 : vector<16xf32>
      %parallel_loop3A_532 = tpu.vector_load_idx %arg8[%parallel_loop3A_425] : memref<4928xf32, #tpu.memory_space<vmem>>[vector<16xi32>], vector<16xf32>,
      %parallel_loop3A_533 = arith.mulf %parallel_loop3A_454, %parallel_loop3A_532 : vector<16xf32>
      %parallel_loop3A_534 = tpu.vector_load_idx %arg8[%parallel_loop3A_434] : memref<4928xf32, #tpu.memory_space<vmem>>[vector<16xi32>], vector<16xf32>,
      %parallel_loop3A_535 = arith.mulf %parallel_loop3A_455, %parallel_loop3A_534 : vector<16xf32>
      %parallel_loop3A_536 = arith.addf %parallel_loop3A_521, %parallel_loop3A_523 : vector<16xf32>
      %parallel_loop3A_537 = arith.addf %parallel_loop3A_525, %parallel_loop3A_527 : vector<16xf32>
      %parallel_loop3A_538 = arith.addf %parallel_loop3A_536, %parallel_loop3A_537 : vector<16xf32>
      %parallel_loop3A_539 = arith.addf %parallel_loop3A_529, %parallel_loop3A_531 : vector<16xf32>
      %parallel_loop3A_540 = arith.addf %parallel_loop3A_533, %parallel_loop3A_535 : vector<16xf32>
      %parallel_loop3A_541 = arith.addf %parallel_loop3A_539, %parallel_loop3A_540 : vector<16xf32>
      %parallel_loop3A_542 = arith.addf %parallel_loop3A_538, %parallel_loop3A_541 : vector<16xf32>
      %parallel_loop3A_543 = arith.constant 0.000000e+00 : f32
      %parallel_loop3A_544 = arith.constant 1.000000e+00 : f32
      %parallel_loop3A_545 = vector.broadcast %parallel_loop3A_543 : f32 to vector<16xf32>
      %parallel_loop3A_546 = arith.maximumf %parallel_loop3A_545, %parallel_loop3A_542 : vector<16xf32>
      %parallel_loop3A_547 = vector.broadcast %parallel_loop3A_544 : f32 to vector<16xf32>
      %parallel_loop3A_548 = arith.minimumf %parallel_loop3A_547, %parallel_loop3A_546 : vector<16xf32>
      %parallel_loop3A_549 = arith.index_cast %parallel_loop3A_361 : i32 to index
      %parallel_loop3A_550 = arith.index_cast %parallel_loop3A_363 : i32 to index
      %parallel_loop3A_551 = tpu.vector_load %arg14[%parallel_loop3A_549, %parallel_loop3A_550] {strides = array<i32>} : memref<16x512xf32, #tpu.memory_space<vmem>>, vector<16xf32>,
      tpu.vector_store %arg14[%parallel_loop3A_549, %parallel_loop3A_550], %parallel_loop3A_548 {strides = array<i32>} : memref<16x512xf32, #tpu.memory_space<vmem>>, vector<16xf32>,
    } {sc.loop_unroll_factor = 2 : i64, sc.parallel_access}
    %add3A_165 = arith.constant 16 : i32
    %add3A_166 = arith.addi %mul3A_32, %add3A_165 : i32
    %dma_start3A_167 = arith.constant 0 : i32
    %dma_start3A_168 = tpu.memref_slice %arg4[%mul3A_34, %add3A_166, %dma_start3A_167] : memref<12x512x512xf32, #tpu.memory_space<hbm>> -> memref<1x16x512xf32, #tpu.memory_space<hbm>>
    %dma_start3A_169 = tpu.memref_squeeze %dma_start3A_168 : memref<1x16x512xf32, #tpu.memory_space<hbm>> -> memref<16x512xf32, #tpu.memory_space<hbm>>
    %dma_start3A_170 = arith.constant 0 : i32
    %dma_start3A_171 = tpu.memref_slice %arg4[%mul3A_34, %add3A_166, %dma_start3A_170] : memref<12x512x512xf32, #tpu.memory_space<hbm>> -> memref<1x16x512xf32, #tpu.memory_space<hbm>>
    %dma_start3A_172 = tpu.memref_squeeze %dma_start3A_171 : memref<1x16x512xf32, #tpu.memory_space<hbm>> -> memref<16x512xf32, #tpu.memory_space<hbm>>
    tpu.enqueue_dma source(%arg12 : memref<16x512xf32, #tpu.memory_space<vmem>>) target(%dma_start3A_172 : memref<16x512xf32, #tpu.memory_space<hbm>>) target_semaphore(%arg22 : memref<!tpu.dma_semaphore, #tpu.memory_space<semaphore_mem>>)
    %dma_start3A_173 = arith.constant 0 : i32
    %dma_start3A_174 = tpu.memref_slice %arg4[%add3A_38, %add3A_166, %dma_start3A_173] : memref<12x512x512xf32, #tpu.memory_space<hbm>> -> memref<1x16x512xf32, #tpu.memory_space<hbm>>
    %dma_start3A_175 = tpu.memref_squeeze %dma_start3A_174 : memref<1x16x512xf32, #tpu.memory_space<hbm>> -> memref<16x512xf32, #tpu.memory_space<hbm>>
    %dma_start3A_176 = arith.constant 0 : i32
    %dma_start3A_177 = tpu.memref_slice %arg4[%add3A_38, %add3A_166, %dma_start3A_176] : memref<12x512x512xf32, #tpu.memory_space<hbm>> -> memref<1x16x512xf32, #tpu.memory_space<hbm>>
    %dma_start3A_178 = tpu.memref_squeeze %dma_start3A_177 : memref<1x16x512xf32, #tpu.memory_space<hbm>> -> memref<16x512xf32, #tpu.memory_space<hbm>>
    tpu.enqueue_dma source(%arg13 : memref<16x512xf32, #tpu.memory_space<vmem>>) target(%dma_start3A_178 : memref<16x512xf32, #tpu.memory_space<hbm>>) target_semaphore(%arg22 : memref<!tpu.dma_semaphore, #tpu.memory_space<semaphore_mem>>)
    %dma_start3A_179 = arith.constant 0 : i32
    %dma_start3A_180 = tpu.memref_slice %arg4[%add3A_42, %add3A_166, %dma_start3A_179] : memref<12x512x512xf32, #tpu.memory_space<hbm>> -> memref<1x16x512xf32, #tpu.memory_space<hbm>>
    %dma_start3A_181 = tpu.memref_squeeze %dma_start3A_180 : memref<1x16x512xf32, #tpu.memory_space<hbm>> -> memref<16x512xf32, #tpu.memory_space<hbm>>
    %dma_start3A_182 = arith.constant 0 : i32
    %dma_start3A_183 = tpu.memref_slice %arg4[%add3A_42, %add3A_166, %dma_start3A_182] : memref<12x512x512xf32, #tpu.memory_space<hbm>> -> memref<1x16x512xf32, #tpu.memory_space<hbm>>
    %dma_start3A_184 = tpu.memref_squeeze %dma_start3A_183 : memref<1x16x512xf32, #tpu.memory_space<hbm>> -> memref<16x512xf32, #tpu.memory_space<hbm>>
    tpu.enqueue_dma source(%arg14 : memref<16x512xf32, #tpu.memory_space<vmem>>) target(%dma_start3A_184 : memref<16x512xf32, #tpu.memory_space<hbm>>) target_semaphore(%arg22 : memref<!tpu.dma_semaphore, #tpu.memory_space<semaphore_mem>>)
    %dma_wait3A_185 = arith.constant 0 : i32
    %dma_wait3A_186 = tpu.memref_slice %arg4[%mul3A_34, %add3A_105, %dma_wait3A_185] : memref<12x512x512xf32, #tpu.memory_space<hbm>> -> memref<1x16x512xf32, #tpu.memory_space<hbm>>
    %dma_wait3A_187 = tpu.memref_squeeze %dma_wait3A_186 : memref<1x16x512xf32, #tpu.memory_space<hbm>> -> memref<16x512xf32, #tpu.memory_space<hbm>>
    %dma_wait3A_188 = arith.constant 0 : i32
    %dma_wait3A_189 = tpu.memref_slice %arg4[%mul3A_34, %add3A_105, %dma_wait3A_188] : memref<12x512x512xf32, #tpu.memory_space<hbm>> -> memref<1x16x512xf32, #tpu.memory_space<hbm>>
    %dma_wait3A_190 = tpu.memref_squeeze %dma_wait3A_189 : memref<1x16x512xf32, #tpu.memory_space<hbm>> -> memref<16x512xf32, #tpu.memory_space<hbm>>
    tpu.wait_dma2 semaphore(%arg21 : memref<!tpu.dma_semaphore, #tpu.memory_space<semaphore_mem>>) src(%arg9 : memref<16x512xf32, #tpu.memory_space<vmem>>) dst(%dma_wait3A_190 : memref<16x512xf32, #tpu.memory_space<hbm>>)
    %dma_wait3A_191 = arith.constant 0 : i32
    %dma_wait3A_192 = tpu.memref_slice %arg4[%add3A_38, %add3A_105, %dma_wait3A_191] : memref<12x512x512xf32, #tpu.memory_space<hbm>> -> memref<1x16x512xf32, #tpu.memory_space<hbm>>
    %dma_wait3A_193 = tpu.memref_squeeze %dma_wait3A_192 : memref<1x16x512xf32, #tpu.memory_space<hbm>> -> memref<16x512xf32, #tpu.memory_space<hbm>>
    %dma_wait3A_194 = arith.constant 0 : i32
    %dma_wait3A_195 = tpu.memref_slice %arg4[%add3A_38, %add3A_105, %dma_wait3A_194] : memref<12x512x512xf32, #tpu.memory_space<hbm>> -> memref<1x16x512xf32, #tpu.memory_space<hbm>>
    %dma_wait3A_196 = tpu.memref_squeeze %dma_wait3A_195 : memref<1x16x512xf32, #tpu.memory_space<hbm>> -> memref<16x512xf32, #tpu.memory_space<hbm>>
    tpu.wait_dma2 semaphore(%arg21 : memref<!tpu.dma_semaphore, #tpu.memory_space<semaphore_mem>>) src(%arg10 : memref<16x512xf32, #tpu.memory_space<vmem>>) dst(%dma_wait3A_196 : memref<16x512xf32, #tpu.memory_space<hbm>>)
    %dma_wait3A_197 = arith.constant 0 : i32
    %dma_wait3A_198 = tpu.memref_slice %arg4[%add3A_42, %add3A_105, %dma_wait3A_197] : memref<12x512x512xf32, #tpu.memory_space<hbm>> -> memref<1x16x512xf32, #tpu.memory_space<hbm>>
    %dma_wait3A_199 = tpu.memref_squeeze %dma_wait3A_198 : memref<1x16x512xf32, #tpu.memory_space<hbm>> -> memref<16x512xf32, #tpu.memory_space<hbm>>
    %dma_wait3A_200 = arith.constant 0 : i32
    %dma_wait3A_201 = tpu.memref_slice %arg4[%add3A_42, %add3A_105, %dma_wait3A_200] : memref<12x512x512xf32, #tpu.memory_space<hbm>> -> memref<1x16x512xf32, #tpu.memory_space<hbm>>
    %dma_wait3A_202 = tpu.memref_squeeze %dma_wait3A_201 : memref<1x16x512xf32, #tpu.memory_space<hbm>> -> memref<16x512xf32, #tpu.memory_space<hbm>>
    tpu.wait_dma2 semaphore(%arg21 : memref<!tpu.dma_semaphore, #tpu.memory_space<semaphore_mem>>) src(%arg11 : memref<16x512xf32, #tpu.memory_space<vmem>>) dst(%dma_wait3A_202 : memref<16x512xf32, #tpu.memory_space<hbm>>)
    %add3A_203 = arith.constant 48 : i32
    %add3A_204 = arith.addi %mul3A_32, %add3A_203 : i32
    %dma_start3A_205 = arith.constant 0 : i32
    %dma_start3A_206 = tpu.memref_slice %arg2[%mul3A_34, %add3A_204, %dma_start3A_205] : memref<12x512x512xf32, #tpu.memory_space<hbm>> -> memref<1x16x512xf32, #tpu.memory_space<hbm>>
    %dma_start3A_207 = tpu.memref_squeeze %dma_start3A_206 : memref<1x16x512xf32, #tpu.memory_space<hbm>> -> memref<16x512xf32, #tpu.memory_space<hbm>>
    %dma_start3A_208 = arith.constant 0 : i32
    %dma_start3A_209 = tpu.memref_slice %arg2[%mul3A_34, %add3A_204, %dma_start3A_208] : memref<12x512x512xf32, #tpu.memory_space<hbm>> -> memref<1x16x512xf32, #tpu.memory_space<hbm>>
    %dma_start3A_210 = tpu.memref_squeeze %dma_start3A_209 : memref<1x16x512xf32, #tpu.memory_space<hbm>> -> memref<16x512xf32, #tpu.memory_space<hbm>>
    tpu.enqueue_dma source(%dma_start3A_210 : memref<16x512xf32, #tpu.memory_space<hbm>>) target(%arg9 : memref<16x512xf32, #tpu.memory_space<vmem>>) target_semaphore(%arg18 : memref<!tpu.dma_semaphore, #tpu.memory_space<semaphore_mem>>)
    %dma_start3A_211 = arith.constant 0 : i32
    %dma_start3A_212 = tpu.memref_slice %arg2[%add3A_38, %add3A_204, %dma_start3A_211] : memref<12x512x512xf32, #tpu.memory_space<hbm>> -> memref<1x16x512xf32, #tpu.memory_space<hbm>>
    %dma_start3A_213 = tpu.memref_squeeze %dma_start3A_212 : memref<1x16x512xf32, #tpu.memory_space<hbm>> -> memref<16x512xf32, #tpu.memory_space<hbm>>
    %dma_start3A_214 = arith.constant 0 : i32
    %dma_start3A_215 = tpu.memref_slice %arg2[%add3A_38, %add3A_204, %dma_start3A_214] : memref<12x512x512xf32, #tpu.memory_space<hbm>> -> memref<1x16x512xf32, #tpu.memory_space<hbm>>
    %dma_start3A_216 = tpu.memref_squeeze %dma_start3A_215 : memref<1x16x512xf32, #tpu.memory_space<hbm>> -> memref<16x512xf32, #tpu.memory_space<hbm>>
    tpu.enqueue_dma source(%dma_start3A_216 : memref<16x512xf32, #tpu.memory_space<hbm>>) target(%arg10 : memref<16x512xf32, #tpu.memory_space<vmem>>) target_semaphore(%arg18 : memref<!tpu.dma_semaphore, #tpu.memory_space<semaphore_mem>>)
    %dma_start3A_217 = arith.constant 0 : i32
    %dma_start3A_218 = tpu.memref_slice %arg2[%add3A_42, %add3A_204, %dma_start3A_217] : memref<12x512x512xf32, #tpu.memory_space<hbm>> -> memref<1x16x512xf32, #tpu.memory_space<hbm>>
    %dma_start3A_219 = tpu.memref_squeeze %dma_start3A_218 : memref<1x16x512xf32, #tpu.memory_space<hbm>> -> memref<16x512xf32, #tpu.memory_space<hbm>>
    %dma_start3A_220 = arith.constant 0 : i32
    %dma_start3A_221 = tpu.memref_slice %arg2[%add3A_42, %add3A_204, %dma_start3A_220] : memref<12x512x512xf32, #tpu.memory_space<hbm>> -> memref<1x16x512xf32, #tpu.memory_space<hbm>>
    %dma_start3A_222 = tpu.memref_squeeze %dma_start3A_221 : memref<1x16x512xf32, #tpu.memory_space<hbm>> -> memref<16x512xf32, #tpu.memory_space<hbm>>
    tpu.enqueue_dma source(%dma_start3A_222 : memref<16x512xf32, #tpu.memory_space<hbm>>) target(%arg11 : memref<16x512xf32, #tpu.memory_space<vmem>>) target_semaphore(%arg18 : memref<!tpu.dma_semaphore, #tpu.memory_space<semaphore_mem>>)
    %dma_wait3A_223 = arith.constant 0 : i32
    %dma_wait3A_224 = tpu.memref_slice %arg2[%mul3A_34, %add3A_125, %dma_wait3A_223] : memref<12x512x512xf32, #tpu.memory_space<hbm>> -> memref<1x16x512xf32, #tpu.memory_space<hbm>>
    %dma_wait3A_225 = tpu.memref_squeeze %dma_wait3A_224 : memref<1x16x512xf32, #tpu.memory_space<hbm>> -> memref<16x512xf32, #tpu.memory_space<hbm>>
    %dma_wait3A_226 = arith.constant 0 : i32
    %dma_wait3A_227 = tpu.memref_slice %arg2[%mul3A_34, %add3A_125, %dma_wait3A_226] : memref<12x512x512xf32, #tpu.memory_space<hbm>> -> memref<1x16x512xf32, #tpu.memory_space<hbm>>
    %dma_wait3A_228 = tpu.memref_squeeze %dma_wait3A_227 : memref<1x16x512xf32, #tpu.memory_space<hbm>> -> memref<16x512xf32, #tpu.memory_space<hbm>>
    tpu.wait_dma2 semaphore(%arg20 : memref<!tpu.dma_semaphore, #tpu.memory_space<semaphore_mem>>) src(%dma_wait3A_228 : memref<16x512xf32, #tpu.memory_space<hbm>>) dst(%arg15 : memref<16x512xf32, #tpu.memory_space<vmem>>)
    %dma_wait3A_229 = arith.constant 0 : i32
    %dma_wait3A_230 = tpu.memref_slice %arg2[%add3A_38, %add3A_125, %dma_wait3A_229] : memref<12x512x512xf32, #tpu.memory_space<hbm>> -> memref<1x16x512xf32, #tpu.memory_space<hbm>>
    %dma_wait3A_231 = tpu.memref_squeeze %dma_wait3A_230 : memref<1x16x512xf32, #tpu.memory_space<hbm>> -> memref<16x512xf32, #tpu.memory_space<hbm>>
    %dma_wait3A_232 = arith.constant 0 : i32
    %dma_wait3A_233 = tpu.memref_slice %arg2[%add3A_38, %add3A_125, %dma_wait3A_232] : memref<12x512x512xf32, #tpu.memory_space<hbm>> -> memref<1x16x512xf32, #tpu.memory_space<hbm>>
    %dma_wait3A_234 = tpu.memref_squeeze %dma_wait3A_233 : memref<1x16x512xf32, #tpu.memory_space<hbm>> -> memref<16x512xf32, #tpu.memory_space<hbm>>
    tpu.wait_dma2 semaphore(%arg20 : memref<!tpu.dma_semaphore, #tpu.memory_space<semaphore_mem>>) src(%dma_wait3A_234 : memref<16x512xf32, #tpu.memory_space<hbm>>) dst(%arg16 : memref<16x512xf32, #tpu.memory_space<vmem>>)
    %dma_wait3A_235 = arith.constant 0 : i32
    %dma_wait3A_236 = tpu.memref_slice %arg2[%add3A_42, %add3A_125, %dma_wait3A_235] : memref<12x512x512xf32, #tpu.memory_space<hbm>> -> memref<1x16x512xf32, #tpu.memory_space<hbm>>
    %dma_wait3A_237 = tpu.memref_squeeze %dma_wait3A_236 : memref<1x16x512xf32, #tpu.memory_space<hbm>> -> memref<16x512xf32, #tpu.memory_space<hbm>>
    %dma_wait3A_238 = arith.constant 0 : i32
    %dma_wait3A_239 = tpu.memref_slice %arg2[%add3A_42, %add3A_125, %dma_wait3A_238] : memref<12x512x512xf32, #tpu.memory_space<hbm>> -> memref<1x16x512xf32, #tpu.memory_space<hbm>>
    %dma_wait3A_240 = tpu.memref_squeeze %dma_wait3A_239 : memref<1x16x512xf32, #tpu.memory_space<hbm>> -> memref<16x512xf32, #tpu.memory_space<hbm>>
    tpu.wait_dma2 semaphore(%arg20 : memref<!tpu.dma_semaphore, #tpu.memory_space<semaphore_mem>>) src(%dma_wait3A_240 : memref<16x512xf32, #tpu.memory_space<hbm>>) dst(%arg17 : memref<16x512xf32, #tpu.memory_space<vmem>>)
    %parallel_loop3A_241 = arith.constant 0 : i32
    %parallel_loop3A_242 = arith.constant 8192 : i32
    %parallel_loop3A_243 = arith.constant 16 : i32
    scf.for %parallel_loop3A_359 = %parallel_loop3A_241 to %parallel_loop3A_242 step %parallel_loop3A_243  : i32 {
      %parallel_loop3A_360 = arith.constant 9 : i32
      %parallel_loop3A_361 = arith.shrsi %parallel_loop3A_359, %parallel_loop3A_360 : i32
      %parallel_loop3A_362 = arith.constant 511 : i32
      %parallel_loop3A_363 = arith.andi %parallel_loop3A_359, %parallel_loop3A_362 : i32
      %parallel_loop3A_364 = arith.index_cast %parallel_loop3A_361 : i32 to index
      %parallel_loop3A_365 = arith.index_cast %parallel_loop3A_363 : i32 to index
      %parallel_loop3A_366 = tpu.vector_load %arg15[%parallel_loop3A_364, %parallel_loop3A_365] {strides = array<i32>} : memref<16x512xf32, #tpu.memory_space<vmem>>, vector<16xf32>,
      %parallel_loop3A_367 = arith.constant 1.593750e+01 : f32
      %parallel_loop3A_368 = vector.broadcast %parallel_loop3A_367 : f32 to vector<16xf32>
      %parallel_loop3A_369 = arith.mulf %parallel_loop3A_366, %parallel_loop3A_368 : vector<16xf32>
      %parallel_loop3A_370 = arith.fptosi %parallel_loop3A_369 : vector<16xf32> to vector<16xi32>
      %parallel_loop3A_371 = arith.sitofp %parallel_loop3A_370 : vector<16xi32> to vector<16xf32>
      %parallel_loop3A_372 = arith.subf %parallel_loop3A_369, %parallel_loop3A_371 : vector<16xf32>
      %parallel_loop3A_373 = arith.index_cast %parallel_loop3A_361 : i32 to index
      %parallel_loop3A_374 = arith.index_cast %parallel_loop3A_363 : i32 to index
      %parallel_loop3A_375 = tpu.vector_load %arg16[%parallel_loop3A_373, %parallel_loop3A_374] {strides = array<i32>} : memref<16x512xf32, #tpu.memory_space<vmem>>, vector<16xf32>,
      %parallel_loop3A_376 = arith.constant 1.593750e+01 : f32
      %parallel_loop3A_377 = vector.broadcast %parallel_loop3A_376 : f32 to vector<16xf32>
      %parallel_loop3A_378 = arith.mulf %parallel_loop3A_375, %parallel_loop3A_377 : vector<16xf32>
      %parallel_loop3A_379 = arith.fptosi %parallel_loop3A_378 : vector<16xf32> to vector<16xi32>
      %parallel_loop3A_380 = arith.sitofp %parallel_loop3A_379 : vector<16xi32> to vector<16xf32>
      %parallel_loop3A_381 = arith.subf %parallel_loop3A_378, %parallel_loop3A_380 : vector<16xf32>
      %parallel_loop3A_382 = arith.index_cast %parallel_loop3A_361 : i32 to index
      %parallel_loop3A_383 = arith.index_cast %parallel_loop3A_363 : i32 to index
      %parallel_loop3A_384 = tpu.vector_load %arg17[%parallel_loop3A_382, %parallel_loop3A_383] {strides = array<i32>} : memref<16x512xf32, #tpu.memory_space<vmem>>, vector<16xf32>,
      %parallel_loop3A_385 = arith.constant 1.593750e+01 : f32
      %parallel_loop3A_386 = vector.broadcast %parallel_loop3A_385 : f32 to vector<16xf32>
      %parallel_loop3A_387 = arith.mulf %parallel_loop3A_384, %parallel_loop3A_386 : vector<16xf32>
      %parallel_loop3A_388 = arith.fptosi %parallel_loop3A_387 : vector<16xf32> to vector<16xi32>
      %parallel_loop3A_389 = arith.sitofp %parallel_loop3A_388 : vector<16xi32> to vector<16xf32>
      %parallel_loop3A_390 = arith.subf %parallel_loop3A_387, %parallel_loop3A_389 : vector<16xf32>
      %parallel_loop3A_391 = arith.constant 289 : i32
      %parallel_loop3A_392 = vector.broadcast %parallel_loop3A_391 : i32 to vector<16xi32>
      %parallel_loop3A_393 = arith.muli %parallel_loop3A_370, %parallel_loop3A_392 : vector<16xi32>
      %parallel_loop3A_394 = arith.constant 17 : i32
      %parallel_loop3A_395 = vector.broadcast %parallel_loop3A_394 : i32 to vector<16xi32>
      %parallel_loop3A_396 = arith.muli %parallel_loop3A_379, %parallel_loop3A_395 : vector<16xi32>
      %parallel_loop3A_397 = arith.addi %parallel_loop3A_393, %parallel_loop3A_396 : vector<16xi32>
      %parallel_loop3A_398 = arith.addi %parallel_loop3A_397, %parallel_loop3A_388 : vector<16xi32>
      %parallel_loop3A_399 = arith.constant 1 : i32
      %parallel_loop3A_400 = vector.broadcast %parallel_loop3A_399 : i32 to vector<16xi32>
      %parallel_loop3A_401 = arith.addi %parallel_loop3A_398, %parallel_loop3A_400 : vector<16xi32>
      %parallel_loop3A_402 = arith.constant 17 : i32
      %parallel_loop3A_403 = vector.broadcast %parallel_loop3A_402 : i32 to vector<16xi32>
      %parallel_loop3A_404 = arith.addi %parallel_loop3A_398, %parallel_loop3A_403 : vector<16xi32>
      %parallel_loop3A_405 = arith.constant 17 : i32
      %parallel_loop3A_406 = vector.broadcast %parallel_loop3A_405 : i32 to vector<16xi32>
      %parallel_loop3A_407 = arith.addi %parallel_loop3A_398, %parallel_loop3A_406 : vector<16xi32>
      %parallel_loop3A_408 = arith.constant 1 : i32
      %parallel_loop3A_409 = vector.broadcast %parallel_loop3A_408 : i32 to vector<16xi32>
      %parallel_loop3A_410 = arith.addi %parallel_loop3A_407, %parallel_loop3A_409 : vector<16xi32>
      %parallel_loop3A_411 = arith.constant 289 : i32
      %parallel_loop3A_412 = vector.broadcast %parallel_loop3A_411 : i32 to vector<16xi32>
      %parallel_loop3A_413 = arith.addi %parallel_loop3A_398, %parallel_loop3A_412 : vector<16xi32>
      %parallel_loop3A_414 = arith.constant 289 : i32
      %parallel_loop3A_415 = vector.broadcast %parallel_loop3A_414 : i32 to vector<16xi32>
      %parallel_loop3A_416 = arith.addi %parallel_loop3A_398, %parallel_loop3A_415 : vector<16xi32>
      %parallel_loop3A_417 = arith.constant 1 : i32
      %parallel_loop3A_418 = vector.broadcast %parallel_loop3A_417 : i32 to vector<16xi32>
      %parallel_loop3A_419 = arith.addi %parallel_loop3A_416, %parallel_loop3A_418 : vector<16xi32>
      %parallel_loop3A_420 = arith.constant 289 : i32
      %parallel_loop3A_421 = vector.broadcast %parallel_loop3A_420 : i32 to vector<16xi32>
      %parallel_loop3A_422 = arith.addi %parallel_loop3A_398, %parallel_loop3A_421 : vector<16xi32>
      %parallel_loop3A_423 = arith.constant 17 : i32
      %parallel_loop3A_424 = vector.broadcast %parallel_loop3A_423 : i32 to vector<16xi32>
      %parallel_loop3A_425 = arith.addi %parallel_loop3A_422, %parallel_loop3A_424 : vector<16xi32>
      %parallel_loop3A_426 = arith.constant 289 : i32
      %parallel_loop3A_427 = vector.broadcast %parallel_loop3A_426 : i32 to vector<16xi32>
      %parallel_loop3A_428 = arith.addi %parallel_loop3A_398, %parallel_loop3A_427 : vector<16xi32>
      %parallel_loop3A_429 = arith.constant 17 : i32
      %parallel_loop3A_430 = vector.broadcast %parallel_loop3A_429 : i32 to vector<16xi32>
      %parallel_loop3A_431 = arith.addi %parallel_loop3A_428, %parallel_loop3A_430 : vector<16xi32>
      %parallel_loop3A_432 = arith.constant 1 : i32
      %parallel_loop3A_433 = vector.broadcast %parallel_loop3A_432 : i32 to vector<16xi32>
      %parallel_loop3A_434 = arith.addi %parallel_loop3A_431, %parallel_loop3A_433 : vector<16xi32>
      %parallel_loop3A_435 = arith.constant 1.000000e+00 : f32
      %parallel_loop3A_436 = vector.broadcast %parallel_loop3A_435 : f32 to vector<16xf32>
      %parallel_loop3A_437 = arith.subf %parallel_loop3A_436, %parallel_loop3A_372 : vector<16xf32>
      %parallel_loop3A_438 = arith.constant 1.000000e+00 : f32
      %parallel_loop3A_439 = vector.broadcast %parallel_loop3A_438 : f32 to vector<16xf32>
      %parallel_loop3A_440 = arith.subf %parallel_loop3A_439, %parallel_loop3A_381 : vector<16xf32>
      %parallel_loop3A_441 = arith.constant 1.000000e+00 : f32
      %parallel_loop3A_442 = vector.broadcast %parallel_loop3A_441 : f32 to vector<16xf32>
      %parallel_loop3A_443 = arith.subf %parallel_loop3A_442, %parallel_loop3A_390 : vector<16xf32>
      %parallel_loop3A_444 = arith.mulf %parallel_loop3A_437, %parallel_loop3A_440 : vector<16xf32>
      %parallel_loop3A_445 = arith.mulf %parallel_loop3A_437, %parallel_loop3A_381 : vector<16xf32>
      %parallel_loop3A_446 = arith.mulf %parallel_loop3A_372, %parallel_loop3A_440 : vector<16xf32>
      %parallel_loop3A_447 = arith.mulf %parallel_loop3A_372, %parallel_loop3A_381 : vector<16xf32>
      %parallel_loop3A_448 = arith.mulf %parallel_loop3A_444, %parallel_loop3A_443 : vector<16xf32>
      %parallel_loop3A_449 = arith.mulf %parallel_loop3A_444, %parallel_loop3A_390 : vector<16xf32>
      %parallel_loop3A_450 = arith.mulf %parallel_loop3A_445, %parallel_loop3A_443 : vector<16xf32>
      %parallel_loop3A_451 = arith.mulf %parallel_loop3A_445, %parallel_loop3A_390 : vector<16xf32>
      %parallel_loop3A_452 = arith.mulf %parallel_loop3A_446, %parallel_loop3A_443 : vector<16xf32>
      %parallel_loop3A_453 = arith.mulf %parallel_loop3A_446, %parallel_loop3A_390 : vector<16xf32>
      %parallel_loop3A_454 = arith.mulf %parallel_loop3A_447, %parallel_loop3A_443 : vector<16xf32>
      %parallel_loop3A_455 = arith.mulf %parallel_loop3A_447, %parallel_loop3A_390 : vector<16xf32>
      %parallel_loop3A_456 = tpu.vector_load_idx %arg6[%parallel_loop3A_398] : memref<4928xf32, #tpu.memory_space<vmem>>[vector<16xi32>], vector<16xf32>,
      %parallel_loop3A_457 = arith.mulf %parallel_loop3A_448, %parallel_loop3A_456 : vector<16xf32>
      %parallel_loop3A_458 = tpu.vector_load_idx %arg6[%parallel_loop3A_401] : memref<4928xf32, #tpu.memory_space<vmem>>[vector<16xi32>], vector<16xf32>,
      %parallel_loop3A_459 = arith.mulf %parallel_loop3A_449, %parallel_loop3A_458 : vector<16xf32>
      %parallel_loop3A_460 = tpu.vector_load_idx %arg6[%parallel_loop3A_404] : memref<4928xf32, #tpu.memory_space<vmem>>[vector<16xi32>], vector<16xf32>,
      %parallel_loop3A_461 = arith.mulf %parallel_loop3A_450, %parallel_loop3A_460 : vector<16xf32>
      %parallel_loop3A_462 = tpu.vector_load_idx %arg6[%parallel_loop3A_410] : memref<4928xf32, #tpu.memory_space<vmem>>[vector<16xi32>], vector<16xf32>,
      %parallel_loop3A_463 = arith.mulf %parallel_loop3A_451, %parallel_loop3A_462 : vector<16xf32>
      %parallel_loop3A_464 = tpu.vector_load_idx %arg6[%parallel_loop3A_413] : memref<4928xf32, #tpu.memory_space<vmem>>[vector<16xi32>], vector<16xf32>,
      %parallel_loop3A_465 = arith.mulf %parallel_loop3A_452, %parallel_loop3A_464 : vector<16xf32>
      %parallel_loop3A_466 = tpu.vector_load_idx %arg6[%parallel_loop3A_419] : memref<4928xf32, #tpu.memory_space<vmem>>[vector<16xi32>], vector<16xf32>,
      %parallel_loop3A_467 = arith.mulf %parallel_loop3A_453, %parallel_loop3A_466 : vector<16xf32>
      %parallel_loop3A_468 = tpu.vector_load_idx %arg6[%parallel_loop3A_425] : memref<4928xf32, #tpu.memory_space<vmem>>[vector<16xi32>], vector<16xf32>,
      %parallel_loop3A_469 = arith.mulf %parallel_loop3A_454, %parallel_loop3A_468 : vector<16xf32>
      %parallel_loop3A_470 = tpu.vector_load_idx %arg6[%parallel_loop3A_434] : memref<4928xf32, #tpu.memory_space<vmem>>[vector<16xi32>], vector<16xf32>,
      %parallel_loop3A_471 = arith.mulf %parallel_loop3A_455, %parallel_loop3A_470 : vector<16xf32>
      %parallel_loop3A_472 = arith.addf %parallel_loop3A_457, %parallel_loop3A_459 : vector<16xf32>
      %parallel_loop3A_473 = arith.addf %parallel_loop3A_461, %parallel_loop3A_463 : vector<16xf32>
      %parallel_loop3A_474 = arith.addf %parallel_loop3A_472, %parallel_loop3A_473 : vector<16xf32>
      %parallel_loop3A_475 = arith.addf %parallel_loop3A_465, %parallel_loop3A_467 : vector<16xf32>
      %parallel_loop3A_476 = arith.addf %parallel_loop3A_469, %parallel_loop3A_471 : vector<16xf32>
      %parallel_loop3A_477 = arith.addf %parallel_loop3A_475, %parallel_loop3A_476 : vector<16xf32>
      %parallel_loop3A_478 = arith.addf %parallel_loop3A_474, %parallel_loop3A_477 : vector<16xf32>
      %parallel_loop3A_479 = arith.constant 0.000000e+00 : f32
      %parallel_loop3A_480 = arith.constant 1.000000e+00 : f32
      %parallel_loop3A_481 = vector.broadcast %parallel_loop3A_479 : f32 to vector<16xf32>
      %parallel_loop3A_482 = arith.maximumf %parallel_loop3A_481, %parallel_loop3A_478 : vector<16xf32>
      %parallel_loop3A_483 = vector.broadcast %parallel_loop3A_480 : f32 to vector<16xf32>
      %parallel_loop3A_484 = arith.minimumf %parallel_loop3A_483, %parallel_loop3A_482 : vector<16xf32>
      %parallel_loop3A_485 = arith.index_cast %parallel_loop3A_361 : i32 to index
      %parallel_loop3A_486 = arith.index_cast %parallel_loop3A_363 : i32 to index
      %parallel_loop3A_487 = tpu.vector_load %arg15[%parallel_loop3A_485, %parallel_loop3A_486] {strides = array<i32>} : memref<16x512xf32, #tpu.memory_space<vmem>>, vector<16xf32>,
      tpu.vector_store %arg15[%parallel_loop3A_485, %parallel_loop3A_486], %parallel_loop3A_484 {strides = array<i32>} : memref<16x512xf32, #tpu.memory_space<vmem>>, vector<16xf32>,
      %parallel_loop3A_488 = tpu.vector_load_idx %arg7[%parallel_loop3A_398] : memref<4928xf32, #tpu.memory_space<vmem>>[vector<16xi32>], vector<16xf32>,
      %parallel_loop3A_489 = arith.mulf %parallel_loop3A_448, %parallel_loop3A_488 : vector<16xf32>
      %parallel_loop3A_490 = tpu.vector_load_idx %arg7[%parallel_loop3A_401] : memref<4928xf32, #tpu.memory_space<vmem>>[vector<16xi32>], vector<16xf32>,
      %parallel_loop3A_491 = arith.mulf %parallel_loop3A_449, %parallel_loop3A_490 : vector<16xf32>
      %parallel_loop3A_492 = tpu.vector_load_idx %arg7[%parallel_loop3A_404] : memref<4928xf32, #tpu.memory_space<vmem>>[vector<16xi32>], vector<16xf32>,
      %parallel_loop3A_493 = arith.mulf %parallel_loop3A_450, %parallel_loop3A_492 : vector<16xf32>
      %parallel_loop3A_494 = tpu.vector_load_idx %arg7[%parallel_loop3A_410] : memref<4928xf32, #tpu.memory_space<vmem>>[vector<16xi32>], vector<16xf32>,
      %parallel_loop3A_495 = arith.mulf %parallel_loop3A_451, %parallel_loop3A_494 : vector<16xf32>
      %parallel_loop3A_496 = tpu.vector_load_idx %arg7[%parallel_loop3A_413] : memref<4928xf32, #tpu.memory_space<vmem>>[vector<16xi32>], vector<16xf32>,
      %parallel_loop3A_497 = arith.mulf %parallel_loop3A_452, %parallel_loop3A_496 : vector<16xf32>
      %parallel_loop3A_498 = tpu.vector_load_idx %arg7[%parallel_loop3A_419] : memref<4928xf32, #tpu.memory_space<vmem>>[vector<16xi32>], vector<16xf32>,
      %parallel_loop3A_499 = arith.mulf %parallel_loop3A_453, %parallel_loop3A_498 : vector<16xf32>
      %parallel_loop3A_500 = tpu.vector_load_idx %arg7[%parallel_loop3A_425] : memref<4928xf32, #tpu.memory_space<vmem>>[vector<16xi32>], vector<16xf32>,
      %parallel_loop3A_501 = arith.mulf %parallel_loop3A_454, %parallel_loop3A_500 : vector<16xf32>
      %parallel_loop3A_502 = tpu.vector_load_idx %arg7[%parallel_loop3A_434] : memref<4928xf32, #tpu.memory_space<vmem>>[vector<16xi32>], vector<16xf32>,
      %parallel_loop3A_503 = arith.mulf %parallel_loop3A_455, %parallel_loop3A_502 : vector<16xf32>
      %parallel_loop3A_504 = arith.addf %parallel_loop3A_489, %parallel_loop3A_491 : vector<16xf32>
      %parallel_loop3A_505 = arith.addf %parallel_loop3A_493, %parallel_loop3A_495 : vector<16xf32>
      %parallel_loop3A_506 = arith.addf %parallel_loop3A_504, %parallel_loop3A_505 : vector<16xf32>
      %parallel_loop3A_507 = arith.addf %parallel_loop3A_497, %parallel_loop3A_499 : vector<16xf32>
      %parallel_loop3A_508 = arith.addf %parallel_loop3A_501, %parallel_loop3A_503 : vector<16xf32>
      %parallel_loop3A_509 = arith.addf %parallel_loop3A_507, %parallel_loop3A_508 : vector<16xf32>
      %parallel_loop3A_510 = arith.addf %parallel_loop3A_506, %parallel_loop3A_509 : vector<16xf32>
      %parallel_loop3A_511 = arith.constant 0.000000e+00 : f32
      %parallel_loop3A_512 = arith.constant 1.000000e+00 : f32
      %parallel_loop3A_513 = vector.broadcast %parallel_loop3A_511 : f32 to vector<16xf32>
      %parallel_loop3A_514 = arith.maximumf %parallel_loop3A_513, %parallel_loop3A_510 : vector<16xf32>
      %parallel_loop3A_515 = vector.broadcast %parallel_loop3A_512 : f32 to vector<16xf32>
      %parallel_loop3A_516 = arith.minimumf %parallel_loop3A_515, %parallel_loop3A_514 : vector<16xf32>
      %parallel_loop3A_517 = arith.index_cast %parallel_loop3A_361 : i32 to index
      %parallel_loop3A_518 = arith.index_cast %parallel_loop3A_363 : i32 to index
      %parallel_loop3A_519 = tpu.vector_load %arg16[%parallel_loop3A_517, %parallel_loop3A_518] {strides = array<i32>} : memref<16x512xf32, #tpu.memory_space<vmem>>, vector<16xf32>,
      tpu.vector_store %arg16[%parallel_loop3A_517, %parallel_loop3A_518], %parallel_loop3A_516 {strides = array<i32>} : memref<16x512xf32, #tpu.memory_space<vmem>>, vector<16xf32>,
      %parallel_loop3A_520 = tpu.vector_load_idx %arg8[%parallel_loop3A_398] : memref<4928xf32, #tpu.memory_space<vmem>>[vector<16xi32>], vector<16xf32>,
      %parallel_loop3A_521 = arith.mulf %parallel_loop3A_448, %parallel_loop3A_520 : vector<16xf32>
      %parallel_loop3A_522 = tpu.vector_load_idx %arg8[%parallel_loop3A_401] : memref<4928xf32, #tpu.memory_space<vmem>>[vector<16xi32>], vector<16xf32>,
      %parallel_loop3A_523 = arith.mulf %parallel_loop3A_449, %parallel_loop3A_522 : vector<16xf32>
      %parallel_loop3A_524 = tpu.vector_load_idx %arg8[%parallel_loop3A_404] : memref<4928xf32, #tpu.memory_space<vmem>>[vector<16xi32>], vector<16xf32>,
      %parallel_loop3A_525 = arith.mulf %parallel_loop3A_450, %parallel_loop3A_524 : vector<16xf32>
      %parallel_loop3A_526 = tpu.vector_load_idx %arg8[%parallel_loop3A_410] : memref<4928xf32, #tpu.memory_space<vmem>>[vector<16xi32>], vector<16xf32>,
      %parallel_loop3A_527 = arith.mulf %parallel_loop3A_451, %parallel_loop3A_526 : vector<16xf32>
      %parallel_loop3A_528 = tpu.vector_load_idx %arg8[%parallel_loop3A_413] : memref<4928xf32, #tpu.memory_space<vmem>>[vector<16xi32>], vector<16xf32>,
      %parallel_loop3A_529 = arith.mulf %parallel_loop3A_452, %parallel_loop3A_528 : vector<16xf32>
      %parallel_loop3A_530 = tpu.vector_load_idx %arg8[%parallel_loop3A_419] : memref<4928xf32, #tpu.memory_space<vmem>>[vector<16xi32>], vector<16xf32>,
      %parallel_loop3A_531 = arith.mulf %parallel_loop3A_453, %parallel_loop3A_530 : vector<16xf32>
      %parallel_loop3A_532 = tpu.vector_load_idx %arg8[%parallel_loop3A_425] : memref<4928xf32, #tpu.memory_space<vmem>>[vector<16xi32>], vector<16xf32>,
      %parallel_loop3A_533 = arith.mulf %parallel_loop3A_454, %parallel_loop3A_532 : vector<16xf32>
      %parallel_loop3A_534 = tpu.vector_load_idx %arg8[%parallel_loop3A_434] : memref<4928xf32, #tpu.memory_space<vmem>>[vector<16xi32>], vector<16xf32>,
      %parallel_loop3A_535 = arith.mulf %parallel_loop3A_455, %parallel_loop3A_534 : vector<16xf32>
      %parallel_loop3A_536 = arith.addf %parallel_loop3A_521, %parallel_loop3A_523 : vector<16xf32>
      %parallel_loop3A_537 = arith.addf %parallel_loop3A_525, %parallel_loop3A_527 : vector<16xf32>
      %parallel_loop3A_538 = arith.addf %parallel_loop3A_536, %parallel_loop3A_537 : vector<16xf32>
      %parallel_loop3A_539 = arith.addf %parallel_loop3A_529, %parallel_loop3A_531 : vector<16xf32>
      %parallel_loop3A_540 = arith.addf %parallel_loop3A_533, %parallel_loop3A_535 : vector<16xf32>
      %parallel_loop3A_541 = arith.addf %parallel_loop3A_539, %parallel_loop3A_540 : vector<16xf32>
      %parallel_loop3A_542 = arith.addf %parallel_loop3A_538, %parallel_loop3A_541 : vector<16xf32>
      %parallel_loop3A_543 = arith.constant 0.000000e+00 : f32
      %parallel_loop3A_544 = arith.constant 1.000000e+00 : f32
      %parallel_loop3A_545 = vector.broadcast %parallel_loop3A_543 : f32 to vector<16xf32>
      %parallel_loop3A_546 = arith.maximumf %parallel_loop3A_545, %parallel_loop3A_542 : vector<16xf32>
      %parallel_loop3A_547 = vector.broadcast %parallel_loop3A_544 : f32 to vector<16xf32>
      %parallel_loop3A_548 = arith.minimumf %parallel_loop3A_547, %parallel_loop3A_546 : vector<16xf32>
      %parallel_loop3A_549 = arith.index_cast %parallel_loop3A_361 : i32 to index
      %parallel_loop3A_550 = arith.index_cast %parallel_loop3A_363 : i32 to index
      %parallel_loop3A_551 = tpu.vector_load %arg17[%parallel_loop3A_549, %parallel_loop3A_550] {strides = array<i32>} : memref<16x512xf32, #tpu.memory_space<vmem>>, vector<16xf32>,
      tpu.vector_store %arg17[%parallel_loop3A_549, %parallel_loop3A_550], %parallel_loop3A_548 {strides = array<i32>} : memref<16x512xf32, #tpu.memory_space<vmem>>, vector<16xf32>,
    } {sc.loop_unroll_factor = 2 : i64, sc.parallel_access}
    %add3A_244 = arith.constant 32 : i32
    %add3A_245 = arith.addi %mul3A_32, %add3A_244 : i32
    %dma_start3A_246 = arith.constant 0 : i32
    %dma_start3A_247 = tpu.memref_slice %arg4[%mul3A_34, %add3A_245, %dma_start3A_246] : memref<12x512x512xf32, #tpu.memory_space<hbm>> -> memref<1x16x512xf32, #tpu.memory_space<hbm>>
    %dma_start3A_248 = tpu.memref_squeeze %dma_start3A_247 : memref<1x16x512xf32, #tpu.memory_space<hbm>> -> memref<16x512xf32, #tpu.memory_space<hbm>>
    %dma_start3A_249 = arith.constant 0 : i32
    %dma_start3A_250 = tpu.memref_slice %arg4[%mul3A_34, %add3A_245, %dma_start3A_249] : memref<12x512x512xf32, #tpu.memory_space<hbm>> -> memref<1x16x512xf32, #tpu.memory_space<hbm>>
    %dma_start3A_251 = tpu.memref_squeeze %dma_start3A_250 : memref<1x16x512xf32, #tpu.memory_space<hbm>> -> memref<16x512xf32, #tpu.memory_space<hbm>>
    tpu.enqueue_dma source(%arg15 : memref<16x512xf32, #tpu.memory_space<vmem>>) target(%dma_start3A_251 : memref<16x512xf32, #tpu.memory_space<hbm>>) target_semaphore(%arg23 : memref<!tpu.dma_semaphore, #tpu.memory_space<semaphore_mem>>)
    %dma_start3A_252 = arith.constant 0 : i32
    %dma_start3A_253 = tpu.memref_slice %arg4[%add3A_38, %add3A_245, %dma_start3A_252] : memref<12x512x512xf32, #tpu.memory_space<hbm>> -> memref<1x16x512xf32, #tpu.memory_space<hbm>>
    %dma_start3A_254 = tpu.memref_squeeze %dma_start3A_253 : memref<1x16x512xf32, #tpu.memory_space<hbm>> -> memref<16x512xf32, #tpu.memory_space<hbm>>
    %dma_start3A_255 = arith.constant 0 : i32
    %dma_start3A_256 = tpu.memref_slice %arg4[%add3A_38, %add3A_245, %dma_start3A_255] : memref<12x512x512xf32, #tpu.memory_space<hbm>> -> memref<1x16x512xf32, #tpu.memory_space<hbm>>
    %dma_start3A_257 = tpu.memref_squeeze %dma_start3A_256 : memref<1x16x512xf32, #tpu.memory_space<hbm>> -> memref<16x512xf32, #tpu.memory_space<hbm>>
    tpu.enqueue_dma source(%arg16 : memref<16x512xf32, #tpu.memory_space<vmem>>) target(%dma_start3A_257 : memref<16x512xf32, #tpu.memory_space<hbm>>) target_semaphore(%arg23 : memref<!tpu.dma_semaphore, #tpu.memory_space<semaphore_mem>>)
    %dma_start3A_258 = arith.constant 0 : i32
    %dma_start3A_259 = tpu.memref_slice %arg4[%add3A_42, %add3A_245, %dma_start3A_258] : memref<12x512x512xf32, #tpu.memory_space<hbm>> -> memref<1x16x512xf32, #tpu.memory_space<hbm>>
    %dma_start3A_260 = tpu.memref_squeeze %dma_start3A_259 : memref<1x16x512xf32, #tpu.memory_space<hbm>> -> memref<16x512xf32, #tpu.memory_space<hbm>>
    %dma_start3A_261 = arith.constant 0 : i32
    %dma_start3A_262 = tpu.memref_slice %arg4[%add3A_42, %add3A_245, %dma_start3A_261] : memref<12x512x512xf32, #tpu.memory_space<hbm>> -> memref<1x16x512xf32, #tpu.memory_space<hbm>>
    %dma_start3A_263 = tpu.memref_squeeze %dma_start3A_262 : memref<1x16x512xf32, #tpu.memory_space<hbm>> -> memref<16x512xf32, #tpu.memory_space<hbm>>
    tpu.enqueue_dma source(%arg17 : memref<16x512xf32, #tpu.memory_space<vmem>>) target(%dma_start3A_263 : memref<16x512xf32, #tpu.memory_space<hbm>>) target_semaphore(%arg23 : memref<!tpu.dma_semaphore, #tpu.memory_space<semaphore_mem>>)
    %dma_wait3A_264 = arith.constant 0 : i32
    %dma_wait3A_265 = tpu.memref_slice %arg2[%mul3A_34, %add3A_204, %dma_wait3A_264] : memref<12x512x512xf32, #tpu.memory_space<hbm>> -> memref<1x16x512xf32, #tpu.memory_space<hbm>>
    %dma_wait3A_266 = tpu.memref_squeeze %dma_wait3A_265 : memref<1x16x512xf32, #tpu.memory_space<hbm>> -> memref<16x512xf32, #tpu.memory_space<hbm>>
    %dma_wait3A_267 = arith.constant 0 : i32
    %dma_wait3A_268 = tpu.memref_slice %arg2[%mul3A_34, %add3A_204, %dma_wait3A_267] : memref<12x512x512xf32, #tpu.memory_space<hbm>> -> memref<1x16x512xf32, #tpu.memory_space<hbm>>
    %dma_wait3A_269 = tpu.memref_squeeze %dma_wait3A_268 : memref<1x16x512xf32, #tpu.memory_space<hbm>> -> memref<16x512xf32, #tpu.memory_space<hbm>>
    tpu.wait_dma2 semaphore(%arg18 : memref<!tpu.dma_semaphore, #tpu.memory_space<semaphore_mem>>) src(%dma_wait3A_269 : memref<16x512xf32, #tpu.memory_space<hbm>>) dst(%arg9 : memref<16x512xf32, #tpu.memory_space<vmem>>)
    %dma_wait3A_270 = arith.constant 0 : i32
    %dma_wait3A_271 = tpu.memref_slice %arg2[%add3A_38, %add3A_204, %dma_wait3A_270] : memref<12x512x512xf32, #tpu.memory_space<hbm>> -> memref<1x16x512xf32, #tpu.memory_space<hbm>>
    %dma_wait3A_272 = tpu.memref_squeeze %dma_wait3A_271 : memref<1x16x512xf32, #tpu.memory_space<hbm>> -> memref<16x512xf32, #tpu.memory_space<hbm>>
    %dma_wait3A_273 = arith.constant 0 : i32
    %dma_wait3A_274 = tpu.memref_slice %arg2[%add3A_38, %add3A_204, %dma_wait3A_273] : memref<12x512x512xf32, #tpu.memory_space<hbm>> -> memref<1x16x512xf32, #tpu.memory_space<hbm>>
    %dma_wait3A_275 = tpu.memref_squeeze %dma_wait3A_274 : memref<1x16x512xf32, #tpu.memory_space<hbm>> -> memref<16x512xf32, #tpu.memory_space<hbm>>
    tpu.wait_dma2 semaphore(%arg18 : memref<!tpu.dma_semaphore, #tpu.memory_space<semaphore_mem>>) src(%dma_wait3A_275 : memref<16x512xf32, #tpu.memory_space<hbm>>) dst(%arg10 : memref<16x512xf32, #tpu.memory_space<vmem>>)
    %dma_wait3A_276 = arith.constant 0 : i32
    %dma_wait3A_277 = tpu.memref_slice %arg2[%add3A_42, %add3A_204, %dma_wait3A_276] : memref<12x512x512xf32, #tpu.memory_space<hbm>> -> memref<1x16x512xf32, #tpu.memory_space<hbm>>
    %dma_wait3A_278 = tpu.memref_squeeze %dma_wait3A_277 : memref<1x16x512xf32, #tpu.memory_space<hbm>> -> memref<16x512xf32, #tpu.memory_space<hbm>>
    %dma_wait3A_279 = arith.constant 0 : i32
    %dma_wait3A_280 = tpu.memref_slice %arg2[%add3A_42, %add3A_204, %dma_wait3A_279] : memref<12x512x512xf32, #tpu.memory_space<hbm>> -> memref<1x16x512xf32, #tpu.memory_space<hbm>>
    %dma_wait3A_281 = tpu.memref_squeeze %dma_wait3A_280 : memref<1x16x512xf32, #tpu.memory_space<hbm>> -> memref<16x512xf32, #tpu.memory_space<hbm>>
    tpu.wait_dma2 semaphore(%arg18 : memref<!tpu.dma_semaphore, #tpu.memory_space<semaphore_mem>>) src(%dma_wait3A_281 : memref<16x512xf32, #tpu.memory_space<hbm>>) dst(%arg11 : memref<16x512xf32, #tpu.memory_space<vmem>>)
    %parallel_loop3A_282 = arith.constant 0 : i32
    %parallel_loop3A_283 = arith.constant 8192 : i32
    %parallel_loop3A_284 = arith.constant 16 : i32
    scf.for %parallel_loop3A_359 = %parallel_loop3A_282 to %parallel_loop3A_283 step %parallel_loop3A_284  : i32 {
      %parallel_loop3A_360 = arith.constant 9 : i32
      %parallel_loop3A_361 = arith.shrsi %parallel_loop3A_359, %parallel_loop3A_360 : i32
      %parallel_loop3A_362 = arith.constant 511 : i32
      %parallel_loop3A_363 = arith.andi %parallel_loop3A_359, %parallel_loop3A_362 : i32
      %parallel_loop3A_364 = arith.index_cast %parallel_loop3A_361 : i32 to index
      %parallel_loop3A_365 = arith.index_cast %parallel_loop3A_363 : i32 to index
      %parallel_loop3A_366 = tpu.vector_load %arg9[%parallel_loop3A_364, %parallel_loop3A_365] {strides = array<i32>} : memref<16x512xf32, #tpu.memory_space<vmem>>, vector<16xf32>,
      %parallel_loop3A_367 = arith.constant 1.593750e+01 : f32
      %parallel_loop3A_368 = vector.broadcast %parallel_loop3A_367 : f32 to vector<16xf32>
      %parallel_loop3A_369 = arith.mulf %parallel_loop3A_366, %parallel_loop3A_368 : vector<16xf32>
      %parallel_loop3A_370 = arith.fptosi %parallel_loop3A_369 : vector<16xf32> to vector<16xi32>
      %parallel_loop3A_371 = arith.sitofp %parallel_loop3A_370 : vector<16xi32> to vector<16xf32>
      %parallel_loop3A_372 = arith.subf %parallel_loop3A_369, %parallel_loop3A_371 : vector<16xf32>
      %parallel_loop3A_373 = arith.index_cast %parallel_loop3A_361 : i32 to index
      %parallel_loop3A_374 = arith.index_cast %parallel_loop3A_363 : i32 to index
      %parallel_loop3A_375 = tpu.vector_load %arg10[%parallel_loop3A_373, %parallel_loop3A_374] {strides = array<i32>} : memref<16x512xf32, #tpu.memory_space<vmem>>, vector<16xf32>,
      %parallel_loop3A_376 = arith.constant 1.593750e+01 : f32
      %parallel_loop3A_377 = vector.broadcast %parallel_loop3A_376 : f32 to vector<16xf32>
      %parallel_loop3A_378 = arith.mulf %parallel_loop3A_375, %parallel_loop3A_377 : vector<16xf32>
      %parallel_loop3A_379 = arith.fptosi %parallel_loop3A_378 : vector<16xf32> to vector<16xi32>
      %parallel_loop3A_380 = arith.sitofp %parallel_loop3A_379 : vector<16xi32> to vector<16xf32>
      %parallel_loop3A_381 = arith.subf %parallel_loop3A_378, %parallel_loop3A_380 : vector<16xf32>
      %parallel_loop3A_382 = arith.index_cast %parallel_loop3A_361 : i32 to index
      %parallel_loop3A_383 = arith.index_cast %parallel_loop3A_363 : i32 to index
      %parallel_loop3A_384 = tpu.vector_load %arg11[%parallel_loop3A_382, %parallel_loop3A_383] {strides = array<i32>} : memref<16x512xf32, #tpu.memory_space<vmem>>, vector<16xf32>,
      %parallel_loop3A_385 = arith.constant 1.593750e+01 : f32
      %parallel_loop3A_386 = vector.broadcast %parallel_loop3A_385 : f32 to vector<16xf32>
      %parallel_loop3A_387 = arith.mulf %parallel_loop3A_384, %parallel_loop3A_386 : vector<16xf32>
      %parallel_loop3A_388 = arith.fptosi %parallel_loop3A_387 : vector<16xf32> to vector<16xi32>
      %parallel_loop3A_389 = arith.sitofp %parallel_loop3A_388 : vector<16xi32> to vector<16xf32>
      %parallel_loop3A_390 = arith.subf %parallel_loop3A_387, %parallel_loop3A_389 : vector<16xf32>
      %parallel_loop3A_391 = arith.constant 289 : i32
      %parallel_loop3A_392 = vector.broadcast %parallel_loop3A_391 : i32 to vector<16xi32>
      %parallel_loop3A_393 = arith.muli %parallel_loop3A_370, %parallel_loop3A_392 : vector<16xi32>
      %parallel_loop3A_394 = arith.constant 17 : i32
      %parallel_loop3A_395 = vector.broadcast %parallel_loop3A_394 : i32 to vector<16xi32>
      %parallel_loop3A_396 = arith.muli %parallel_loop3A_379, %parallel_loop3A_395 : vector<16xi32>
      %parallel_loop3A_397 = arith.addi %parallel_loop3A_393, %parallel_loop3A_396 : vector<16xi32>
      %parallel_loop3A_398 = arith.addi %parallel_loop3A_397, %parallel_loop3A_388 : vector<16xi32>
      %parallel_loop3A_399 = arith.constant 1 : i32
      %parallel_loop3A_400 = vector.broadcast %parallel_loop3A_399 : i32 to vector<16xi32>
      %parallel_loop3A_401 = arith.addi %parallel_loop3A_398, %parallel_loop3A_400 : vector<16xi32>
      %parallel_loop3A_402 = arith.constant 17 : i32
      %parallel_loop3A_403 = vector.broadcast %parallel_loop3A_402 : i32 to vector<16xi32>
      %parallel_loop3A_404 = arith.addi %parallel_loop3A_398, %parallel_loop3A_403 : vector<16xi32>
      %parallel_loop3A_405 = arith.constant 17 : i32
      %parallel_loop3A_406 = vector.broadcast %parallel_loop3A_405 : i32 to vector<16xi32>
      %parallel_loop3A_407 = arith.addi %parallel_loop3A_398, %parallel_loop3A_406 : vector<16xi32>
      %parallel_loop3A_408 = arith.constant 1 : i32
      %parallel_loop3A_409 = vector.broadcast %parallel_loop3A_408 : i32 to vector<16xi32>
      %parallel_loop3A_410 = arith.addi %parallel_loop3A_407, %parallel_loop3A_409 : vector<16xi32>
      %parallel_loop3A_411 = arith.constant 289 : i32
      %parallel_loop3A_412 = vector.broadcast %parallel_loop3A_411 : i32 to vector<16xi32>
      %parallel_loop3A_413 = arith.addi %parallel_loop3A_398, %parallel_loop3A_412 : vector<16xi32>
      %parallel_loop3A_414 = arith.constant 289 : i32
      %parallel_loop3A_415 = vector.broadcast %parallel_loop3A_414 : i32 to vector<16xi32>
      %parallel_loop3A_416 = arith.addi %parallel_loop3A_398, %parallel_loop3A_415 : vector<16xi32>
      %parallel_loop3A_417 = arith.constant 1 : i32
      %parallel_loop3A_418 = vector.broadcast %parallel_loop3A_417 : i32 to vector<16xi32>
      %parallel_loop3A_419 = arith.addi %parallel_loop3A_416, %parallel_loop3A_418 : vector<16xi32>
      %parallel_loop3A_420 = arith.constant 289 : i32
      %parallel_loop3A_421 = vector.broadcast %parallel_loop3A_420 : i32 to vector<16xi32>
      %parallel_loop3A_422 = arith.addi %parallel_loop3A_398, %parallel_loop3A_421 : vector<16xi32>
      %parallel_loop3A_423 = arith.constant 17 : i32
      %parallel_loop3A_424 = vector.broadcast %parallel_loop3A_423 : i32 to vector<16xi32>
      %parallel_loop3A_425 = arith.addi %parallel_loop3A_422, %parallel_loop3A_424 : vector<16xi32>
      %parallel_loop3A_426 = arith.constant 289 : i32
      %parallel_loop3A_427 = vector.broadcast %parallel_loop3A_426 : i32 to vector<16xi32>
      %parallel_loop3A_428 = arith.addi %parallel_loop3A_398, %parallel_loop3A_427 : vector<16xi32>
      %parallel_loop3A_429 = arith.constant 17 : i32
      %parallel_loop3A_430 = vector.broadcast %parallel_loop3A_429 : i32 to vector<16xi32>
      %parallel_loop3A_431 = arith.addi %parallel_loop3A_428, %parallel_loop3A_430 : vector<16xi32>
      %parallel_loop3A_432 = arith.constant 1 : i32
      %parallel_loop3A_433 = vector.broadcast %parallel_loop3A_432 : i32 to vector<16xi32>
      %parallel_loop3A_434 = arith.addi %parallel_loop3A_431, %parallel_loop3A_433 : vector<16xi32>
      %parallel_loop3A_435 = arith.constant 1.000000e+00 : f32
      %parallel_loop3A_436 = vector.broadcast %parallel_loop3A_435 : f32 to vector<16xf32>
      %parallel_loop3A_437 = arith.subf %parallel_loop3A_436, %parallel_loop3A_372 : vector<16xf32>
      %parallel_loop3A_438 = arith.constant 1.000000e+00 : f32
      %parallel_loop3A_439 = vector.broadcast %parallel_loop3A_438 : f32 to vector<16xf32>
      %parallel_loop3A_440 = arith.subf %parallel_loop3A_439, %parallel_loop3A_381 : vector<16xf32>
      %parallel_loop3A_441 = arith.constant 1.000000e+00 : f32
      %parallel_loop3A_442 = vector.broadcast %parallel_loop3A_441 : f32 to vector<16xf32>
      %parallel_loop3A_443 = arith.subf %parallel_loop3A_442, %parallel_loop3A_390 : vector<16xf32>
      %parallel_loop3A_444 = arith.mulf %parallel_loop3A_437, %parallel_loop3A_440 : vector<16xf32>
      %parallel_loop3A_445 = arith.mulf %parallel_loop3A_437, %parallel_loop3A_381 : vector<16xf32>
      %parallel_loop3A_446 = arith.mulf %parallel_loop3A_372, %parallel_loop3A_440 : vector<16xf32>
      %parallel_loop3A_447 = arith.mulf %parallel_loop3A_372, %parallel_loop3A_381 : vector<16xf32>
      %parallel_loop3A_448 = arith.mulf %parallel_loop3A_444, %parallel_loop3A_443 : vector<16xf32>
      %parallel_loop3A_449 = arith.mulf %parallel_loop3A_444, %parallel_loop3A_390 : vector<16xf32>
      %parallel_loop3A_450 = arith.mulf %parallel_loop3A_445, %parallel_loop3A_443 : vector<16xf32>
      %parallel_loop3A_451 = arith.mulf %parallel_loop3A_445, %parallel_loop3A_390 : vector<16xf32>
      %parallel_loop3A_452 = arith.mulf %parallel_loop3A_446, %parallel_loop3A_443 : vector<16xf32>
      %parallel_loop3A_453 = arith.mulf %parallel_loop3A_446, %parallel_loop3A_390 : vector<16xf32>
      %parallel_loop3A_454 = arith.mulf %parallel_loop3A_447, %parallel_loop3A_443 : vector<16xf32>
      %parallel_loop3A_455 = arith.mulf %parallel_loop3A_447, %parallel_loop3A_390 : vector<16xf32>
      %parallel_loop3A_456 = tpu.vector_load_idx %arg6[%parallel_loop3A_398] : memref<4928xf32, #tpu.memory_space<vmem>>[vector<16xi32>], vector<16xf32>,
      %parallel_loop3A_457 = arith.mulf %parallel_loop3A_448, %parallel_loop3A_456 : vector<16xf32>
      %parallel_loop3A_458 = tpu.vector_load_idx %arg6[%parallel_loop3A_401] : memref<4928xf32, #tpu.memory_space<vmem>>[vector<16xi32>], vector<16xf32>,
      %parallel_loop3A_459 = arith.mulf %parallel_loop3A_449, %parallel_loop3A_458 : vector<16xf32>
      %parallel_loop3A_460 = tpu.vector_load_idx %arg6[%parallel_loop3A_404] : memref<4928xf32, #tpu.memory_space<vmem>>[vector<16xi32>], vector<16xf32>,
      %parallel_loop3A_461 = arith.mulf %parallel_loop3A_450, %parallel_loop3A_460 : vector<16xf32>
      %parallel_loop3A_462 = tpu.vector_load_idx %arg6[%parallel_loop3A_410] : memref<4928xf32, #tpu.memory_space<vmem>>[vector<16xi32>], vector<16xf32>,
      %parallel_loop3A_463 = arith.mulf %parallel_loop3A_451, %parallel_loop3A_462 : vector<16xf32>
      %parallel_loop3A_464 = tpu.vector_load_idx %arg6[%parallel_loop3A_413] : memref<4928xf32, #tpu.memory_space<vmem>>[vector<16xi32>], vector<16xf32>,
      %parallel_loop3A_465 = arith.mulf %parallel_loop3A_452, %parallel_loop3A_464 : vector<16xf32>
      %parallel_loop3A_466 = tpu.vector_load_idx %arg6[%parallel_loop3A_419] : memref<4928xf32, #tpu.memory_space<vmem>>[vector<16xi32>], vector<16xf32>,
      %parallel_loop3A_467 = arith.mulf %parallel_loop3A_453, %parallel_loop3A_466 : vector<16xf32>
      %parallel_loop3A_468 = tpu.vector_load_idx %arg6[%parallel_loop3A_425] : memref<4928xf32, #tpu.memory_space<vmem>>[vector<16xi32>], vector<16xf32>,
      %parallel_loop3A_469 = arith.mulf %parallel_loop3A_454, %parallel_loop3A_468 : vector<16xf32>
      %parallel_loop3A_470 = tpu.vector_load_idx %arg6[%parallel_loop3A_434] : memref<4928xf32, #tpu.memory_space<vmem>>[vector<16xi32>], vector<16xf32>,
      %parallel_loop3A_471 = arith.mulf %parallel_loop3A_455, %parallel_loop3A_470 : vector<16xf32>
      %parallel_loop3A_472 = arith.addf %parallel_loop3A_457, %parallel_loop3A_459 : vector<16xf32>
      %parallel_loop3A_473 = arith.addf %parallel_loop3A_461, %parallel_loop3A_463 : vector<16xf32>
      %parallel_loop3A_474 = arith.addf %parallel_loop3A_472, %parallel_loop3A_473 : vector<16xf32>
      %parallel_loop3A_475 = arith.addf %parallel_loop3A_465, %parallel_loop3A_467 : vector<16xf32>
      %parallel_loop3A_476 = arith.addf %parallel_loop3A_469, %parallel_loop3A_471 : vector<16xf32>
      %parallel_loop3A_477 = arith.addf %parallel_loop3A_475, %parallel_loop3A_476 : vector<16xf32>
      %parallel_loop3A_478 = arith.addf %parallel_loop3A_474, %parallel_loop3A_477 : vector<16xf32>
      %parallel_loop3A_479 = arith.constant 0.000000e+00 : f32
      %parallel_loop3A_480 = arith.constant 1.000000e+00 : f32
      %parallel_loop3A_481 = vector.broadcast %parallel_loop3A_479 : f32 to vector<16xf32>
      %parallel_loop3A_482 = arith.maximumf %parallel_loop3A_481, %parallel_loop3A_478 : vector<16xf32>
      %parallel_loop3A_483 = vector.broadcast %parallel_loop3A_480 : f32 to vector<16xf32>
      %parallel_loop3A_484 = arith.minimumf %parallel_loop3A_483, %parallel_loop3A_482 : vector<16xf32>
      %parallel_loop3A_485 = arith.index_cast %parallel_loop3A_361 : i32 to index
      %parallel_loop3A_486 = arith.index_cast %parallel_loop3A_363 : i32 to index
      %parallel_loop3A_487 = tpu.vector_load %arg9[%parallel_loop3A_485, %parallel_loop3A_486] {strides = array<i32>} : memref<16x512xf32, #tpu.memory_space<vmem>>, vector<16xf32>,
      tpu.vector_store %arg9[%parallel_loop3A_485, %parallel_loop3A_486], %parallel_loop3A_484 {strides = array<i32>} : memref<16x512xf32, #tpu.memory_space<vmem>>, vector<16xf32>,
      %parallel_loop3A_488 = tpu.vector_load_idx %arg7[%parallel_loop3A_398] : memref<4928xf32, #tpu.memory_space<vmem>>[vector<16xi32>], vector<16xf32>,
      %parallel_loop3A_489 = arith.mulf %parallel_loop3A_448, %parallel_loop3A_488 : vector<16xf32>
      %parallel_loop3A_490 = tpu.vector_load_idx %arg7[%parallel_loop3A_401] : memref<4928xf32, #tpu.memory_space<vmem>>[vector<16xi32>], vector<16xf32>,
      %parallel_loop3A_491 = arith.mulf %parallel_loop3A_449, %parallel_loop3A_490 : vector<16xf32>
      %parallel_loop3A_492 = tpu.vector_load_idx %arg7[%parallel_loop3A_404] : memref<4928xf32, #tpu.memory_space<vmem>>[vector<16xi32>], vector<16xf32>,
      %parallel_loop3A_493 = arith.mulf %parallel_loop3A_450, %parallel_loop3A_492 : vector<16xf32>
      %parallel_loop3A_494 = tpu.vector_load_idx %arg7[%parallel_loop3A_410] : memref<4928xf32, #tpu.memory_space<vmem>>[vector<16xi32>], vector<16xf32>,
      %parallel_loop3A_495 = arith.mulf %parallel_loop3A_451, %parallel_loop3A_494 : vector<16xf32>
      %parallel_loop3A_496 = tpu.vector_load_idx %arg7[%parallel_loop3A_413] : memref<4928xf32, #tpu.memory_space<vmem>>[vector<16xi32>], vector<16xf32>,
      %parallel_loop3A_497 = arith.mulf %parallel_loop3A_452, %parallel_loop3A_496 : vector<16xf32>
      %parallel_loop3A_498 = tpu.vector_load_idx %arg7[%parallel_loop3A_419] : memref<4928xf32, #tpu.memory_space<vmem>>[vector<16xi32>], vector<16xf32>,
      %parallel_loop3A_499 = arith.mulf %parallel_loop3A_453, %parallel_loop3A_498 : vector<16xf32>
      %parallel_loop3A_500 = tpu.vector_load_idx %arg7[%parallel_loop3A_425] : memref<4928xf32, #tpu.memory_space<vmem>>[vector<16xi32>], vector<16xf32>,
      %parallel_loop3A_501 = arith.mulf %parallel_loop3A_454, %parallel_loop3A_500 : vector<16xf32>
      %parallel_loop3A_502 = tpu.vector_load_idx %arg7[%parallel_loop3A_434] : memref<4928xf32, #tpu.memory_space<vmem>>[vector<16xi32>], vector<16xf32>,
      %parallel_loop3A_503 = arith.mulf %parallel_loop3A_455, %parallel_loop3A_502 : vector<16xf32>
      %parallel_loop3A_504 = arith.addf %parallel_loop3A_489, %parallel_loop3A_491 : vector<16xf32>
      %parallel_loop3A_505 = arith.addf %parallel_loop3A_493, %parallel_loop3A_495 : vector<16xf32>
      %parallel_loop3A_506 = arith.addf %parallel_loop3A_504, %parallel_loop3A_505 : vector<16xf32>
      %parallel_loop3A_507 = arith.addf %parallel_loop3A_497, %parallel_loop3A_499 : vector<16xf32>
      %parallel_loop3A_508 = arith.addf %parallel_loop3A_501, %parallel_loop3A_503 : vector<16xf32>
      %parallel_loop3A_509 = arith.addf %parallel_loop3A_507, %parallel_loop3A_508 : vector<16xf32>
      %parallel_loop3A_510 = arith.addf %parallel_loop3A_506, %parallel_loop3A_509 : vector<16xf32>
      %parallel_loop3A_511 = arith.constant 0.000000e+00 : f32
      %parallel_loop3A_512 = arith.constant 1.000000e+00 : f32
      %parallel_loop3A_513 = vector.broadcast %parallel_loop3A_511 : f32 to vector<16xf32>
      %parallel_loop3A_514 = arith.maximumf %parallel_loop3A_513, %parallel_loop3A_510 : vector<16xf32>
      %parallel_loop3A_515 = vector.broadcast %parallel_loop3A_512 : f32 to vector<16xf32>
      %parallel_loop3A_516 = arith.minimumf %parallel_loop3A_515, %parallel_loop3A_514 : vector<16xf32>
      %parallel_loop3A_517 = arith.index_cast %parallel_loop3A_361 : i32 to index
      %parallel_loop3A_518 = arith.index_cast %parallel_loop3A_363 : i32 to index
      %parallel_loop3A_519 = tpu.vector_load %arg10[%parallel_loop3A_517, %parallel_loop3A_518] {strides = array<i32>} : memref<16x512xf32, #tpu.memory_space<vmem>>, vector<16xf32>,
      tpu.vector_store %arg10[%parallel_loop3A_517, %parallel_loop3A_518], %parallel_loop3A_516 {strides = array<i32>} : memref<16x512xf32, #tpu.memory_space<vmem>>, vector<16xf32>,
      %parallel_loop3A_520 = tpu.vector_load_idx %arg8[%parallel_loop3A_398] : memref<4928xf32, #tpu.memory_space<vmem>>[vector<16xi32>], vector<16xf32>,
      %parallel_loop3A_521 = arith.mulf %parallel_loop3A_448, %parallel_loop3A_520 : vector<16xf32>
      %parallel_loop3A_522 = tpu.vector_load_idx %arg8[%parallel_loop3A_401] : memref<4928xf32, #tpu.memory_space<vmem>>[vector<16xi32>], vector<16xf32>,
      %parallel_loop3A_523 = arith.mulf %parallel_loop3A_449, %parallel_loop3A_522 : vector<16xf32>
      %parallel_loop3A_524 = tpu.vector_load_idx %arg8[%parallel_loop3A_404] : memref<4928xf32, #tpu.memory_space<vmem>>[vector<16xi32>], vector<16xf32>,
      %parallel_loop3A_525 = arith.mulf %parallel_loop3A_450, %parallel_loop3A_524 : vector<16xf32>
      %parallel_loop3A_526 = tpu.vector_load_idx %arg8[%parallel_loop3A_410] : memref<4928xf32, #tpu.memory_space<vmem>>[vector<16xi32>], vector<16xf32>,
      %parallel_loop3A_527 = arith.mulf %parallel_loop3A_451, %parallel_loop3A_526 : vector<16xf32>
      %parallel_loop3A_528 = tpu.vector_load_idx %arg8[%parallel_loop3A_413] : memref<4928xf32, #tpu.memory_space<vmem>>[vector<16xi32>], vector<16xf32>,
      %parallel_loop3A_529 = arith.mulf %parallel_loop3A_452, %parallel_loop3A_528 : vector<16xf32>
      %parallel_loop3A_530 = tpu.vector_load_idx %arg8[%parallel_loop3A_419] : memref<4928xf32, #tpu.memory_space<vmem>>[vector<16xi32>], vector<16xf32>,
      %parallel_loop3A_531 = arith.mulf %parallel_loop3A_453, %parallel_loop3A_530 : vector<16xf32>
      %parallel_loop3A_532 = tpu.vector_load_idx %arg8[%parallel_loop3A_425] : memref<4928xf32, #tpu.memory_space<vmem>>[vector<16xi32>], vector<16xf32>,
      %parallel_loop3A_533 = arith.mulf %parallel_loop3A_454, %parallel_loop3A_532 : vector<16xf32>
      %parallel_loop3A_534 = tpu.vector_load_idx %arg8[%parallel_loop3A_434] : memref<4928xf32, #tpu.memory_space<vmem>>[vector<16xi32>], vector<16xf32>,
      %parallel_loop3A_535 = arith.mulf %parallel_loop3A_455, %parallel_loop3A_534 : vector<16xf32>
      %parallel_loop3A_536 = arith.addf %parallel_loop3A_521, %parallel_loop3A_523 : vector<16xf32>
      %parallel_loop3A_537 = arith.addf %parallel_loop3A_525, %parallel_loop3A_527 : vector<16xf32>
      %parallel_loop3A_538 = arith.addf %parallel_loop3A_536, %parallel_loop3A_537 : vector<16xf32>
      %parallel_loop3A_539 = arith.addf %parallel_loop3A_529, %parallel_loop3A_531 : vector<16xf32>
      %parallel_loop3A_540 = arith.addf %parallel_loop3A_533, %parallel_loop3A_535 : vector<16xf32>
      %parallel_loop3A_541 = arith.addf %parallel_loop3A_539, %parallel_loop3A_540 : vector<16xf32>
      %parallel_loop3A_542 = arith.addf %parallel_loop3A_538, %parallel_loop3A_541 : vector<16xf32>
      %parallel_loop3A_543 = arith.constant 0.000000e+00 : f32
      %parallel_loop3A_544 = arith.constant 1.000000e+00 : f32
      %parallel_loop3A_545 = vector.broadcast %parallel_loop3A_543 : f32 to vector<16xf32>
      %parallel_loop3A_546 = arith.maximumf %parallel_loop3A_545, %parallel_loop3A_542 : vector<16xf32>
      %parallel_loop3A_547 = vector.broadcast %parallel_loop3A_544 : f32 to vector<16xf32>
      %parallel_loop3A_548 = arith.minimumf %parallel_loop3A_547, %parallel_loop3A_546 : vector<16xf32>
      %parallel_loop3A_549 = arith.index_cast %parallel_loop3A_361 : i32 to index
      %parallel_loop3A_550 = arith.index_cast %parallel_loop3A_363 : i32 to index
      %parallel_loop3A_551 = tpu.vector_load %arg11[%parallel_loop3A_549, %parallel_loop3A_550] {strides = array<i32>} : memref<16x512xf32, #tpu.memory_space<vmem>>, vector<16xf32>,
      tpu.vector_store %arg11[%parallel_loop3A_549, %parallel_loop3A_550], %parallel_loop3A_548 {strides = array<i32>} : memref<16x512xf32, #tpu.memory_space<vmem>>, vector<16xf32>,
    } {sc.loop_unroll_factor = 2 : i64, sc.parallel_access}
    %add3A_285 = arith.constant 48 : i32
    %add3A_286 = arith.addi %mul3A_32, %add3A_285 : i32
    %dma_start3A_287 = arith.constant 0 : i32
    %dma_start3A_288 = tpu.memref_slice %arg4[%mul3A_34, %add3A_286, %dma_start3A_287] : memref<12x512x512xf32, #tpu.memory_space<hbm>> -> memref<1x16x512xf32, #tpu.memory_space<hbm>>
    %dma_start3A_289 = tpu.memref_squeeze %dma_start3A_288 : memref<1x16x512xf32, #tpu.memory_space<hbm>> -> memref<16x512xf32, #tpu.memory_space<hbm>>
    %dma_start3A_290 = arith.constant 0 : i32
    %dma_start3A_291 = tpu.memref_slice %arg4[%mul3A_34, %add3A_286, %dma_start3A_290] : memref<12x512x512xf32, #tpu.memory_space<hbm>> -> memref<1x16x512xf32, #tpu.memory_space<hbm>>
    %dma_start3A_292 = tpu.memref_squeeze %dma_start3A_291 : memref<1x16x512xf32, #tpu.memory_space<hbm>> -> memref<16x512xf32, #tpu.memory_space<hbm>>
    tpu.enqueue_dma source(%arg9 : memref<16x512xf32, #tpu.memory_space<vmem>>) target(%dma_start3A_292 : memref<16x512xf32, #tpu.memory_space<hbm>>) target_semaphore(%arg21 : memref<!tpu.dma_semaphore, #tpu.memory_space<semaphore_mem>>)
    %dma_start3A_293 = arith.constant 0 : i32
    %dma_start3A_294 = tpu.memref_slice %arg4[%add3A_38, %add3A_286, %dma_start3A_293] : memref<12x512x512xf32, #tpu.memory_space<hbm>> -> memref<1x16x512xf32, #tpu.memory_space<hbm>>
    %dma_start3A_295 = tpu.memref_squeeze %dma_start3A_294 : memref<1x16x512xf32, #tpu.memory_space<hbm>> -> memref<16x512xf32, #tpu.memory_space<hbm>>
    %dma_start3A_296 = arith.constant 0 : i32
    %dma_start3A_297 = tpu.memref_slice %arg4[%add3A_38, %add3A_286, %dma_start3A_296] : memref<12x512x512xf32, #tpu.memory_space<hbm>> -> memref<1x16x512xf32, #tpu.memory_space<hbm>>
    %dma_start3A_298 = tpu.memref_squeeze %dma_start3A_297 : memref<1x16x512xf32, #tpu.memory_space<hbm>> -> memref<16x512xf32, #tpu.memory_space<hbm>>
    tpu.enqueue_dma source(%arg10 : memref<16x512xf32, #tpu.memory_space<vmem>>) target(%dma_start3A_298 : memref<16x512xf32, #tpu.memory_space<hbm>>) target_semaphore(%arg21 : memref<!tpu.dma_semaphore, #tpu.memory_space<semaphore_mem>>)
    %dma_start3A_299 = arith.constant 0 : i32
    %dma_start3A_300 = tpu.memref_slice %arg4[%add3A_42, %add3A_286, %dma_start3A_299] : memref<12x512x512xf32, #tpu.memory_space<hbm>> -> memref<1x16x512xf32, #tpu.memory_space<hbm>>
    %dma_start3A_301 = tpu.memref_squeeze %dma_start3A_300 : memref<1x16x512xf32, #tpu.memory_space<hbm>> -> memref<16x512xf32, #tpu.memory_space<hbm>>
    %dma_start3A_302 = arith.constant 0 : i32
    %dma_start3A_303 = tpu.memref_slice %arg4[%add3A_42, %add3A_286, %dma_start3A_302] : memref<12x512x512xf32, #tpu.memory_space<hbm>> -> memref<1x16x512xf32, #tpu.memory_space<hbm>>
    %dma_start3A_304 = tpu.memref_squeeze %dma_start3A_303 : memref<1x16x512xf32, #tpu.memory_space<hbm>> -> memref<16x512xf32, #tpu.memory_space<hbm>>
    tpu.enqueue_dma source(%arg11 : memref<16x512xf32, #tpu.memory_space<vmem>>) target(%dma_start3A_304 : memref<16x512xf32, #tpu.memory_space<hbm>>) target_semaphore(%arg21 : memref<!tpu.dma_semaphore, #tpu.memory_space<semaphore_mem>>)
    %dma_wait3A_305 = arith.constant 0 : i32
    %dma_wait3A_306 = tpu.memref_slice %arg4[%mul3A_34, %add3A_166, %dma_wait3A_305] : memref<12x512x512xf32, #tpu.memory_space<hbm>> -> memref<1x16x512xf32, #tpu.memory_space<hbm>>
    %dma_wait3A_307 = tpu.memref_squeeze %dma_wait3A_306 : memref<1x16x512xf32, #tpu.memory_space<hbm>> -> memref<16x512xf32, #tpu.memory_space<hbm>>
    %dma_wait3A_308 = arith.constant 0 : i32
    %dma_wait3A_309 = tpu.memref_slice %arg4[%mul3A_34, %add3A_166, %dma_wait3A_308] : memref<12x512x512xf32, #tpu.memory_space<hbm>> -> memref<1x16x512xf32, #tpu.memory_space<hbm>>
    %dma_wait3A_310 = tpu.memref_squeeze %dma_wait3A_309 : memref<1x16x512xf32, #tpu.memory_space<hbm>> -> memref<16x512xf32, #tpu.memory_space<hbm>>
    tpu.wait_dma2 semaphore(%arg22 : memref<!tpu.dma_semaphore, #tpu.memory_space<semaphore_mem>>) src(%arg12 : memref<16x512xf32, #tpu.memory_space<vmem>>) dst(%dma_wait3A_310 : memref<16x512xf32, #tpu.memory_space<hbm>>)
    %dma_wait3A_311 = arith.constant 0 : i32
    %dma_wait3A_312 = tpu.memref_slice %arg4[%add3A_38, %add3A_166, %dma_wait3A_311] : memref<12x512x512xf32, #tpu.memory_space<hbm>> -> memref<1x16x512xf32, #tpu.memory_space<hbm>>
    %dma_wait3A_313 = tpu.memref_squeeze %dma_wait3A_312 : memref<1x16x512xf32, #tpu.memory_space<hbm>> -> memref<16x512xf32, #tpu.memory_space<hbm>>
    %dma_wait3A_314 = arith.constant 0 : i32
    %dma_wait3A_315 = tpu.memref_slice %arg4[%add3A_38, %add3A_166, %dma_wait3A_314] : memref<12x512x512xf32, #tpu.memory_space<hbm>> -> memref<1x16x512xf32, #tpu.memory_space<hbm>>
    %dma_wait3A_316 = tpu.memref_squeeze %dma_wait3A_315 : memref<1x16x512xf32, #tpu.memory_space<hbm>> -> memref<16x512xf32, #tpu.memory_space<hbm>>
    tpu.wait_dma2 semaphore(%arg22 : memref<!tpu.dma_semaphore, #tpu.memory_space<semaphore_mem>>) src(%arg13 : memref<16x512xf32, #tpu.memory_space<vmem>>) dst(%dma_wait3A_316 : memref<16x512xf32, #tpu.memory_space<hbm>>)
    %dma_wait3A_317 = arith.constant 0 : i32
    %dma_wait3A_318 = tpu.memref_slice %arg4[%add3A_42, %add3A_166, %dma_wait3A_317] : memref<12x512x512xf32, #tpu.memory_space<hbm>> -> memref<1x16x512xf32, #tpu.memory_space<hbm>>
    %dma_wait3A_319 = tpu.memref_squeeze %dma_wait3A_318 : memref<1x16x512xf32, #tpu.memory_space<hbm>> -> memref<16x512xf32, #tpu.memory_space<hbm>>
    %dma_wait3A_320 = arith.constant 0 : i32
    %dma_wait3A_321 = tpu.memref_slice %arg4[%add3A_42, %add3A_166, %dma_wait3A_320] : memref<12x512x512xf32, #tpu.memory_space<hbm>> -> memref<1x16x512xf32, #tpu.memory_space<hbm>>
    %dma_wait3A_322 = tpu.memref_squeeze %dma_wait3A_321 : memref<1x16x512xf32, #tpu.memory_space<hbm>> -> memref<16x512xf32, #tpu.memory_space<hbm>>
    tpu.wait_dma2 semaphore(%arg22 : memref<!tpu.dma_semaphore, #tpu.memory_space<semaphore_mem>>) src(%arg14 : memref<16x512xf32, #tpu.memory_space<vmem>>) dst(%dma_wait3A_322 : memref<16x512xf32, #tpu.memory_space<hbm>>)
    %dma_wait3A_323 = arith.constant 0 : i32
    %dma_wait3A_324 = tpu.memref_slice %arg4[%mul3A_34, %add3A_245, %dma_wait3A_323] : memref<12x512x512xf32, #tpu.memory_space<hbm>> -> memref<1x16x512xf32, #tpu.memory_space<hbm>>
    %dma_wait3A_325 = tpu.memref_squeeze %dma_wait3A_324 : memref<1x16x512xf32, #tpu.memory_space<hbm>> -> memref<16x512xf32, #tpu.memory_space<hbm>>
    %dma_wait3A_326 = arith.constant 0 : i32
    %dma_wait3A_327 = tpu.memref_slice %arg4[%mul3A_34, %add3A_245, %dma_wait3A_326] : memref<12x512x512xf32, #tpu.memory_space<hbm>> -> memref<1x16x512xf32, #tpu.memory_space<hbm>>
    %dma_wait3A_328 = tpu.memref_squeeze %dma_wait3A_327 : memref<1x16x512xf32, #tpu.memory_space<hbm>> -> memref<16x512xf32, #tpu.memory_space<hbm>>
    tpu.wait_dma2 semaphore(%arg23 : memref<!tpu.dma_semaphore, #tpu.memory_space<semaphore_mem>>) src(%arg15 : memref<16x512xf32, #tpu.memory_space<vmem>>) dst(%dma_wait3A_328 : memref<16x512xf32, #tpu.memory_space<hbm>>)
    %dma_wait3A_329 = arith.constant 0 : i32
    %dma_wait3A_330 = tpu.memref_slice %arg4[%add3A_38, %add3A_245, %dma_wait3A_329] : memref<12x512x512xf32, #tpu.memory_space<hbm>> -> memref<1x16x512xf32, #tpu.memory_space<hbm>>
    %dma_wait3A_331 = tpu.memref_squeeze %dma_wait3A_330 : memref<1x16x512xf32, #tpu.memory_space<hbm>> -> memref<16x512xf32, #tpu.memory_space<hbm>>
    %dma_wait3A_332 = arith.constant 0 : i32
    %dma_wait3A_333 = tpu.memref_slice %arg4[%add3A_38, %add3A_245, %dma_wait3A_332] : memref<12x512x512xf32, #tpu.memory_space<hbm>> -> memref<1x16x512xf32, #tpu.memory_space<hbm>>
    %dma_wait3A_334 = tpu.memref_squeeze %dma_wait3A_333 : memref<1x16x512xf32, #tpu.memory_space<hbm>> -> memref<16x512xf32, #tpu.memory_space<hbm>>
    tpu.wait_dma2 semaphore(%arg23 : memref<!tpu.dma_semaphore, #tpu.memory_space<semaphore_mem>>) src(%arg16 : memref<16x512xf32, #tpu.memory_space<vmem>>) dst(%dma_wait3A_334 : memref<16x512xf32, #tpu.memory_space<hbm>>)
    %dma_wait3A_335 = arith.constant 0 : i32
    %dma_wait3A_336 = tpu.memref_slice %arg4[%add3A_42, %add3A_245, %dma_wait3A_335] : memref<12x512x512xf32, #tpu.memory_space<hbm>> -> memref<1x16x512xf32, #tpu.memory_space<hbm>>
    %dma_wait3A_337 = tpu.memref_squeeze %dma_wait3A_336 : memref<1x16x512xf32, #tpu.memory_space<hbm>> -> memref<16x512xf32, #tpu.memory_space<hbm>>
    %dma_wait3A_338 = arith.constant 0 : i32
    %dma_wait3A_339 = tpu.memref_slice %arg4[%add3A_42, %add3A_245, %dma_wait3A_338] : memref<12x512x512xf32, #tpu.memory_space<hbm>> -> memref<1x16x512xf32, #tpu.memory_space<hbm>>
    %dma_wait3A_340 = tpu.memref_squeeze %dma_wait3A_339 : memref<1x16x512xf32, #tpu.memory_space<hbm>> -> memref<16x512xf32, #tpu.memory_space<hbm>>
    tpu.wait_dma2 semaphore(%arg23 : memref<!tpu.dma_semaphore, #tpu.memory_space<semaphore_mem>>) src(%arg17 : memref<16x512xf32, #tpu.memory_space<vmem>>) dst(%dma_wait3A_340 : memref<16x512xf32, #tpu.memory_space<hbm>>)
    %dma_wait3A_341 = arith.constant 0 : i32
    %dma_wait3A_342 = tpu.memref_slice %arg4[%mul3A_34, %add3A_286, %dma_wait3A_341] : memref<12x512x512xf32, #tpu.memory_space<hbm>> -> memref<1x16x512xf32, #tpu.memory_space<hbm>>
    %dma_wait3A_343 = tpu.memref_squeeze %dma_wait3A_342 : memref<1x16x512xf32, #tpu.memory_space<hbm>> -> memref<16x512xf32, #tpu.memory_space<hbm>>
    %dma_wait3A_344 = arith.constant 0 : i32
    %dma_wait3A_345 = tpu.memref_slice %arg4[%mul3A_34, %add3A_286, %dma_wait3A_344] : memref<12x512x512xf32, #tpu.memory_space<hbm>> -> memref<1x16x512xf32, #tpu.memory_space<hbm>>
    %dma_wait3A_346 = tpu.memref_squeeze %dma_wait3A_345 : memref<1x16x512xf32, #tpu.memory_space<hbm>> -> memref<16x512xf32, #tpu.memory_space<hbm>>
    tpu.wait_dma2 semaphore(%arg21 : memref<!tpu.dma_semaphore, #tpu.memory_space<semaphore_mem>>) src(%arg9 : memref<16x512xf32, #tpu.memory_space<vmem>>) dst(%dma_wait3A_346 : memref<16x512xf32, #tpu.memory_space<hbm>>)
    %dma_wait3A_347 = arith.constant 0 : i32
    %dma_wait3A_348 = tpu.memref_slice %arg4[%add3A_38, %add3A_286, %dma_wait3A_347] : memref<12x512x512xf32, #tpu.memory_space<hbm>> -> memref<1x16x512xf32, #tpu.memory_space<hbm>>
    %dma_wait3A_349 = tpu.memref_squeeze %dma_wait3A_348 : memref<1x16x512xf32, #tpu.memory_space<hbm>> -> memref<16x512xf32, #tpu.memory_space<hbm>>
    %dma_wait3A_350 = arith.constant 0 : i32
    %dma_wait3A_351 = tpu.memref_slice %arg4[%add3A_38, %add3A_286, %dma_wait3A_350] : memref<12x512x512xf32, #tpu.memory_space<hbm>> -> memref<1x16x512xf32, #tpu.memory_space<hbm>>
    %dma_wait3A_352 = tpu.memref_squeeze %dma_wait3A_351 : memref<1x16x512xf32, #tpu.memory_space<hbm>> -> memref<16x512xf32, #tpu.memory_space<hbm>>
    tpu.wait_dma2 semaphore(%arg21 : memref<!tpu.dma_semaphore, #tpu.memory_space<semaphore_mem>>) src(%arg10 : memref<16x512xf32, #tpu.memory_space<vmem>>) dst(%dma_wait3A_352 : memref<16x512xf32, #tpu.memory_space<hbm>>)
    %dma_wait3A_353 = arith.constant 0 : i32
    %dma_wait3A_354 = tpu.memref_slice %arg4[%add3A_42, %add3A_286, %dma_wait3A_353] : memref<12x512x512xf32, #tpu.memory_space<hbm>> -> memref<1x16x512xf32, #tpu.memory_space<hbm>>
    %dma_wait3A_355 = tpu.memref_squeeze %dma_wait3A_354 : memref<1x16x512xf32, #tpu.memory_space<hbm>> -> memref<16x512xf32, #tpu.memory_space<hbm>>
    %dma_wait3A_356 = arith.constant 0 : i32
    %dma_wait3A_357 = tpu.memref_slice %arg4[%add3A_42, %add3A_286, %dma_wait3A_356] : memref<12x512x512xf32, #tpu.memory_space<hbm>> -> memref<1x16x512xf32, #tpu.memory_space<hbm>>
    %dma_wait3A_358 = tpu.memref_squeeze %dma_wait3A_357 : memref<1x16x512xf32, #tpu.memory_space<hbm>> -> memref<16x512xf32, #tpu.memory_space<hbm>>
    tpu.wait_dma2 semaphore(%arg21 : memref<!tpu.dma_semaphore, #tpu.memory_space<semaphore_mem>>) src(%arg11 : memref<16x512xf32, #tpu.memory_space<vmem>>) dst(%dma_wait3A_358 : memref<16x512xf32, #tpu.memory_space<hbm>>)
    return
  }
}

</mosaic_0001>

<sc_bundles>
// kernel: kernel.3.cloned.1.call-start
scs
__scs_entry_jumppad:
0x0: {  	(pc) =	sbr.rel $0x88, $3  }
0x1: {  	(tag) =	ssettag $0x0;
	lr =	simm.s32 $0x1  }
0x2: {  	[smem:$0x3F9F] =	sst lr;
	_ =	strace $0xD0000000  }
0x3: {  	_ = 	snop  }
0x4: {  	_ = 	snop  }
0x5: {  	_ = 	snop  }
0x6: {  	_ = 	snop  }
0x7: {  	_ = 	snop  }
__scs_overlays_trampoline_lowered:
0x8: {  	[smem:$0x3FAE] =	sst s0  }
0x9: {  	[smem:$0x3FAF] =	sst s1  }
0xa: {  	[smem:$0x3FB0] =	sst s2  }
0xb: {  	[smem:$0x3FB1] =	sst s3  }
0xc: {  	[smem:$0x3FB2] =	sst s4  }
0xd: {  	[smem:$0x3FB3] =	sst s5  }
0xe: {  	[smem:$0x3FB4] =	sst s6  }
0xf: {  	[smem:$0x3FB5] =	sst s7  }
0x10: {  	[smem:$0x3FB6] =	sst s8  }
0x11: {  	[smem:$0x3FB7] =	sst s9;
	s0 =	simm.s32 @!p0 $0x0  }
0x12: {  	s1 =	sld [smem:$0x3F9D];
	s0 =	simm.s32 @p0 $0x1  }
0x13: {  	[smem:$0x3FB8] =	sst s0;
	s0 =	simm.s32 @!p1 $0x0  }
0x14: {  	s2 =	sld [smem:$0x3F9C];
	s0 =	simm.s32 @p1 $0x1  }
0x15: {  	[smem:$0x3FB9] =	sst s0;
	s0 =	simm.s32 @!p2 $0x0  }
0x16: {  	s3 =	sld [smem:$0x3FDB];
	s0 =	simm.s32 @p2 $0x1  }
0x17: {  	s4 =	simm.s32 $0x1BF5;
	[smem:$0x3FBB] =	sst s0  }
0x18: {  	s0 =	sld [smem:$0x3F9E];
	_ =	swait.ge [sflag:s4], $0x0  }
0x19: {  	s7 =	sld [smem:$0x3F9F]  }
0x1a: {  	s8 =	sadd.s32 $0xFFFFE003, lr  }
0x1b: {  	s9 =	sadd.s32 $0xFFFFFEF7, lr;
	s5 =	simm.s32 $0xFFFFFFFF;
	p2 =	slt.u32 s8, $0xFFFFF086  }
0x1c: {  	p1 =	slt.u32 s9, $0xF7A;
	s5 =	simm.s32 @!p2 $0x0  }
0x1d: {  	s5 =	simm.s32 @p1 $0x1;
	p0 =	seq.s32 s7, s2  }
0x1e: {  	s7 =	smul.u32 @!p0 $0xF7A, s2;
	p2 =	seq.s32 @!p0 s5, $0x0  }
0x1f: {  	s9 =	smul.u32 $0xF7A, s1;
	s8 =	simm.s32 @!p0 $0x1BF5;
	p2 =	por !p2, p0  }
0x20: {  	[sflag:s8] =	ssyncset.s32 @!p0 $0xFFFFF086;
	s6 =	sadd.s32 @!p0 s3, s7;
	s7 =	simm.s32 @!p0 $0x108  }
0x21: {  	s3 =	sadd.s32 s3, s9;
	s6 =	sadd.s32 @!p0 $0x88, s6;
	s7 =	simm.s32 @p2 $0x1082  }
0x22: {  	[simem:s7], [sflag:s8] =	dma.local @!p0 [hbm:s6], $0xF7A  }
0x23: {  	s9 =	sor.u32 $0xD0000000, s2;
	s6 =	simm.s32 $0x108;
	_ =	swait.ge @!p0 [sflag:s8], $0x0  }
0x24: {  	s3 =	sadd.s32 $0x88, s3;
	s6 =	simm.s32 @!p1 $0x1082;
	[sflag:s4] =	ssyncset.s32 $0xFFFFF086  }
0x25: {  	[simem:s6], [sflag:s4] =	dma.local [hbm:s3], $0xF7A  }
0x26: {  	[smem:$0x3F9F] =	sst s1;
	(tag) =	ssettag s2;
	_ =	strace s9  }
0x27: {  	s1 =	sld [smem:$0x3FAF]  }
0x28: {  	s2 =	sld [smem:$0x3FB0]  }
0x29: {  	s4 =	sld [smem:$0x3FB2]  }
0x2a: {  	p0 =	seq.s32 s5, $0x0;
	s5 =	sld [smem:$0x3FB3]  }
0x2b: {  	s6 =	sld [smem:$0x3FB4]  }
0x2c: {  	s7 =	sld [smem:$0x3FB5]  }
0x2d: {  	s3 =	simm.s32 $0x108;
	s8 =	sld [smem:$0x3FB6]  }
0x2e: {  	s3 =	simm.s32 @!p0 $0x1082;
	s9 =	sld [smem:$0x3FB7]  }
0x2f: {  	lr =	sadd.s32 s0, s3;
	s0 =	sld [smem:$0x3FAE]  }
0x30: {  	s3 =	sld [smem:$0x3FB1]  }
0x31: {  	[smem:$0x3FBA] =	sst s10  }
0x32: {  	s10 =	sld [smem:$0x3FB8];
	_ =	sdelay $0x3  }
0x33: {  	p0 =	seq.s32 s10, $0x1;
	s10 =	sld [smem:$0x3FBA];
	_ =	sdelay $0x3  }
0x34: {  	[smem:$0x3FBA] =	sst s10  }
0x35: {  	s10 =	sld [smem:$0x3FB9];
	_ =	sdelay $0x3  }
0x36: {  	p1 =	seq.s32 s10, $0x1;
	s10 =	sld [smem:$0x3FBA];
	_ =	sdelay $0x3  }
0x37: {  	[smem:$0x3FBA] =	sst s10  }
0x38: {  	s10 =	sld [smem:$0x3FBB]  }
0x39: {  	_ = 	snop;
	(pc) =	sbr.ind lr, $3  }
0x3a: {  	_ = 	snop  }
0x3b: {  	_ = 	snop  }
0x3c: {  	p2 =	seq.s32 s10, $0x1;
	s10 =	sld [smem:$0x3FBA]  }
0x3d: {  	_ =	shalt  }
0x3e: {  	_ =	shalt  }
0x3f: {  	_ =	shalt  }
0x40: {  	_ =	shalt  }
0x41: {  	_ =	shalt  }
0x42: {  	_ =	shalt  }
0x43: {  	_ =	shalt  }
0x44: {  	_ =	shalt  }
0x45: {  	_ =	shalt  }
0x46: {  	_ =	shalt  }
0x47: {  	_ =	shalt  }
0x48: {  	_ =	shalt  }
0x49: {  	_ =	shalt  }
0x4a: {  	_ =	shalt  }
0x4b: {  	_ =	shalt  }
0x4c: {  	_ =	shalt  }
0x4d: {  	_ =	shalt  }
0x4e: {  	_ =	shalt  }
0x4f: {  	_ =	shalt  }
0x50: {  	_ =	shalt  }
0x51: {  	_ =	shalt  }
0x52: {  	_ =	shalt  }
0x53: {  	_ =	shalt  }
0x54: {  	_ =	shalt  }
0x55: {  	_ =	shalt  }
0x56: {  	_ =	shalt  }
0x57: {  	_ =	shalt  }
0x58: {  	_ =	shalt  }
0x59: {  	_ =	shalt  }
0x5a: {  	_ =	shalt  }
0x5b: {  	_ =	shalt  }
0x5c: {  	_ =	shalt  }
0x5d: {  	_ =	shalt  }
0x5e: {  	_ =	shalt  }
0x5f: {  	_ =	shalt  }
0x60: {  	_ =	shalt  }
0x61: {  	_ =	shalt  }
0x62: {  	_ =	shalt  }
0x63: {  	_ =	shalt  }
0x64: {  	_ =	shalt  }
0x65: {  	_ =	shalt  }
0x66: {  	_ =	shalt  }
0x67: {  	_ =	shalt  }
0x68: {  	_ =	shalt  }
0x69: {  	_ =	shalt  }
0x6a: {  	_ =	shalt  }
0x6b: {  	_ =	shalt  }
0x6c: {  	_ =	shalt  }
0x6d: {  	_ =	shalt  }
0x6e: {  	_ =	shalt  }
0x6f: {  	_ =	shalt  }
0x70: {  	_ =	shalt  }
0x71: {  	_ =	shalt  }
0x72: {  	_ =	shalt  }
0x73: {  	_ =	shalt  }
0x74: {  	_ =	shalt  }
0x75: {  	_ =	shalt  }
0x76: {  	_ =	shalt  }
0x77: {  	_ =	shalt  }
0x78: {  	_ =	shalt  }
0x79: {  	_ =	shalt  }
0x7a: {  	_ =	shalt  }
0x7b: {  	_ =	shalt  }
0x7c: {  	_ =	shalt  }
0x7d: {  	_ =	shalt  }
0x7e: {  	_ =	shalt  }
0x7f: {  	_ =	shalt  }
0x80: {  	_ =	shalt  }
0x81: {  	_ =	shalt  }
0x82: {  	_ =	shalt  }
0x83: {  	_ =	shalt  }
0x84: {  	_ =	shalt  }
0x85: {  	_ =	shalt  }
0x86: {  	_ =	shalt  }
0x87: {  	_ =	shalt  }
.Lfunc_end0:
.L_simem_size_0:
called_computation_lowered:
.L_overlay_start_0:
0x88: {  	s2 =	sld [smem:$0x3FD9]  }
0x89: {  	s3 =	sld [smem:$0x3FFE];
	_ =	sdelay $0x1  }
0x8a: {  	s1 =	srdreg.scid  }
0x8b: {  	s0 =	sand.u32 $0x1, s1  }
0x8c: {  	s17 =	sshll.u32 s0, $0xA;
	s2 =	sadd.s32 s3, s2  }
0x8d: {  	s2 =	sadd.s32 s2, s17  }
0x8e: {  	[smem:$0x3FC6] =	sst s2  }
0x8f: {  	_ = 	snop  }
0x90: {  	s2 =	sld [smem:$0x3FC9]  }
0x91: {  	s18 =	sld [smem:$0x3FD0];
	(tm) =	ssettm $0x1  }
0x92: {  	s4 =	sld [smem:$0x3FFB];
	_ =	sdelay $0x3  }
0x93: {  	_ =	strace s4  }
0x94: {  	s4 =	sld [smem:$0x3FFC];
	_ =	sdelay $0x3  }
0x95: {  	_ =	strace s4  }
0x96: {  	s4 =	sld [smem:$0x3FFD];
	_ =	sdelay $0x3  }
0x97: {  	_ =	strace s4  }
0x98: {  	_ =	strace $0x8FFFFFFF  }
0x99: {  	s19 =	sld [smem:$0x3FDB];
	_ =	sdelay $0x1  }
0x9a: {  	s5 =	simm.s32 $_scs_section_size  }
0x9b: {  	s6 =	simm.s32 $_size__tile_overlayer_lowered;
	s7 =	simm.s32 $_tile_overlayer_lowered  }
0x9c: {  	s22 =	simm.s32 $0x1BFF;
	s21 =	sshll.u32 s7, $0x1;
	s4 =	sadd.s32 s5, s19  }
0x9d: {  	s8 =	simm.s32 $0x0;
	s20 =	sshll.u32 s6, $0x1;
	s6 =	sadd.s32 s21, s4  }
0x9e: {  	[timem:s8], [sflag:s22] =	dma.local [hbm:s6], s20  }
0x9f: {  	_ =	swait.ge [sflag:s22], s20  }
0xa0: {  	s5 =	ssub.s32 $0x0, s20;
	[sflag:s22] =	ssyncset.done $0x0  }
0xa1: {  	[sflag:s22] =	ssyncadd.s32 s5;
	_ =	sdelay $0x1  }
0xa2: {  	s23 =	simm.s32 $0x1B8B  }
0xa3: {  	_ =	swait.ge [sflag:s23], $0x1  }
0xa4: {  	[sflag:s23] =	ssyncset.done $0x0  }
0xa5: {  	s25 =	simm.s32 $0x1B8E;
	s24 =	sld [smem:$0x3FFE];
	[sflag:s23] =	ssyncadd.s32 $0xFFFFFFFF  }
0xa6: {  	s26 =	simm.s32 $execute0_lowered;
	[smem:$0x3FD2] =	sst s25  }
0xa7: {  	s6 =	sshll.u32 s26, $0x1;
	_ =	strace $0x80000046;
	[dreg:$0x1] =	wrdreg $0xFFFFFFFF  }
0xa8: {  	s28 =	simm.s32 $_size_execute0_lowered;
	s4 =	sadd.s32 s4, s6;
	[dreg:$0x0] =	wrdreg $0x0  }
0xa9: {  	s6 =	sshll.u32 s28, $0x1;
	[dreg:$0x2] =	wrdreg s4  }
0xaa: {  	[dreg:$0x3] =	wrdreg s6  }
0xab: {  	[dreg:$0x4] =	wrdreg $0xC0  }
0xac: {  	_ =	task [dreg:s8], $0x5FFFF  }
0xad: {  	[dreg:$0x1] =	wrdreg $0xFFFFFFFF  }
0xae: {  	[dreg:$0x0] =	wrdreg $0x60  }
0xaf: {  	[dreg:$0x2] =	wrdreg s2  }
0xb0: {  	[dreg:$0x3] =	wrdreg s24  }
0xb1: {  	[dreg:$0x4] =	wrdreg s18  }
0xb2: {  	[dreg:$0x5] =	wrdreg $0x9  }
0xb3: {  	_ =	task.clear_ibuf [dreg:s8], $0x6FFFF;
	_ =	strace $0x90000046  }
0xb4: {  	s29 =	simm.s32 $0x9;
	_ =	strace $0x80000048  }
0xb5: {  	_ =	swait.ge [sflag:s29], $0x1  }
0xb6: {  	[sflag:s29] =	ssyncadd.s32 $0xFFFFFFFF  }
0xb7: {  	_ =	strace $0x90000048  }
0xb8: {  	_ =	sfence  }
0xb9: {  	s30 =	sld [smem:$0x0];
	_ =	sdelay $0x2  }
0xba: {  	s31 =	sshll.u32 s1, $0xD;
	s1 =	sshrl.u32 s1, $0x2  }
0xbb: {  	s3 =	sand.u32 $0x4000, s31;
	s1 =	sadd.s32 s1, s30  }
0xbc: {  	s0 =	sor.u32 s3, s0;
	s1 =	sshll.u32 s1, $0x11  }
0xbd: {  	s0 =	sor.u32 s1, s0  }
0xbe: {  	s0 =	sadd.s32 $0x8F2B, s0  }
0xbf: {  	[sflag:s0] =	ssyncadd.remote.s32 $0x1  }
0xc0: {  	_ =	sfence.sel $0xFFFF  }
0xc1: {  	[dreg:$0x0] =	wrdreg $0xFFFFFFFF;
	(pc) =	sbr.abs _section_cstart, $3  }
0xc2: {  	[dreg:$0x1] =	wrdreg $0xFFFFFFFF  }
0xc3: {  	_ =	task.clear_ibuf [dreg:s8], $0x2FFFF;
	_ =	strace $0x9FFFFFFF  }
0xc4: {  	(tm) =	ssettm $0x7FFFFFFF  }
0xc5: {  	_ =	shalt  }
tec
execute0_lowered:
.L_overlay_start_1:
0x0: {  	(tag) =	ssettag $0x1  }
0x1: {  	s4 =	stileid.u32  }
0x2: {  	s2 =	rddreg [dreg:$0x0];
	s0 =	srdreg.scid;
	s30 =	simm.s32 $0x7480  }
0x3: {  	s31 =	simm.s32 $0x9480;
	s1 =	sshll.u32 s4, $0x1;
	s3 =	sand.u32 $0x1, s0  }
0x4: {  	s4 =	sshrl.u32 s4, $0x2;
	s0 =	rddreg [dreg:$0x2];
	s1 =	sand.u32 $0x6, s1  }
0x5: {  	s4 =	smul.u32 $0xC0000, s4;
	s5 =	sor.u32 s3, s1;
	s1 =	simm.s32 $0x0  }
0x6: {  	s3 =	ssub.s32 $0x2, s3;
	s5 =	sshll.u32 s5, $0xF;
	[smem:$0x7FF] =	sst s1  }
0x7: {  	s6 =	sshrl.u32 s3, $0x1;
	s16 =	sadd.s32 $0x40000, s4;
	s9 =	sadd.s32 $0x80000, s4  }
0x8: {  	s7 =	sor.u32 s4, s5;
	s3 =	ssub.s32 s3, s6;
	s17 =	sor.u32 s16, s5  }
0x9: {  	s10 =	sor.u32 s9, s5;
	s11 =	sor.u32 $0x2000, s5;
	s21 =	sor.u32 $0x4000, s5  }
0xa: {  	s5 =	sor.u32 $0x6000, s5;
	s7 =	sshrl.u32 s7, $0x3;
	s10 =	sshrl.u32 s10, $0x3  }
0xb: {  	s18 =	sor.u32 s4, s11;
	s19 =	sor.u32 s16, s11;
	s11 =	sor.u32 s9, s11  }
0xc: {  	s22 =	sor.u32 s4, s21;
	s23 =	sor.u32 s16, s21;
	s26 =	sor.u32 s9, s21  }
0xd: {  	s4 =	sor.u32 s4, s5;
	s21 =	rddreg [dreg:$0x1];
	s29 =	smax.u32 s3, $0x1  }
0xe: {  	s3 =	simm.s32 $0x3A00;
	s8 =	sadd.s32 s2, s7;
	s13 =	sadd.s32 s2, s10  }
0xf: {  	s11 =	sshrl.u32 s11, $0x3;
	s6 =	sadd.s32 s0, s7;
	[dreg:$0x4] =	wrdreg s8  }
0x10: {  	s10 =	sadd.s32 s0, s10;
	s7 =	sor.u32 s16, s5;
	[dreg:$0x6] =	wrdreg s13  }
0x11: {  	s5 =	sor.u32 s9, s5;
	s4 =	sshrl.u32 s4, $0x3;
	[dreg:$0xa] =	wrdreg s6  }
0x12: {  	s28 =	sadd.s32 $0x400, s21;
	s15 =	sadd.s32 s2, s11;
	[dreg:$0xc] =	wrdreg s10  }
0x13: {  	s8 =	sshrl.u32 s17, $0x3;
	s17 =	sadd.s32 s0, s11;
	[dreg:$0x9] =	wrdreg s15  }
0x14: {  	s13 =	sshrl.u32 s19, $0x3;
	s12 =	sadd.s32 s2, s8;
	[dreg:$0x12] =	wrdreg s17  }
0x15: {  	s9 =	simm.s32 $0x5;
	s20 =	sadd.s32 s2, s13;
	[dreg:$0x5] =	wrdreg s12  }
0x16: {  	s6 =	sshrl.u32 s22, $0x3;
	s8 =	sadd.s32 s0, s8;
	[dreg:$0x8] =	wrdreg s20  }
0x17: {  	s10 =	sshrl.u32 s26, $0x3;
	s24 =	sadd.s32 s2, s6;
	[dreg:$0xb] =	wrdreg s8  }
0x18: {  	s7 =	sshrl.u32 s7, $0x3;
	s16 =	sadd.s32 s0, s13;
	[dreg:$0xd] =	wrdreg s24  }
0x19: {  	s5 =	sshrl.u32 s5, $0x3;
	s19 =	sadd.s32 s2, s7;
	[dreg:$0x11] =	wrdreg s16  }
0x1a: {  	s12 =	sshrl.u32 s18, $0x3;
	s18 =	sadd.s32 s2, s4;
	[dreg:$0x14] =	wrdreg s19  }
0x1b: {  	s11 =	simm.s32 $0x0;
	s20 =	sadd.s32 s0, s6;
	[dreg:$0x13] =	wrdreg s18  }
0x1c: {  	s8 =	sshrl.u32 s23, $0x3;
	s14 =	sadd.s32 s2, s12;
	[dreg:$0x16] =	wrdreg s20  }
0x1d: {  	s26 =	sadd.s32 s0, s5;
	s25 =	sadd.s32 s2, s8;
	[dreg:$0x7] =	wrdreg s14  }
0x1e: {  	s23 =	sadd.s32 s0, s10;
	s15 =	sadd.s32 s0, s12;
	[dreg:$0xe] =	wrdreg s25  }
0x1f: {  	v0 =	vlaneseq.u32;
	s24 =	sadd.s32 s0, s4;
	s14 =	sadd.s32 s2, s10;
	[dreg:$0x10] =	wrdreg s15  }
0x20: {  	v17 =	vmul.u32 $0x3, v0;
	s4 =	simm.s32 $0x4D80;
	s2 =	sadd.s32 s2, s5;
	[dreg:$0xf] =	wrdreg s14  }
0x21: {  	s6 =	simm.s32 $0x2;
	s22 =	sadd.s32 s0, s8;
	[dreg:$0x15] =	wrdreg s2  }
0x22: {  	v18 =	vadd.s32 $0x1, v17;
	s20 =	simm.s32 $0xB480;
	s8 =	simm.s32 $0x3;
	_ =	strace $0x80000047;
	[tilespmem:$0x1FFD0] =	vst v17  }
0x23: {  	v19 =	vadd.s32 $0x2, v17;
	s25 =	sadd.s32 s0, s7;
	s0 =	simm.s32 $0x7;
	s5 =	simm.s32 $0x6100;
	[tilespmem:$0x1FFE0] =	vst v18  }
0x24: {  	s7 =	simm.s32 $0x4;
	s10 =	simm.s32 $0x6;
	s2 =	simm.s32 $0x1;
	[tilespmem:$0x1FFF0] =	vst v19  }
.LBB2_1:
0x25: {  	s12 =	rddreg [dreg:$0x4]  }
0x26: {  	[tilespmem:s30], [sflag:$0x1] =	stream.linear.gather [hbm4b:s12+s1], $0x2000, $0x38;
	[tilespmem:$0x19480] =	vst v63  }
0x27: {  	s16 =	rddreg [dreg:$0x5]  }
0x28: {  	[tilespmem:s31], [sflag:$0x1] =	stream.linear.gather [hbm4b:s16+s1], $0x2000, $0x38;
	[tilespmem:$0x19480] =	vst v63  }
0x29: {  	s17 =	rddreg [dreg:$0x6];
	s15 =	simm.s32 $0x0  }
0x2a: {  	[tilespmem:s20], [sflag:$0x1] =	stream.linear.gather [hbm4b:s17+s1], $0x2000, $0x38;
	[tilespmem:$0x19480] =	vst v63  }
0x2b: {  	v0 =	vadd.s32 s15, v17  }
0x2c: {  	[tilespmem:s1], [sflag:$0x7] =	stream.linear.gather [hbm4b:s28+s1], $0x3A00, $0x38;
	[tilespmem:$0x19480] =	vst v63  }
0x2d: {  	s13 =	simm.s32 $0x30;
	_ =	swait.ge [sflag:s0], $0x3A00  }
0x2e: {  	v1 =	vadd.s32 s13, v17;
	[sflag:s0] =	ssyncset.done $0x0  }
0x2f: {  	[sflag:s0] =	ssyncadd.s32 $0xFFFFC600  }
0x30: {  	v0 =	vld.idx.msk [tilespmem:v0+s1+$0x0], $0xffff;
	_ =	sdelay $0x2  }
0x31: {  	s16 =	simm.s32 $0x90;
	v1 =	vld.idx.msk [tilespmem:v1+s1+$0x0], $0xffff  }
0x32: {  	v3 =	vadd.s32 s16, v17  }
0x33: {  	v0 =	vmul.f32 $1.270000000e+02, v0;
	_ =	sdelay $0x1  }
0x34: {  	s14 =	simm.s32 $0x60;
	v0 =	vadd.f32 $1.258291200e+07, v0  }
0x35: {  	v2 =	vadd.s32 s14, v17;
	v1 =	vmul.f32 $1.270000000e+02, v1  }
0x36: {  	v3 =	vld.idx.msk [tilespmem:v3+s1+$0x0], $0xffff;
	v0 =	vadd.f32 $-1.258291200e+07, v0  }
0x37: {  	v1 =	vadd.f32 $1.258291200e+07, v1  }
0x38: {  	v4 =	vadd.s32 s15, v18;
	v0 =	vmax.f32 v0, $-1.270000000e+02  }
0x39: {  	v1 =	vadd.f32 $-1.258291200e+07, v1;
	v0 =	vmin.f32 v0, $1.270000000e+02  }
0x3a: {  	v2 =	vld.idx.msk [tilespmem:v2+s1+$0x0], $0xffff;
	v0 =	vmul.f32 $7.874015710e-03, v0  }
0x3b: {  	s18 =	simm.s32 $0x3A10;
	v3 =	vmul.f32 $1.270000000e+02, v3;
	v1 =	vmax.f32 v1, $-1.270000000e+02  }
0x3c: {  	v5 =	vadd.s32 s13, v18;
	v1 =	vmin.f32 v1, $1.270000000e+02;
	[tilespmem:s18+$0xFFFFFFF0] =	vst v0  }
0x3d: {  	v3 =	vadd.f32 $1.258291200e+07, v3;
	v0 =	vmul.f32 $7.874015710e-03, v1;
	v1 =	vld.idx.msk [tilespmem:v4+s1+$0x0], $0xffff;
	_ =	sdelay $0x1  }
0x3e: {  	v3 =	vadd.f32 $-1.258291200e+07, v3;
	[tilespmem:s18+$0x0] =	vst v0;
	v0 =	vmul.f32 $1.270000000e+02, v2;
	_ =	sdelay $0x1  }
0x3f: {  	v7 =	vadd.s32 s16, v18;
	s17 =	simm.s32 $0xF0;
	v3 =	vmax.f32 v3, $-1.270000000e+02;
	v2 =	vld.idx.msk [tilespmem:v5+s1+$0x0], $0xffff;
	v0 =	vadd.f32 $1.258291200e+07, v0  }
0x40: {  	s12 =	simm.s32 $0xC0;
	v3 =	vmin.f32 v3, $1.270000000e+02;
	v4 =	vadd.s32 s17, v17;
	v1 =	vmul.f32 $1.270000000e+02, v1  }
0x41: {  	v3 =	vmul.f32 $7.874015710e-03, v3;
	v5 =	vadd.s32 s12, v17;
	v0 =	vadd.f32 $-1.258291200e+07, v0  }
0x42: {  	s19 =	simm.s32 $0x3A30;
	v1 =	vadd.f32 $1.258291200e+07, v1  }
0x43: {  	v6 =	vadd.s32 s14, v18;
	[tilespmem:s19+$0x0] =	vst v3;
	v0 =	vmax.f32 v0, $-1.270000000e+02  }
0x44: {  	v7 =	vld.idx.msk [tilespmem:v7+s1+$0x0], $0xffff;
	v2 =	vmul.f32 $1.270000000e+02, v2;
	v0 =	vmin.f32 v0, $1.270000000e+02;
	v1 =	vadd.f32 $-1.258291200e+07, v1  }
0x45: {  	v4 =	vld.idx.msk [tilespmem:v4+s1+$0x0], $0xffff;
	v0 =	vmul.f32 $7.874015710e-03, v0  }
0x46: {  	v8 =	vadd.s32 s15, v19;
	v5 =	vld.idx.msk [tilespmem:v5+s1+$0x0], $0xffff;
	v2 =	vadd.f32 $1.258291200e+07, v2;
	v1 =	vmax.f32 v1, $-1.270000000e+02  }
0x47: {  	[tilespmem:s19+$0xFFFFFFF0] =	vst v0;
	v0 =	vmin.f32 v1, $1.270000000e+02  }
0x48: {  	v2 =	vadd.f32 $-1.258291200e+07, v2;
	v0 =	vmul.f32 $7.874015710e-03, v0  }
0x49: {  	s21 =	simm.s32 $0x150;
	v9 =	vadd.s32 s13, v19;
	s18 =	simm.s32 $0x4D90;
	v6 =	vld.idx.msk [tilespmem:v6+s1+$0x0], $0xffff  }
0x4a: {  	v11 =	vadd.s32 s21, v17;
	v3 =	vmul.f32 $1.270000000e+02, v4;
	[tilespmem:s18+$0xFFFFFFF0] =	vst v0;
	v0 =	vmax.f32 v2, $-1.270000000e+02  }
0x4b: {  	v7 =	vmul.f32 $1.270000000e+02, v7;
	v2 =	vmul.f32 $1.270000000e+02, v5;
	v5 =	vld.idx.msk [tilespmem:v8+s1+$0x0], $0xffff;
	v8 =	vmin.f32 v0, $1.270000000e+02  }
0x4c: {  	s13 =	simm.s32 $0x120;
	v14 =	vadd.s32 s14, v19;
	v10 =	vadd.f32 $1.258291200e+07, v3;
	v8 =	vmul.f32 $7.874015710e-03, v8  }
0x4d: {  	v13 =	vadd.s32 s13, v17;
	v7 =	vadd.f32 $1.258291200e+07, v7;
	v12 =	vadd.f32 $1.258291200e+07, v2  }
0x4e: {  	v63 =	vadd.s32 s12, v18;
	v10 =	vadd.f32 $-1.258291200e+07, v10;
	v6 =	vmul.f32 $1.270000000e+02, v6;
	[tilespmem:s18+$0x0] =	vst v8  }
0x4f: {  	v15 =	vadd.f32 $-1.258291200e+07, v7;
	v4 =	vadd.s32 s17, v18;
	v8 =	vadd.f32 $-1.258291200e+07, v12;
	v9 =	vld.idx.msk [tilespmem:v9+s1+$0x0], $0xffff  }
0x50: {  	v10 =	vmax.f32 v10, $-1.270000000e+02;
	v6 =	vadd.f32 $1.258291200e+07, v6;
	v5 =	vmul.f32 $1.270000000e+02, v5  }
0x51: {  	v1 =	vadd.s32 s16, v19;
	v10 =	vmin.f32 v10, $1.270000000e+02;
	v8 =	vmax.f32 v8, $-1.270000000e+02  }
0x52: {  	v11 =	vld.idx.msk [tilespmem:v11+s1+$0x0], $0xffff;
	v6 =	vadd.f32 $-1.258291200e+07, v6;
	v8 =	vmin.f32 v8, $1.270000000e+02;
	v5 =	vadd.f32 $1.258291200e+07, v5  }
0x53: {  	v13 =	vld.idx.msk [tilespmem:v13+s1+$0x0], $0xffff;
	v3 =	vadd.s32 s21, v18;
	v10 =	vmul.f32 $7.874015710e-03, v10;
	v8 =	vmul.f32 $7.874015710e-03, v8  }
0x54: {  	s16 =	simm.s32 $0x3A50;
	v6 =	vmax.f32 v6, $-1.270000000e+02;
	v5 =	vadd.f32 $-1.258291200e+07, v5;
	v9 =	vmul.f32 $1.270000000e+02, v9  }
0x55: {  	v0 =	vadd.s32 s17, v19;
	v2 =	vadd.s32 s21, v19;
	v6 =	vmin.f32 v6, $1.270000000e+02;
	[tilespmem:s16+$0xFFFFFFF0] =	vst v8  }
0x56: {  	[tilespmem:s16+$0x0] =	vst v10;
	v6 =	vmul.f32 $7.874015710e-03, v6;
	v7 =	vld.idx.msk [tilespmem:v63+s1+$0x0], $0xffff;
	v5 =	vmax.f32 v5, $-1.270000000e+02;
	v16 =	vadd.f32 $1.258291200e+07, v9  }
0x57: {  	s15 =	simm.s32 $0x4DB0;
	v8 =	vld.idx.msk [tilespmem:v4+s1+$0x0], $0xffff;
	v9 =	vmul.f32 $1.270000000e+02, v11;
	v11 =	vmax.f32 v15, $-1.270000000e+02;
	v5 =	vmin.f32 v5, $1.270000000e+02  }
0x58: {  	v10 =	vmul.f32 $1.270000000e+02, v13;
	[tilespmem:s15+$0xFFFFFFF0] =	vst v6;
	v6 =	vmin.f32 v11, $1.270000000e+02;
	v4 =	vmul.f32 $7.874015710e-03, v5  }
0x59: {  	s14 =	simm.s32 $0x6110;
	s17 =	simm.s32 $0x6;
	s18 =	simm.s32 $0x1B0;
	v5 =	vld.idx.msk [tilespmem:v14+s1+$0x0], $0xffff;
	v11 =	vadd.f32 $1.258291200e+07, v9;
	v9 =	vmul.f32 $7.874015710e-03, v6;
	v6 =	vadd.f32 $-1.258291200e+07, v16  }
.LBB2_2:
0x5a: {  	s19 =	sadd.s32 $0xFFFFFFD0, s18;
	v12 =	vadd.s32 s18, v17;
	v13 =	vadd.s32 s18, v18;
	s17 =	sadd.s32 $0x2, s17;
	v10 =	vadd.f32 $1.258291200e+07, v10;
	[tilespmem:s14+$0xFFFFFFF0] =	vst v4  }
0x5b: {  	v7 =	vmul.f32 $1.270000000e+02, v7;
	v4 =	vadd.s32 s19, v17;
	p0 =	slt.u32 s17, $0x132;
	v11 =	vadd.f32 $-1.258291200e+07, v11;
	[tilespmem:s15+$0x0] =	vst v9  }
0x5c: {  	v8 =	vmul.f32 $1.270000000e+02, v8;
	v9 =	vadd.f32 $-1.258291200e+07, v10;
	v10 =	vld.idx.msk [tilespmem:v1+s1+$0x0], $0xffff;
	v1 =	vmovc v0;
	v0 =	vmovc v2;
	v2 =	vadd.s32 s18, v19  }
0x5d: {  	v6 =	vmax.f32 v6, $-1.270000000e+02;
	v7 =	vadd.f32 $1.258291200e+07, v7;
	v11 =	vmax.f32 v11, $-1.270000000e+02  }
0x5e: {  	v14 =	vadd.s32 s13, v18;
	v5 =	vmul.f32 $1.270000000e+02, v5;
	v9 =	vmax.f32 v9, $-1.270000000e+02  }
0x5f: {  	v11 =	vmin.f32 v11, $1.270000000e+02;
	v7 =	vadd.f32 $-1.258291200e+07, v7;
	v12 =	vld.idx.msk [tilespmem:v12+s1+$0x0], $0xffff;
	v9 =	vmin.f32 v9, $1.270000000e+02  }
0x60: {  	v11 =	vmul.f32 $7.874015710e-03, v11;
	v5 =	vadd.f32 $1.258291200e+07, v5;
	v4 =	vld.idx.msk [tilespmem:v4+s1+$0x0], $0xffff;
	v9 =	vmul.f32 $7.874015710e-03, v9  }
0x61: {  	v15 =	vadd.s32 s12, v19;
	s16 =	sadd.s32 $0x20, s16;
	s12 =	smov.u32 s13;
	s13 =	smov.u32 s19;
	v8 =	vadd.f32 $1.258291200e+07, v8;
	v7 =	vmax.f32 v7, $-1.270000000e+02  }
0x62: {  	v5 =	vadd.f32 $-1.258291200e+07, v5;
	v10 =	vmul.f32 $1.270000000e+02, v10;
	[tilespmem:s16+$0xFFFFFFF0] =	vst v9;
	v9 =	vmin.f32 v7, $1.270000000e+02  }
.Ltmp0:
0x63: {  	v6 =	vmin.f32 v6, $1.270000000e+02;
	v7 =	vld.idx.msk [tilespmem:v14+s1+$0x0], $0xffff;
	[tilespmem:s16+$0x0] =	vst v11;
	v9 =	vmul.f32 $7.874015710e-03, v9;
	v11 =	vadd.f32 $-1.258291200e+07, v8;
	(pc) =	sbr.rel @p0 .LBB2_2-.Ltmp0, $4  }
0x64: {  	s15 =	sadd.s32 $0x20, s15;
	v6 =	vmul.f32 $7.874015710e-03, v6;
	v5 =	vmax.f32 v5, $-1.270000000e+02;
	v14 =	vadd.f32 $1.258291200e+07, v10;
	v8 =	vld.idx.msk [tilespmem:v3+s1+$0x0], $0xffff;
	v3 =	vmovc v13  }
0x65: {  	v12 =	vmul.f32 $1.270000000e+02, v12;
	[tilespmem:s15+$0xFFFFFFF0] =	vst v9;
	v9 =	vmax.f32 v11, $-1.270000000e+02;
	v11 =	vmin.f32 v5, $1.270000000e+02  }
0x66: {  	v10 =	vmul.f32 $1.270000000e+02, v4;
	v5 =	vld.idx.msk [tilespmem:v15+s1+$0x0], $0xffff;
	v9 =	vmin.f32 v9, $1.270000000e+02;
	v4 =	vmul.f32 $7.874015710e-03, v11;
	[tilespmem:s14+$0x0] =	vst v6  }
0x67: {  	s18 =	sadd.s32 $0x60, s18;
	v11 =	vadd.f32 $1.258291200e+07, v12;
	v6 =	vadd.f32 $-1.258291200e+07, v14;
	s14 =	sadd.s32 $0x20, s14;
	v9 =	vmul.f32 $7.874015710e-03, v9  }
0x68: {  	v10 =	vadd.f32 $1.258291200e+07, v10  }
0x69: {  	v11 =	vadd.f32 $-1.258291200e+07, v11  }
0x6a: {  	v10 =	vadd.f32 $-1.258291200e+07, v10  }
0x6b: {  	v11 =	vmax.f32 v11, $-1.270000000e+02  }
0x6c: {  	v12 =	vadd.s32 s13, v18;
	v10 =	vmax.f32 v10, $-1.270000000e+02;
	v11 =	vmin.f32 v11, $1.270000000e+02  }
0x6d: {  	v10 =	vmin.f32 v10, $1.270000000e+02;
	v11 =	vmul.f32 $7.874015710e-03, v11  }
0x6e: {  	s16 =	sadd.s32 $0x20, s16;
	v10 =	vmul.f32 $7.874015710e-03, v10  }
0x6f: {  	[tilespmem:s16+$0x0] =	vst v11  }
0x70: {  	[tilespmem:s16+$0xFFFFFFF0] =	vst v10;
	v3 =	vld.idx.msk [tilespmem:v3+s1+$0x0], $0xffff  }
0x71: {  	v10 =	vld.idx.msk [tilespmem:v12+s1+$0x0], $0xffff  }
0x72: {  	v7 =	vmul.f32 $1.270000000e+02, v7  }
0x73: {  	v8 =	vmul.f32 $1.270000000e+02, v8  }
0x74: {  	v7 =	vadd.f32 $1.258291200e+07, v7  }
0x75: {  	v8 =	vadd.f32 $1.258291200e+07, v8;
	v3 =	vmul.f32 $1.270000000e+02, v3  }
0x76: {  	v7 =	vadd.f32 $-1.258291200e+07, v7;
	v10 =	vmul.f32 $1.270000000e+02, v10  }
0x77: {  	v8 =	vadd.f32 $-1.258291200e+07, v8;
	v3 =	vadd.f32 $1.258291200e+07, v3  }
0x78: {  	v5 =	vmul.f32 $1.270000000e+02, v5;
	v7 =	vmax.f32 v7, $-1.270000000e+02;
	v10 =	vadd.f32 $1.258291200e+07, v10  }
0x79: {  	[tilespmem:s15+$0x0] =	vst v9;
	v11 =	vadd.s32 s12, v19;
	v8 =	vmax.f32 v8, $-1.270000000e+02;
	v3 =	vadd.f32 $-1.258291200e+07, v3  }
0x7a: {  	v1 =	vld.idx.msk [tilespmem:v1+s1+$0x0], $0xffff;
	v7 =	vmin.f32 v7, $1.270000000e+02;
	v8 =	vmin.f32 v8, $1.270000000e+02;
	v10 =	vadd.f32 $-1.258291200e+07, v10  }
0x7b: {  	v7 =	vmul.f32 $7.874015710e-03, v7;
	v8 =	vmul.f32 $7.874015710e-03, v8;
	v3 =	vmax.f32 v3, $-1.270000000e+02  }
0x7c: {  	s15 =	sadd.s32 $0x20, s15;
	v9 =	vmax.f32 v10, $-1.270000000e+02;
	v10 =	vadd.s32 s13, v19;
	v3 =	vmin.f32 v3, $1.270000000e+02  }
0x7d: {  	[tilespmem:s15+$0x0] =	vst v8;
	v9 =	vmin.f32 v9, $1.270000000e+02;
	v3 =	vmul.f32 $7.874015710e-03, v3  }
0x7e: {  	v5 =	vadd.f32 $1.258291200e+07, v5;
	s12 =	sadd.s32 $0x20, s15;
	[tilespmem:s15+$0xFFFFFFF0] =	vst v7;
	v0 =	vld.idx.msk [tilespmem:v0+s1+$0x0], $0xffff;
	v7 =	vmul.f32 $7.874015710e-03, v9  }
0x7f: {  	v1 =	vmul.f32 $1.270000000e+02, v1;
	v9 =	vld.idx.msk [tilespmem:v11+s1+$0x0], $0xffff;
	[tilespmem:s12+$0x0] =	vst v3  }
0x80: {  	v5 =	vadd.f32 $-1.258291200e+07, v5;
	[tilespmem:s12+$0xFFFFFFF0] =	vst v7;
	v2 =	vld.idx.msk [tilespmem:v2+s1+$0x0], $0xffff  }
0x81: {  	v1 =	vadd.f32 $1.258291200e+07, v1;
	v7 =	vld.idx.msk [tilespmem:v10+s1+$0x0], $0xffff  }
0x82: {  	v5 =	vmax.f32 v5, $-1.270000000e+02  }
0x83: {  	v5 =	vmin.f32 v5, $1.270000000e+02;
	v1 =	vadd.f32 $-1.258291200e+07, v1;
	v0 =	vmul.f32 $1.270000000e+02, v0  }
0x84: {  	v5 =	vmul.f32 $7.874015710e-03, v5;
	v3 =	vmax.f32 v6, $-1.270000000e+02;
	v6 =	vmul.f32 $1.270000000e+02, v9  }
0x85: {  	v1 =	vmax.f32 v1, $-1.270000000e+02;
	v0 =	vadd.f32 $1.258291200e+07, v0;
	v2 =	vmul.f32 $1.270000000e+02, v2  }
0x86: {  	v1 =	vmin.f32 v1, $1.270000000e+02;
	v6 =	vadd.f32 $1.258291200e+07, v6;
	v7 =	vmul.f32 $1.270000000e+02, v7  }
0x87: {  	v1 =	vmul.f32 $7.874015710e-03, v1;
	v0 =	vadd.f32 $-1.258291200e+07, v0;
	v2 =	vadd.f32 $1.258291200e+07, v2  }
0x88: {  	v3 =	vmin.f32 v3, $1.270000000e+02;
	v6 =	vadd.f32 $-1.258291200e+07, v6;
	v7 =	vadd.f32 $1.258291200e+07, v7  }
0x89: {  	[tilespmem:s14+$0xFFFFFFF0] =	vst v4;
	s16 =	sadd.s32 $0x20, s14;
	v0 =	vmax.f32 v0, $-1.270000000e+02;
	v3 =	vmul.f32 $7.874015710e-03, v3;
	v2 =	vadd.f32 $-1.258291200e+07, v2  }
0x8a: {  	[tilespmem:s16+$0xFFFFFFF0] =	vst v5;
	v0 =	vmin.f32 v0, $1.270000000e+02;
	v4 =	vmax.f32 v6, $-1.270000000e+02;
	v6 =	vadd.f32 $-1.258291200e+07, v7  }
0x8b: {  	v0 =	vmul.f32 $7.874015710e-03, v0;
	[tilespmem:s14+$0x0] =	vst v3;
	v3 =	vmin.f32 v4, $1.270000000e+02;
	v2 =	vmax.f32 v2, $-1.270000000e+02  }
0x8c: {  	[tilespmem:s16+$0x0] =	vst v1;
	s12 =	sadd.s32 $0x20, s16;
	v3 =	vmul.f32 $7.874015710e-03, v3;
	v4 =	vmax.f32 v6, $-1.270000000e+02;
	v2 =	vmin.f32 v2, $1.270000000e+02  }
0x8d: {  	[tilespmem:s12+$0x0] =	vst v0;
	v1 =	vmin.f32 v4, $1.270000000e+02;
	v0 =	vmul.f32 $7.874015710e-03, v2  }
0x8e: {  	[tilespmem:s12+$0xFFFFFFF0] =	vst v3;
	s12 =	sadd.s32 $0x20, s12;
	v1 =	vmul.f32 $7.874015710e-03, v1  }
0x8f: {  	[tilespmem:s12+$0x0] =	vst v0  }
0x90: {  	[tilespmem:s12+$0xFFFFFFF0] =	vst v1  }
0x91: {  	s18 =	simm.s32 $0xD480;
	s12 =	simm.s32 $0x0;
	s17 =	rddreg [dreg:$0x7]  }
0x92: {  	[tilespmem:s18], [sflag:$0x2] =	stream.linear.gather [hbm4b:s17+s12], $0x2000, $0x38;
	[tilespmem:$0x19480] =	vst v63  }
0x93: {  	s21 =	simm.s32 $0xF480;
	s19 =	rddreg [dreg:$0x8]  }
0x94: {  	[tilespmem:s21], [sflag:$0x2] =	stream.linear.gather [hbm4b:s19+s12], $0x2000, $0x38;
	[tilespmem:$0x19480] =	vst v63  }
0x95: {  	s16 =	simm.s32 $0x11480;
	s15 =	rddreg [dreg:$0x9]  }
0x96: {  	[tilespmem:s16], [sflag:$0x2] =	stream.linear.gather [hbm4b:s15+s12], $0x2000, $0x38;
	[tilespmem:$0x19480] =	vst v63  }
0x97: {  	_ =	swait.ge [sflag:s2], $0x2000  }
0x98: {  	[sflag:s2] =	ssyncset.done $0x0  }
0x99: {  	[sflag:s2] =	ssyncadd.s32 $0xFFFFE000  }
0x9a: {  	_ =	swait.ge [sflag:s2], $0x2000  }
0x9b: {  	s17 =	simm.s32 $0x0;
	[sflag:s2] =	ssyncset.done $0x0  }
0x9c: {  	s18 =	sand.u32 $0x1000, s17;
	s19 =	sand.u32 $0xC00, s12;
	[sflag:s2] =	ssyncadd.s32 $0xFFFFE000  }
0x9d: {  	s14 =	sor.u32 s18, s19;
	s12 =	sand.u32 $0x380, s12;
	_ =	swait.ge [sflag:s2], $0x2000  }
0x9e: {  	s13 =	sand.u32 $0x60, s17;
	s12 =	sor.u32 s12, s14;
	[sflag:s2] =	ssyncset.done $0x0  }
0x9f: {  	s12 =	sor.u32 s13, s12;
	[sflag:s2] =	ssyncadd.s32 $0xFFFFE000  }
0xa0: {  	v0 =	vld [tilespmem:s12+$0x7490]  }
0xa1: {  	v1 =	vld [tilespmem:s12+$0x9490]  }
0xa2: {  	v2 =	vld [tilespmem:s12+$0xB490];
	_ =	sdelay $0x3  }
0xa3: {  	v0 =	vmul.f32 $1.593750000e+01, v0;
	v1 =	vmul.f32 $1.593750000e+01, v1  }
0xa4: {  	v2 =	vmul.f32 $1.593750000e+01, v2  }
0xa5: {  	v3 =	vtrunc.f32 v0;
	v4 =	vtrunc.f32 v1  }
0xa6: {  	v3 =	vcvt.f32.s32 v3;
	v5 =	vcvt.f32.s32 v4;
	_ =	sdelay $0x1  }
0xa7: {  	v4 =	vtrunc.f32 v2;
	v6 =	vmul.u32 $0x121, v3;
	v7 =	vmul.u32 $0x11, v5  }
0xa8: {  	v4 =	vcvt.f32.s32 v4  }
0xa9: {  	v6 =	vadd.s32 v6, v7  }
0xaa: {  	v6 =	vadd.s32 v4, v6  }
0xab: {  	v7 =	vcvt.s32.f32 v4;
	v4 =	vadd.s32 $0x1, v6  }
0xac: {  	v3 =	vcvt.s32.f32 v3;
	v8 =	vcvt.s32.f32 v5;
	v5 =	vadd.s32 $0x11, v6  }
0xad: {  	v7 =	vsub.f32 v2, v7;
	v2 =	vadd.s32 $0x12, v6  }
0xae: {  	v3 =	vsub.f32 v0, v3;
	v8 =	vsub.f32 v1, v8;
	v13 =	vadd.s32 $0x121, v6  }
0xaf: {  	v12 =	vadd.s32 $0x122, v6;
	v9 =	vld.idx.msk [tilespmem:v6+s3+$0x0], $0xffff  }
0xb0: {  	v10 =	vadd.s32 $0x132, v6;
	v15 =	vsub.f32 $1.000000000e+00, v3;
	v16 =	vsub.f32 $1.000000000e+00, v8;
	v19 =	vld.idx.msk [tilespmem:v4+s3+$0x0], $0xffff  }
0xb1: {  	v11 =	vadd.s32 $0x133, v6;
	v20 =	vld.idx.msk [tilespmem:v5+s3+$0x0], $0xffff  }
0xb2: {  	v0 =	vmul.f32 v8, v3;
	v14 =	vsub.f32 $1.000000000e+00, v7;
	v18 =	vmul.f32 v16, v15;
	v21 =	vld.idx.msk [tilespmem:v2+s3+$0x0], $0xffff  }
0xb3: {  	v8 =	vmul.f32 v8, v15;
	v24 =	vmul.f32 v16, v3;
	v22 =	vld.idx.msk [tilespmem:v13+s3+$0x0], $0xffff  }
0xb4: {  	v1 =	vmul.f32 v14, v0;
	v0 =	vmul.f32 v7, v0;
	v23 =	vld.idx.msk [tilespmem:v12+s3+$0x0], $0xffff  }
0xb5: {  	v17 =	vmul.f32 v14, v18;
	v16 =	vmul.f32 v18, v7;
	v25 =	vld.idx.msk [tilespmem:v10+s3+$0x0], $0xffff  }
0xb6: {  	v18 =	vmul.f32 v14, v8;
	v3 =	vmul.f32 v7, v8;
	v26 =	vld.idx.msk [tilespmem:v11+s3+$0x0], $0xffff  }
0xb7: {  	v15 =	vmul.f32 v14, v24;
	v14 =	vmul.f32 v24, v7  }
0xb8: {  	v7 =	vmul.f32 v17, v9;
	v8 =	vmul.f32 v16, v19  }
0xb9: {  	v9 =	vld [tilespmem:s12+$0x7480];
	v19 =	vmul.f32 v18, v20;
	v20 =	vmul.f32 v3, v21  }
0xba: {  	v22 =	vmul.f32 v15, v22;
	v23 =	vmul.f32 v23, v14  }
0xbb: {  	v21 =	vld [tilespmem:s12+$0x9480];
	v24 =	vmul.f32 v25, v1;
	v25 =	vmul.f32 v26, v0  }
0xbc: {  	v7 =	vadd.f32 v8, v7;
	v8 =	vadd.f32 v19, v20;
	v19 =	vld [tilespmem:s12+$0xB480]  }
0xbd: {  	v20 =	vadd.f32 v23, v22;
	v22 =	vadd.f32 v25, v24  }
0xbe: {  	v9 =	vmul.f32 $1.593750000e+01, v9  }
0xbf: {  	v7 =	vadd.f32 v8, v7;
	v8 =	vadd.f32 v22, v20  }
0xc0: {  	v21 =	vmul.f32 $1.593750000e+01, v21;
	v20 =	vtrunc.f32 v9  }
0xc1: {  	v7 =	vadd.f32 v8, v7;
	v8 =	vmul.f32 $1.593750000e+01, v19;
	v19 =	vcvt.f32.s32 v20  }
0xc2: {  	v22 =	vtrunc.f32 v21  }
0xc3: {  	v20 =	vcvt.f32.s32 v22;
	v7 =	vmax.f32 v7, $0.0e+00;
	v22 =	vmul.u32 $0x121, v19  }
0xc4: {  	v23 =	vtrunc.f32 v8;
	v7 =	vmin.f32 v7, $1.000000000e+00;
	v19 =	vcvt.s32.f32 v19  }
0xc5: {  	v24 =	vmul.u32 $0x11, v20;
	v20 =	vcvt.s32.f32 v20;
	[tilespmem:s12+$0x7490] =	vst v7;
	v7 =	vcvt.f32.s32 v23  }
0xc6: {  	v9 =	vsub.f32 v9, v19  }
0xc7: {  	v23 =	vld.idx.msk [tilespmem:v6+s4+$0x0], $0xffff;
	v19 =	vadd.s32 v22, v24;
	v20 =	vsub.f32 v21, v20;
	v22 =	vcvt.s32.f32 v7  }
0xc8: {  	v25 =	vld.idx.msk [tilespmem:v2+s4+$0x0], $0xffff  }
0xc9: {  	v28 =	vld.idx.msk [tilespmem:v12+s4+$0x0], $0xffff;
	v32 =	vadd.s32 v7, v19;
	v8 =	vsub.f32 v8, v22;
	v26 =	vmul.f32 v20, v9  }
0xca: {  	v21 =	vld.idx.msk [tilespmem:v4+s4+$0x0], $0xffff;
	v19 =	vsub.f32 $1.000000000e+00, v9;
	v45 =	vadd.s32 $0x1, v32;
	v24 =	vsub.f32 $1.000000000e+00, v20  }
0xcb: {  	v7 =	vld.idx.msk [tilespmem:v5+s4+$0x0], $0xffff;
	v48 =	vadd.s32 $0x11, v32;
	v39 =	vmul.f32 v8, v26  }
0xcc: {  	v46 =	vadd.s32 $0x12, v32;
	v22 =	vld.idx.msk [tilespmem:v13+s4+$0x0], $0xffff;
	v43 =	vadd.s32 $0x121, v32;
	v27 =	vmul.f32 v24, v19  }
0xcd: {  	v19 =	vmul.f32 v20, v19;
	v20 =	vsub.f32 $1.000000000e+00, v8;
	v9 =	vmul.f32 v24, v9;
	v24 =	vld.idx.msk [tilespmem:v10+s4+$0x0], $0xffff;
	[tilespmem:$0x1FE50] =	vst v39  }
0xce: {  	s21 =	simm.s32 $0x20;
	s15 =	simm.s32 $0x100;
	v23 =	vmul.f32 v23, v17;
	v25 =	vmul.f32 v25, v3;
	v29 =	vld.idx.msk [tilespmem:v11+s4+$0x0], $0xffff  }
0xcf: {  	s17 =	simm.s32 $0x8;
	s16 =	sand.u32 $0x1000, s21;
	s14 =	sand.u32 $0xC00, s15;
	v56 =	vmul.f32 v27, v8;
	v44 =	vmul.f32 v20, v27;
	v27 =	vld.idx.msk [tilespmem:v45+s3+$0x0], $0xffff;
	[tilespmem:$0x1FE60] =	vst v45  }
0xd0: {  	s18 =	sand.u32 $0x380, s17;
	s14 =	sor.u32 s16, s14;
	v40 =	vadd.s32 $0x122, v32;
	v63 =	vmul.f32 v8, v19;
	v58 =	vmul.f32 v20, v19;
	v19 =	vld.idx.msk [tilespmem:v48+s3+$0x0], $0xffff;
	[tilespmem:$0x1FE80] =	vst v48  }
0xd1: {  	s13 =	sand.u32 $0x60, s21;
	s14 =	sor.u32 s18, s14;
	v28 =	vmul.f32 v28, v14;
	v21 =	vmul.f32 v21, v16;
	v30 =	vld.idx.msk [tilespmem:v46+s3+$0x0], $0xffff  }
0xd2: {  	s13 =	sor.u32 s13, s14;
	v42 =	vadd.s32 $0x132, v32;
	v59 =	vmul.f32 v20, v9;
	v7 =	vmul.f32 v7, v18;
	v31 =	vld.idx.msk [tilespmem:v43+s3+$0x0], $0xffff;
	[tilespmem:$0x1FED0] =	vst v43  }
0xd3: {  	v49 =	vadd.s32 $0x133, v32;
	v60 =	vmul.f32 v9, v8;
	v22 =	vmul.f32 v22, v15;
	v34 =	vld [tilespmem:s13+$0x9490]  }
0xd4: {  	v8 =	vadd.f32 v21, v23;
	v24 =	vmul.f32 v24, v1;
	v33 =	vld [tilespmem:s13+$0x7490];
	v29 =	vmul.f32 v29, v0  }
0xd5: {  	v61 =	vmul.f32 v20, v26;
	v7 =	vadd.f32 v25, v7;
	v20 =	vadd.f32 v28, v22;
	v22 =	vld.idx.msk [tilespmem:v40+s3+$0x0], $0xffff  }
0xd6: {  	v21 =	vadd.f32 v29, v24  }
0xd7: {  	v9 =	vld [tilespmem:s13+$0xB490];
	[tilespmem:$0x1FF10] =	vst v40;
	v7 =	vadd.f32 v7, v8;
	v23 =	vmul.f32 v56, v27;
	v19 =	vmul.f32 v58, v19  }
0xd8: {  	v24 =	vld.idx.msk [tilespmem:v42+s3+$0x0], $0xffff;
	[tilespmem:$0x1FF30] =	vst v42;
	v25 =	vmul.f32 v63, v30;
	v26 =	vmul.f32 $1.593750000e+01, v34;
	v8 =	vadd.f32 v21, v20  }
0xd9: {  	v36 =	vmul.f32 v59, v31;
	v20 =	vld.idx.msk [tilespmem:v49+s3+$0x0], $0xffff;
	[tilespmem:$0x1FF50] =	vst v49;
	v21 =	vmul.f32 $1.593750000e+01, v33  }
0xda: {  	v22 =	vmul.f32 v22, v60;
	v29 =	vtrunc.f32 v26;
	v30 =	vld [tilespmem:s13+$0x9480];
	v7 =	vadd.f32 v8, v7  }
0xdb: {  	v27 =	vld.idx.msk [tilespmem:v32+s3+$0x0], $0xffff;
	v28 =	vtrunc.f32 v21;
	v29 =	vcvt.f32.s32 v29  }
0xdc: {  	v8 =	vmul.f32 $1.593750000e+01, v9;
	v9 =	vld [tilespmem:s13+$0x7480];
	v28 =	vcvt.f32.s32 v28;
	v7 =	vmax.f32 v7, $0.0e+00  }
0xdd: {  	v24 =	vmul.f32 v24, v61;
	v57 =	vmul.u32 $0x11, v29;
	v7 =	vmin.f32 v7, $1.000000000e+00  }
0xde: {  	v31 =	vmul.u32 $0x121, v28;
	v20 =	vmul.f32 v20, v39;
	[tilespmem:s12+$0x9490] =	vst v7;
	v7 =	vtrunc.f32 v8  }
0xdf: {  	v19 =	vadd.f32 v19, v25;
	v41 =	vmul.f32 $1.593750000e+01, v30;
	v6 =	vld.idx.msk [tilespmem:v6+s5+$0x0], $0xffff;
	v7 =	vcvt.f32.s32 v7;
	[tilespmem:$0x1FFB0] =	vst v44  }
0xe0: {  	v28 =	vcvt.s32.f32 v28;
	v25 =	vmul.f32 v44, v27;
	v27 =	vadd.s32 v31, v57;
	v4 =	vld.idx.msk [tilespmem:v4+s5+$0x0], $0xffff  }
0xe1: {  	v9 =	vmul.f32 $1.593750000e+01, v9;
	v5 =	vld.idx.msk [tilespmem:v5+s5+$0x0], $0xffff;
	v52 =	vtrunc.f32 v41;
	v57 =	vadd.s32 v7, v27  }
0xe2: {  	v2 =	vld.idx.msk [tilespmem:v2+s5+$0x0], $0xffff;
	v7 =	vcvt.s32.f32 v7;
	v27 =	vcvt.s32.f32 v29;
	v34 =	vadd.s32 $0x1, v57  }
0xe3: {  	v13 =	vld.idx.msk [tilespmem:v13+s5+$0x0], $0xffff;
	v35 =	vadd.s32 $0x11, v57;
	v29 =	vadd.s32 $0x12, v57;
	v33 =	vadd.s32 $0x121, v57  }
0xe4: {  	v10 =	vld.idx.msk [tilespmem:v10+s5+$0x0], $0xffff;
	v30 =	vadd.s32 $0x122, v57;
	v7 =	vsub.f32 v8, v7;
	v8 =	vsub.f32 v21, v28  }
0xe5: {  	v21 =	vsub.f32 v26, v27;
	v27 =	vadd.s32 $0x132, v57;
	v6 =	vmul.f32 v6, v17  }
0xe6: {  	v28 =	vadd.s32 $0x133, v57;
	v4 =	vmul.f32 v4, v16;
	v5 =	vmul.f32 v5, v18;
	v16 =	vld.idx.msk [tilespmem:v57+s3+$0x0], $0xffff  }
0xe7: {  	v17 =	vsub.f32 $1.000000000e+00, v7;
	v18 =	vmul.f32 v21, v8;
	v37 =	vsub.f32 $1.000000000e+00, v8;
	v53 =	vld.idx.msk [tilespmem:v34+s3+$0x0], $0xffff  }
0xe8: {  	v38 =	vsub.f32 $1.000000000e+00, v21;
	v3 =	vmul.f32 v2, v3;
	v13 =	vmul.f32 v13, v15;
	v54 =	vld.idx.msk [tilespmem:v35+s3+$0x0], $0xffff  }
0xe9: {  	v22 =	vadd.f32 v22, v36;
	v1 =	vmul.f32 v10, v1;
	v55 =	vld.idx.msk [tilespmem:v29+s3+$0x0], $0xffff;
	v26 =	vmul.f32 v17, v18  }
0xea: {  	v20 =	vadd.f32 v20, v24;
	v24 =	vld.idx.msk [tilespmem:v33+s3+$0x0], $0xffff;
	v62 =	vmul.f32 v38, v37;
	v47 =	vmul.f32 v7, v18  }
0xeb: {  	v18 =	vadd.f32 v23, v25;
	v23 =	vld.idx.msk [tilespmem:v30+s3+$0x0], $0xffff;
	v21 =	vmul.f32 v21, v37;
	v8 =	vmul.f32 v38, v8  }
0xec: {  	v20 =	vadd.f32 v20, v22;
	v22 =	vld.idx.msk [tilespmem:v27+s3+$0x0], $0xffff;
	v36 =	vmul.f32 v17, v62;
	v37 =	vmul.f32 v62, v7  }
0xed: {  	v18 =	vadd.f32 v19, v18;
	v19 =	vld.idx.msk [tilespmem:v28+s3+$0x0], $0xffff;
	v2 =	vmul.f32 v17, v21;
	v50 =	vmul.f32 v7, v21  }
0xee: {  	v38 =	vmul.f32 v17, v8;
	v39 =	vmul.f32 v8, v7  }
0xef: {  	v8 =	vld.idx.msk [tilespmem:v12+s5+$0x0], $0xffff;
	v12 =	vmul.f32 v36, v16;
	v16 =	vmul.f32 v37, v53  }
0xf0: {  	v11 =	vld.idx.msk [tilespmem:v11+s5+$0x0], $0xffff;
	v7 =	vadd.f32 v20, v18;
	v17 =	vmul.f32 v2, v54;
	v18 =	vmul.f32 v50, v55  }
0xf1: {  	v20 =	vmul.f32 v38, v24;
	v21 =	vmul.f32 v23, v39  }
0xf2: {  	v7 =	vmax.f32 v7, $0.0e+00;
	v22 =	vmul.f32 v22, v26;
	v19 =	vmul.f32 v19, v47  }
0xf3: {  	v23 =	vld [tilespmem:s13+$0xB480];
	v7 =	vmin.f32 v7, $1.000000000e+00;
	v12 =	vadd.f32 v16, v12;
	v15 =	vadd.f32 v17, v18  }
0xf4: {  	[tilespmem:s12+$0x7480] =	vst v7;
	v7 =	vmul.f32 v8, v14;
	v8 =	vadd.f32 v21, v20;
	v14 =	vadd.f32 v19, v22  }
0xf5: {  	v0 =	vmul.f32 v11, v0;
	v4 =	vadd.f32 v4, v6;
	v3 =	vadd.f32 v3, v5;
	v16 =	vld.idx.msk [tilespmem:v32+s4+$0x0], $0xffff  }
0xf6: {  	v51 =	vtrunc.f32 v9;
	v5 =	vld.idx.msk [tilespmem:v45+s4+$0x0], $0xffff;
	v6 =	vadd.f32 v15, v12;
	v8 =	vadd.f32 v14, v8  }
0xf7: {  	v11 =	vcvt.f32.s32 v51;
	v0 =	vadd.f32 v0, v1;
	v12 =	vld.idx.msk [tilespmem:v48+s4+$0x0], $0xffff;
	v7 =	vadd.f32 v7, v13  }
0xf8: {  	v1 =	vcvt.f32.s32 v52;
	v15 =	vld.idx.msk [tilespmem:v40+s4+$0x0], $0xffff;
	v10 =	vmul.f32 $1.593750000e+01, v23;
	v6 =	vadd.f32 v8, v6  }
0xf9: {  	v3 =	vadd.f32 v3, v4;
	v4 =	vmul.u32 $0x121, v11;
	v18 =	vld.idx.msk [tilespmem:v42+s4+$0x0], $0xffff;
	v0 =	vadd.f32 v0, v7  }
0xfa: {  	v17 =	vmul.u32 $0x11, v1;
	v13 =	vld.idx.msk [tilespmem:v46+s4+$0x0], $0xffff;
	v14 =	vtrunc.f32 v10;
	v6 =	vmax.f32 v6, $0.0e+00  }
0xfb: {  	v7 =	vld.idx.msk [tilespmem:v49+s4+$0x0], $0xffff;
	v14 =	vcvt.f32.s32 v14;
	v0 =	vadd.f32 v0, v3;
	v6 =	vmin.f32 v6, $1.000000000e+00  }
0xfc: {  	v4 =	vadd.s32 v4, v17;
	v8 =	vld.idx.msk [tilespmem:v43+s4+$0x0], $0xffff;
	[tilespmem:s13+$0x7490] =	vst v6  }
0xfd: {  	v54 =	vadd.s32 v14, v4;
	v4 =	vld.idx.msk [tilespmem:v57+s4+$0x0], $0xffff;
	[tilespmem:$0x1FFC0] =	vst v0  }
0xfe: {  	v11 =	vcvt.s32.f32 v11;
	v1 =	vcvt.s32.f32 v1;
	v3 =	vld.idx.msk [tilespmem:v34+s4+$0x0], $0xffff  }
0xff: {  	v16 =	vmul.f32 v16, v44;
	v0 =	vcvt.s32.f32 v14;
	v14 =	vld.idx.msk [tilespmem:v35+s4+$0x0], $0xffff  }
0x100: {  	v1 =	vsub.f32 v41, v1;
	v5 =	vmul.f32 v5, v56;
	v12 =	vmul.f32 v12, v58;
	v19 =	vld.idx.msk [tilespmem:v29+s4+$0x0], $0xffff  }
0x101: {  	v15 =	vmul.f32 v15, v60;
	v24 =	vadd.s32 $0x1, v54;
	v6 =	vsub.f32 v9, v11;
	v20 =	vld.idx.msk [tilespmem:v33+s4+$0x0], $0xffff;
	[tilespmem:$0x1FDF0] =	vst v56  }
0x102: {  	v18 =	vmul.f32 v18, v61;
	v13 =	vmul.f32 v13, v63;
	v62 =	vadd.s32 $0x11, v54;
	v21 =	vld.idx.msk [tilespmem:v30+s4+$0x0], $0xffff  }
0x103: {  	v11 =	vsub.f32 $1.000000000e+00, v1;
	v8 =	vmul.f32 v8, v59;
	v9 =	vsub.f32 $1.000000000e+00, v6;
	v22 =	vld.idx.msk [tilespmem:v27+s4+$0x0], $0xffff;
	[tilespmem:$0x1FE00] =	vst v58  }
0x104: {  	v42 =	vadd.s32 $0x12, v54;
	v17 =	vmul.f32 v1, v6;
	v0 =	vsub.f32 v10, v0;
	v23 =	vld.idx.msk [tilespmem:v28+s4+$0x0], $0xffff;
	[tilespmem:$0x1FE10] =	vst v63  }
0x105: {  	v5 =	vadd.f32 v5, v16;
	v6 =	vmul.f32 v11, v6;
	v10 =	vmul.f32 v11, v9;
	[tilespmem:$0x1FE20] =	vst v59  }
0x106: {  	v56 =	vadd.s32 $0x133, v54;
	v1 =	vmul.f32 v1, v9;
	v9 =	vsub.f32 $1.000000000e+00, v0;
	v16 =	vld.idx.msk [tilespmem:v24+s3+$0x0], $0xffff;
	[tilespmem:$0x1FE30] =	vst v60  }
0x107: {  	s15 =	simm.s32 $0x40;
	s16 =	simm.s32 $0x200;
	v48 =	vadd.s32 $0x121, v54;
	[tilespmem:$0x1FE40] =	vst v61;
	v49 =	vmul.f32 v10, v0;
	v4 =	vmul.f32 v4, v36  }
0x108: {  	s17 =	simm.s32 $0x10;
	s19 =	sand.u32 $0x1000, s15;
	s18 =	sand.u32 $0xC00, s16;
	v12 =	vadd.f32 v13, v12;
	v41 =	vld.idx.msk [tilespmem:v62+s3+$0x0], $0xffff;
	v31 =	vmul.f32 v9, v10;
	v3 =	vmul.f32 v3, v37  }
0x109: {  	s21 =	sand.u32 $0x380, s17;
	s14 =	sor.u32 s19, s18;
	v25 =	vmovc v26;
	v8 =	vadd.f32 v15, v8;
	v13 =	vmul.f32 v14, v2;
	v14 =	vmul.f32 v19, v50;
	v10 =	vld [tilespmem:$0x1FE50]  }
0x10a: {  	s19 =	sand.u32 $0x60, s15;
	s14 =	sor.u32 s21, s14;
	v44 =	vadd.s32 $0x132, v54;
	v58 =	vmovc v24;
	v51 =	vld.idx.msk [tilespmem:v42+s3+$0x0], $0xffff;
	v24 =	vmul.f32 v9, v6;
	v15 =	vmul.f32 v21, v39  }
0x10b: {  	s14 =	sor.u32 s19, s14;
	v55 =	vmovc v46;
	v46 =	vadd.s32 $0x122, v54;
	v40 =	vld.idx.msk [tilespmem:v56+s3+$0x0], $0xffff;
	v19 =	vmul.f32 v22, v26;
	v26 =	vmul.f32 v6, v0  }
0x10c: {  	v6 =	vld [tilespmem:s14+$0x7490];
	v3 =	vadd.f32 v3, v4;
	v4 =	vmul.f32 v20, v38;
	v21 =	vmul.f32 v23, v47  }
0x10d: {  	v63 =	vmul.f32 v0, v17;
	v43 =	vmul.f32 v0, v1;
	v0 =	vld [tilespmem:s14+$0xB490];
	v14 =	vadd.f32 v14, v13  }
0x10e: {  	v52 =	vld.idx.msk [tilespmem:v48+s3+$0x0], $0xffff;
	v4 =	vadd.f32 v15, v4;
	v21 =	vadd.f32 v21, v19;
	v7 =	vmul.f32 v7, v10  }
0x10f: {  	v45 =	vmul.f32 v9, v17;
	v22 =	vld.idx.msk [tilespmem:v44+s3+$0x0], $0xffff;
	v3 =	vadd.f32 v14, v3;
	v14 =	vmul.f32 v43, v51  }
0x110: {  	v20 =	vld.idx.msk [tilespmem:v46+s3+$0x0], $0xffff;
	v10 =	vmul.f32 v9, v1;
	v4 =	vadd.f32 v21, v4;
	v7 =	vadd.f32 v7, v18  }
0x111: {  	v5 =	vadd.f32 v12, v5;
	v9 =	vld [tilespmem:s14+$0x9490];
	v17 =	vmul.f32 v40, v63;
	v6 =	vmul.f32 $1.593750000e+01, v6  }
0x112: {  	v1 =	vld.idx.msk [tilespmem:v54+s3+$0x0], $0xffff;
	v0 =	vmul.f32 $1.593750000e+01, v0;
	v3 =	vadd.f32 v4, v3;
	v7 =	vadd.f32 v7, v8  }
0x113: {  	v12 =	vmul.f32 v10, v41;
	v18 =	vtrunc.f32 v6  }
0x114: {  	v8 =	vmul.f32 v49, v16;
	v3 =	vmax.f32 v3, $0.0e+00;
	v4 =	vadd.f32 v7, v5  }
0x115: {  	v5 =	vmul.f32 v24, v52;
	v7 =	vmul.f32 v20, v26;
	v3 =	vmin.f32 v3, $1.000000000e+00  }
0x116: {  	v16 =	vmul.f32 v22, v45;
	v12 =	vadd.f32 v12, v14;
	v14 =	vld [tilespmem:s14+$0x7480];
	[tilespmem:s13+$0x9490] =	vst v3;
	v3 =	vmul.f32 $1.593750000e+01, v9  }
0x117: {  	v18 =	vcvt.f32.s32 v18;
	v1 =	vmul.f32 v31, v1;
	v5 =	vadd.f32 v7, v5;
	v7 =	vld.idx.msk [tilespmem:v57+s5+$0x0], $0xffff  }
0x118: {  	v16 =	vadd.f32 v17, v16;
	v9 =	vtrunc.f32 v0;
	v17 =	vld.idx.msk [tilespmem:v34+s5+$0x0], $0xffff;
	v20 =	vtrunc.f32 v3  }
0x119: {  	v21 =	vld.idx.msk [tilespmem:v35+s5+$0x0], $0xffff;
	v9 =	vcvt.f32.s32 v9;
	v20 =	vcvt.f32.s32 v20  }
0x11a: {  	v1 =	vadd.f32 v8, v1;
	v8 =	vld.idx.msk [tilespmem:v29+s5+$0x0], $0xffff  }
0x11b: {  	v29 =	vmul.u32 $0x121, v18;
	v27 =	vld.idx.msk [tilespmem:v27+s5+$0x0], $0xffff;
	v22 =	vcvt.s32.f32 v9;
	v11 =	vmul.u32 $0x11, v20  }
0x11c: {  	v4 =	vmax.f32 v4, $0.0e+00;
	v18 =	vcvt.s32.f32 v18;
	v5 =	vadd.f32 v16, v5;
	v16 =	vld.idx.msk [tilespmem:v33+s5+$0x0], $0xffff  }
0x11d: {  	v28 =	vld.idx.msk [tilespmem:v28+s5+$0x0], $0xffff;
	v4 =	vmin.f32 v4, $1.000000000e+00;
	v0 =	vsub.f32 v0, v22;
	v22 =	vadd.s32 v29, v11  }
0x11e: {  	v1 =	vadd.f32 v12, v1;
	v12 =	vld.idx.msk [tilespmem:v30+s5+$0x0], $0xffff;
	[tilespmem:s12+$0x9480] =	vst v4;
	v20 =	vcvt.s32.f32 v20;
	v41 =	vadd.s32 v9, v22  }
0x11f: {  	v6 =	vsub.f32 v6, v18;
	v53 =	vadd.s32 $0x1, v41;
	v11 =	vmov v24;
	v24 =	vld [tilespmem:$0x1FE60]  }
0x120: {  	v18 =	vld [tilespmem:s14+$0x9480];
	v7 =	vmul.f32 v7, v36;
	v3 =	vsub.f32 v3, v20;
	v29 =	vadd.s32 $0x11, v41  }
0x121: {  	v20 =	vld [tilespmem:s14+$0xB480];
	v9 =	vmul.f32 v17, v37;
	v16 =	vmul.f32 v16, v38;
	v38 =	vadd.s32 $0x12, v41  }
0x122: {  	v1 =	vadd.f32 v5, v1;
	v17 =	vmul.f32 v21, v2;
	v2 =	vmul.f32 v27, v25;
	v25 =	vld.idx.msk [tilespmem:v32+s5+$0x0], $0xffff  }
0x123: {  	v12 =	vmul.f32 v12, v39;
	v21 =	vsub.f32 $1.000000000e+00, v6;
	v35 =	vadd.s32 $0x121, v41;
	v57 =	vld.idx.msk [tilespmem:v41+s3+$0x0], $0xffff  }
0x124: {  	v59 =	vsub.f32 $1.000000000e+00, v0;
	v22 =	vsub.f32 $1.000000000e+00, v3;
	v30 =	vadd.s32 $0x122, v41;
	v60 =	vld.idx.msk [tilespmem:v53+s3+$0x0], $0xffff  }
0x125: {  	v27 =	vmul.f32 v3, v6;
	v15 =	vadd.s32 $0x132, v41;
	v3 =	vmul.f32 v3, v21;
	v4 =	vld.idx.msk [tilespmem:v29+s3+$0x0], $0xffff  }
0x126: {  	v40 =	vadd.s32 $0x133, v41;
	v61 =	vmul.f32 v22, v21;
	v6 =	vmul.f32 v22, v6;
	v5 =	vld.idx.msk [tilespmem:v38+s3+$0x0], $0xffff  }
0x127: {  	v21 =	vmul.f32 v59, v27;
	v27 =	vmul.f32 v0, v27;
	v24 =	vld.idx.msk [tilespmem:v24+s5+$0x0], $0xffff  }
0x128: {  	v23 =	vmul.f32 v59, v3;
	v19 =	vmul.f32 v0, v3;
	v3 =	vld.idx.msk [tilespmem:v35+s3+$0x0], $0xffff  }
0x129: {  	v32 =	vmul.f32 v61, v0;
	v33 =	vmul.f32 v6, v0;
	v0 =	vld.idx.msk [tilespmem:v30+s3+$0x0], $0xffff  }
0x12a: {  	v13 =	vmul.f32 v59, v6;
	v6 =	vadd.f32 v12, v16;
	v16 =	vld.idx.msk [tilespmem:v15+s3+$0x0], $0xffff  }
0x12b: {  	v7 =	vadd.f32 v9, v7;
	v9 =	vmul.f32 $1.593750000e+01, v18;
	v18 =	vld.idx.msk [tilespmem:v40+s3+$0x0], $0xffff  }
0x12c: {  	[tilespmem:$0x1FE70] =	vst v24;
	v24 =	vld [tilespmem:$0x1FE80];
	_ =	sdelay $0x7  }
0x12d: {  	v24 =	vld.idx.msk [tilespmem:v24+s5+$0x0], $0xffff;
	_ =	sdelay $0x3  }
0x12e: {  	v8 =	vmul.f32 v8, v50;
	v1 =	vmax.f32 v1, $0.0e+00  }
0x12f: {  	v1 =	vmin.f32 v1, $1.000000000e+00;
	v4 =	vmul.f32 v23, v4;
	v5 =	vmul.f32 v19, v5;
	[tilespmem:$0x1FE90] =	vst v24  }
0x130: {  	v8 =	vadd.f32 v8, v17;
	[tilespmem:s13+$0x7480] =	vst v1  }
0x131: {  	v37 =	vmul.f32 v59, v61;
	v4 =	vadd.f32 v4, v5;
	v5 =	vld [tilespmem:$0x1FED0]  }
0x132: {  	v17 =	vmul.f32 $1.593750000e+01, v20;
	v1 =	vadd.f32 v8, v7;
	v7 =	vld.idx.msk [tilespmem:v55+s5+$0x0], $0xffff  }
0x133: {  	v20 =	vmul.f32 v37, v57;
	v22 =	vmul.f32 v32, v60  }
0x134: {  	v47 =	vmul.f32 v28, v47  }
0x135: {  	v8 =	vadd.f32 v22, v20  }
0x136: {  	v2 =	vadd.f32 v47, v2;
	[tilespmem:$0x1FEB0] =	vst v54  }
0x137: {  	v4 =	vadd.f32 v4, v8;
	v8 =	vld [tilespmem:$0x1FF10];
	[tilespmem:$0x1FEA0] =	vst v7;
	v7 =	vtrunc.f32 v9  }
0x138: {  	v2 =	vadd.f32 v2, v6;
	v6 =	vcvt.f32.s32 v7;
	v7 =	vld.idx.msk [tilespmem:v54+s4+$0x0], $0xffff;
	[tilespmem:$0x1FEC0] =	vst v58  }
0x139: {  	v3 =	vmul.f32 v13, v3;
	v0 =	vmul.f32 v0, v33;
	v5 =	vld.idx.msk [tilespmem:v5+s5+$0x0], $0xffff  }
0x13a: {  	v16 =	vmul.f32 v16, v21;
	v18 =	vmul.f32 v18, v27;
	_ =	sdelay $0x1  }
0x13b: {  	v0 =	vadd.f32 v0, v3;
	v3 =	vadd.f32 v18, v16  }
0x13c: {  	v20 =	vld.idx.msk [tilespmem:v58+s4+$0x0], $0xffff;
	[tilespmem:$0x1FEF0] =	vst v62  }
0x13d: {  	v14 =	vmul.f32 $1.593750000e+01, v14;
	v0 =	vadd.f32 v3, v0;
	v3 =	vld [tilespmem:$0x1FF30];
	[tilespmem:$0x1FEE0] =	vst v5  }
0x13e: {  	v16 =	vld.idx.msk [tilespmem:v62+s4+$0x0], $0xffff;
	[tilespmem:$0x1FF00] =	vst v42  }
0x13f: {  	v12 =	vtrunc.f32 v14;
	v8 =	vld.idx.msk [tilespmem:v8+s5+$0x0], $0xffff  }
0x140: {  	v12 =	vcvt.f32.s32 v12;
	_ =	sdelay $0x1  }
0x141: {  	v5 =	vcvt.s32.f32 v12  }
0x142: {  	v18 =	vtrunc.f32 v17;
	v47 =	vadd.f32 v2, v1;
	v1 =	vld [tilespmem:$0x1FF50]  }
0x143: {  	v5 =	vsub.f32 v14, v5;
	v14 =	vcvt.f32.s32 v18;
	v18 =	vld.idx.msk [tilespmem:v42+s4+$0x0], $0xffff;
	[tilespmem:$0x1FF20] =	vst v8  }
0x144: {  	v3 =	vld.idx.msk [tilespmem:v3+s5+$0x0], $0xffff;
	_ =	sdelay $0x4  }
0x145: {  	[tilespmem:$0x1FF40] =	vst v3  }
0x146: {  	v22 =	vcvt.s32.f32 v6;
	v1 =	vld.idx.msk [tilespmem:v1+s5+$0x0], $0xffff;
	_ =	sdelay $0x1  }
0x147: {  	v9 =	vsub.f32 v9, v22  }
0x148: {  	v0 =	vadd.f32 v0, v4  }
0x149: {  	v22 =	vsub.f32 $1.000000000e+00, v9;
	v8 =	vsub.f32 $1.000000000e+00, v5;
	[tilespmem:$0x1FF70] =	vst v48  }
0x14a: {  	v0 =	vmax.f32 v0, $0.0e+00;
	v3 =	vcvt.s32.f32 v14;
	[tilespmem:$0x1FF60] =	vst v1  }
0x14b: {  	v0 =	vmin.f32 v0, $1.000000000e+00;
	v4 =	vmul.f32 v9, v8;
	v1 =	vmul.f32 v22, v8;
	v8 =	vld.idx.msk [tilespmem:v48+s4+$0x0], $0xffff;
	[tilespmem:$0x1FF80] =	vst v46  }
0x14c: {  	v2 =	vmul.f32 v9, v5;
	v9 =	vmul.u32 $0x121, v12;
	v3 =	vsub.f32 v17, v3;
	v12 =	vld.idx.msk [tilespmem:v46+s4+$0x0], $0xffff;
	[tilespmem:$0x1FF90] =	vst v44  }
0x14d: {  	v6 =	vmul.u32 $0x11, v6;
	v7 =	vmul.f32 v7, v31;
	[tilespmem:s14+$0x7490] =	vst v0  }
0x14e: {  	v20 =	vmul.f32 v20, v49;
	v5 =	vmul.f32 v22, v5;
	v22 =	vsub.f32 $1.000000000e+00, v3;
	v17 =	vld.idx.msk [tilespmem:v44+s4+$0x0], $0xffff;
	[tilespmem:$0x1FFA0] =	vst v56  }
0x14f: {  	v50 =	vmov v21;
	v62 =	vmul.f32 v3, v4;
	v57 =	vmul.f32 v3, v2;
	v42 =	vld.idx.msk [tilespmem:v56+s4+$0x0], $0xffff  }
0x150: {  	v6 =	vadd.s32 v9, v6;
	v58 =	vmul.f32 v5, v3;
	v61 =	vmul.f32 v22, v4;
	v34 =	vld.idx.msk [tilespmem:v41+s4+$0x0], $0xffff  }
0x151: {  	v46 =	vadd.s32 v14, v6;
	v60 =	vmul.f32 v22, v5;
	v59 =	vmul.f32 v22, v2;
	v21 =	vld.idx.msk [tilespmem:v53+s4+$0x0], $0xffff  }
0x152: {  	v6 =	vadd.f32 v20, v7;
	v2 =	vmul.f32 v16, v10;
	v0 =	vmul.f32 v1, v3;
	v20 =	vld.idx.msk [tilespmem:v29+s4+$0x0], $0xffff  }
0x153: {  	v1 =	vmul.f32 v22, v1;
	v3 =	vmul.f32 v18, v43;
	v44 =	vadd.s32 $0x12, v46;
	v22 =	vld.idx.msk [tilespmem:v38+s4+$0x0], $0xffff  }
0x154: {  	v56 =	vmovc v10;
	v10 =	vadd.s32 $0x11, v46;
	v18 =	vld.idx.msk [tilespmem:v35+s4+$0x0], $0xffff;
	v4 =	vmul.f32 v8, v11;
	v5 =	vmul.f32 v12, v26  }
0x155: {  	v52 =	vmovc v63;
	v3 =	vadd.f32 v3, v2;
	v2 =	vld [tilespmem:$0x1FFB0];
	v9 =	vmul.f32 v17, v45;
	v12 =	vmul.f32 v42, v63  }
0x156: {  	v28 =	vmovc v53;
	v36 =	vmovc v29;
	v53 =	vmov v26;
	v14 =	vld.idx.msk [tilespmem:v30+s4+$0x0], $0xffff;
	v26 =	vmov v30;
	v30 =	vmov v15  }
0x157: {  	v39 =	vmovc v35;
	v48 =	vmovc v11;
	v11 =	vadd.s32 $0x122, v46;
	v4 =	vadd.f32 v5, v4;
	v5 =	vadd.f32 v12, v9;
	v9 =	vld [tilespmem:$0x1FFC0]  }
0x158: {  	v24 =	vmovc v49;
	v55 =	vmovc v27;
	v27 =	vmov v40;
	v47 =	vmax.f32 v47, $0.0e+00;
	v49 =	vadd.s32 $0x1, v46;
	v8 =	vld.idx.msk [tilespmem:v40+s4+$0x0], $0xffff  }
0x159: {  	v54 =	vmovc v45;
	v51 =	vmovc v49;
	v29 =	vmov v38;
	v15 =	vadd.s32 $0x121, v46;
	v3 =	vadd.f32 v3, v6;
	v6 =	vld.idx.msk [tilespmem:v10+s3+$0x0], $0xffff  }
0x15a: {  	v38 =	vmovc v37;
	v40 =	vmovc v19;
	v35 =	vmov v10;
	v45 =	vmov v11;
	v2 =	vmul.f32 v25, v2;
	v63 =	vld.idx.msk [tilespmem:v44+s3+$0x0], $0xffff  }
0x15b: {  	v16 =	vmul.f32 v34, v37;
	v37 =	vmovc v32;
	v17 =	vmul.f32 v21, v32;
	v21 =	vmin.f32 v47, $1.000000000e+00;
	v7 =	vld.idx.msk [tilespmem:v30+s4+$0x0], $0xffff  }
0x15c: {  	v20 =	vmul.f32 v20, v23;
	[tilespmem:s13+$0xB490] =	vst v21;
	v21 =	vmul.f32 v14, v33;
	v14 =	vld.idx.msk [tilespmem:v11+s3+$0x0], $0xffff;
	v12 =	vmax.f32 v9, $0.0e+00  }
0x15d: {  	v32 =	vmovc v23;
	v10 =	vmovc v44;
	v22 =	vmul.f32 v22, v19;
	v42 =	vmov v13;
	v9 =	vld.idx.msk [tilespmem:v49+s3+$0x0], $0xffff;
	v12 =	vmin.f32 v12, $1.000000000e+00  }
0x15e: {  	v18 =	vmul.f32 v18, v13;
	v44 =	vmovc v15;
	v23 =	vadd.s32 $0x133, v46;
	v49 =	vadd.s32 $0x132, v46;
	[tilespmem:s12+$0xB490] =	vst v12;
	v12 =	vld.idx.msk [tilespmem:v15+s3+$0x0], $0xffff  }
.LBB2_4:
0x15f: {  	v4 =	vadd.f32 v5, v4  }
0x160: {  	v13 =	vld [tilespmem:$0x1FE70]  }
0x161: {  	v3 =	vadd.f32 v4, v3;
	v4 =	vld [tilespmem:$0x1FDF0];
	_ =	sdelay $0x1  }
0x162: {  	v11 =	vld.idx.msk [tilespmem:v49+s3+$0x0], $0xffff;
	v7 =	vmul.f32 v7, v50  }
0x163: {  	v16 =	vadd.f32 v17, v16;
	v17 =	vadd.f32 v22, v20;
	v20 =	vld.idx.msk [tilespmem:v46+s3+$0x0], $0xffff;
	v3 =	vmax.f32 v3, $0.0e+00  }
0x164: {  	v8 =	vmul.f32 v8, v55;
	v5 =	vmul.f32 v0, v9;
	v9 =	vld.idx.msk [tilespmem:v23+s3+$0x0], $0xffff;
	v3 =	vmin.f32 v3, $1.000000000e+00  }
0x165: {  	[tilespmem:s13+$0x9480] =	vst v3;
	v3 =	vld [tilespmem:$0x1FE00];
	v4 =	vmul.f32 v13, v4;
	v13 =	vmov v0  }
0x166: {  	v18 =	vadd.f32 v21, v18;
	v7 =	vadd.f32 v8, v7;
	[tilespmem:$0x1FD80] =	vst v13;
	v13 =	vld [tilespmem:$0x1FE90];
	_ =	sdelay $0x1  }
0x167: {  	v16 =	vadd.f32 v17, v16;
	v7 =	vadd.f32 v7, v18  }
0x168: {  	v15 =	vmov v1  }
0x169: {  	[tilespmem:$0x1FD70] =	vst v15;
	v7 =	vadd.f32 v7, v16;
	v16 =	vmul.f32 v15, v20;
	v15 =	vld [tilespmem:$0x1FEA0]  }
0x16a: {  	v3 =	vmul.f32 v13, v3;
	v13 =	vld [tilespmem:$0x1FE10];
	_ =	sdelay $0x1  }
0x16b: {  	v8 =	vmov v31  }
0x16c: {  	s15 =	sadd.s32 $0x20, s15;
	s16 =	sadd.s32 $0x100, s16;
	[tilespmem:$0x1FDE0] =	vst v8;
	v8 =	vmul.f32 v11, v59;
	v9 =	vmul.f32 v9, v57  }
0x16d: {  	s17 =	sadd.s32 $0x8, s17;
	s18 =	sand.u32 $0x1000, s15;
	s19 =	sand.u32 $0xC00, s16  }
0x16e: {  	s18 =	sor.u32 s18, s19;
	s19 =	sand.u32 $0x380, s17;
	v8 =	vadd.f32 v9, v8;
	v9 =	vld [tilespmem:$0x1FE20];
	v17 =	vmul.f32 v15, v13;
	v13 =	vmov v62  }
0x16f: {  	s21 =	sand.u32 $0x60, s15;
	s18 =	sor.u32 s19, s18;
	[tilespmem:$0x1FDA0] =	vst v13;
	v13 =	vld [tilespmem:$0x1FEE0]  }
0x170: {  	s18 =	sor.u32 s21, s18  }
0x171: {  	v1 =	vld [tilespmem:s18+$0x7490]  }
0x172: {  	v11 =	vld [tilespmem:s18+$0x9490];
	v7 =	vmax.f32 v7, $0.0e+00  }
0x173: {  	v0 =	vld [tilespmem:s18+$0xB490];
	v7 =	vmin.f32 v7, $1.000000000e+00  }
0x174: {  	[tilespmem:s14+$0x9490] =	vst v7;
	v7 =	vld [tilespmem:$0x1FE30];
	v9 =	vmul.f32 v13, v9;
	v13 =	vmov v56  }
0x175: {  	v6 =	vmul.f32 v61, v6;
	v21 =	vmul.f32 v62, v63;
	[tilespmem:$0x1FE00] =	vst v13;
	v13 =	vld [tilespmem:$0x1FF20]  }
0x176: {  	v12 =	vmul.f32 v60, v12;
	v14 =	vmul.f32 v14, v58;
	v18 =	vld [tilespmem:s18+$0x9480]  }
0x177: {  	v6 =	vadd.f32 v6, v21;
	v30 =	vld.idx.msk [tilespmem:v30+s5+$0x0], $0xffff  }
0x178: {  	v12 =	vadd.f32 v14, v12;
	v14 =	vld [tilespmem:s18+$0x7480];
	v15 =	vmov v43  }
0x179: {  	v5 =	vadd.f32 v5, v16;
	[tilespmem:$0x1FE10] =	vst v15;
	v15 =	vld [tilespmem:$0x1FF40]  }
0x17a: {  	v7 =	vmul.f32 v13, v7;
	v13 =	vld [tilespmem:$0x1FE40]  }
0x17b: {  	v19 =	vmovc v50;
	v21 =	vmul.f32 $1.593750000e+01, v1;
	v1 =	vadd.f32 v6, v5;
	v6 =	vmovc v57;
	v57 =	vmul.f32 $1.593750000e+01, v18;
	v18 =	vld.idx.msk [tilespmem:v26+s5+$0x0], $0xffff  }
0x17c: {  	v26 =	vmul.f32 v30, v19;
	v19 =	vld [tilespmem:$0x1FEF0]  }
0x17d: {  	v20 =	vld [tilespmem:s18+$0xB480];
	v8 =	vadd.f32 v8, v12  }
0x17e: {  	v22 =	vmov v24;
	v16 =	vmul.f32 $1.593750000e+01, v0;
	v0 =	vld [tilespmem:$0x1FE50]  }
0x17f: {  	[tilespmem:$0x1FDF0] =	vst v22;
	v1 =	vadd.f32 v8, v1;
	v50 =	vmul.f32 v15, v13;
	v13 =	vld [tilespmem:$0x1FF60]  }
0x180: {  	v22 =	vadd.f32 v4, v2;
	v2 =	vmov v53;
	[tilespmem:$0x1FDD0] =	vst v6;
	v31 =	vld.idx.msk [tilespmem:v39+s5+$0x0], $0xffff  }
0x181: {  	v11 =	vmul.f32 $1.593750000e+01, v11;
	[tilespmem:$0x1FE30] =	vst v2;
	v4 =	vmov v60;
	v12 =	vld.idx.msk [tilespmem:v41+s5+$0x0], $0xffff;
	v1 =	vmax.f32 v1, $0.0e+00  }
0x182: {  	v5 =	vld.idx.msk [tilespmem:v28+s5+$0x0], $0xffff;
	v2 =	vtrunc.f32 v21;
	[tilespmem:$0x1FDC0] =	vst v4;
	v6 =	vtrunc.f32 v16;
	v1 =	vmin.f32 v1, $1.000000000e+00  }
0x183: {  	v4 =	vtrunc.f32 v11;
	v8 =	vld.idx.msk [tilespmem:v29+s5+$0x0], $0xffff;
	v6 =	vcvt.f32.s32 v6;
	[tilespmem:s14+$0x7480] =	vst v1  }
0x184: {  	v2 =	vcvt.f32.s32 v2;
	v19 =	vld.idx.msk [tilespmem:v19+s5+$0x0], $0xffff;
	v25 =	vmul.f32 v13, v0;
	v0 =	vmov v48  }
0x185: {  	v28 =	vcvt.s32.f32 v6;
	[tilespmem:$0x1FE20] =	vst v0;
	v0 =	vmul.f32 $1.593750000e+01, v14;
	v14 =	vld.idx.msk [tilespmem:v36+s5+$0x0], $0xffff  }
0x186: {  	v29 =	vld.idx.msk [tilespmem:v27+s5+$0x0], $0xffff;
	v63 =	vmul.f32 v31, v42;
	v12 =	vmul.f32 v12, v38  }
0x187: {  	v18 =	vmul.f32 v18, v33;
	v16 =	vsub.f32 v16, v28;
	v28 =	vmul.f32 v5, v37  }
0x188: {  	v8 =	vmul.f32 v8, v40;
	v17 =	vadd.f32 v17, v3;
	v3 =	vcvt.f32.s32 v4  }
0x189: {  	v18 =	vadd.f32 v18, v63;
	v4 =	vcvt.s32.f32 v2;
	v2 =	vmul.u32 $0x121, v2  }
0x18a: {  	v34 =	vcvt.s32.f32 v3;
	v3 =	vmul.u32 $0x11, v3;
	[tilespmem:$0x1FE90] =	vst v19;
	v19 =	vld [tilespmem:$0x1FF00];
	v14 =	vmul.f32 v14, v32  }
0x18b: {  	v27 =	vmul.f32 v29, v55;
	v12 =	vadd.f32 v28, v12;
	v21 =	vsub.f32 v21, v4  }
0x18c: {  	v11 =	vsub.f32 v11, v34;
	v2 =	vadd.s32 v2, v3;
	v8 =	vadd.f32 v8, v14  }
0x18d: {  	v26 =	vadd.f32 v27, v26;
	v39 =	vsub.f32 $1.000000000e+00, v16;
	v41 =	vadd.s32 v6, v2  }
0x18e: {  	v2 =	vld.idx.msk [tilespmem:v35+s4+$0x0], $0xffff;
	v27 =	vmul.f32 v11, v21;
	v37 =	vsub.f32 $1.000000000e+00, v11;
	v8 =	vadd.f32 v8, v12  }
0x18f: {  	v12 =	vadd.f32 v26, v18;
	v18 =	vmul.f32 $1.593750000e+01, v20;
	v20 =	vsub.f32 $1.000000000e+00, v21  }
0x190: {  	v40 =	vadd.s32 $0x11, v41;
	v24 =	vmul.f32 v39, v27;
	v7 =	vadd.f32 v7, v9  }
0x191: {  	v8 =	vadd.f32 v12, v8;
	v12 =	vmul.f32 v37, v20;
	v9 =	vmul.f32 v11, v20  }
0x192: {  	v38 =	vadd.s32 $0x12, v41;
	v27 =	vmul.f32 v16, v27;
	v19 =	vld.idx.msk [tilespmem:v19+s5+$0x0], $0xffff;
	v11 =	vmul.f32 v37, v21  }
0x193: {  	[tilespmem:$0x1FD90] =	vst v2;
	v2 =	vld.idx.msk [tilespmem:v10+s4+$0x0], $0xffff;
	v32 =	vmul.f32 v12, v16;
	v26 =	vmul.f32 v16, v9  }
0x194: {  	v30 =	vadd.s32 $0x122, v41;
	v33 =	vmul.f32 v39, v11;
	v11 =	vmul.f32 v11, v16;
	v16 =	vld [tilespmem:$0x1FEC0]  }
0x195: {  	v62 =	vadd.s32 $0x1, v41  }
0x196: {  	v55 =	vld.idx.msk [tilespmem:v40+s3+$0x0], $0xffff  }
0x197: {  	v56 =	vmov v59;
	v59 =	vld.idx.msk [tilespmem:v38+s3+$0x0], $0xffff;
	v13 =	vmov v52;
	[tilespmem:$0x1FEA0] =	vst v19;
	v19 =	vmov v51  }
0x198: {  	v34 =	vadd.s32 $0x121, v41;
	[tilespmem:$0x1FEC0] =	vst v19;
	v19 =	vld [tilespmem:$0x1FF70]  }
0x199: {  	v42 =	vld.idx.msk [tilespmem:v30+s3+$0x0], $0xffff;
	[tilespmem:$0x1FDB0] =	vst v2;
	v2 =	vadd.s32 $0x132, v41  }
0x19a: {  	v3 =	vadd.s32 $0x133, v41;
	[tilespmem:$0x1FE50] =	vst v13;
	v13 =	vmov v54;
	v54 =	vld.idx.msk [tilespmem:v62+s3+$0x0], $0xffff  }
0x19b: {  	v14 =	vld.idx.msk [tilespmem:v41+s3+$0x0], $0xffff  }
0x19c: {  	v16 =	vld.idx.msk [tilespmem:v16+s5+$0x0], $0xffff  }
0x19d: {  	v52 =	vld.idx.msk [tilespmem:v34+s3+$0x0], $0xffff  }
0x19e: {  	v47 =	vtrunc.f32 v0;
	v20 =	vld.idx.msk [tilespmem:v2+s3+$0x0], $0xffff;
	v37 =	vmul.f32 v39, v12  }
0x19f: {  	v60 =	vcvt.f32.s32 v47;
	v8 =	vmax.f32 v8, $0.0e+00;
	v12 =	vld.idx.msk [tilespmem:v3+s3+$0x0], $0xffff;
	v47 =	vmul.f32 v39, v9  }
0x1a0: {  	v8 =	vmin.f32 v8, $1.000000000e+00;
	v9 =	vmul.f32 v37, v14;
	v14 =	vmul.f32 v32, v54;
	v19 =	vld.idx.msk [tilespmem:v19+s5+$0x0], $0xffff  }
0x1a1: {  	[tilespmem:$0x1FE70] =	vst v16;
	v16 =	vadd.f32 v17, v22;
	v17 =	vmul.f32 v47, v55;
	v22 =	vmul.f32 v26, v59  }
0x1a2: {  	[tilespmem:s14+$0xB490] =	vst v8;
	v8 =	vld [tilespmem:$0x1FEB0]  }
0x1a3: {  	v9 =	vadd.f32 v14, v9;
	v14 =	vadd.f32 v17, v22;
	v17 =	vld [tilespmem:$0x1FF80];
	_ =	sdelay $0x1  }
0x1a4: {  	[tilespmem:$0x1FEE0] =	vst v19;
	v19 =	vld [tilespmem:$0x1FF90];
	_ =	sdelay $0x4  }
0x1a5: {  	v63 =	vld.idx.msk [tilespmem:v8+s5+$0x0], $0xffff;
	v8 =	vadd.f32 v25, v50  }
0x1a6: {  	v42 =	vmul.f32 v42, v11;
	v20 =	vmul.f32 v20, v24;
	v17 =	vld.idx.msk [tilespmem:v17+s5+$0x0], $0xffff  }
0x1a7: {  	v12 =	vmul.f32 v12, v27;
	v7 =	vadd.f32 v8, v7;
	v8 =	vmul.f32 v33, v52  }
0x1a8: {  	v19 =	vld.idx.msk [tilespmem:v19+s5+$0x0], $0xffff  }
0x1a9: {  	v50 =	vmov v24;
	v24 =	vadd.f32 v12, v20;
	v8 =	vadd.f32 v42, v8;
	_ =	sdelay $0x1  }
0x1aa: {  	v8 =	vadd.f32 v24, v8;
	v9 =	vadd.f32 v14, v9;
	[tilespmem:$0x1FF20] =	vst v17;
	v17 =	vmov v35  }
0x1ab: {  	v31 =	vld [tilespmem:$0x1FD70];
	[tilespmem:$0x1FEF0] =	vst v17;
	v17 =	vtrunc.f32 v18  }
0x1ac: {  	v1 =	vld.idx.msk [tilespmem:v46+s4+$0x0], $0xffff;
	v8 =	vadd.f32 v8, v9;
	[tilespmem:$0x1FF40] =	vst v19;
	v19 =	vmov v10;
	v17 =	vcvt.f32.s32 v17  }
0x1ad: {  	v12 =	vmov v23;
	[tilespmem:$0x1FF00] =	vst v19;
	v19 =	vld [tilespmem:$0x1FFA0]  }
0x1ae: {  	v5 =	vld.idx.msk [tilespmem:v45+s4+$0x0], $0xffff;
	v8 =	vmax.f32 v8, $0.0e+00;
	[tilespmem:$0x1FFA0] =	vst v12;
	v12 =	vcvt.s32.f32 v17  }
0x1af: {  	v53 =	vtrunc.f32 v57;
	v48 =	vmov v58;
	v58 =	vld.idx.msk [tilespmem:v51+s4+$0x0], $0xffff;
	v8 =	vmin.f32 v8, $1.000000000e+00  }
0x1b0: {  	v7 =	vadd.f32 v7, v16;
	v16 =	vcvt.f32.s32 v53;
	[tilespmem:s18+$0x7490] =	vst v8;
	v8 =	vsub.f32 v18, v12;
	v18 =	vld [tilespmem:$0x1FD80]  }
0x1b1: {  	v4 =	vld.idx.msk [tilespmem:v44+s4+$0x0], $0xffff;
	v20 =	vcvt.s32.f32 v60  }
0x1b2: {  	v6 =	vld.idx.msk [tilespmem:v49+s4+$0x0], $0xffff;
	v21 =	vmul.u32 $0x121, v60;
	v22 =	vmul.u32 $0x11, v16;
	v16 =	vcvt.s32.f32 v16  }
0x1b3: {  	v1 =	vmul.f32 v1, v31;
	[tilespmem:$0x1FE40] =	vst v13;
	v13 =	vld.idx.msk [tilespmem:v23+s4+$0x0], $0xffff;
	v0 =	vsub.f32 v0, v20  }
0x1b4: {  	v7 =	vmax.f32 v7, $0.0e+00;
	v14 =	vadd.s32 v21, v22;
	v16 =	vsub.f32 v57, v16;
	v22 =	vld.idx.msk [tilespmem:v40+s4+$0x0], $0xffff  }
0x1b5: {  	v15 =	vmovc v46;
	v7 =	vmin.f32 v7, $1.000000000e+00;
	v10 =	vld.idx.msk [tilespmem:v19+s5+$0x0], $0xffff;
	v24 =	vmov v18;
	v18 =	vmul.f32 v58, v18  }
0x1b6: {  	v9 =	vsub.f32 $1.000000000e+00, v0;
	v46 =	vadd.s32 v17, v14;
	v14 =	vsub.f32 $1.000000000e+00, v16;
	v19 =	vmovc v45;
	[tilespmem:s12+$0xB480] =	vst v7;
	v7 =	vld.idx.msk [tilespmem:v2+s4+$0x0], $0xffff  }
0x1b7: {  	[tilespmem:$0x1FF80] =	vst v19;
	v19 =	vadd.f32 v18, v1;
	v18 =	vld.idx.msk [tilespmem:v34+s4+$0x0], $0xffff  }
0x1b8: {  	v36 =	vmovc v40;
	v39 =	vmov v34;
	v17 =	vmul.f32 v16, v0;
	v20 =	vmul.f32 v14, v9;
	v34 =	vld.idx.msk [tilespmem:v30+s4+$0x0], $0xffff  }
0x1b9: {  	v40 =	vmovc v26;
	v26 =	vmovc v30;
	v9 =	vmul.f32 v16, v9;
	v14 =	vmul.f32 v14, v0;
	v30 =	vmov v2;
	v2 =	vld [tilespmem:$0x1FD90]  }
0x1ba: {  	v28 =	vmovc v62;
	v21 =	vld.idx.msk [tilespmem:v62+s4+$0x0], $0xffff;
	v16 =	vsub.f32 $1.000000000e+00, v8;
	v57 =	vmul.f32 v8, v17;
	v0 =	vmul.f32 v20, v8  }
0x1bb: {  	v62 =	vmul.f32 v8, v9;
	v58 =	vmul.f32 v14, v8;
	v8 =	vld.idx.msk [tilespmem:v3+s4+$0x0], $0xffff;
	[tilespmem:$0x1FF60] =	vst v10;
	v10 =	vmov v49  }
0x1bc: {  	v60 =	vmul.f32 v16, v14;
	v14 =	vld [tilespmem:$0x1FDC0];
	[tilespmem:$0x1FF90] =	vst v10;
	v10 =	vadd.s32 $0x11, v46  }
0x1bd: {  	v43 =	vmovc v61;
	v55 =	vmovc v27;
	v27 =	vmov v3;
	v61 =	vmul.f32 v16, v9;
	v59 =	vmul.f32 v16, v17;
	v3 =	vld [tilespmem:$0x1FDB0]  }
0x1be: {  	v1 =	vmul.f32 v16, v20;
	v16 =	vmov v43;
	v2 =	vmul.f32 v2, v43;
	v43 =	vld [tilespmem:$0x1FDA0]  }
0x1bf: {  	v12 =	vld.idx.msk [tilespmem:v41+s4+$0x0], $0xffff  }
0x1c0: {  	v5 =	vmul.f32 v5, v48;
	v53 =	vmov v48;
	v45 =	vld.idx.msk [tilespmem:v38+s4+$0x0], $0xffff  }
0x1c1: {  	v54 =	vadd.s32 $0x1, v46;
	v4 =	vmul.f32 v4, v14;
	v48 =	vmovc v14;
	v14 =	vmul.f32 v6, v56;
	v6 =	vld.idx.msk [tilespmem:v10+s3+$0x0], $0xffff  }
0x1c2: {  	v35 =	vmov v10;
	v10 =	vld [tilespmem:$0x1FDD0]  }
0x1c3: {  	[tilespmem:$0x1FEB0] =	vst v15;
	v15 =	vmov v44;
	v42 =	vadd.s32 $0x121, v46;
	v3 =	vmul.f32 v3, v43  }
0x1c4: {  	v29 =	vmov v38;
	[tilespmem:$0x1FF70] =	vst v15;
	v44 =	vadd.s32 $0x12, v46;
	v15 =	vadd.s32 $0x122, v46  }
0x1c5: {  	p0 =	slt.u32 s15, $0x1FE0;
	v23 =	vadd.s32 $0x133, v46;
	v51 =	vmovc v54;
	v38 =	vmovc v37;
	v17 =	vmul.f32 v21, v32;
	v3 =	vadd.f32 v3, v2;
	v2 =	vld [tilespmem:$0x1FDE0]  }
.Ltmp1:
0x1c6: {  	v9 =	vld.idx.msk [tilespmem:v54+s3+$0x0], $0xffff;
	v54 =	vmovc v56;
	v49 =	vadd.s32 $0x132, v46;
	v20 =	vmul.f32 v22, v47;
	v22 =	vmul.f32 v45, v40;
	(pc) =	sbr.rel @p0 .LBB2_4-.Ltmp1, $4  }
0x1c7: {  	v45 =	vmovc v15;
	v56 =	vmovc v16;
	v16 =	vmul.f32 v12, v37;
	v37 =	vmov v32;
	v13 =	vmul.f32 v13, v10  }
0x1c8: {  	v12 =	vld.idx.msk [tilespmem:v42+s3+$0x0], $0xffff;
	v4 =	vadd.f32 v5, v4;
	v18 =	vmul.f32 v18, v33;
	v21 =	vmul.f32 v34, v11  }
0x1c9: {  	v32 =	vmovc v47;
	v52 =	vmov v10;
	v5 =	vadd.f32 v13, v14;
	v14 =	vld.idx.msk [tilespmem:v15+s3+$0x0], $0xffff;
	v3 =	vadd.f32 v3, v19  }
0x1ca: {  	s12 =	smov.u32 s13;
	s13 =	smov.u32 s14;
	s14 =	smov.u32 s18;
	v10 =	vmovc v44;
	v2 =	vmul.f32 v63, v2;
	v63 =	vld.idx.msk [tilespmem:v44+s3+$0x0], $0xffff;
	v44 =	vmovc v42;
	v42 =	vmov v33;
	v33 =	vmov v11  }
0x1cb: {  	_ =	sdelay $0x3  }
0x1cc: {  	v11 =	vld.idx.msk [tilespmem:v49+s3+$0x0], $0xffff  }
0x1cd: {  	v13 =	vld.idx.msk [tilespmem:v23+s3+$0x0], $0xffff;
	_ =	sdelay $0x1  }
0x1ce: {  	v7 =	vmul.f32 v7, v50;
	v8 =	vmul.f32 v8, v55  }
0x1cf: {  	v16 =	vadd.f32 v17, v16  }
0x1d0: {  	v15 =	vld.idx.msk [tilespmem:v46+s3+$0x0], $0xffff;
	v18 =	vadd.f32 v21, v18;
	v7 =	vadd.f32 v8, v7  }
0x1d1: {  	v17 =	vadd.f32 v22, v20;
	v11 =	vmul.f32 v11, v59;
	v8 =	vmul.f32 v13, v57  }
0x1d2: {  	v9 =	vmul.f32 v0, v9;
	v7 =	vadd.f32 v7, v18  }
0x1d3: {  	v6 =	vmul.f32 v61, v6;
	v8 =	vadd.f32 v8, v11;
	v11 =	vadd.f32 v17, v16  }
0x1d4: {  	v12 =	vmul.f32 v60, v12;
	v14 =	vmul.f32 v14, v58  }
0x1d5: {  	v19 =	vmul.f32 v62, v63;
	v13 =	vmul.f32 v1, v15;
	v7 =	vadd.f32 v7, v11  }
0x1d6: {  	v12 =	vadd.f32 v14, v12  }
0x1d7: {  	v6 =	vadd.f32 v6, v19;
	v9 =	vadd.f32 v9, v13;
	v7 =	vmax.f32 v7, $0.0e+00  }
0x1d8: {  	v7 =	vmin.f32 v7, $1.000000000e+00  }
0x1d9: {  	v8 =	vadd.f32 v8, v12;
	v6 =	vadd.f32 v6, v9;
	[tilespmem:s14+$0x9490] =	vst v7  }
0x1da: {  	v4 =	vadd.f32 v5, v4;
	v5 =	vld.idx.msk [tilespmem:v28+s5+$0x0], $0xffff  }
0x1db: {  	v6 =	vadd.f32 v8, v6;
	v16 =	vld.idx.msk [tilespmem:v36+s5+$0x0], $0xffff  }
0x1dc: {  	v3 =	vadd.f32 v4, v3;
	v4 =	vld.idx.msk [tilespmem:v29+s5+$0x0], $0xffff  }
0x1dd: {  	v6 =	vmax.f32 v6, $0.0e+00;
	v17 =	vld.idx.msk [tilespmem:v39+s5+$0x0], $0xffff  }
0x1de: {  	v6 =	vmin.f32 v6, $1.000000000e+00;
	v18 =	vld.idx.msk [tilespmem:v26+s5+$0x0], $0xffff  }
0x1df: {  	[tilespmem:s14+$0x7480] =	vst v6;
	v6 =	vld.idx.msk [tilespmem:v41+s5+$0x0], $0xffff  }
0x1e0: {  	v7 =	vld.idx.msk [tilespmem:v46+s4+$0x0], $0xffff  }
0x1e1: {  	v8 =	vld.idx.msk [tilespmem:v51+s4+$0x0], $0xffff  }
0x1e2: {  	v9 =	vld.idx.msk [tilespmem:v35+s4+$0x0], $0xffff  }
0x1e3: {  	v11 =	vld.idx.msk [tilespmem:v10+s4+$0x0], $0xffff  }
0x1e4: {  	v12 =	vld.idx.msk [tilespmem:v44+s4+$0x0], $0xffff  }
0x1e5: {  	v3 =	vmax.f32 v3, $0.0e+00;
	v13 =	vld.idx.msk [tilespmem:v45+s4+$0x0], $0xffff  }
0x1e6: {  	v3 =	vmin.f32 v3, $1.000000000e+00;
	v14 =	vld.idx.msk [tilespmem:v49+s4+$0x0], $0xffff  }
0x1e7: {  	[tilespmem:s13+$0x9480] =	vst v3;
	v15 =	vld.idx.msk [tilespmem:v23+s4+$0x0], $0xffff  }
0x1e8: {  	v19 =	vld [tilespmem:$0x1FE10]  }
0x1e9: {  	v20 =	vld [tilespmem:$0x1FEA0];
	v7 =	vmul.f32 v7, v1;
	v8 =	vmul.f32 v8, v0  }
0x1ea: {  	v21 =	vld [tilespmem:$0x1FEE0];
	v9 =	vmul.f32 v9, v61;
	v11 =	vmul.f32 v11, v62  }
0x1eb: {  	v22 =	vld [tilespmem:$0x1FF80];
	v12 =	vmul.f32 v12, v60;
	v13 =	vmul.f32 v13, v58  }
0x1ec: {  	v34 =	vmov v23;
	v23 =	vld [tilespmem:$0x1FF90];
	v14 =	vmul.f32 v14, v59;
	v15 =	vmul.f32 v15, v57  }
0x1ed: {  	v26 =	vld [tilespmem:$0x1FFA0];
	v7 =	vadd.f32 v8, v7;
	v8 =	vadd.f32 v11, v9  }
0x1ee: {  	v19 =	vmul.f32 v20, v19;
	v20 =	vld [tilespmem:$0x1FE20];
	v3 =	vadd.f32 v13, v12;
	v11 =	vadd.f32 v15, v14  }
0x1ef: {  	v14 =	vld [tilespmem:$0x1FE70]  }
0x1f0: {  	v3 =	vadd.f32 v11, v3;
	v11 =	vld [tilespmem:$0x1FDF0]  }
0x1f1: {  	v9 =	vld.idx.msk [tilespmem:v30+s5+$0x0], $0xffff  }
0x1f2: {  	v12 =	vld.idx.msk [tilespmem:v27+s5+$0x0], $0xffff  }
0x1f3: {  	v13 =	vld [tilespmem:$0x1FEB0]  }
0x1f4: {  	v15 =	vld [tilespmem:$0x1FE90];
	v7 =	vadd.f32 v8, v7  }
0x1f5: {  	v11 =	vmul.f32 v14, v11;
	v14 =	vld [tilespmem:$0x1FE00]  }
0x1f6: {  	v22 =	vld.idx.msk [tilespmem:v22+s5+$0x0], $0xffff;
	v3 =	vadd.f32 v3, v7  }
0x1f7: {  	v8 =	vld [tilespmem:$0x1FEC0]  }
0x1f8: {  	v20 =	vmul.f32 v21, v20;
	v21 =	vld [tilespmem:$0x1FF00];
	v3 =	vmax.f32 v3, $0.0e+00  }
0x1f9: {  	v7 =	vld [tilespmem:$0x1FF70];
	v3 =	vmin.f32 v3, $1.000000000e+00  }
0x1fa: {  	v14 =	vmul.f32 v15, v14;
	v15 =	vld [tilespmem:$0x1FEF0];
	[tilespmem:s14+$0x9480] =	vst v3  }
0x1fb: {  	v3 =	vld [tilespmem:$0x1FE30]  }
0x1fc: {  	v25 =	vld [tilespmem:$0x1FF20]  }
0x1fd: {  	v23 =	vld.idx.msk [tilespmem:v23+s5+$0x0], $0xffff  }
0x1fe: {  	v16 =	vmul.f32 v16, v32;
	v4 =	vmul.f32 v4, v40;
	v26 =	vld.idx.msk [tilespmem:v26+s5+$0x0], $0xffff  }
0x1ff: {  	v13 =	vld.idx.msk [tilespmem:v13+s5+$0x0], $0xffff  }
0x200: {  	v4 =	vadd.f32 v4, v16;
	v16 =	vld [tilespmem:$0x1FE40]  }
0x201: {  	v3 =	vmul.f32 v25, v3;
	v25 =	vld [tilespmem:$0x1FF40]  }
0x202: {  	v8 =	vld.idx.msk [tilespmem:v8+s5+$0x0], $0xffff  }
0x203: {  	v17 =	vmul.f32 v17, v42;
	v18 =	vmul.f32 v18, v33;
	v21 =	vld.idx.msk [tilespmem:v21+s5+$0x0], $0xffff  }
0x204: {  	v5 =	vmul.f32 v5, v37;
	v6 =	vmul.f32 v6, v38;
	v7 =	vld.idx.msk [tilespmem:v7+s5+$0x0], $0xffff  }
0x205: {  	v17 =	vadd.f32 v18, v17;
	v9 =	vmul.f32 v9, v50;
	v12 =	vmul.f32 v12, v55;
	v18 =	vld [tilespmem:$0x1FE50]  }
0x206: {  	v16 =	vmul.f32 v25, v16;
	v25 =	vld [tilespmem:$0x1FF60]  }
0x207: {  	v5 =	vadd.f32 v5, v6;
	v9 =	vadd.f32 v12, v9;
	v6 =	vld.idx.msk [tilespmem:v46+s5+$0x0], $0xffff  }
0x208: {  	v12 =	vld.idx.msk [tilespmem:v51+s5+$0x0], $0xffff  }
0x209: {  	v4 =	vadd.f32 v4, v5;
	v5 =	vadd.f32 v9, v17;
	v9 =	vld.idx.msk [tilespmem:v10+s5+$0x0], $0xffff  }
0x20a: {  	v2 =	vadd.f32 v11, v2;
	v17 =	vld.idx.msk [tilespmem:v44+s5+$0x0], $0xffff;
	v11 =	vadd.f32 v19, v14  }
0x20b: {  	v14 =	vld.idx.msk [tilespmem:v35+s5+$0x0], $0xffff;
	v18 =	vmul.f32 v25, v18  }
0x20c: {  	v10 =	vmul.f32 v13, v31;
	v2 =	vadd.f32 v11, v2;
	v11 =	vld.idx.msk [tilespmem:v45+s5+$0x0], $0xffff  }
0x20d: {  	v19 =	vmul.f32 v26, v52;
	v15 =	vld.idx.msk [tilespmem:v15+s5+$0x0], $0xffff;
	v3 =	vadd.f32 v3, v20;
	v16 =	vadd.f32 v18, v16  }
0x20e: {  	v4 =	vadd.f32 v5, v4;
	v8 =	vmul.f32 v8, v24;
	v5 =	vmul.f32 v7, v48;
	v18 =	vld.idx.msk [tilespmem:v34+s5+$0x0], $0xffff  }
0x20f: {  	v7 =	vmul.f32 v22, v53;
	v1 =	vmul.f32 v6, v1;
	v3 =	vadd.f32 v16, v3;
	v16 =	vld.idx.msk [tilespmem:v49+s5+$0x0], $0xffff  }
0x210: {  	v8 =	vadd.f32 v8, v10;
	v0 =	vmul.f32 v12, v0;
	v9 =	vmul.f32 v9, v62  }
0x211: {  	v10 =	vmul.f32 v14, v61;
	v5 =	vadd.f32 v7, v5;
	v7 =	vmul.f32 v17, v60  }
0x212: {  	v0 =	vadd.f32 v0, v1;
	v13 =	vmul.f32 v15, v56;
	v15 =	vmul.f32 v21, v43  }
0x213: {  	v11 =	vmul.f32 v11, v58;
	v2 =	vadd.f32 v3, v2;
	v3 =	vmul.f32 v23, v54  }
0x214: {  	v6 =	vadd.f32 v15, v13;
	v13 =	vmul.f32 v18, v57;
	v12 =	vmul.f32 v16, v59  }
0x215: {  	v1 =	vadd.f32 v9, v10;
	v3 =	vadd.f32 v19, v3  }
0x216: {  	v7 =	vadd.f32 v11, v7;
	v9 =	vadd.f32 v13, v12  }
0x217: {  	v6 =	vadd.f32 v6, v8;
	v3 =	vadd.f32 v3, v5  }
0x218: {  	v0 =	vadd.f32 v1, v0;
	v1 =	vadd.f32 v9, v7  }
0x219: {  	v4 =	vmax.f32 v4, $0.0e+00;
	v3 =	vadd.f32 v3, v6  }
0x21a: {  	v4 =	vmin.f32 v4, $1.000000000e+00;
	v2 =	vmax.f32 v2, $0.0e+00;
	v0 =	vadd.f32 v1, v0  }
0x21b: {  	[tilespmem:s14+$0xB490] =	vst v4;
	v1 =	vmin.f32 v2, $1.000000000e+00;
	v2 =	vmax.f32 v3, $0.0e+00  }
0x21c: {  	[tilespmem:s12+$0xB480] =	vst v1;
	v1 =	vmin.f32 v2, $1.000000000e+00;
	v0 =	vmax.f32 v0, $0.0e+00  }
0x21d: {  	[tilespmem:s13+$0xB480] =	vst v1;
	v0 =	vmin.f32 v0, $1.000000000e+00  }
0x21e: {  	[tilespmem:s14+$0xB480] =	vst v0  }
0x21f: {  	s12 =	simm.s32 $0x0;
	s13 =	rddreg [dreg:$0xa]  }
0x220: {  	[hbm4b:s13+s12] =	stream.linear.scatter [tilespmem:s30], [sflag:$0x4], $0x2000, $0x38;
	[tilespmem:$0x19480] =	vst v63  }
0x221: {  	s17 =	rddreg [dreg:$0xb]  }
0x222: {  	[hbm4b:s17+s12] =	stream.linear.scatter [tilespmem:s31], [sflag:$0x4], $0x2000, $0x38;
	[tilespmem:$0x19480] =	vst v63  }
0x223: {  	s18 =	rddreg [dreg:$0xc]  }
0x224: {  	[hbm4b:s18+s12] =	stream.linear.scatter [tilespmem:s20], [sflag:$0x4], $0x2000, $0x38;
	[tilespmem:$0x19480] =	vst v63  }
0x225: {  	s21 =	simm.s32 $0x13480;
	s19 =	rddreg [dreg:$0xd]  }
0x226: {  	[tilespmem:s21], [sflag:$0x3] =	stream.linear.gather [hbm4b:s19+s12], $0x2000, $0x38;
	[tilespmem:$0x19480] =	vst v63  }
0x227: {  	s15 =	simm.s32 $0x15480;
	s14 =	rddreg [dreg:$0xe]  }
0x228: {  	[tilespmem:s15], [sflag:$0x3] =	stream.linear.gather [hbm4b:s14+s12], $0x2000, $0x38;
	[tilespmem:$0x19480] =	vst v63  }
0x229: {  	s16 =	rddreg [dreg:$0xf];
	s17 =	simm.s32 $0x17480  }
0x22a: {  	[tilespmem:s17], [sflag:$0x3] =	stream.linear.gather [hbm4b:s16+s12], $0x2000, $0x38;
	[tilespmem:$0x19480] =	vst v63  }
0x22b: {  	_ =	swait.ge [sflag:s6], $0x2000  }
0x22c: {  	[sflag:s6] =	ssyncset.done $0x0  }
0x22d: {  	[sflag:s6] =	ssyncadd.s32 $0xFFFFE000  }
0x22e: {  	_ =	swait.ge [sflag:s6], $0x2000  }
0x22f: {  	s18 =	simm.s32 $0x0;
	[sflag:s6] =	ssyncset.done $0x0  }
0x230: {  	s19 =	sand.u32 $0x1000, s18;
	s15 =	sand.u32 $0xC00, s12;
	[sflag:s6] =	ssyncadd.s32 $0xFFFFE000  }
0x231: {  	s14 =	sor.u32 s19, s15;
	s12 =	sand.u32 $0x380, s12;
	_ =	swait.ge [sflag:s6], $0x2000  }
0x232: {  	s13 =	sand.u32 $0x60, s18;
	s12 =	sor.u32 s12, s14;
	[sflag:s6] =	ssyncset.done $0x0  }
0x233: {  	s12 =	sor.u32 s13, s12;
	[sflag:s6] =	ssyncadd.s32 $0xFFFFE000  }
0x234: {  	v0 =	vld [tilespmem:s12+$0xD490]  }
0x235: {  	v1 =	vld [tilespmem:s12+$0xF490]  }
0x236: {  	v2 =	vld [tilespmem:s12+$0x11490];
	_ =	sdelay $0x3  }
0x237: {  	v0 =	vmul.f32 $1.593750000e+01, v0;
	v1 =	vmul.f32 $1.593750000e+01, v1  }
0x238: {  	v2 =	vmul.f32 $1.593750000e+01, v2  }
0x239: {  	v3 =	vtrunc.f32 v0;
	v4 =	vtrunc.f32 v1  }
0x23a: {  	v3 =	vcvt.f32.s32 v3;
	v5 =	vcvt.f32.s32 v4;
	_ =	sdelay $0x1  }
0x23b: {  	v4 =	vtrunc.f32 v2;
	v6 =	vmul.u32 $0x121, v3;
	v7 =	vmul.u32 $0x11, v5  }
0x23c: {  	v4 =	vcvt.f32.s32 v4  }
0x23d: {  	v6 =	vadd.s32 v6, v7  }
0x23e: {  	v6 =	vadd.s32 v4, v6  }
0x23f: {  	v7 =	vcvt.s32.f32 v4;
	v4 =	vadd.s32 $0x1, v6  }
0x240: {  	v3 =	vcvt.s32.f32 v3;
	v8 =	vcvt.s32.f32 v5;
	v5 =	vadd.s32 $0x11, v6  }
0x241: {  	v7 =	vsub.f32 v2, v7;
	v2 =	vadd.s32 $0x12, v6  }
0x242: {  	v3 =	vsub.f32 v0, v3;
	v8 =	vsub.f32 v1, v8;
	v13 =	vadd.s32 $0x121, v6  }
0x243: {  	v12 =	vadd.s32 $0x122, v6;
	v9 =	vld.idx.msk [tilespmem:v6+s3+$0x0], $0xffff  }
0x244: {  	v10 =	vadd.s32 $0x132, v6;
	v15 =	vsub.f32 $1.000000000e+00, v3;
	v16 =	vsub.f32 $1.000000000e+00, v8;
	v19 =	vld.idx.msk [tilespmem:v4+s3+$0x0], $0xffff  }
0x245: {  	v11 =	vadd.s32 $0x133, v6;
	v20 =	vld.idx.msk [tilespmem:v5+s3+$0x0], $0xffff  }
0x246: {  	v0 =	vmul.f32 v8, v3;
	v14 =	vsub.f32 $1.000000000e+00, v7;
	v18 =	vmul.f32 v16, v15;
	v21 =	vld.idx.msk [tilespmem:v2+s3+$0x0], $0xffff  }
0x247: {  	v8 =	vmul.f32 v8, v15;
	v24 =	vmul.f32 v16, v3;
	v22 =	vld.idx.msk [tilespmem:v13+s3+$0x0], $0xffff  }
0x248: {  	v1 =	vmul.f32 v14, v0;
	v0 =	vmul.f32 v7, v0;
	v23 =	vld.idx.msk [tilespmem:v12+s3+$0x0], $0xffff  }
0x249: {  	v17 =	vmul.f32 v14, v18;
	v16 =	vmul.f32 v18, v7;
	v25 =	vld.idx.msk [tilespmem:v10+s3+$0x0], $0xffff  }
0x24a: {  	v18 =	vmul.f32 v14, v8;
	v3 =	vmul.f32 v7, v8;
	v26 =	vld.idx.msk [tilespmem:v11+s3+$0x0], $0xffff  }
0x24b: {  	v15 =	vmul.f32 v14, v24;
	v14 =	vmul.f32 v24, v7  }
0x24c: {  	v7 =	vmul.f32 v17, v9;
	v8 =	vmul.f32 v16, v19  }
0x24d: {  	v9 =	vld [tilespmem:s12+$0xD480];
	v19 =	vmul.f32 v18, v20;
	v20 =	vmul.f32 v3, v21  }
0x24e: {  	v22 =	vmul.f32 v15, v22;
	v23 =	vmul.f32 v23, v14  }
0x24f: {  	v21 =	vld [tilespmem:s12+$0xF480];
	v24 =	vmul.f32 v25, v1;
	v25 =	vmul.f32 v26, v0  }
0x250: {  	v7 =	vadd.f32 v8, v7;
	v8 =	vadd.f32 v19, v20;
	v19 =	vld [tilespmem:s12+$0x11480]  }
0x251: {  	v20 =	vadd.f32 v23, v22;
	v22 =	vadd.f32 v25, v24  }
0x252: {  	v9 =	vmul.f32 $1.593750000e+01, v9  }
0x253: {  	v7 =	vadd.f32 v8, v7;
	v8 =	vadd.f32 v22, v20  }
0x254: {  	v21 =	vmul.f32 $1.593750000e+01, v21;
	v20 =	vtrunc.f32 v9  }
0x255: {  	v7 =	vadd.f32 v8, v7;
	v8 =	vmul.f32 $1.593750000e+01, v19;
	v19 =	vcvt.f32.s32 v20  }
0x256: {  	v22 =	vtrunc.f32 v21  }
0x257: {  	v20 =	vcvt.f32.s32 v22;
	v7 =	vmax.f32 v7, $0.0e+00;
	v22 =	vmul.u32 $0x121, v19  }
0x258: {  	v23 =	vtrunc.f32 v8;
	v7 =	vmin.f32 v7, $1.000000000e+00;
	v19 =	vcvt.s32.f32 v19  }
0x259: {  	v24 =	vmul.u32 $0x11, v20;
	v20 =	vcvt.s32.f32 v20;
	[tilespmem:s12+$0xD490] =	vst v7;
	v7 =	vcvt.f32.s32 v23  }
0x25a: {  	v9 =	vsub.f32 v9, v19  }
0x25b: {  	v23 =	vld.idx.msk [tilespmem:v6+s4+$0x0], $0xffff;
	v19 =	vadd.s32 v22, v24;
	v20 =	vsub.f32 v21, v20;
	v22 =	vcvt.s32.f32 v7  }
0x25c: {  	v25 =	vld.idx.msk [tilespmem:v2+s4+$0x0], $0xffff  }
0x25d: {  	v28 =	vld.idx.msk [tilespmem:v12+s4+$0x0], $0xffff;
	v32 =	vadd.s32 v7, v19;
	v8 =	vsub.f32 v8, v22;
	v26 =	vmul.f32 v20, v9  }
0x25e: {  	v21 =	vld.idx.msk [tilespmem:v4+s4+$0x0], $0xffff;
	v19 =	vsub.f32 $1.000000000e+00, v9;
	v45 =	vadd.s32 $0x1, v32;
	v24 =	vsub.f32 $1.000000000e+00, v20  }
0x25f: {  	v7 =	vld.idx.msk [tilespmem:v5+s4+$0x0], $0xffff;
	v48 =	vadd.s32 $0x11, v32;
	v53 =	vmul.f32 v8, v26  }
0x260: {  	v46 =	vadd.s32 $0x12, v32;
	v22 =	vld.idx.msk [tilespmem:v13+s4+$0x0], $0xffff;
	v43 =	vadd.s32 $0x121, v32;
	v27 =	vmul.f32 v24, v19  }
0x261: {  	v19 =	vmul.f32 v20, v19;
	v20 =	vsub.f32 $1.000000000e+00, v8;
	v9 =	vmul.f32 v24, v9;
	v24 =	vld.idx.msk [tilespmem:v10+s4+$0x0], $0xffff;
	[tilespmem:$0x1FBF0] =	vst v53  }
0x262: {  	s21 =	simm.s32 $0x20;
	s16 =	simm.s32 $0x100;
	v23 =	vmul.f32 v23, v17;
	v25 =	vmul.f32 v25, v3;
	v29 =	vld.idx.msk [tilespmem:v11+s4+$0x0], $0xffff  }
0x263: {  	s17 =	sand.u32 $0x1000, s21;
	s14 =	sand.u32 $0xC00, s16;
	s16 =	simm.s32 $0x8;
	v56 =	vmul.f32 v27, v8;
	v44 =	vmul.f32 v20, v27;
	v27 =	vld.idx.msk [tilespmem:v45+s3+$0x0], $0xffff;
	[tilespmem:$0x1FC00] =	vst v45  }
0x264: {  	s14 =	sor.u32 s17, s14;
	s18 =	sand.u32 $0x380, s16;
	v40 =	vadd.s32 $0x122, v32;
	v63 =	vmul.f32 v8, v19;
	v58 =	vmul.f32 v20, v19;
	v19 =	vld.idx.msk [tilespmem:v48+s3+$0x0], $0xffff;
	[tilespmem:$0x1FC20] =	vst v48  }
0x265: {  	s13 =	sand.u32 $0x60, s21;
	s14 =	sor.u32 s18, s14;
	v28 =	vmul.f32 v28, v14;
	v21 =	vmul.f32 v21, v16;
	v30 =	vld.idx.msk [tilespmem:v46+s3+$0x0], $0xffff  }
0x266: {  	s13 =	sor.u32 s13, s14;
	v42 =	vadd.s32 $0x132, v32;
	v59 =	vmul.f32 v20, v9;
	v7 =	vmul.f32 v7, v18;
	v31 =	vld.idx.msk [tilespmem:v43+s3+$0x0], $0xffff;
	[tilespmem:$0x1FC70] =	vst v43  }
0x267: {  	v49 =	vadd.s32 $0x133, v32;
	v60 =	vmul.f32 v9, v8;
	v22 =	vmul.f32 v22, v15;
	v57 =	vld [tilespmem:s13+$0xF490]  }
0x268: {  	v8 =	vadd.f32 v21, v23;
	v24 =	vmul.f32 v24, v1;
	v55 =	vld [tilespmem:s13+$0xD490];
	v29 =	vmul.f32 v29, v0  }
0x269: {  	v61 =	vmul.f32 v20, v26;
	v7 =	vadd.f32 v25, v7;
	v20 =	vadd.f32 v28, v22;
	v22 =	vld.idx.msk [tilespmem:v40+s3+$0x0], $0xffff  }
0x26a: {  	v21 =	vadd.f32 v29, v24  }
0x26b: {  	v9 =	vld [tilespmem:s13+$0x11490];
	[tilespmem:$0x1FCB0] =	vst v40;
	v7 =	vadd.f32 v7, v8;
	v23 =	vmul.f32 v56, v27;
	v19 =	vmul.f32 v58, v19  }
0x26c: {  	v24 =	vld.idx.msk [tilespmem:v42+s3+$0x0], $0xffff;
	[tilespmem:$0x1FCD0] =	vst v42;
	v25 =	vmul.f32 v63, v30;
	v26 =	vmul.f32 $1.593750000e+01, v57;
	v8 =	vadd.f32 v21, v20  }
0x26d: {  	v62 =	vmul.f32 v59, v31;
	v20 =	vld.idx.msk [tilespmem:v49+s3+$0x0], $0xffff;
	[tilespmem:$0x1FCF0] =	vst v49;
	v21 =	vmul.f32 $1.593750000e+01, v55  }
0x26e: {  	v22 =	vmul.f32 v22, v60;
	v29 =	vtrunc.f32 v26;
	v30 =	vld [tilespmem:s13+$0xF480];
	v7 =	vadd.f32 v8, v7  }
0x26f: {  	v27 =	vld.idx.msk [tilespmem:v32+s3+$0x0], $0xffff;
	v28 =	vtrunc.f32 v21;
	v29 =	vcvt.f32.s32 v29  }
0x270: {  	v8 =	vmul.f32 $1.593750000e+01, v9;
	v9 =	vld [tilespmem:s13+$0xD480];
	v28 =	vcvt.f32.s32 v28;
	v7 =	vmax.f32 v7, $0.0e+00  }
0x271: {  	v24 =	vmul.f32 v24, v61;
	v47 =	vmul.u32 $0x11, v29;
	v7 =	vmin.f32 v7, $1.000000000e+00  }
0x272: {  	v31 =	vmul.u32 $0x121, v28;
	v20 =	vmul.f32 v20, v53;
	[tilespmem:s12+$0xF490] =	vst v7;
	v7 =	vtrunc.f32 v8  }
0x273: {  	v19 =	vadd.f32 v19, v25;
	v41 =	vmul.f32 $1.593750000e+01, v30;
	v6 =	vld.idx.msk [tilespmem:v6+s5+$0x0], $0xffff;
	v7 =	vcvt.f32.s32 v7;
	[tilespmem:$0x1FD50] =	vst v44  }
0x274: {  	v28 =	vcvt.s32.f32 v28;
	v25 =	vmul.f32 v44, v27;
	v27 =	vadd.s32 v31, v47;
	v4 =	vld.idx.msk [tilespmem:v4+s5+$0x0], $0xffff  }
0x275: {  	v9 =	vmul.f32 $1.593750000e+01, v9;
	v5 =	vld.idx.msk [tilespmem:v5+s5+$0x0], $0xffff;
	v52 =	vtrunc.f32 v41;
	v57 =	vadd.s32 v7, v27  }
0x276: {  	v2 =	vld.idx.msk [tilespmem:v2+s5+$0x0], $0xffff;
	v7 =	vcvt.s32.f32 v7;
	v27 =	vcvt.s32.f32 v29;
	v34 =	vadd.s32 $0x1, v57  }
0x277: {  	v13 =	vld.idx.msk [tilespmem:v13+s5+$0x0], $0xffff;
	v35 =	vadd.s32 $0x11, v57;
	v29 =	vadd.s32 $0x12, v57;
	v33 =	vadd.s32 $0x121, v57  }
0x278: {  	v10 =	vld.idx.msk [tilespmem:v10+s5+$0x0], $0xffff;
	v30 =	vadd.s32 $0x122, v57;
	v7 =	vsub.f32 v8, v7;
	v8 =	vsub.f32 v21, v28  }
0x279: {  	v21 =	vsub.f32 v26, v27;
	v27 =	vadd.s32 $0x132, v57;
	v6 =	vmul.f32 v6, v17  }
0x27a: {  	v28 =	vadd.s32 $0x133, v57;
	v4 =	vmul.f32 v4, v16;
	v5 =	vmul.f32 v5, v18;
	v16 =	vld.idx.msk [tilespmem:v57+s3+$0x0], $0xffff  }
0x27b: {  	v17 =	vsub.f32 $1.000000000e+00, v7;
	v18 =	vmul.f32 v21, v8;
	v37 =	vsub.f32 $1.000000000e+00, v8;
	v53 =	vld.idx.msk [tilespmem:v34+s3+$0x0], $0xffff  }
0x27c: {  	v50 =	vsub.f32 $1.000000000e+00, v21;
	v3 =	vmul.f32 v2, v3;
	v13 =	vmul.f32 v13, v15;
	v54 =	vld.idx.msk [tilespmem:v35+s3+$0x0], $0xffff  }
0x27d: {  	v22 =	vadd.f32 v22, v62;
	v1 =	vmul.f32 v10, v1;
	v55 =	vld.idx.msk [tilespmem:v29+s3+$0x0], $0xffff;
	v26 =	vmul.f32 v17, v18  }
0x27e: {  	v20 =	vadd.f32 v20, v24;
	v24 =	vld.idx.msk [tilespmem:v33+s3+$0x0], $0xffff;
	v62 =	vmul.f32 v50, v37;
	v47 =	vmul.f32 v7, v18  }
0x27f: {  	v18 =	vadd.f32 v23, v25;
	v23 =	vld.idx.msk [tilespmem:v30+s3+$0x0], $0xffff;
	v21 =	vmul.f32 v21, v37;
	v8 =	vmul.f32 v50, v8  }
0x280: {  	v20 =	vadd.f32 v20, v22;
	v22 =	vld.idx.msk [tilespmem:v27+s3+$0x0], $0xffff;
	v36 =	vmul.f32 v17, v62;
	v37 =	vmul.f32 v62, v7  }
0x281: {  	v18 =	vadd.f32 v19, v18;
	v19 =	vld.idx.msk [tilespmem:v28+s3+$0x0], $0xffff;
	v2 =	vmul.f32 v17, v21;
	v50 =	vmul.f32 v7, v21  }
0x282: {  	v38 =	vmul.f32 v17, v8;
	v39 =	vmul.f32 v8, v7  }
0x283: {  	v8 =	vld.idx.msk [tilespmem:v12+s5+$0x0], $0xffff;
	v12 =	vmul.f32 v36, v16;
	v16 =	vmul.f32 v37, v53  }
0x284: {  	v11 =	vld.idx.msk [tilespmem:v11+s5+$0x0], $0xffff;
	v7 =	vadd.f32 v20, v18;
	v17 =	vmul.f32 v2, v54;
	v18 =	vmul.f32 v50, v55  }
0x285: {  	v20 =	vmul.f32 v38, v24;
	v21 =	vmul.f32 v23, v39  }
0x286: {  	v7 =	vmax.f32 v7, $0.0e+00;
	v22 =	vmul.f32 v22, v26;
	v19 =	vmul.f32 v19, v47  }
0x287: {  	v23 =	vld [tilespmem:s13+$0x11480];
	v7 =	vmin.f32 v7, $1.000000000e+00;
	v12 =	vadd.f32 v16, v12;
	v15 =	vadd.f32 v17, v18  }
0x288: {  	[tilespmem:s12+$0xD480] =	vst v7;
	v7 =	vmul.f32 v8, v14;
	v8 =	vadd.f32 v21, v20;
	v14 =	vadd.f32 v19, v22  }
0x289: {  	v0 =	vmul.f32 v11, v0;
	v4 =	vadd.f32 v4, v6;
	v3 =	vadd.f32 v3, v5;
	v16 =	vld.idx.msk [tilespmem:v32+s4+$0x0], $0xffff  }
0x28a: {  	v51 =	vtrunc.f32 v9;
	v5 =	vld.idx.msk [tilespmem:v45+s4+$0x0], $0xffff;
	v6 =	vadd.f32 v15, v12;
	v8 =	vadd.f32 v14, v8  }
0x28b: {  	v11 =	vcvt.f32.s32 v51;
	v0 =	vadd.f32 v0, v1;
	v12 =	vld.idx.msk [tilespmem:v48+s4+$0x0], $0xffff;
	v7 =	vadd.f32 v7, v13  }
0x28c: {  	v1 =	vcvt.f32.s32 v52;
	v15 =	vld.idx.msk [tilespmem:v40+s4+$0x0], $0xffff;
	v10 =	vmul.f32 $1.593750000e+01, v23;
	v6 =	vadd.f32 v8, v6  }
0x28d: {  	v3 =	vadd.f32 v3, v4;
	v4 =	vmul.u32 $0x121, v11;
	v18 =	vld.idx.msk [tilespmem:v42+s4+$0x0], $0xffff;
	v0 =	vadd.f32 v0, v7  }
0x28e: {  	v17 =	vmul.u32 $0x11, v1;
	v13 =	vld.idx.msk [tilespmem:v46+s4+$0x0], $0xffff;
	v14 =	vtrunc.f32 v10;
	v6 =	vmax.f32 v6, $0.0e+00  }
0x28f: {  	v7 =	vld.idx.msk [tilespmem:v49+s4+$0x0], $0xffff;
	v14 =	vcvt.f32.s32 v14;
	v0 =	vadd.f32 v0, v3;
	v6 =	vmin.f32 v6, $1.000000000e+00  }
0x290: {  	v4 =	vadd.s32 v4, v17;
	v8 =	vld.idx.msk [tilespmem:v43+s4+$0x0], $0xffff;
	[tilespmem:s13+$0xD490] =	vst v6  }
0x291: {  	v54 =	vadd.s32 v14, v4;
	v4 =	vld.idx.msk [tilespmem:v57+s4+$0x0], $0xffff;
	[tilespmem:$0x1FD60] =	vst v0  }
0x292: {  	v11 =	vcvt.s32.f32 v11;
	v1 =	vcvt.s32.f32 v1;
	v3 =	vld.idx.msk [tilespmem:v34+s4+$0x0], $0xffff  }
0x293: {  	v16 =	vmul.f32 v16, v44;
	v0 =	vcvt.s32.f32 v14;
	v14 =	vld.idx.msk [tilespmem:v35+s4+$0x0], $0xffff  }
0x294: {  	v1 =	vsub.f32 v41, v1;
	v5 =	vmul.f32 v5, v56;
	v12 =	vmul.f32 v12, v58;
	v19 =	vld.idx.msk [tilespmem:v29+s4+$0x0], $0xffff  }
0x295: {  	v15 =	vmul.f32 v15, v60;
	v24 =	vadd.s32 $0x1, v54;
	v6 =	vsub.f32 v9, v11;
	v20 =	vld.idx.msk [tilespmem:v33+s4+$0x0], $0xffff;
	[tilespmem:$0x1FB90] =	vst v56  }
0x296: {  	v18 =	vmul.f32 v18, v61;
	v13 =	vmul.f32 v13, v63;
	v62 =	vadd.s32 $0x11, v54;
	v21 =	vld.idx.msk [tilespmem:v30+s4+$0x0], $0xffff  }
0x297: {  	v11 =	vsub.f32 $1.000000000e+00, v1;
	v8 =	vmul.f32 v8, v59;
	v9 =	vsub.f32 $1.000000000e+00, v6;
	v22 =	vld.idx.msk [tilespmem:v27+s4+$0x0], $0xffff;
	[tilespmem:$0x1FBA0] =	vst v58  }
0x298: {  	v42 =	vadd.s32 $0x12, v54;
	v17 =	vmul.f32 v1, v6;
	v0 =	vsub.f32 v10, v0;
	v23 =	vld.idx.msk [tilespmem:v28+s4+$0x0], $0xffff;
	[tilespmem:$0x1FBB0] =	vst v63  }
0x299: {  	v5 =	vadd.f32 v5, v16;
	v6 =	vmul.f32 v11, v6;
	v10 =	vmul.f32 v11, v9;
	[tilespmem:$0x1FBC0] =	vst v59  }
0x29a: {  	v56 =	vadd.s32 $0x133, v54;
	v1 =	vmul.f32 v1, v9;
	v9 =	vsub.f32 $1.000000000e+00, v0;
	v16 =	vld.idx.msk [tilespmem:v24+s3+$0x0], $0xffff;
	[tilespmem:$0x1FBD0] =	vst v60  }
0x29b: {  	s15 =	simm.s32 $0x40;
	s16 =	simm.s32 $0x200;
	v48 =	vadd.s32 $0x121, v54;
	[tilespmem:$0x1FBE0] =	vst v61;
	v49 =	vmul.f32 v10, v0;
	v4 =	vmul.f32 v4, v36  }
0x29c: {  	s19 =	sand.u32 $0x1000, s15;
	s17 =	simm.s32 $0x10;
	s18 =	sand.u32 $0xC00, s16;
	v12 =	vadd.f32 v13, v12;
	v41 =	vld.idx.msk [tilespmem:v62+s3+$0x0], $0xffff;
	v31 =	vmul.f32 v9, v10;
	v3 =	vmul.f32 v3, v37  }
0x29d: {  	s21 =	sand.u32 $0x380, s17;
	s14 =	sor.u32 s19, s18;
	v25 =	vmovc v26;
	v8 =	vadd.f32 v15, v8;
	v13 =	vmul.f32 v14, v2;
	v14 =	vmul.f32 v19, v50;
	v10 =	vld [tilespmem:$0x1FBF0]  }
0x29e: {  	s19 =	sand.u32 $0x60, s15;
	s14 =	sor.u32 s21, s14;
	v44 =	vadd.s32 $0x132, v54;
	v58 =	vmovc v24;
	v51 =	vld.idx.msk [tilespmem:v42+s3+$0x0], $0xffff;
	v24 =	vmul.f32 v9, v6;
	v15 =	vmul.f32 v21, v39  }
0x29f: {  	s14 =	sor.u32 s19, s14;
	v55 =	vmovc v46;
	v46 =	vadd.s32 $0x122, v54;
	v40 =	vld.idx.msk [tilespmem:v56+s3+$0x0], $0xffff;
	v19 =	vmul.f32 v22, v26;
	v26 =	vmul.f32 v6, v0  }
0x2a0: {  	v6 =	vld [tilespmem:s14+$0xD490];
	v3 =	vadd.f32 v3, v4;
	v4 =	vmul.f32 v20, v38;
	v21 =	vmul.f32 v23, v47  }
0x2a1: {  	v63 =	vmul.f32 v0, v17;
	v43 =	vmul.f32 v0, v1;
	v0 =	vld [tilespmem:s14+$0x11490];
	v14 =	vadd.f32 v14, v13  }
0x2a2: {  	v52 =	vld.idx.msk [tilespmem:v48+s3+$0x0], $0xffff;
	v4 =	vadd.f32 v15, v4;
	v21 =	vadd.f32 v21, v19;
	v7 =	vmul.f32 v7, v10  }
0x2a3: {  	v45 =	vmul.f32 v9, v17;
	v22 =	vld.idx.msk [tilespmem:v44+s3+$0x0], $0xffff;
	v3 =	vadd.f32 v14, v3;
	v14 =	vmul.f32 v43, v51  }
0x2a4: {  	v20 =	vld.idx.msk [tilespmem:v46+s3+$0x0], $0xffff;
	v10 =	vmul.f32 v9, v1;
	v4 =	vadd.f32 v21, v4;
	v7 =	vadd.f32 v7, v18  }
0x2a5: {  	v5 =	vadd.f32 v12, v5;
	v9 =	vld [tilespmem:s14+$0xF490];
	v17 =	vmul.f32 v40, v63;
	v6 =	vmul.f32 $1.593750000e+01, v6  }
0x2a6: {  	v1 =	vld.idx.msk [tilespmem:v54+s3+$0x0], $0xffff;
	v0 =	vmul.f32 $1.593750000e+01, v0;
	v3 =	vadd.f32 v4, v3;
	v7 =	vadd.f32 v7, v8  }
0x2a7: {  	v12 =	vmul.f32 v10, v41;
	v18 =	vtrunc.f32 v6  }
0x2a8: {  	v8 =	vmul.f32 v49, v16;
	v3 =	vmax.f32 v3, $0.0e+00;
	v4 =	vadd.f32 v7, v5  }
0x2a9: {  	v5 =	vmul.f32 v24, v52;
	v7 =	vmul.f32 v20, v26;
	v3 =	vmin.f32 v3, $1.000000000e+00  }
0x2aa: {  	v16 =	vmul.f32 v22, v45;
	v12 =	vadd.f32 v12, v14;
	v14 =	vld [tilespmem:s14+$0xD480];
	[tilespmem:s13+$0xF490] =	vst v3;
	v3 =	vmul.f32 $1.593750000e+01, v9  }
0x2ab: {  	v18 =	vcvt.f32.s32 v18;
	v1 =	vmul.f32 v31, v1;
	v5 =	vadd.f32 v7, v5;
	v7 =	vld.idx.msk [tilespmem:v57+s5+$0x0], $0xffff  }
0x2ac: {  	v16 =	vadd.f32 v17, v16;
	v9 =	vtrunc.f32 v0;
	v17 =	vld.idx.msk [tilespmem:v34+s5+$0x0], $0xffff;
	v20 =	vtrunc.f32 v3  }
0x2ad: {  	v21 =	vld.idx.msk [tilespmem:v35+s5+$0x0], $0xffff;
	v9 =	vcvt.f32.s32 v9;
	v20 =	vcvt.f32.s32 v20  }
0x2ae: {  	v1 =	vadd.f32 v8, v1;
	v8 =	vld.idx.msk [tilespmem:v29+s5+$0x0], $0xffff  }
0x2af: {  	v29 =	vmul.u32 $0x121, v18;
	v27 =	vld.idx.msk [tilespmem:v27+s5+$0x0], $0xffff;
	v22 =	vcvt.s32.f32 v9;
	v11 =	vmul.u32 $0x11, v20  }
0x2b0: {  	v4 =	vmax.f32 v4, $0.0e+00;
	v18 =	vcvt.s32.f32 v18;
	v5 =	vadd.f32 v16, v5;
	v16 =	vld.idx.msk [tilespmem:v33+s5+$0x0], $0xffff  }
0x2b1: {  	v28 =	vld.idx.msk [tilespmem:v28+s5+$0x0], $0xffff;
	v4 =	vmin.f32 v4, $1.000000000e+00;
	v0 =	vsub.f32 v0, v22;
	v22 =	vadd.s32 v29, v11  }
0x2b2: {  	v1 =	vadd.f32 v12, v1;
	v12 =	vld.idx.msk [tilespmem:v30+s5+$0x0], $0xffff;
	[tilespmem:s12+$0xF480] =	vst v4;
	v20 =	vcvt.s32.f32 v20;
	v41 =	vadd.s32 v9, v22  }
0x2b3: {  	v6 =	vsub.f32 v6, v18;
	v53 =	vadd.s32 $0x1, v41;
	v11 =	vmov v24;
	v24 =	vld [tilespmem:$0x1FC00]  }
0x2b4: {  	v18 =	vld [tilespmem:s14+$0xF480];
	v7 =	vmul.f32 v7, v36;
	v3 =	vsub.f32 v3, v20;
	v29 =	vadd.s32 $0x11, v41  }
0x2b5: {  	v20 =	vld [tilespmem:s14+$0x11480];
	v9 =	vmul.f32 v17, v37;
	v16 =	vmul.f32 v16, v38;
	v38 =	vadd.s32 $0x12, v41  }
0x2b6: {  	v1 =	vadd.f32 v5, v1;
	v17 =	vmul.f32 v21, v2;
	v2 =	vmul.f32 v27, v25;
	v25 =	vld.idx.msk [tilespmem:v32+s5+$0x0], $0xffff  }
0x2b7: {  	v12 =	vmul.f32 v12, v39;
	v21 =	vsub.f32 $1.000000000e+00, v6;
	v35 =	vadd.s32 $0x121, v41;
	v57 =	vld.idx.msk [tilespmem:v41+s3+$0x0], $0xffff  }
0x2b8: {  	v59 =	vsub.f32 $1.000000000e+00, v0;
	v22 =	vsub.f32 $1.000000000e+00, v3;
	v30 =	vadd.s32 $0x122, v41;
	v60 =	vld.idx.msk [tilespmem:v53+s3+$0x0], $0xffff  }
0x2b9: {  	v27 =	vmul.f32 v3, v6;
	v15 =	vadd.s32 $0x132, v41;
	v3 =	vmul.f32 v3, v21;
	v4 =	vld.idx.msk [tilespmem:v29+s3+$0x0], $0xffff  }
0x2ba: {  	v40 =	vadd.s32 $0x133, v41;
	v61 =	vmul.f32 v22, v21;
	v6 =	vmul.f32 v22, v6;
	v5 =	vld.idx.msk [tilespmem:v38+s3+$0x0], $0xffff  }
0x2bb: {  	v21 =	vmul.f32 v59, v27;
	v27 =	vmul.f32 v0, v27;
	v24 =	vld.idx.msk [tilespmem:v24+s5+$0x0], $0xffff  }
0x2bc: {  	v23 =	vmul.f32 v59, v3;
	v19 =	vmul.f32 v0, v3;
	v3 =	vld.idx.msk [tilespmem:v35+s3+$0x0], $0xffff  }
0x2bd: {  	v32 =	vmul.f32 v61, v0;
	v33 =	vmul.f32 v6, v0;
	v0 =	vld.idx.msk [tilespmem:v30+s3+$0x0], $0xffff  }
0x2be: {  	v13 =	vmul.f32 v59, v6;
	v6 =	vadd.f32 v12, v16;
	v16 =	vld.idx.msk [tilespmem:v15+s3+$0x0], $0xffff  }
0x2bf: {  	v7 =	vadd.f32 v9, v7;
	v9 =	vmul.f32 $1.593750000e+01, v18;
	v18 =	vld.idx.msk [tilespmem:v40+s3+$0x0], $0xffff  }
0x2c0: {  	[tilespmem:$0x1FC10] =	vst v24;
	v24 =	vld [tilespmem:$0x1FC20];
	_ =	sdelay $0x7  }
0x2c1: {  	v24 =	vld.idx.msk [tilespmem:v24+s5+$0x0], $0xffff;
	_ =	sdelay $0x3  }
0x2c2: {  	v8 =	vmul.f32 v8, v50;
	v1 =	vmax.f32 v1, $0.0e+00  }
0x2c3: {  	v1 =	vmin.f32 v1, $1.000000000e+00;
	v4 =	vmul.f32 v23, v4;
	v5 =	vmul.f32 v19, v5;
	[tilespmem:$0x1FC30] =	vst v24  }
0x2c4: {  	v8 =	vadd.f32 v8, v17;
	[tilespmem:s13+$0xD480] =	vst v1  }
0x2c5: {  	v37 =	vmul.f32 v59, v61;
	v4 =	vadd.f32 v4, v5;
	v5 =	vld [tilespmem:$0x1FC70]  }
0x2c6: {  	v17 =	vmul.f32 $1.593750000e+01, v20;
	v1 =	vadd.f32 v8, v7;
	v7 =	vld.idx.msk [tilespmem:v55+s5+$0x0], $0xffff  }
0x2c7: {  	v20 =	vmul.f32 v37, v57;
	v22 =	vmul.f32 v32, v60  }
0x2c8: {  	v47 =	vmul.f32 v28, v47  }
0x2c9: {  	v8 =	vadd.f32 v22, v20  }
0x2ca: {  	v2 =	vadd.f32 v47, v2;
	[tilespmem:$0x1FC50] =	vst v54  }
0x2cb: {  	v4 =	vadd.f32 v4, v8;
	v8 =	vld [tilespmem:$0x1FCB0];
	[tilespmem:$0x1FC40] =	vst v7;
	v7 =	vtrunc.f32 v9  }
0x2cc: {  	v2 =	vadd.f32 v2, v6;
	v6 =	vcvt.f32.s32 v7;
	v7 =	vld.idx.msk [tilespmem:v54+s4+$0x0], $0xffff;
	[tilespmem:$0x1FC60] =	vst v58  }
0x2cd: {  	v3 =	vmul.f32 v13, v3;
	v0 =	vmul.f32 v0, v33;
	v5 =	vld.idx.msk [tilespmem:v5+s5+$0x0], $0xffff  }
0x2ce: {  	v16 =	vmul.f32 v16, v21;
	v18 =	vmul.f32 v18, v27;
	_ =	sdelay $0x1  }
0x2cf: {  	v0 =	vadd.f32 v0, v3;
	v3 =	vadd.f32 v18, v16  }
0x2d0: {  	v20 =	vld.idx.msk [tilespmem:v58+s4+$0x0], $0xffff;
	[tilespmem:$0x1FC90] =	vst v62  }
0x2d1: {  	v14 =	vmul.f32 $1.593750000e+01, v14;
	v0 =	vadd.f32 v3, v0;
	v3 =	vld [tilespmem:$0x1FCD0];
	[tilespmem:$0x1FC80] =	vst v5  }
0x2d2: {  	v16 =	vld.idx.msk [tilespmem:v62+s4+$0x0], $0xffff;
	[tilespmem:$0x1FCA0] =	vst v42  }
0x2d3: {  	v12 =	vtrunc.f32 v14;
	v8 =	vld.idx.msk [tilespmem:v8+s5+$0x0], $0xffff  }
0x2d4: {  	v12 =	vcvt.f32.s32 v12;
	_ =	sdelay $0x1  }
0x2d5: {  	v5 =	vcvt.s32.f32 v12  }
0x2d6: {  	v18 =	vtrunc.f32 v17;
	v47 =	vadd.f32 v2, v1;
	v1 =	vld [tilespmem:$0x1FCF0]  }
0x2d7: {  	v5 =	vsub.f32 v14, v5;
	v14 =	vcvt.f32.s32 v18;
	v18 =	vld.idx.msk [tilespmem:v42+s4+$0x0], $0xffff;
	[tilespmem:$0x1FCC0] =	vst v8  }
0x2d8: {  	v3 =	vld.idx.msk [tilespmem:v3+s5+$0x0], $0xffff;
	_ =	sdelay $0x4  }
0x2d9: {  	[tilespmem:$0x1FCE0] =	vst v3  }
0x2da: {  	v22 =	vcvt.s32.f32 v6;
	v1 =	vld.idx.msk [tilespmem:v1+s5+$0x0], $0xffff;
	_ =	sdelay $0x1  }
0x2db: {  	v9 =	vsub.f32 v9, v22  }
0x2dc: {  	v0 =	vadd.f32 v0, v4  }
0x2dd: {  	v22 =	vsub.f32 $1.000000000e+00, v9;
	v8 =	vsub.f32 $1.000000000e+00, v5;
	[tilespmem:$0x1FD10] =	vst v48  }
0x2de: {  	v0 =	vmax.f32 v0, $0.0e+00;
	v3 =	vcvt.s32.f32 v14;
	[tilespmem:$0x1FD00] =	vst v1  }
0x2df: {  	v0 =	vmin.f32 v0, $1.000000000e+00;
	v4 =	vmul.f32 v9, v8;
	v1 =	vmul.f32 v22, v8;
	v8 =	vld.idx.msk [tilespmem:v48+s4+$0x0], $0xffff;
	[tilespmem:$0x1FD20] =	vst v46  }
0x2e0: {  	v2 =	vmul.f32 v9, v5;
	v9 =	vmul.u32 $0x121, v12;
	v3 =	vsub.f32 v17, v3;
	v12 =	vld.idx.msk [tilespmem:v46+s4+$0x0], $0xffff;
	[tilespmem:$0x1FD30] =	vst v44  }
0x2e1: {  	v6 =	vmul.u32 $0x11, v6;
	v7 =	vmul.f32 v7, v31;
	[tilespmem:s14+$0xD490] =	vst v0  }
0x2e2: {  	v20 =	vmul.f32 v20, v49;
	v5 =	vmul.f32 v22, v5;
	v22 =	vsub.f32 $1.000000000e+00, v3;
	v17 =	vld.idx.msk [tilespmem:v44+s4+$0x0], $0xffff;
	[tilespmem:$0x1FD40] =	vst v56  }
0x2e3: {  	v50 =	vmov v21;
	v62 =	vmul.f32 v3, v4;
	v57 =	vmul.f32 v3, v2;
	v42 =	vld.idx.msk [tilespmem:v56+s4+$0x0], $0xffff  }
0x2e4: {  	v6 =	vadd.s32 v9, v6;
	v58 =	vmul.f32 v5, v3;
	v61 =	vmul.f32 v22, v4;
	v34 =	vld.idx.msk [tilespmem:v41+s4+$0x0], $0xffff  }
0x2e5: {  	v46 =	vadd.s32 v14, v6;
	v60 =	vmul.f32 v22, v5;
	v59 =	vmul.f32 v22, v2;
	v21 =	vld.idx.msk [tilespmem:v53+s4+$0x0], $0xffff  }
0x2e6: {  	v6 =	vadd.f32 v20, v7;
	v2 =	vmul.f32 v16, v10;
	v0 =	vmul.f32 v1, v3;
	v20 =	vld.idx.msk [tilespmem:v29+s4+$0x0], $0xffff  }
0x2e7: {  	v1 =	vmul.f32 v22, v1;
	v3 =	vmul.f32 v18, v43;
	v44 =	vadd.s32 $0x12, v46;
	v22 =	vld.idx.msk [tilespmem:v38+s4+$0x0], $0xffff  }
0x2e8: {  	v56 =	vmovc v10;
	v10 =	vadd.s32 $0x11, v46;
	v18 =	vld.idx.msk [tilespmem:v35+s4+$0x0], $0xffff;
	v4 =	vmul.f32 v8, v11;
	v5 =	vmul.f32 v12, v26  }
0x2e9: {  	v52 =	vmovc v63;
	v3 =	vadd.f32 v3, v2;
	v2 =	vld [tilespmem:$0x1FD50];
	v9 =	vmul.f32 v17, v45;
	v12 =	vmul.f32 v42, v63  }
0x2ea: {  	v28 =	vmovc v53;
	v36 =	vmovc v29;
	v53 =	vmov v26;
	v14 =	vld.idx.msk [tilespmem:v30+s4+$0x0], $0xffff;
	v26 =	vmov v30;
	v30 =	vmov v15  }
0x2eb: {  	v39 =	vmovc v35;
	v48 =	vmovc v11;
	v11 =	vadd.s32 $0x122, v46;
	v4 =	vadd.f32 v5, v4;
	v5 =	vadd.f32 v12, v9;
	v9 =	vld [tilespmem:$0x1FD60]  }
0x2ec: {  	v24 =	vmovc v49;
	v55 =	vmovc v27;
	v27 =	vmov v40;
	v47 =	vmax.f32 v47, $0.0e+00;
	v49 =	vadd.s32 $0x1, v46;
	v8 =	vld.idx.msk [tilespmem:v40+s4+$0x0], $0xffff  }
0x2ed: {  	v54 =	vmovc v45;
	v51 =	vmovc v49;
	v29 =	vmov v38;
	v15 =	vadd.s32 $0x121, v46;
	v3 =	vadd.f32 v3, v6;
	v6 =	vld.idx.msk [tilespmem:v10+s3+$0x0], $0xffff  }
0x2ee: {  	v38 =	vmovc v37;
	v40 =	vmovc v19;
	v35 =	vmov v10;
	v45 =	vmov v11;
	v2 =	vmul.f32 v25, v2;
	v63 =	vld.idx.msk [tilespmem:v44+s3+$0x0], $0xffff  }
0x2ef: {  	v16 =	vmul.f32 v34, v37;
	v37 =	vmovc v32;
	v17 =	vmul.f32 v21, v32;
	v21 =	vmin.f32 v47, $1.000000000e+00;
	v7 =	vld.idx.msk [tilespmem:v30+s4+$0x0], $0xffff  }
0x2f0: {  	v20 =	vmul.f32 v20, v23;
	[tilespmem:s13+$0x11490] =	vst v21;
	v21 =	vmul.f32 v14, v33;
	v14 =	vld.idx.msk [tilespmem:v11+s3+$0x0], $0xffff;
	v12 =	vmax.f32 v9, $0.0e+00  }
0x2f1: {  	v32 =	vmovc v23;
	v10 =	vmovc v44;
	v22 =	vmul.f32 v22, v19;
	v42 =	vmov v13;
	v9 =	vld.idx.msk [tilespmem:v49+s3+$0x0], $0xffff;
	v12 =	vmin.f32 v12, $1.000000000e+00  }
0x2f2: {  	v18 =	vmul.f32 v18, v13;
	v44 =	vmovc v15;
	v23 =	vadd.s32 $0x133, v46;
	v49 =	vadd.s32 $0x132, v46;
	[tilespmem:s12+$0x11490] =	vst v12;
	v12 =	vld.idx.msk [tilespmem:v15+s3+$0x0], $0xffff  }
.LBB2_6:
0x2f3: {  	v4 =	vadd.f32 v5, v4  }
0x2f4: {  	v13 =	vld [tilespmem:$0x1FC10]  }
0x2f5: {  	v3 =	vadd.f32 v4, v3;
	v4 =	vld [tilespmem:$0x1FB90];
	_ =	sdelay $0x1  }
0x2f6: {  	v11 =	vld.idx.msk [tilespmem:v49+s3+$0x0], $0xffff;
	v7 =	vmul.f32 v7, v50  }
0x2f7: {  	v16 =	vadd.f32 v17, v16;
	v17 =	vadd.f32 v22, v20;
	v20 =	vld.idx.msk [tilespmem:v46+s3+$0x0], $0xffff;
	v3 =	vmax.f32 v3, $0.0e+00  }
0x2f8: {  	v8 =	vmul.f32 v8, v55;
	v5 =	vmul.f32 v0, v9;
	v9 =	vld.idx.msk [tilespmem:v23+s3+$0x0], $0xffff;
	v3 =	vmin.f32 v3, $1.000000000e+00  }
0x2f9: {  	[tilespmem:s13+$0xF480] =	vst v3;
	v3 =	vld [tilespmem:$0x1FBA0];
	v4 =	vmul.f32 v13, v4;
	v13 =	vmov v0  }
0x2fa: {  	v18 =	vadd.f32 v21, v18;
	v7 =	vadd.f32 v8, v7;
	[tilespmem:$0x1FB20] =	vst v13;
	v13 =	vld [tilespmem:$0x1FC30];
	_ =	sdelay $0x1  }
0x2fb: {  	v16 =	vadd.f32 v17, v16;
	v7 =	vadd.f32 v7, v18  }
0x2fc: {  	v15 =	vmov v1  }
0x2fd: {  	[tilespmem:$0x1FB10] =	vst v15;
	v7 =	vadd.f32 v7, v16;
	v16 =	vmul.f32 v15, v20;
	v15 =	vld [tilespmem:$0x1FC40]  }
0x2fe: {  	v3 =	vmul.f32 v13, v3;
	v13 =	vld [tilespmem:$0x1FBB0];
	_ =	sdelay $0x1  }
0x2ff: {  	v8 =	vmov v31  }
0x300: {  	s15 =	sadd.s32 $0x20, s15;
	s16 =	sadd.s32 $0x100, s16;
	[tilespmem:$0x1FB80] =	vst v8;
	v8 =	vmul.f32 v11, v59;
	v9 =	vmul.f32 v9, v57  }
0x301: {  	s17 =	sadd.s32 $0x8, s17;
	s18 =	sand.u32 $0x1000, s15;
	s19 =	sand.u32 $0xC00, s16  }
0x302: {  	s18 =	sor.u32 s18, s19;
	s19 =	sand.u32 $0x380, s17;
	v8 =	vadd.f32 v9, v8;
	v9 =	vld [tilespmem:$0x1FBC0];
	v17 =	vmul.f32 v15, v13;
	v13 =	vmov v62  }
0x303: {  	s21 =	sand.u32 $0x60, s15;
	s18 =	sor.u32 s19, s18;
	[tilespmem:$0x1FB40] =	vst v13;
	v13 =	vld [tilespmem:$0x1FC80]  }
0x304: {  	s18 =	sor.u32 s21, s18  }
0x305: {  	v1 =	vld [tilespmem:s18+$0xD490]  }
0x306: {  	v11 =	vld [tilespmem:s18+$0xF490];
	v7 =	vmax.f32 v7, $0.0e+00  }
0x307: {  	v0 =	vld [tilespmem:s18+$0x11490];
	v7 =	vmin.f32 v7, $1.000000000e+00  }
0x308: {  	[tilespmem:s14+$0xF490] =	vst v7;
	v7 =	vld [tilespmem:$0x1FBD0];
	v9 =	vmul.f32 v13, v9;
	v13 =	vmov v56  }
0x309: {  	v6 =	vmul.f32 v61, v6;
	v21 =	vmul.f32 v62, v63;
	[tilespmem:$0x1FBA0] =	vst v13;
	v13 =	vld [tilespmem:$0x1FCC0]  }
0x30a: {  	v12 =	vmul.f32 v60, v12;
	v14 =	vmul.f32 v14, v58;
	v18 =	vld [tilespmem:s18+$0xF480]  }
0x30b: {  	v6 =	vadd.f32 v6, v21;
	v30 =	vld.idx.msk [tilespmem:v30+s5+$0x0], $0xffff  }
0x30c: {  	v12 =	vadd.f32 v14, v12;
	v14 =	vld [tilespmem:s18+$0xD480];
	v15 =	vmov v43  }
0x30d: {  	v5 =	vadd.f32 v5, v16;
	[tilespmem:$0x1FBB0] =	vst v15;
	v15 =	vld [tilespmem:$0x1FCE0]  }
0x30e: {  	v7 =	vmul.f32 v13, v7;
	v13 =	vld [tilespmem:$0x1FBE0]  }
0x30f: {  	v19 =	vmovc v50;
	v21 =	vmul.f32 $1.593750000e+01, v1;
	v1 =	vadd.f32 v6, v5;
	v6 =	vmovc v57;
	v57 =	vmul.f32 $1.593750000e+01, v18;
	v18 =	vld.idx.msk [tilespmem:v26+s5+$0x0], $0xffff  }
0x310: {  	v26 =	vmul.f32 v30, v19;
	v19 =	vld [tilespmem:$0x1FC90]  }
0x311: {  	v20 =	vld [tilespmem:s18+$0x11480];
	v8 =	vadd.f32 v8, v12  }
0x312: {  	v22 =	vmov v24;
	v16 =	vmul.f32 $1.593750000e+01, v0;
	v0 =	vld [tilespmem:$0x1FBF0]  }
0x313: {  	[tilespmem:$0x1FB90] =	vst v22;
	v1 =	vadd.f32 v8, v1;
	v50 =	vmul.f32 v15, v13;
	v13 =	vld [tilespmem:$0x1FD00]  }
0x314: {  	v22 =	vadd.f32 v4, v2;
	v2 =	vmov v53;
	[tilespmem:$0x1FB70] =	vst v6;
	v31 =	vld.idx.msk [tilespmem:v39+s5+$0x0], $0xffff  }
0x315: {  	v11 =	vmul.f32 $1.593750000e+01, v11;
	[tilespmem:$0x1FBD0] =	vst v2;
	v4 =	vmov v60;
	v12 =	vld.idx.msk [tilespmem:v41+s5+$0x0], $0xffff;
	v1 =	vmax.f32 v1, $0.0e+00  }
0x316: {  	v5 =	vld.idx.msk [tilespmem:v28+s5+$0x0], $0xffff;
	v2 =	vtrunc.f32 v21;
	[tilespmem:$0x1FB60] =	vst v4;
	v6 =	vtrunc.f32 v16;
	v1 =	vmin.f32 v1, $1.000000000e+00  }
0x317: {  	v4 =	vtrunc.f32 v11;
	v8 =	vld.idx.msk [tilespmem:v29+s5+$0x0], $0xffff;
	v6 =	vcvt.f32.s32 v6;
	[tilespmem:s14+$0xD480] =	vst v1  }
0x318: {  	v2 =	vcvt.f32.s32 v2;
	v19 =	vld.idx.msk [tilespmem:v19+s5+$0x0], $0xffff;
	v25 =	vmul.f32 v13, v0;
	v0 =	vmov v48  }
0x319: {  	v28 =	vcvt.s32.f32 v6;
	[tilespmem:$0x1FBC0] =	vst v0;
	v0 =	vmul.f32 $1.593750000e+01, v14;
	v14 =	vld.idx.msk [tilespmem:v36+s5+$0x0], $0xffff  }
0x31a: {  	v29 =	vld.idx.msk [tilespmem:v27+s5+$0x0], $0xffff;
	v63 =	vmul.f32 v31, v42;
	v12 =	vmul.f32 v12, v38  }
0x31b: {  	v18 =	vmul.f32 v18, v33;
	v16 =	vsub.f32 v16, v28;
	v28 =	vmul.f32 v5, v37  }
0x31c: {  	v8 =	vmul.f32 v8, v40;
	v17 =	vadd.f32 v17, v3;
	v3 =	vcvt.f32.s32 v4  }
0x31d: {  	v18 =	vadd.f32 v18, v63;
	v4 =	vcvt.s32.f32 v2;
	v2 =	vmul.u32 $0x121, v2  }
0x31e: {  	v34 =	vcvt.s32.f32 v3;
	v3 =	vmul.u32 $0x11, v3;
	[tilespmem:$0x1FC30] =	vst v19;
	v19 =	vld [tilespmem:$0x1FCA0];
	v14 =	vmul.f32 v14, v32  }
0x31f: {  	v27 =	vmul.f32 v29, v55;
	v12 =	vadd.f32 v28, v12;
	v21 =	vsub.f32 v21, v4  }
0x320: {  	v11 =	vsub.f32 v11, v34;
	v2 =	vadd.s32 v2, v3;
	v8 =	vadd.f32 v8, v14  }
0x321: {  	v26 =	vadd.f32 v27, v26;
	v39 =	vsub.f32 $1.000000000e+00, v16;
	v41 =	vadd.s32 v6, v2  }
0x322: {  	v2 =	vld.idx.msk [tilespmem:v35+s4+$0x0], $0xffff;
	v27 =	vmul.f32 v11, v21;
	v37 =	vsub.f32 $1.000000000e+00, v11;
	v8 =	vadd.f32 v8, v12  }
0x323: {  	v12 =	vadd.f32 v26, v18;
	v18 =	vmul.f32 $1.593750000e+01, v20;
	v20 =	vsub.f32 $1.000000000e+00, v21  }
0x324: {  	v40 =	vadd.s32 $0x11, v41;
	v24 =	vmul.f32 v39, v27;
	v7 =	vadd.f32 v7, v9  }
0x325: {  	v8 =	vadd.f32 v12, v8;
	v12 =	vmul.f32 v37, v20;
	v9 =	vmul.f32 v11, v20  }
0x326: {  	v38 =	vadd.s32 $0x12, v41;
	v27 =	vmul.f32 v16, v27;
	v19 =	vld.idx.msk [tilespmem:v19+s5+$0x0], $0xffff;
	v11 =	vmul.f32 v37, v21  }
0x327: {  	[tilespmem:$0x1FB30] =	vst v2;
	v2 =	vld.idx.msk [tilespmem:v10+s4+$0x0], $0xffff;
	v32 =	vmul.f32 v12, v16;
	v26 =	vmul.f32 v16, v9  }
0x328: {  	v30 =	vadd.s32 $0x122, v41;
	v33 =	vmul.f32 v39, v11;
	v11 =	vmul.f32 v11, v16;
	v16 =	vld [tilespmem:$0x1FC60]  }
0x329: {  	v62 =	vadd.s32 $0x1, v41  }
0x32a: {  	v55 =	vld.idx.msk [tilespmem:v40+s3+$0x0], $0xffff  }
0x32b: {  	v56 =	vmov v59;
	v59 =	vld.idx.msk [tilespmem:v38+s3+$0x0], $0xffff;
	v13 =	vmov v52;
	[tilespmem:$0x1FC40] =	vst v19;
	v19 =	vmov v51  }
0x32c: {  	v34 =	vadd.s32 $0x121, v41;
	[tilespmem:$0x1FC60] =	vst v19;
	v19 =	vld [tilespmem:$0x1FD10]  }
0x32d: {  	v42 =	vld.idx.msk [tilespmem:v30+s3+$0x0], $0xffff;
	[tilespmem:$0x1FB50] =	vst v2;
	v2 =	vadd.s32 $0x132, v41  }
0x32e: {  	v3 =	vadd.s32 $0x133, v41;
	[tilespmem:$0x1FBF0] =	vst v13;
	v13 =	vmov v54;
	v54 =	vld.idx.msk [tilespmem:v62+s3+$0x0], $0xffff  }
0x32f: {  	v14 =	vld.idx.msk [tilespmem:v41+s3+$0x0], $0xffff  }
0x330: {  	v16 =	vld.idx.msk [tilespmem:v16+s5+$0x0], $0xffff  }
0x331: {  	v52 =	vld.idx.msk [tilespmem:v34+s3+$0x0], $0xffff  }
0x332: {  	v47 =	vtrunc.f32 v0;
	v20 =	vld.idx.msk [tilespmem:v2+s3+$0x0], $0xffff;
	v37 =	vmul.f32 v39, v12  }
0x333: {  	v60 =	vcvt.f32.s32 v47;
	v8 =	vmax.f32 v8, $0.0e+00;
	v12 =	vld.idx.msk [tilespmem:v3+s3+$0x0], $0xffff;
	v47 =	vmul.f32 v39, v9  }
0x334: {  	v8 =	vmin.f32 v8, $1.000000000e+00;
	v9 =	vmul.f32 v37, v14;
	v14 =	vmul.f32 v32, v54;
	v19 =	vld.idx.msk [tilespmem:v19+s5+$0x0], $0xffff  }
0x335: {  	[tilespmem:$0x1FC10] =	vst v16;
	v16 =	vadd.f32 v17, v22;
	v17 =	vmul.f32 v47, v55;
	v22 =	vmul.f32 v26, v59  }
0x336: {  	[tilespmem:s14+$0x11490] =	vst v8;
	v8 =	vld [tilespmem:$0x1FC50]  }
0x337: {  	v9 =	vadd.f32 v14, v9;
	v14 =	vadd.f32 v17, v22;
	v17 =	vld [tilespmem:$0x1FD20];
	_ =	sdelay $0x1  }
0x338: {  	[tilespmem:$0x1FC80] =	vst v19;
	v19 =	vld [tilespmem:$0x1FD30];
	_ =	sdelay $0x4  }
0x339: {  	v63 =	vld.idx.msk [tilespmem:v8+s5+$0x0], $0xffff;
	v8 =	vadd.f32 v25, v50  }
0x33a: {  	v42 =	vmul.f32 v42, v11;
	v20 =	vmul.f32 v20, v24;
	v17 =	vld.idx.msk [tilespmem:v17+s5+$0x0], $0xffff  }
0x33b: {  	v12 =	vmul.f32 v12, v27;
	v7 =	vadd.f32 v8, v7;
	v8 =	vmul.f32 v33, v52  }
0x33c: {  	v19 =	vld.idx.msk [tilespmem:v19+s5+$0x0], $0xffff  }
0x33d: {  	v50 =	vmov v24;
	v24 =	vadd.f32 v12, v20;
	v8 =	vadd.f32 v42, v8;
	_ =	sdelay $0x1  }
0x33e: {  	v8 =	vadd.f32 v24, v8;
	v9 =	vadd.f32 v14, v9;
	[tilespmem:$0x1FCC0] =	vst v17;
	v17 =	vmov v35  }
0x33f: {  	v31 =	vld [tilespmem:$0x1FB10];
	[tilespmem:$0x1FC90] =	vst v17;
	v17 =	vtrunc.f32 v18  }
0x340: {  	v1 =	vld.idx.msk [tilespmem:v46+s4+$0x0], $0xffff;
	v8 =	vadd.f32 v8, v9;
	[tilespmem:$0x1FCE0] =	vst v19;
	v19 =	vmov v10;
	v17 =	vcvt.f32.s32 v17  }
0x341: {  	v12 =	vmov v23;
	[tilespmem:$0x1FCA0] =	vst v19;
	v19 =	vld [tilespmem:$0x1FD40]  }
0x342: {  	v5 =	vld.idx.msk [tilespmem:v45+s4+$0x0], $0xffff;
	v8 =	vmax.f32 v8, $0.0e+00;
	[tilespmem:$0x1FD40] =	vst v12;
	v12 =	vcvt.s32.f32 v17  }
0x343: {  	v53 =	vtrunc.f32 v57;
	v48 =	vmov v58;
	v58 =	vld.idx.msk [tilespmem:v51+s4+$0x0], $0xffff;
	v8 =	vmin.f32 v8, $1.000000000e+00  }
0x344: {  	v7 =	vadd.f32 v7, v16;
	v16 =	vcvt.f32.s32 v53;
	[tilespmem:s18+$0xD490] =	vst v8;
	v8 =	vsub.f32 v18, v12;
	v18 =	vld [tilespmem:$0x1FB20]  }
0x345: {  	v4 =	vld.idx.msk [tilespmem:v44+s4+$0x0], $0xffff;
	v20 =	vcvt.s32.f32 v60  }
0x346: {  	v6 =	vld.idx.msk [tilespmem:v49+s4+$0x0], $0xffff;
	v21 =	vmul.u32 $0x121, v60;
	v22 =	vmul.u32 $0x11, v16;
	v16 =	vcvt.s32.f32 v16  }
0x347: {  	v1 =	vmul.f32 v1, v31;
	[tilespmem:$0x1FBE0] =	vst v13;
	v13 =	vld.idx.msk [tilespmem:v23+s4+$0x0], $0xffff;
	v0 =	vsub.f32 v0, v20  }
0x348: {  	v7 =	vmax.f32 v7, $0.0e+00;
	v14 =	vadd.s32 v21, v22;
	v16 =	vsub.f32 v57, v16;
	v22 =	vld.idx.msk [tilespmem:v40+s4+$0x0], $0xffff  }
0x349: {  	v15 =	vmovc v46;
	v7 =	vmin.f32 v7, $1.000000000e+00;
	v10 =	vld.idx.msk [tilespmem:v19+s5+$0x0], $0xffff;
	v24 =	vmov v18;
	v18 =	vmul.f32 v58, v18  }
0x34a: {  	v9 =	vsub.f32 $1.000000000e+00, v0;
	v46 =	vadd.s32 v17, v14;
	v14 =	vsub.f32 $1.000000000e+00, v16;
	v19 =	vmovc v45;
	[tilespmem:s12+$0x11480] =	vst v7;
	v7 =	vld.idx.msk [tilespmem:v2+s4+$0x0], $0xffff  }
0x34b: {  	[tilespmem:$0x1FD20] =	vst v19;
	v19 =	vadd.f32 v18, v1;
	v18 =	vld.idx.msk [tilespmem:v34+s4+$0x0], $0xffff  }
0x34c: {  	v36 =	vmovc v40;
	v39 =	vmov v34;
	v17 =	vmul.f32 v16, v0;
	v20 =	vmul.f32 v14, v9;
	v34 =	vld.idx.msk [tilespmem:v30+s4+$0x0], $0xffff  }
0x34d: {  	v40 =	vmovc v26;
	v26 =	vmovc v30;
	v9 =	vmul.f32 v16, v9;
	v14 =	vmul.f32 v14, v0;
	v30 =	vmov v2;
	v2 =	vld [tilespmem:$0x1FB30]  }
0x34e: {  	v28 =	vmovc v62;
	v21 =	vld.idx.msk [tilespmem:v62+s4+$0x0], $0xffff;
	v16 =	vsub.f32 $1.000000000e+00, v8;
	v57 =	vmul.f32 v8, v17;
	v0 =	vmul.f32 v20, v8  }
0x34f: {  	v62 =	vmul.f32 v8, v9;
	v58 =	vmul.f32 v14, v8;
	v8 =	vld.idx.msk [tilespmem:v3+s4+$0x0], $0xffff;
	[tilespmem:$0x1FD00] =	vst v10;
	v10 =	vmov v49  }
0x350: {  	v60 =	vmul.f32 v16, v14;
	v14 =	vld [tilespmem:$0x1FB60];
	[tilespmem:$0x1FD30] =	vst v10;
	v10 =	vadd.s32 $0x11, v46  }
0x351: {  	v43 =	vmovc v61;
	v55 =	vmovc v27;
	v27 =	vmov v3;
	v61 =	vmul.f32 v16, v9;
	v59 =	vmul.f32 v16, v17;
	v3 =	vld [tilespmem:$0x1FB50]  }
0x352: {  	v1 =	vmul.f32 v16, v20;
	v16 =	vmov v43;
	v2 =	vmul.f32 v2, v43;
	v43 =	vld [tilespmem:$0x1FB40]  }
0x353: {  	v12 =	vld.idx.msk [tilespmem:v41+s4+$0x0], $0xffff  }
0x354: {  	v5 =	vmul.f32 v5, v48;
	v53 =	vmov v48;
	v45 =	vld.idx.msk [tilespmem:v38+s4+$0x0], $0xffff  }
0x355: {  	v54 =	vadd.s32 $0x1, v46;
	v4 =	vmul.f32 v4, v14;
	v48 =	vmovc v14;
	v14 =	vmul.f32 v6, v56;
	v6 =	vld.idx.msk [tilespmem:v10+s3+$0x0], $0xffff  }
0x356: {  	v35 =	vmov v10;
	v10 =	vld [tilespmem:$0x1FB70]  }
0x357: {  	[tilespmem:$0x1FC50] =	vst v15;
	v15 =	vmov v44;
	v42 =	vadd.s32 $0x121, v46;
	v3 =	vmul.f32 v3, v43  }
0x358: {  	v29 =	vmov v38;
	[tilespmem:$0x1FD10] =	vst v15;
	v44 =	vadd.s32 $0x12, v46;
	v15 =	vadd.s32 $0x122, v46  }
0x359: {  	p0 =	slt.u32 s15, $0x1FE0;
	v23 =	vadd.s32 $0x133, v46;
	v51 =	vmovc v54;
	v38 =	vmovc v37;
	v17 =	vmul.f32 v21, v32;
	v3 =	vadd.f32 v3, v2;
	v2 =	vld [tilespmem:$0x1FB80]  }
.Ltmp2:
0x35a: {  	v9 =	vld.idx.msk [tilespmem:v54+s3+$0x0], $0xffff;
	v54 =	vmovc v56;
	v49 =	vadd.s32 $0x132, v46;
	v20 =	vmul.f32 v22, v47;
	v22 =	vmul.f32 v45, v40;
	(pc) =	sbr.rel @p0 .LBB2_6-.Ltmp2, $4  }
0x35b: {  	v45 =	vmovc v15;
	v56 =	vmovc v16;
	v16 =	vmul.f32 v12, v37;
	v37 =	vmov v32;
	v13 =	vmul.f32 v13, v10  }
0x35c: {  	v12 =	vld.idx.msk [tilespmem:v42+s3+$0x0], $0xffff;
	v4 =	vadd.f32 v5, v4;
	v18 =	vmul.f32 v18, v33;
	v21 =	vmul.f32 v34, v11  }
0x35d: {  	v32 =	vmovc v47;
	v52 =	vmov v10;
	v5 =	vadd.f32 v13, v14;
	v14 =	vld.idx.msk [tilespmem:v15+s3+$0x0], $0xffff;
	v3 =	vadd.f32 v3, v19  }
0x35e: {  	s12 =	smov.u32 s13;
	s13 =	smov.u32 s14;
	s14 =	smov.u32 s18;
	v10 =	vmovc v44;
	v2 =	vmul.f32 v63, v2;
	v63 =	vld.idx.msk [tilespmem:v44+s3+$0x0], $0xffff;
	v44 =	vmovc v42;
	v42 =	vmov v33;
	v33 =	vmov v11  }
0x35f: {  	_ =	sdelay $0x3  }
0x360: {  	v11 =	vld.idx.msk [tilespmem:v49+s3+$0x0], $0xffff  }
0x361: {  	v13 =	vld.idx.msk [tilespmem:v23+s3+$0x0], $0xffff;
	_ =	sdelay $0x1  }
0x362: {  	v7 =	vmul.f32 v7, v50;
	v8 =	vmul.f32 v8, v55  }
0x363: {  	v16 =	vadd.f32 v17, v16  }
0x364: {  	v15 =	vld.idx.msk [tilespmem:v46+s3+$0x0], $0xffff;
	v18 =	vadd.f32 v21, v18;
	v7 =	vadd.f32 v8, v7  }
0x365: {  	v17 =	vadd.f32 v22, v20;
	v11 =	vmul.f32 v11, v59;
	v8 =	vmul.f32 v13, v57  }
0x366: {  	v9 =	vmul.f32 v0, v9;
	v7 =	vadd.f32 v7, v18  }
0x367: {  	v6 =	vmul.f32 v61, v6;
	v8 =	vadd.f32 v8, v11;
	v11 =	vadd.f32 v17, v16  }
0x368: {  	v12 =	vmul.f32 v60, v12;
	v14 =	vmul.f32 v14, v58  }
0x369: {  	v19 =	vmul.f32 v62, v63;
	v13 =	vmul.f32 v1, v15;
	v7 =	vadd.f32 v7, v11  }
0x36a: {  	v12 =	vadd.f32 v14, v12  }
0x36b: {  	v6 =	vadd.f32 v6, v19;
	v9 =	vadd.f32 v9, v13;
	v7 =	vmax.f32 v7, $0.0e+00  }
0x36c: {  	v7 =	vmin.f32 v7, $1.000000000e+00  }
0x36d: {  	v8 =	vadd.f32 v8, v12;
	v6 =	vadd.f32 v6, v9;
	[tilespmem:s14+$0xF490] =	vst v7  }
0x36e: {  	v4 =	vadd.f32 v5, v4;
	v5 =	vld.idx.msk [tilespmem:v28+s5+$0x0], $0xffff  }
0x36f: {  	v6 =	vadd.f32 v8, v6;
	v16 =	vld.idx.msk [tilespmem:v36+s5+$0x0], $0xffff  }
0x370: {  	v3 =	vadd.f32 v4, v3;
	v4 =	vld.idx.msk [tilespmem:v29+s5+$0x0], $0xffff  }
0x371: {  	v6 =	vmax.f32 v6, $0.0e+00;
	v17 =	vld.idx.msk [tilespmem:v39+s5+$0x0], $0xffff  }
0x372: {  	v6 =	vmin.f32 v6, $1.000000000e+00;
	v18 =	vld.idx.msk [tilespmem:v26+s5+$0x0], $0xffff  }
0x373: {  	[tilespmem:s14+$0xD480] =	vst v6;
	v6 =	vld.idx.msk [tilespmem:v41+s5+$0x0], $0xffff  }
0x374: {  	v7 =	vld.idx.msk [tilespmem:v46+s4+$0x0], $0xffff  }
0x375: {  	v8 =	vld.idx.msk [tilespmem:v51+s4+$0x0], $0xffff  }
0x376: {  	v9 =	vld.idx.msk [tilespmem:v35+s4+$0x0], $0xffff  }
0x377: {  	v11 =	vld.idx.msk [tilespmem:v10+s4+$0x0], $0xffff  }
0x378: {  	v12 =	vld.idx.msk [tilespmem:v44+s4+$0x0], $0xffff  }
0x379: {  	v3 =	vmax.f32 v3, $0.0e+00;
	v13 =	vld.idx.msk [tilespmem:v45+s4+$0x0], $0xffff  }
0x37a: {  	v3 =	vmin.f32 v3, $1.000000000e+00;
	v14 =	vld.idx.msk [tilespmem:v49+s4+$0x0], $0xffff  }
0x37b: {  	[tilespmem:s13+$0xF480] =	vst v3;
	v15 =	vld.idx.msk [tilespmem:v23+s4+$0x0], $0xffff  }
0x37c: {  	v19 =	vld [tilespmem:$0x1FBB0]  }
0x37d: {  	v20 =	vld [tilespmem:$0x1FC40];
	v7 =	vmul.f32 v7, v1;
	v8 =	vmul.f32 v8, v0  }
0x37e: {  	v21 =	vld [tilespmem:$0x1FC80];
	v9 =	vmul.f32 v9, v61;
	v11 =	vmul.f32 v11, v62  }
0x37f: {  	v22 =	vld [tilespmem:$0x1FD20];
	v12 =	vmul.f32 v12, v60;
	v13 =	vmul.f32 v13, v58  }
0x380: {  	v34 =	vmov v23;
	v23 =	vld [tilespmem:$0x1FD30];
	v14 =	vmul.f32 v14, v59;
	v15 =	vmul.f32 v15, v57  }
0x381: {  	v26 =	vld [tilespmem:$0x1FD40];
	v7 =	vadd.f32 v8, v7;
	v8 =	vadd.f32 v11, v9  }
0x382: {  	v19 =	vmul.f32 v20, v19;
	v20 =	vld [tilespmem:$0x1FBC0];
	v3 =	vadd.f32 v13, v12;
	v11 =	vadd.f32 v15, v14  }
0x383: {  	v14 =	vld [tilespmem:$0x1FC10]  }
0x384: {  	v3 =	vadd.f32 v11, v3;
	v11 =	vld [tilespmem:$0x1FB90]  }
0x385: {  	v9 =	vld.idx.msk [tilespmem:v30+s5+$0x0], $0xffff  }
0x386: {  	v12 =	vld.idx.msk [tilespmem:v27+s5+$0x0], $0xffff  }
0x387: {  	v13 =	vld [tilespmem:$0x1FC50]  }
0x388: {  	v15 =	vld [tilespmem:$0x1FC30];
	v7 =	vadd.f32 v8, v7  }
0x389: {  	v11 =	vmul.f32 v14, v11;
	v14 =	vld [tilespmem:$0x1FBA0]  }
0x38a: {  	v22 =	vld.idx.msk [tilespmem:v22+s5+$0x0], $0xffff;
	v3 =	vadd.f32 v3, v7  }
0x38b: {  	v8 =	vld [tilespmem:$0x1FC60]  }
0x38c: {  	v20 =	vmul.f32 v21, v20;
	v21 =	vld [tilespmem:$0x1FCA0];
	v3 =	vmax.f32 v3, $0.0e+00  }
0x38d: {  	v7 =	vld [tilespmem:$0x1FD10];
	v3 =	vmin.f32 v3, $1.000000000e+00  }
0x38e: {  	v14 =	vmul.f32 v15, v14;
	v15 =	vld [tilespmem:$0x1FC90];
	[tilespmem:s14+$0xF480] =	vst v3  }
0x38f: {  	v3 =	vld [tilespmem:$0x1FBD0]  }
0x390: {  	v25 =	vld [tilespmem:$0x1FCC0]  }
0x391: {  	v23 =	vld.idx.msk [tilespmem:v23+s5+$0x0], $0xffff  }
0x392: {  	v16 =	vmul.f32 v16, v32;
	v4 =	vmul.f32 v4, v40;
	v26 =	vld.idx.msk [tilespmem:v26+s5+$0x0], $0xffff  }
0x393: {  	v13 =	vld.idx.msk [tilespmem:v13+s5+$0x0], $0xffff  }
0x394: {  	v4 =	vadd.f32 v4, v16;
	v16 =	vld [tilespmem:$0x1FBE0]  }
0x395: {  	v3 =	vmul.f32 v25, v3;
	v25 =	vld [tilespmem:$0x1FCE0]  }
0x396: {  	v8 =	vld.idx.msk [tilespmem:v8+s5+$0x0], $0xffff  }
0x397: {  	v17 =	vmul.f32 v17, v42;
	v18 =	vmul.f32 v18, v33;
	v21 =	vld.idx.msk [tilespmem:v21+s5+$0x0], $0xffff  }
0x398: {  	v5 =	vmul.f32 v5, v37;
	v6 =	vmul.f32 v6, v38;
	v7 =	vld.idx.msk [tilespmem:v7+s5+$0x0], $0xffff  }
0x399: {  	v17 =	vadd.f32 v18, v17;
	v9 =	vmul.f32 v9, v50;
	v12 =	vmul.f32 v12, v55;
	v18 =	vld [tilespmem:$0x1FBF0]  }
0x39a: {  	v16 =	vmul.f32 v25, v16;
	v25 =	vld [tilespmem:$0x1FD00]  }
0x39b: {  	v5 =	vadd.f32 v5, v6;
	v9 =	vadd.f32 v12, v9;
	v6 =	vld.idx.msk [tilespmem:v46+s5+$0x0], $0xffff  }
0x39c: {  	v12 =	vld.idx.msk [tilespmem:v51+s5+$0x0], $0xffff  }
0x39d: {  	v4 =	vadd.f32 v4, v5;
	v5 =	vadd.f32 v9, v17;
	v9 =	vld.idx.msk [tilespmem:v10+s5+$0x0], $0xffff  }
0x39e: {  	v2 =	vadd.f32 v11, v2;
	v17 =	vld.idx.msk [tilespmem:v44+s5+$0x0], $0xffff;
	v11 =	vadd.f32 v19, v14  }
0x39f: {  	v14 =	vld.idx.msk [tilespmem:v35+s5+$0x0], $0xffff;
	v18 =	vmul.f32 v25, v18  }
0x3a0: {  	v10 =	vmul.f32 v13, v31;
	v2 =	vadd.f32 v11, v2;
	v11 =	vld.idx.msk [tilespmem:v45+s5+$0x0], $0xffff  }
0x3a1: {  	v19 =	vmul.f32 v26, v52;
	v15 =	vld.idx.msk [tilespmem:v15+s5+$0x0], $0xffff;
	v3 =	vadd.f32 v3, v20;
	v16 =	vadd.f32 v18, v16  }
0x3a2: {  	v4 =	vadd.f32 v5, v4;
	v8 =	vmul.f32 v8, v24;
	v5 =	vmul.f32 v7, v48;
	v18 =	vld.idx.msk [tilespmem:v34+s5+$0x0], $0xffff  }
0x3a3: {  	v7 =	vmul.f32 v22, v53;
	v1 =	vmul.f32 v6, v1;
	v3 =	vadd.f32 v16, v3;
	v16 =	vld.idx.msk [tilespmem:v49+s5+$0x0], $0xffff  }
0x3a4: {  	v8 =	vadd.f32 v8, v10;
	v0 =	vmul.f32 v12, v0;
	v9 =	vmul.f32 v9, v62  }
0x3a5: {  	v10 =	vmul.f32 v14, v61;
	v5 =	vadd.f32 v7, v5;
	v7 =	vmul.f32 v17, v60  }
0x3a6: {  	v0 =	vadd.f32 v0, v1;
	v13 =	vmul.f32 v15, v56;
	v15 =	vmul.f32 v21, v43  }
0x3a7: {  	v11 =	vmul.f32 v11, v58;
	v2 =	vadd.f32 v3, v2;
	v3 =	vmul.f32 v23, v54  }
0x3a8: {  	v6 =	vadd.f32 v15, v13;
	v13 =	vmul.f32 v18, v57;
	v12 =	vmul.f32 v16, v59  }
0x3a9: {  	v1 =	vadd.f32 v9, v10;
	v3 =	vadd.f32 v19, v3  }
0x3aa: {  	v7 =	vadd.f32 v11, v7;
	v9 =	vadd.f32 v13, v12  }
0x3ab: {  	v6 =	vadd.f32 v6, v8;
	v3 =	vadd.f32 v3, v5  }
0x3ac: {  	v0 =	vadd.f32 v1, v0;
	v1 =	vadd.f32 v9, v7  }
0x3ad: {  	v4 =	vmax.f32 v4, $0.0e+00;
	v3 =	vadd.f32 v3, v6  }
0x3ae: {  	v4 =	vmin.f32 v4, $1.000000000e+00;
	v2 =	vmax.f32 v2, $0.0e+00;
	v0 =	vadd.f32 v1, v0  }
0x3af: {  	[tilespmem:s14+$0x11490] =	vst v4;
	v1 =	vmin.f32 v2, $1.000000000e+00;
	v2 =	vmax.f32 v3, $0.0e+00  }
0x3b0: {  	[tilespmem:s12+$0x11480] =	vst v1;
	v1 =	vmin.f32 v2, $1.000000000e+00;
	v0 =	vmax.f32 v0, $0.0e+00  }
0x3b1: {  	[tilespmem:s13+$0x11480] =	vst v1;
	v0 =	vmin.f32 v0, $1.000000000e+00  }
0x3b2: {  	[tilespmem:s14+$0x11480] =	vst v0  }
0x3b3: {  	s16 =	simm.s32 $0xD480;
	s12 =	simm.s32 $0x0;
	s13 =	rddreg [dreg:$0x10]  }
0x3b4: {  	[hbm4b:s13+s12] =	stream.linear.scatter [tilespmem:s16], [sflag:$0x5], $0x2000, $0x38;
	[tilespmem:$0x19480] =	vst v63  }
0x3b5: {  	s18 =	simm.s32 $0xF480;
	s17 =	rddreg [dreg:$0x11]  }
0x3b6: {  	[hbm4b:s17+s12] =	stream.linear.scatter [tilespmem:s18], [sflag:$0x5], $0x2000, $0x38;
	[tilespmem:$0x19480] =	vst v63  }
0x3b7: {  	s21 =	simm.s32 $0x11480;
	s19 =	rddreg [dreg:$0x12]  }
0x3b8: {  	[hbm4b:s19+s12] =	stream.linear.scatter [tilespmem:s21], [sflag:$0x5], $0x2000, $0x38;
	[tilespmem:$0x19480] =	vst v63  }
0x3b9: {  	_ =	swait.ge [sflag:s7], $0x2000  }
0x3ba: {  	[sflag:s7] =	ssyncset.done $0x0  }
0x3bb: {  	[sflag:s7] =	ssyncadd.s32 $0xFFFFE000  }
0x3bc: {  	_ =	swait.ge [sflag:s7], $0x2000  }
0x3bd: {  	[sflag:s7] =	ssyncset.done $0x0  }
0x3be: {  	[sflag:s7] =	ssyncadd.s32 $0xFFFFE000  }
0x3bf: {  	_ =	swait.ge [sflag:s7], $0x2000  }
0x3c0: {  	[sflag:s7] =	ssyncset.done $0x0  }
0x3c1: {  	s15 =	rddreg [dreg:$0x13];
	[sflag:s7] =	ssyncadd.s32 $0xFFFFE000  }
0x3c2: {  	[tilespmem:s30], [sflag:$0x1] =	stream.linear.gather [hbm4b:s15+s12], $0x2000, $0x38;
	[tilespmem:$0x19480] =	vst v63  }
0x3c3: {  	s16 =	rddreg [dreg:$0x14]  }
0x3c4: {  	[tilespmem:s31], [sflag:$0x1] =	stream.linear.gather [hbm4b:s16+s12], $0x2000, $0x38;
	[tilespmem:$0x19480] =	vst v63  }
0x3c5: {  	s17 =	rddreg [dreg:$0x15]  }
0x3c6: {  	[tilespmem:s20], [sflag:$0x1] =	stream.linear.gather [hbm4b:s17+s12], $0x2000, $0x38;
	[tilespmem:$0x19480] =	vst v63  }
0x3c7: {  	_ =	swait.ge [sflag:s8], $0x2000  }
0x3c8: {  	[sflag:s8] =	ssyncset.done $0x0  }
0x3c9: {  	[sflag:s8] =	ssyncadd.s32 $0xFFFFE000  }
0x3ca: {  	_ =	swait.ge [sflag:s8], $0x2000  }
0x3cb: {  	s18 =	simm.s32 $0x0;
	[sflag:s8] =	ssyncset.done $0x0  }
0x3cc: {  	s19 =	sand.u32 $0x1000, s18;
	s15 =	sand.u32 $0xC00, s12;
	[sflag:s8] =	ssyncadd.s32 $0xFFFFE000  }
0x3cd: {  	s14 =	sor.u32 s19, s15;
	s12 =	sand.u32 $0x380, s12;
	_ =	swait.ge [sflag:s8], $0x2000  }
0x3ce: {  	s13 =	sand.u32 $0x60, s18;
	s12 =	sor.u32 s12, s14;
	[sflag:s8] =	ssyncset.done $0x0  }
0x3cf: {  	s12 =	sor.u32 s13, s12;
	[sflag:s8] =	ssyncadd.s32 $0xFFFFE000  }
0x3d0: {  	v0 =	vld [tilespmem:s12+$0x13490]  }
0x3d1: {  	v1 =	vld [tilespmem:s12+$0x15490]  }
0x3d2: {  	v2 =	vld [tilespmem:s12+$0x17490];
	_ =	sdelay $0x3  }
0x3d3: {  	v0 =	vmul.f32 $1.593750000e+01, v0;
	v1 =	vmul.f32 $1.593750000e+01, v1  }
0x3d4: {  	v2 =	vmul.f32 $1.593750000e+01, v2  }
0x3d5: {  	v3 =	vtrunc.f32 v0;
	v4 =	vtrunc.f32 v1  }
0x3d6: {  	v3 =	vcvt.f32.s32 v3;
	v5 =	vcvt.f32.s32 v4;
	_ =	sdelay $0x1  }
0x3d7: {  	v4 =	vtrunc.f32 v2;
	v6 =	vmul.u32 $0x121, v3;
	v7 =	vmul.u32 $0x11, v5  }
0x3d8: {  	v4 =	vcvt.f32.s32 v4  }
0x3d9: {  	v6 =	vadd.s32 v6, v7  }
0x3da: {  	v6 =	vadd.s32 v4, v6  }
0x3db: {  	v7 =	vcvt.s32.f32 v4;
	v4 =	vadd.s32 $0x1, v6  }
0x3dc: {  	v3 =	vcvt.s32.f32 v3;
	v8 =	vcvt.s32.f32 v5;
	v5 =	vadd.s32 $0x11, v6  }
0x3dd: {  	v7 =	vsub.f32 v2, v7;
	v2 =	vadd.s32 $0x12, v6  }
0x3de: {  	v3 =	vsub.f32 v0, v3;
	v8 =	vsub.f32 v1, v8;
	v13 =	vadd.s32 $0x121, v6  }
0x3df: {  	v12 =	vadd.s32 $0x122, v6;
	v9 =	vld.idx.msk [tilespmem:v6+s3+$0x0], $0xffff  }
0x3e0: {  	v10 =	vadd.s32 $0x132, v6;
	v15 =	vsub.f32 $1.000000000e+00, v3;
	v16 =	vsub.f32 $1.000000000e+00, v8;
	v19 =	vld.idx.msk [tilespmem:v4+s3+$0x0], $0xffff  }
0x3e1: {  	v11 =	vadd.s32 $0x133, v6;
	v20 =	vld.idx.msk [tilespmem:v5+s3+$0x0], $0xffff  }
0x3e2: {  	v0 =	vmul.f32 v8, v3;
	v14 =	vsub.f32 $1.000000000e+00, v7;
	v18 =	vmul.f32 v16, v15;
	v21 =	vld.idx.msk [tilespmem:v2+s3+$0x0], $0xffff  }
0x3e3: {  	v8 =	vmul.f32 v8, v15;
	v24 =	vmul.f32 v16, v3;
	v22 =	vld.idx.msk [tilespmem:v13+s3+$0x0], $0xffff  }
0x3e4: {  	v1 =	vmul.f32 v14, v0;
	v0 =	vmul.f32 v7, v0;
	v23 =	vld.idx.msk [tilespmem:v12+s3+$0x0], $0xffff  }
0x3e5: {  	v17 =	vmul.f32 v14, v18;
	v16 =	vmul.f32 v18, v7;
	v25 =	vld.idx.msk [tilespmem:v10+s3+$0x0], $0xffff  }
0x3e6: {  	v18 =	vmul.f32 v14, v8;
	v3 =	vmul.f32 v7, v8;
	v26 =	vld.idx.msk [tilespmem:v11+s3+$0x0], $0xffff  }
0x3e7: {  	v15 =	vmul.f32 v14, v24;
	v14 =	vmul.f32 v24, v7  }
0x3e8: {  	v7 =	vmul.f32 v17, v9;
	v8 =	vmul.f32 v16, v19  }
0x3e9: {  	v9 =	vld [tilespmem:s12+$0x13480];
	v19 =	vmul.f32 v18, v20;
	v20 =	vmul.f32 v3, v21  }
0x3ea: {  	v22 =	vmul.f32 v15, v22;
	v23 =	vmul.f32 v23, v14  }
0x3eb: {  	v21 =	vld [tilespmem:s12+$0x15480];
	v24 =	vmul.f32 v25, v1;
	v25 =	vmul.f32 v26, v0  }
0x3ec: {  	v7 =	vadd.f32 v8, v7;
	v8 =	vadd.f32 v19, v20;
	v19 =	vld [tilespmem:s12+$0x17480]  }
0x3ed: {  	v20 =	vadd.f32 v23, v22;
	v22 =	vadd.f32 v25, v24  }
0x3ee: {  	v9 =	vmul.f32 $1.593750000e+01, v9  }
0x3ef: {  	v7 =	vadd.f32 v8, v7;
	v8 =	vadd.f32 v22, v20  }
0x3f0: {  	v21 =	vmul.f32 $1.593750000e+01, v21;
	v20 =	vtrunc.f32 v9  }
0x3f1: {  	v7 =	vadd.f32 v8, v7;
	v8 =	vmul.f32 $1.593750000e+01, v19;
	v19 =	vcvt.f32.s32 v20  }
0x3f2: {  	v22 =	vtrunc.f32 v21  }
0x3f3: {  	v20 =	vcvt.f32.s32 v22;
	v7 =	vmax.f32 v7, $0.0e+00;
	v22 =	vmul.u32 $0x121, v19  }
0x3f4: {  	v23 =	vtrunc.f32 v8;
	v7 =	vmin.f32 v7, $1.000000000e+00;
	v19 =	vcvt.s32.f32 v19  }
0x3f5: {  	v24 =	vmul.u32 $0x11, v20;
	v20 =	vcvt.s32.f32 v20;
	[tilespmem:s12+$0x13490] =	vst v7;
	v7 =	vcvt.f32.s32 v23  }
0x3f6: {  	v9 =	vsub.f32 v9, v19  }
0x3f7: {  	v23 =	vld.idx.msk [tilespmem:v6+s4+$0x0], $0xffff;
	v19 =	vadd.s32 v22, v24;
	v20 =	vsub.f32 v21, v20;
	v22 =	vcvt.s32.f32 v7  }
0x3f8: {  	v25 =	vld.idx.msk [tilespmem:v2+s4+$0x0], $0xffff  }
0x3f9: {  	v28 =	vld.idx.msk [tilespmem:v12+s4+$0x0], $0xffff;
	v32 =	vadd.s32 v7, v19;
	v8 =	vsub.f32 v8, v22;
	v26 =	vmul.f32 v20, v9  }
0x3fa: {  	v21 =	vld.idx.msk [tilespmem:v4+s4+$0x0], $0xffff;
	v19 =	vsub.f32 $1.000000000e+00, v9;
	v45 =	vadd.s32 $0x1, v32;
	v24 =	vsub.f32 $1.000000000e+00, v20  }
0x3fb: {  	v7 =	vld.idx.msk [tilespmem:v5+s4+$0x0], $0xffff;
	v48 =	vadd.s32 $0x11, v32;
	v53 =	vmul.f32 v8, v26  }
0x3fc: {  	v46 =	vadd.s32 $0x12, v32;
	v22 =	vld.idx.msk [tilespmem:v13+s4+$0x0], $0xffff;
	v43 =	vadd.s32 $0x121, v32;
	v27 =	vmul.f32 v24, v19  }
0x3fd: {  	v19 =	vmul.f32 v20, v19;
	v20 =	vsub.f32 $1.000000000e+00, v8;
	v9 =	vmul.f32 v24, v9;
	v24 =	vld.idx.msk [tilespmem:v10+s4+$0x0], $0xffff;
	[tilespmem:$0x1F990] =	vst v53  }
0x3fe: {  	s21 =	simm.s32 $0x20;
	s16 =	simm.s32 $0x100;
	v23 =	vmul.f32 v23, v17;
	v25 =	vmul.f32 v25, v3;
	v29 =	vld.idx.msk [tilespmem:v11+s4+$0x0], $0xffff  }
0x3ff: {  	s17 =	sand.u32 $0x1000, s21;
	s14 =	sand.u32 $0xC00, s16;
	s16 =	simm.s32 $0x8;
	v56 =	vmul.f32 v27, v8;
	v44 =	vmul.f32 v20, v27;
	v27 =	vld.idx.msk [tilespmem:v45+s3+$0x0], $0xffff;
	[tilespmem:$0x1F9A0] =	vst v45  }
0x400: {  	s14 =	sor.u32 s17, s14;
	s18 =	sand.u32 $0x380, s16;
	v40 =	vadd.s32 $0x122, v32;
	v63 =	vmul.f32 v8, v19;
	v58 =	vmul.f32 v20, v19;
	v19 =	vld.idx.msk [tilespmem:v48+s3+$0x0], $0xffff;
	[tilespmem:$0x1F9C0] =	vst v48  }
0x401: {  	s13 =	sand.u32 $0x60, s21;
	s14 =	sor.u32 s18, s14;
	v28 =	vmul.f32 v28, v14;
	v21 =	vmul.f32 v21, v16;
	v30 =	vld.idx.msk [tilespmem:v46+s3+$0x0], $0xffff  }
0x402: {  	s13 =	sor.u32 s13, s14;
	v42 =	vadd.s32 $0x132, v32;
	v59 =	vmul.f32 v20, v9;
	v7 =	vmul.f32 v7, v18;
	v31 =	vld.idx.msk [tilespmem:v43+s3+$0x0], $0xffff;
	[tilespmem:$0x1FA10] =	vst v43  }
0x403: {  	v49 =	vadd.s32 $0x133, v32;
	v60 =	vmul.f32 v9, v8;
	v22 =	vmul.f32 v22, v15;
	v57 =	vld [tilespmem:s13+$0x15490]  }
0x404: {  	v8 =	vadd.f32 v21, v23;
	v24 =	vmul.f32 v24, v1;
	v55 =	vld [tilespmem:s13+$0x13490];
	v29 =	vmul.f32 v29, v0  }
0x405: {  	v61 =	vmul.f32 v20, v26;
	v7 =	vadd.f32 v25, v7;
	v20 =	vadd.f32 v28, v22;
	v22 =	vld.idx.msk [tilespmem:v40+s3+$0x0], $0xffff  }
0x406: {  	v21 =	vadd.f32 v29, v24  }
0x407: {  	v9 =	vld [tilespmem:s13+$0x17490];
	[tilespmem:$0x1FA50] =	vst v40;
	v7 =	vadd.f32 v7, v8;
	v23 =	vmul.f32 v56, v27;
	v19 =	vmul.f32 v58, v19  }
0x408: {  	v24 =	vld.idx.msk [tilespmem:v42+s3+$0x0], $0xffff;
	[tilespmem:$0x1FA70] =	vst v42;
	v25 =	vmul.f32 v63, v30;
	v26 =	vmul.f32 $1.593750000e+01, v57;
	v8 =	vadd.f32 v21, v20  }
0x409: {  	v62 =	vmul.f32 v59, v31;
	v20 =	vld.idx.msk [tilespmem:v49+s3+$0x0], $0xffff;
	[tilespmem:$0x1FA90] =	vst v49;
	v21 =	vmul.f32 $1.593750000e+01, v55  }
0x40a: {  	v22 =	vmul.f32 v22, v60;
	v29 =	vtrunc.f32 v26;
	v30 =	vld [tilespmem:s13+$0x15480];
	v7 =	vadd.f32 v8, v7  }
0x40b: {  	v27 =	vld.idx.msk [tilespmem:v32+s3+$0x0], $0xffff;
	v28 =	vtrunc.f32 v21;
	v29 =	vcvt.f32.s32 v29  }
0x40c: {  	v8 =	vmul.f32 $1.593750000e+01, v9;
	v9 =	vld [tilespmem:s13+$0x13480];
	v28 =	vcvt.f32.s32 v28;
	v7 =	vmax.f32 v7, $0.0e+00  }
0x40d: {  	v24 =	vmul.f32 v24, v61;
	v47 =	vmul.u32 $0x11, v29;
	v7 =	vmin.f32 v7, $1.000000000e+00  }
0x40e: {  	v31 =	vmul.u32 $0x121, v28;
	v20 =	vmul.f32 v20, v53;
	[tilespmem:s12+$0x15490] =	vst v7;
	v7 =	vtrunc.f32 v8  }
0x40f: {  	v19 =	vadd.f32 v19, v25;
	v41 =	vmul.f32 $1.593750000e+01, v30;
	v6 =	vld.idx.msk [tilespmem:v6+s5+$0x0], $0xffff;
	v7 =	vcvt.f32.s32 v7;
	[tilespmem:$0x1FAF0] =	vst v44  }
0x410: {  	v28 =	vcvt.s32.f32 v28;
	v25 =	vmul.f32 v44, v27;
	v27 =	vadd.s32 v31, v47;
	v4 =	vld.idx.msk [tilespmem:v4+s5+$0x0], $0xffff  }
0x411: {  	v9 =	vmul.f32 $1.593750000e+01, v9;
	v5 =	vld.idx.msk [tilespmem:v5+s5+$0x0], $0xffff;
	v52 =	vtrunc.f32 v41;
	v57 =	vadd.s32 v7, v27  }
0x412: {  	v2 =	vld.idx.msk [tilespmem:v2+s5+$0x0], $0xffff;
	v7 =	vcvt.s32.f32 v7;
	v27 =	vcvt.s32.f32 v29;
	v34 =	vadd.s32 $0x1, v57  }
0x413: {  	v13 =	vld.idx.msk [tilespmem:v13+s5+$0x0], $0xffff;
	v35 =	vadd.s32 $0x11, v57;
	v29 =	vadd.s32 $0x12, v57;
	v33 =	vadd.s32 $0x121, v57  }
0x414: {  	v10 =	vld.idx.msk [tilespmem:v10+s5+$0x0], $0xffff;
	v30 =	vadd.s32 $0x122, v57;
	v7 =	vsub.f32 v8, v7;
	v8 =	vsub.f32 v21, v28  }
0x415: {  	v21 =	vsub.f32 v26, v27;
	v27 =	vadd.s32 $0x132, v57;
	v6 =	vmul.f32 v6, v17  }
0x416: {  	v28 =	vadd.s32 $0x133, v57;
	v4 =	vmul.f32 v4, v16;
	v5 =	vmul.f32 v5, v18;
	v16 =	vld.idx.msk [tilespmem:v57+s3+$0x0], $0xffff  }
0x417: {  	v17 =	vsub.f32 $1.000000000e+00, v7;
	v18 =	vmul.f32 v21, v8;
	v37 =	vsub.f32 $1.000000000e+00, v8;
	v53 =	vld.idx.msk [tilespmem:v34+s3+$0x0], $0xffff  }
0x418: {  	v50 =	vsub.f32 $1.000000000e+00, v21;
	v3 =	vmul.f32 v2, v3;
	v13 =	vmul.f32 v13, v15;
	v54 =	vld.idx.msk [tilespmem:v35+s3+$0x0], $0xffff  }
0x419: {  	v22 =	vadd.f32 v22, v62;
	v1 =	vmul.f32 v10, v1;
	v55 =	vld.idx.msk [tilespmem:v29+s3+$0x0], $0xffff;
	v26 =	vmul.f32 v17, v18  }
0x41a: {  	v20 =	vadd.f32 v20, v24;
	v24 =	vld.idx.msk [tilespmem:v33+s3+$0x0], $0xffff;
	v62 =	vmul.f32 v50, v37;
	v47 =	vmul.f32 v7, v18  }
0x41b: {  	v18 =	vadd.f32 v23, v25;
	v23 =	vld.idx.msk [tilespmem:v30+s3+$0x0], $0xffff;
	v21 =	vmul.f32 v21, v37;
	v8 =	vmul.f32 v50, v8  }
0x41c: {  	v20 =	vadd.f32 v20, v22;
	v22 =	vld.idx.msk [tilespmem:v27+s3+$0x0], $0xffff;
	v36 =	vmul.f32 v17, v62;
	v37 =	vmul.f32 v62, v7  }
0x41d: {  	v18 =	vadd.f32 v19, v18;
	v19 =	vld.idx.msk [tilespmem:v28+s3+$0x0], $0xffff;
	v2 =	vmul.f32 v17, v21;
	v50 =	vmul.f32 v7, v21  }
0x41e: {  	v38 =	vmul.f32 v17, v8;
	v39 =	vmul.f32 v8, v7  }
0x41f: {  	v8 =	vld.idx.msk [tilespmem:v12+s5+$0x0], $0xffff;
	v12 =	vmul.f32 v36, v16;
	v16 =	vmul.f32 v37, v53  }
0x420: {  	v11 =	vld.idx.msk [tilespmem:v11+s5+$0x0], $0xffff;
	v7 =	vadd.f32 v20, v18;
	v17 =	vmul.f32 v2, v54;
	v18 =	vmul.f32 v50, v55  }
0x421: {  	v20 =	vmul.f32 v38, v24;
	v21 =	vmul.f32 v23, v39  }
0x422: {  	v7 =	vmax.f32 v7, $0.0e+00;
	v22 =	vmul.f32 v22, v26;
	v19 =	vmul.f32 v19, v47  }
0x423: {  	v23 =	vld [tilespmem:s13+$0x17480];
	v7 =	vmin.f32 v7, $1.000000000e+00;
	v12 =	vadd.f32 v16, v12;
	v15 =	vadd.f32 v17, v18  }
0x424: {  	[tilespmem:s12+$0x13480] =	vst v7;
	v7 =	vmul.f32 v8, v14;
	v8 =	vadd.f32 v21, v20;
	v14 =	vadd.f32 v19, v22  }
0x425: {  	v0 =	vmul.f32 v11, v0;
	v4 =	vadd.f32 v4, v6;
	v3 =	vadd.f32 v3, v5;
	v16 =	vld.idx.msk [tilespmem:v32+s4+$0x0], $0xffff  }
0x426: {  	v51 =	vtrunc.f32 v9;
	v5 =	vld.idx.msk [tilespmem:v45+s4+$0x0], $0xffff;
	v6 =	vadd.f32 v15, v12;
	v8 =	vadd.f32 v14, v8  }
0x427: {  	v11 =	vcvt.f32.s32 v51;
	v0 =	vadd.f32 v0, v1;
	v12 =	vld.idx.msk [tilespmem:v48+s4+$0x0], $0xffff;
	v7 =	vadd.f32 v7, v13  }
0x428: {  	v1 =	vcvt.f32.s32 v52;
	v15 =	vld.idx.msk [tilespmem:v40+s4+$0x0], $0xffff;
	v10 =	vmul.f32 $1.593750000e+01, v23;
	v6 =	vadd.f32 v8, v6  }
0x429: {  	v3 =	vadd.f32 v3, v4;
	v4 =	vmul.u32 $0x121, v11;
	v18 =	vld.idx.msk [tilespmem:v42+s4+$0x0], $0xffff;
	v0 =	vadd.f32 v0, v7  }
0x42a: {  	v17 =	vmul.u32 $0x11, v1;
	v13 =	vld.idx.msk [tilespmem:v46+s4+$0x0], $0xffff;
	v14 =	vtrunc.f32 v10;
	v6 =	vmax.f32 v6, $0.0e+00  }
0x42b: {  	v7 =	vld.idx.msk [tilespmem:v49+s4+$0x0], $0xffff;
	v14 =	vcvt.f32.s32 v14;
	v0 =	vadd.f32 v0, v3;
	v6 =	vmin.f32 v6, $1.000000000e+00  }
0x42c: {  	v4 =	vadd.s32 v4, v17;
	v8 =	vld.idx.msk [tilespmem:v43+s4+$0x0], $0xffff;
	[tilespmem:s13+$0x13490] =	vst v6  }
0x42d: {  	v54 =	vadd.s32 v14, v4;
	v4 =	vld.idx.msk [tilespmem:v57+s4+$0x0], $0xffff;
	[tilespmem:$0x1FB00] =	vst v0  }
0x42e: {  	v11 =	vcvt.s32.f32 v11;
	v1 =	vcvt.s32.f32 v1;
	v3 =	vld.idx.msk [tilespmem:v34+s4+$0x0], $0xffff  }
0x42f: {  	v16 =	vmul.f32 v16, v44;
	v0 =	vcvt.s32.f32 v14;
	v14 =	vld.idx.msk [tilespmem:v35+s4+$0x0], $0xffff  }
0x430: {  	v1 =	vsub.f32 v41, v1;
	v5 =	vmul.f32 v5, v56;
	v12 =	vmul.f32 v12, v58;
	v19 =	vld.idx.msk [tilespmem:v29+s4+$0x0], $0xffff  }
0x431: {  	v15 =	vmul.f32 v15, v60;
	v24 =	vadd.s32 $0x1, v54;
	v6 =	vsub.f32 v9, v11;
	v20 =	vld.idx.msk [tilespmem:v33+s4+$0x0], $0xffff;
	[tilespmem:$0x1F930] =	vst v56  }
0x432: {  	v18 =	vmul.f32 v18, v61;
	v13 =	vmul.f32 v13, v63;
	v62 =	vadd.s32 $0x11, v54;
	v21 =	vld.idx.msk [tilespmem:v30+s4+$0x0], $0xffff  }
0x433: {  	v11 =	vsub.f32 $1.000000000e+00, v1;
	v8 =	vmul.f32 v8, v59;
	v9 =	vsub.f32 $1.000000000e+00, v6;
	v22 =	vld.idx.msk [tilespmem:v27+s4+$0x0], $0xffff;
	[tilespmem:$0x1F940] =	vst v58  }
0x434: {  	v42 =	vadd.s32 $0x12, v54;
	v17 =	vmul.f32 v1, v6;
	v0 =	vsub.f32 v10, v0;
	v23 =	vld.idx.msk [tilespmem:v28+s4+$0x0], $0xffff;
	[tilespmem:$0x1F950] =	vst v63  }
0x435: {  	v5 =	vadd.f32 v5, v16;
	v6 =	vmul.f32 v11, v6;
	v10 =	vmul.f32 v11, v9;
	[tilespmem:$0x1F960] =	vst v59  }
0x436: {  	v56 =	vadd.s32 $0x133, v54;
	v1 =	vmul.f32 v1, v9;
	v9 =	vsub.f32 $1.000000000e+00, v0;
	v16 =	vld.idx.msk [tilespmem:v24+s3+$0x0], $0xffff;
	[tilespmem:$0x1F970] =	vst v60  }
0x437: {  	s15 =	simm.s32 $0x40;
	s16 =	simm.s32 $0x200;
	v48 =	vadd.s32 $0x121, v54;
	[tilespmem:$0x1F980] =	vst v61;
	v49 =	vmul.f32 v10, v0;
	v4 =	vmul.f32 v4, v36  }
0x438: {  	s19 =	sand.u32 $0x1000, s15;
	s17 =	simm.s32 $0x10;
	s18 =	sand.u32 $0xC00, s16;
	v12 =	vadd.f32 v13, v12;
	v41 =	vld.idx.msk [tilespmem:v62+s3+$0x0], $0xffff;
	v31 =	vmul.f32 v9, v10;
	v3 =	vmul.f32 v3, v37  }
0x439: {  	s21 =	sand.u32 $0x380, s17;
	s14 =	sor.u32 s19, s18;
	v25 =	vmovc v26;
	v8 =	vadd.f32 v15, v8;
	v13 =	vmul.f32 v14, v2;
	v14 =	vmul.f32 v19, v50;
	v10 =	vld [tilespmem:$0x1F990]  }
0x43a: {  	s19 =	sand.u32 $0x60, s15;
	s14 =	sor.u32 s21, s14;
	v44 =	vadd.s32 $0x132, v54;
	v58 =	vmovc v24;
	v51 =	vld.idx.msk [tilespmem:v42+s3+$0x0], $0xffff;
	v24 =	vmul.f32 v9, v6;
	v15 =	vmul.f32 v21, v39  }
0x43b: {  	s14 =	sor.u32 s19, s14;
	v55 =	vmovc v46;
	v46 =	vadd.s32 $0x122, v54;
	v40 =	vld.idx.msk [tilespmem:v56+s3+$0x0], $0xffff;
	v19 =	vmul.f32 v22, v26;
	v26 =	vmul.f32 v6, v0  }
0x43c: {  	v6 =	vld [tilespmem:s14+$0x13490];
	v3 =	vadd.f32 v3, v4;
	v4 =	vmul.f32 v20, v38;
	v21 =	vmul.f32 v23, v47  }
0x43d: {  	v63 =	vmul.f32 v0, v17;
	v43 =	vmul.f32 v0, v1;
	v0 =	vld [tilespmem:s14+$0x17490];
	v14 =	vadd.f32 v14, v13  }
0x43e: {  	v52 =	vld.idx.msk [tilespmem:v48+s3+$0x0], $0xffff;
	v4 =	vadd.f32 v15, v4;
	v21 =	vadd.f32 v21, v19;
	v7 =	vmul.f32 v7, v10  }
0x43f: {  	v45 =	vmul.f32 v9, v17;
	v22 =	vld.idx.msk [tilespmem:v44+s3+$0x0], $0xffff;
	v3 =	vadd.f32 v14, v3;
	v14 =	vmul.f32 v43, v51  }
0x440: {  	v20 =	vld.idx.msk [tilespmem:v46+s3+$0x0], $0xffff;
	v10 =	vmul.f32 v9, v1;
	v4 =	vadd.f32 v21, v4;
	v7 =	vadd.f32 v7, v18  }
0x441: {  	v5 =	vadd.f32 v12, v5;
	v9 =	vld [tilespmem:s14+$0x15490];
	v17 =	vmul.f32 v40, v63;
	v6 =	vmul.f32 $1.593750000e+01, v6  }
0x442: {  	v1 =	vld.idx.msk [tilespmem:v54+s3+$0x0], $0xffff;
	v0 =	vmul.f32 $1.593750000e+01, v0;
	v3 =	vadd.f32 v4, v3;
	v7 =	vadd.f32 v7, v8  }
0x443: {  	v12 =	vmul.f32 v10, v41;
	v18 =	vtrunc.f32 v6  }
0x444: {  	v8 =	vmul.f32 v49, v16;
	v3 =	vmax.f32 v3, $0.0e+00;
	v4 =	vadd.f32 v7, v5  }
0x445: {  	v5 =	vmul.f32 v24, v52;
	v7 =	vmul.f32 v20, v26;
	v3 =	vmin.f32 v3, $1.000000000e+00  }
0x446: {  	v16 =	vmul.f32 v22, v45;
	v12 =	vadd.f32 v12, v14;
	v14 =	vld [tilespmem:s14+$0x13480];
	[tilespmem:s13+$0x15490] =	vst v3;
	v3 =	vmul.f32 $1.593750000e+01, v9  }
0x447: {  	v18 =	vcvt.f32.s32 v18;
	v1 =	vmul.f32 v31, v1;
	v5 =	vadd.f32 v7, v5;
	v7 =	vld.idx.msk [tilespmem:v57+s5+$0x0], $0xffff  }
0x448: {  	v16 =	vadd.f32 v17, v16;
	v9 =	vtrunc.f32 v0;
	v17 =	vld.idx.msk [tilespmem:v34+s5+$0x0], $0xffff;
	v20 =	vtrunc.f32 v3  }
0x449: {  	v21 =	vld.idx.msk [tilespmem:v35+s5+$0x0], $0xffff;
	v9 =	vcvt.f32.s32 v9;
	v20 =	vcvt.f32.s32 v20  }
0x44a: {  	v1 =	vadd.f32 v8, v1;
	v8 =	vld.idx.msk [tilespmem:v29+s5+$0x0], $0xffff  }
0x44b: {  	v29 =	vmul.u32 $0x121, v18;
	v27 =	vld.idx.msk [tilespmem:v27+s5+$0x0], $0xffff;
	v22 =	vcvt.s32.f32 v9;
	v11 =	vmul.u32 $0x11, v20  }
0x44c: {  	v4 =	vmax.f32 v4, $0.0e+00;
	v18 =	vcvt.s32.f32 v18;
	v5 =	vadd.f32 v16, v5;
	v16 =	vld.idx.msk [tilespmem:v33+s5+$0x0], $0xffff  }
0x44d: {  	v28 =	vld.idx.msk [tilespmem:v28+s5+$0x0], $0xffff;
	v4 =	vmin.f32 v4, $1.000000000e+00;
	v0 =	vsub.f32 v0, v22;
	v22 =	vadd.s32 v29, v11  }
0x44e: {  	v1 =	vadd.f32 v12, v1;
	v12 =	vld.idx.msk [tilespmem:v30+s5+$0x0], $0xffff;
	[tilespmem:s12+$0x15480] =	vst v4;
	v20 =	vcvt.s32.f32 v20;
	v41 =	vadd.s32 v9, v22  }
0x44f: {  	v6 =	vsub.f32 v6, v18;
	v53 =	vadd.s32 $0x1, v41;
	v11 =	vmov v24;
	v24 =	vld [tilespmem:$0x1F9A0]  }
0x450: {  	v18 =	vld [tilespmem:s14+$0x15480];
	v7 =	vmul.f32 v7, v36;
	v3 =	vsub.f32 v3, v20;
	v29 =	vadd.s32 $0x11, v41  }
0x451: {  	v20 =	vld [tilespmem:s14+$0x17480];
	v9 =	vmul.f32 v17, v37;
	v16 =	vmul.f32 v16, v38;
	v38 =	vadd.s32 $0x12, v41  }
0x452: {  	v1 =	vadd.f32 v5, v1;
	v17 =	vmul.f32 v21, v2;
	v2 =	vmul.f32 v27, v25;
	v25 =	vld.idx.msk [tilespmem:v32+s5+$0x0], $0xffff  }
0x453: {  	v12 =	vmul.f32 v12, v39;
	v21 =	vsub.f32 $1.000000000e+00, v6;
	v35 =	vadd.s32 $0x121, v41;
	v57 =	vld.idx.msk [tilespmem:v41+s3+$0x0], $0xffff  }
0x454: {  	v59 =	vsub.f32 $1.000000000e+00, v0;
	v22 =	vsub.f32 $1.000000000e+00, v3;
	v30 =	vadd.s32 $0x122, v41;
	v60 =	vld.idx.msk [tilespmem:v53+s3+$0x0], $0xffff  }
0x455: {  	v27 =	vmul.f32 v3, v6;
	v15 =	vadd.s32 $0x132, v41;
	v3 =	vmul.f32 v3, v21;
	v4 =	vld.idx.msk [tilespmem:v29+s3+$0x0], $0xffff  }
0x456: {  	v40 =	vadd.s32 $0x133, v41;
	v61 =	vmul.f32 v22, v21;
	v6 =	vmul.f32 v22, v6;
	v5 =	vld.idx.msk [tilespmem:v38+s3+$0x0], $0xffff  }
0x457: {  	v21 =	vmul.f32 v59, v27;
	v27 =	vmul.f32 v0, v27;
	v24 =	vld.idx.msk [tilespmem:v24+s5+$0x0], $0xffff  }
0x458: {  	v23 =	vmul.f32 v59, v3;
	v19 =	vmul.f32 v0, v3;
	v3 =	vld.idx.msk [tilespmem:v35+s3+$0x0], $0xffff  }
0x459: {  	v32 =	vmul.f32 v61, v0;
	v33 =	vmul.f32 v6, v0;
	v0 =	vld.idx.msk [tilespmem:v30+s3+$0x0], $0xffff  }
0x45a: {  	v13 =	vmul.f32 v59, v6;
	v6 =	vadd.f32 v12, v16;
	v16 =	vld.idx.msk [tilespmem:v15+s3+$0x0], $0xffff  }
0x45b: {  	v7 =	vadd.f32 v9, v7;
	v9 =	vmul.f32 $1.593750000e+01, v18;
	v18 =	vld.idx.msk [tilespmem:v40+s3+$0x0], $0xffff  }
0x45c: {  	[tilespmem:$0x1F9B0] =	vst v24;
	v24 =	vld [tilespmem:$0x1F9C0];
	_ =	sdelay $0x7  }
0x45d: {  	v24 =	vld.idx.msk [tilespmem:v24+s5+$0x0], $0xffff;
	_ =	sdelay $0x3  }
0x45e: {  	v8 =	vmul.f32 v8, v50;
	v1 =	vmax.f32 v1, $0.0e+00  }
0x45f: {  	v1 =	vmin.f32 v1, $1.000000000e+00;
	v4 =	vmul.f32 v23, v4;
	v5 =	vmul.f32 v19, v5;
	[tilespmem:$0x1F9D0] =	vst v24  }
0x460: {  	v8 =	vadd.f32 v8, v17;
	[tilespmem:s13+$0x13480] =	vst v1  }
0x461: {  	v37 =	vmul.f32 v59, v61;
	v4 =	vadd.f32 v4, v5;
	v5 =	vld [tilespmem:$0x1FA10]  }
0x462: {  	v17 =	vmul.f32 $1.593750000e+01, v20;
	v1 =	vadd.f32 v8, v7;
	v7 =	vld.idx.msk [tilespmem:v55+s5+$0x0], $0xffff  }
0x463: {  	v20 =	vmul.f32 v37, v57;
	v22 =	vmul.f32 v32, v60  }
0x464: {  	v47 =	vmul.f32 v28, v47  }
0x465: {  	v8 =	vadd.f32 v22, v20  }
0x466: {  	v2 =	vadd.f32 v47, v2;
	[tilespmem:$0x1F9F0] =	vst v54  }
0x467: {  	v4 =	vadd.f32 v4, v8;
	v8 =	vld [tilespmem:$0x1FA50];
	[tilespmem:$0x1F9E0] =	vst v7;
	v7 =	vtrunc.f32 v9  }
0x468: {  	v2 =	vadd.f32 v2, v6;
	v6 =	vcvt.f32.s32 v7;
	v7 =	vld.idx.msk [tilespmem:v54+s4+$0x0], $0xffff;
	[tilespmem:$0x1FA00] =	vst v58  }
0x469: {  	v3 =	vmul.f32 v13, v3;
	v0 =	vmul.f32 v0, v33;
	v5 =	vld.idx.msk [tilespmem:v5+s5+$0x0], $0xffff  }
0x46a: {  	v16 =	vmul.f32 v16, v21;
	v18 =	vmul.f32 v18, v27;
	_ =	sdelay $0x1  }
0x46b: {  	v0 =	vadd.f32 v0, v3;
	v3 =	vadd.f32 v18, v16  }
0x46c: {  	v20 =	vld.idx.msk [tilespmem:v58+s4+$0x0], $0xffff;
	[tilespmem:$0x1FA30] =	vst v62  }
0x46d: {  	v14 =	vmul.f32 $1.593750000e+01, v14;
	v0 =	vadd.f32 v3, v0;
	v3 =	vld [tilespmem:$0x1FA70];
	[tilespmem:$0x1FA20] =	vst v5  }
0x46e: {  	v16 =	vld.idx.msk [tilespmem:v62+s4+$0x0], $0xffff;
	[tilespmem:$0x1FA40] =	vst v42  }
0x46f: {  	v12 =	vtrunc.f32 v14;
	v8 =	vld.idx.msk [tilespmem:v8+s5+$0x0], $0xffff  }
0x470: {  	v12 =	vcvt.f32.s32 v12;
	_ =	sdelay $0x1  }
0x471: {  	v5 =	vcvt.s32.f32 v12  }
0x472: {  	v18 =	vtrunc.f32 v17;
	v47 =	vadd.f32 v2, v1;
	v1 =	vld [tilespmem:$0x1FA90]  }
0x473: {  	v5 =	vsub.f32 v14, v5;
	v14 =	vcvt.f32.s32 v18;
	v18 =	vld.idx.msk [tilespmem:v42+s4+$0x0], $0xffff;
	[tilespmem:$0x1FA60] =	vst v8  }
0x474: {  	v3 =	vld.idx.msk [tilespmem:v3+s5+$0x0], $0xffff;
	_ =	sdelay $0x4  }
0x475: {  	[tilespmem:$0x1FA80] =	vst v3  }
0x476: {  	v22 =	vcvt.s32.f32 v6;
	v1 =	vld.idx.msk [tilespmem:v1+s5+$0x0], $0xffff;
	_ =	sdelay $0x1  }
0x477: {  	v9 =	vsub.f32 v9, v22  }
0x478: {  	v0 =	vadd.f32 v0, v4  }
0x479: {  	v22 =	vsub.f32 $1.000000000e+00, v9;
	v8 =	vsub.f32 $1.000000000e+00, v5;
	[tilespmem:$0x1FAB0] =	vst v48  }
0x47a: {  	v0 =	vmax.f32 v0, $0.0e+00;
	v3 =	vcvt.s32.f32 v14;
	[tilespmem:$0x1FAA0] =	vst v1  }
0x47b: {  	v0 =	vmin.f32 v0, $1.000000000e+00;
	v4 =	vmul.f32 v9, v8;
	v1 =	vmul.f32 v22, v8;
	v8 =	vld.idx.msk [tilespmem:v48+s4+$0x0], $0xffff;
	[tilespmem:$0x1FAC0] =	vst v46  }
0x47c: {  	v2 =	vmul.f32 v9, v5;
	v9 =	vmul.u32 $0x121, v12;
	v3 =	vsub.f32 v17, v3;
	v12 =	vld.idx.msk [tilespmem:v46+s4+$0x0], $0xffff;
	[tilespmem:$0x1FAD0] =	vst v44  }
0x47d: {  	v6 =	vmul.u32 $0x11, v6;
	v7 =	vmul.f32 v7, v31;
	[tilespmem:s14+$0x13490] =	vst v0  }
0x47e: {  	v20 =	vmul.f32 v20, v49;
	v5 =	vmul.f32 v22, v5;
	v22 =	vsub.f32 $1.000000000e+00, v3;
	v17 =	vld.idx.msk [tilespmem:v44+s4+$0x0], $0xffff;
	[tilespmem:$0x1FAE0] =	vst v56  }
0x47f: {  	v50 =	vmov v21;
	v62 =	vmul.f32 v3, v4;
	v57 =	vmul.f32 v3, v2;
	v42 =	vld.idx.msk [tilespmem:v56+s4+$0x0], $0xffff  }
0x480: {  	v6 =	vadd.s32 v9, v6;
	v58 =	vmul.f32 v5, v3;
	v61 =	vmul.f32 v22, v4;
	v34 =	vld.idx.msk [tilespmem:v41+s4+$0x0], $0xffff  }
0x481: {  	v46 =	vadd.s32 v14, v6;
	v60 =	vmul.f32 v22, v5;
	v59 =	vmul.f32 v22, v2;
	v21 =	vld.idx.msk [tilespmem:v53+s4+$0x0], $0xffff  }
0x482: {  	v6 =	vadd.f32 v20, v7;
	v2 =	vmul.f32 v16, v10;
	v0 =	vmul.f32 v1, v3;
	v20 =	vld.idx.msk [tilespmem:v29+s4+$0x0], $0xffff  }
0x483: {  	v1 =	vmul.f32 v22, v1;
	v3 =	vmul.f32 v18, v43;
	v44 =	vadd.s32 $0x12, v46;
	v22 =	vld.idx.msk [tilespmem:v38+s4+$0x0], $0xffff  }
0x484: {  	v56 =	vmovc v10;
	v10 =	vadd.s32 $0x11, v46;
	v18 =	vld.idx.msk [tilespmem:v35+s4+$0x0], $0xffff;
	v4 =	vmul.f32 v8, v11;
	v5 =	vmul.f32 v12, v26  }
0x485: {  	v52 =	vmovc v63;
	v3 =	vadd.f32 v3, v2;
	v2 =	vld [tilespmem:$0x1FAF0];
	v9 =	vmul.f32 v17, v45;
	v12 =	vmul.f32 v42, v63  }
0x486: {  	v28 =	vmovc v53;
	v36 =	vmovc v29;
	v53 =	vmov v26;
	v14 =	vld.idx.msk [tilespmem:v30+s4+$0x0], $0xffff;
	v26 =	vmov v30;
	v30 =	vmov v15  }
0x487: {  	v39 =	vmovc v35;
	v48 =	vmovc v11;
	v11 =	vadd.s32 $0x122, v46;
	v4 =	vadd.f32 v5, v4;
	v5 =	vadd.f32 v12, v9;
	v9 =	vld [tilespmem:$0x1FB00]  }
0x488: {  	v24 =	vmovc v49;
	v55 =	vmovc v27;
	v27 =	vmov v40;
	v47 =	vmax.f32 v47, $0.0e+00;
	v49 =	vadd.s32 $0x1, v46;
	v8 =	vld.idx.msk [tilespmem:v40+s4+$0x0], $0xffff  }
0x489: {  	v54 =	vmovc v45;
	v51 =	vmovc v49;
	v29 =	vmov v38;
	v15 =	vadd.s32 $0x121, v46;
	v3 =	vadd.f32 v3, v6;
	v6 =	vld.idx.msk [tilespmem:v10+s3+$0x0], $0xffff  }
0x48a: {  	v38 =	vmovc v37;
	v40 =	vmovc v19;
	v35 =	vmov v10;
	v45 =	vmov v11;
	v2 =	vmul.f32 v25, v2;
	v63 =	vld.idx.msk [tilespmem:v44+s3+$0x0], $0xffff  }
0x48b: {  	v16 =	vmul.f32 v34, v37;
	v37 =	vmovc v32;
	v17 =	vmul.f32 v21, v32;
	v21 =	vmin.f32 v47, $1.000000000e+00;
	v7 =	vld.idx.msk [tilespmem:v30+s4+$0x0], $0xffff  }
0x48c: {  	v20 =	vmul.f32 v20, v23;
	[tilespmem:s13+$0x17490] =	vst v21;
	v21 =	vmul.f32 v14, v33;
	v14 =	vld.idx.msk [tilespmem:v11+s3+$0x0], $0xffff;
	v12 =	vmax.f32 v9, $0.0e+00  }
0x48d: {  	v32 =	vmovc v23;
	v10 =	vmovc v44;
	v22 =	vmul.f32 v22, v19;
	v42 =	vmov v13;
	v9 =	vld.idx.msk [tilespmem:v49+s3+$0x0], $0xffff;
	v12 =	vmin.f32 v12, $1.000000000e+00  }
0x48e: {  	v18 =	vmul.f32 v18, v13;
	v44 =	vmovc v15;
	v23 =	vadd.s32 $0x133, v46;
	v49 =	vadd.s32 $0x132, v46;
	[tilespmem:s12+$0x17490] =	vst v12;
	v12 =	vld.idx.msk [tilespmem:v15+s3+$0x0], $0xffff  }
.LBB2_8:
0x48f: {  	v4 =	vadd.f32 v5, v4  }
0x490: {  	v13 =	vld [tilespmem:$0x1F9B0]  }
0x491: {  	v3 =	vadd.f32 v4, v3;
	v4 =	vld [tilespmem:$0x1F930];
	_ =	sdelay $0x1  }
0x492: {  	v11 =	vld.idx.msk [tilespmem:v49+s3+$0x0], $0xffff;
	v7 =	vmul.f32 v7, v50  }
0x493: {  	v16 =	vadd.f32 v17, v16;
	v17 =	vadd.f32 v22, v20;
	v20 =	vld.idx.msk [tilespmem:v46+s3+$0x0], $0xffff;
	v3 =	vmax.f32 v3, $0.0e+00  }
0x494: {  	v8 =	vmul.f32 v8, v55;
	v5 =	vmul.f32 v0, v9;
	v9 =	vld.idx.msk [tilespmem:v23+s3+$0x0], $0xffff;
	v3 =	vmin.f32 v3, $1.000000000e+00  }
0x495: {  	[tilespmem:s13+$0x15480] =	vst v3;
	v3 =	vld [tilespmem:$0x1F940];
	v4 =	vmul.f32 v13, v4;
	v13 =	vmov v0  }
0x496: {  	v18 =	vadd.f32 v21, v18;
	v7 =	vadd.f32 v8, v7;
	[tilespmem:$0x1F8C0] =	vst v13;
	v13 =	vld [tilespmem:$0x1F9D0];
	_ =	sdelay $0x1  }
0x497: {  	v16 =	vadd.f32 v17, v16;
	v7 =	vadd.f32 v7, v18  }
0x498: {  	v15 =	vmov v1  }
0x499: {  	[tilespmem:$0x1F8B0] =	vst v15;
	v7 =	vadd.f32 v7, v16;
	v16 =	vmul.f32 v15, v20;
	v15 =	vld [tilespmem:$0x1F9E0]  }
0x49a: {  	v3 =	vmul.f32 v13, v3;
	v13 =	vld [tilespmem:$0x1F950];
	_ =	sdelay $0x1  }
0x49b: {  	v8 =	vmov v31  }
0x49c: {  	s15 =	sadd.s32 $0x20, s15;
	s16 =	sadd.s32 $0x100, s16;
	[tilespmem:$0x1F920] =	vst v8;
	v8 =	vmul.f32 v11, v59;
	v9 =	vmul.f32 v9, v57  }
0x49d: {  	s17 =	sadd.s32 $0x8, s17;
	s18 =	sand.u32 $0x1000, s15;
	s19 =	sand.u32 $0xC00, s16  }
0x49e: {  	s18 =	sor.u32 s18, s19;
	s19 =	sand.u32 $0x380, s17;
	v8 =	vadd.f32 v9, v8;
	v9 =	vld [tilespmem:$0x1F960];
	v17 =	vmul.f32 v15, v13;
	v13 =	vmov v62  }
0x49f: {  	s21 =	sand.u32 $0x60, s15;
	s18 =	sor.u32 s19, s18;
	[tilespmem:$0x1F8E0] =	vst v13;
	v13 =	vld [tilespmem:$0x1FA20]  }
0x4a0: {  	s18 =	sor.u32 s21, s18  }
0x4a1: {  	v1 =	vld [tilespmem:s18+$0x13490]  }
0x4a2: {  	v11 =	vld [tilespmem:s18+$0x15490];
	v7 =	vmax.f32 v7, $0.0e+00  }
0x4a3: {  	v0 =	vld [tilespmem:s18+$0x17490];
	v7 =	vmin.f32 v7, $1.000000000e+00  }
0x4a4: {  	[tilespmem:s14+$0x15490] =	vst v7;
	v7 =	vld [tilespmem:$0x1F970];
	v9 =	vmul.f32 v13, v9;
	v13 =	vmov v56  }
0x4a5: {  	v6 =	vmul.f32 v61, v6;
	v21 =	vmul.f32 v62, v63;
	[tilespmem:$0x1F940] =	vst v13;
	v13 =	vld [tilespmem:$0x1FA60]  }
0x4a6: {  	v12 =	vmul.f32 v60, v12;
	v14 =	vmul.f32 v14, v58;
	v18 =	vld [tilespmem:s18+$0x15480]  }
0x4a7: {  	v6 =	vadd.f32 v6, v21;
	v30 =	vld.idx.msk [tilespmem:v30+s5+$0x0], $0xffff  }
0x4a8: {  	v12 =	vadd.f32 v14, v12;
	v14 =	vld [tilespmem:s18+$0x13480];
	v15 =	vmov v43  }
0x4a9: {  	v5 =	vadd.f32 v5, v16;
	[tilespmem:$0x1F950] =	vst v15;
	v15 =	vld [tilespmem:$0x1FA80]  }
0x4aa: {  	v7 =	vmul.f32 v13, v7;
	v13 =	vld [tilespmem:$0x1F980]  }
0x4ab: {  	v19 =	vmovc v50;
	v21 =	vmul.f32 $1.593750000e+01, v1;
	v1 =	vadd.f32 v6, v5;
	v6 =	vmovc v57;
	v57 =	vmul.f32 $1.593750000e+01, v18;
	v18 =	vld.idx.msk [tilespmem:v26+s5+$0x0], $0xffff  }
0x4ac: {  	v26 =	vmul.f32 v30, v19;
	v19 =	vld [tilespmem:$0x1FA30]  }
0x4ad: {  	v20 =	vld [tilespmem:s18+$0x17480];
	v8 =	vadd.f32 v8, v12  }
0x4ae: {  	v22 =	vmov v24;
	v16 =	vmul.f32 $1.593750000e+01, v0;
	v0 =	vld [tilespmem:$0x1F990]  }
0x4af: {  	[tilespmem:$0x1F930] =	vst v22;
	v1 =	vadd.f32 v8, v1;
	v50 =	vmul.f32 v15, v13;
	v13 =	vld [tilespmem:$0x1FAA0]  }
0x4b0: {  	v22 =	vadd.f32 v4, v2;
	v2 =	vmov v53;
	[tilespmem:$0x1F910] =	vst v6;
	v31 =	vld.idx.msk [tilespmem:v39+s5+$0x0], $0xffff  }
0x4b1: {  	v11 =	vmul.f32 $1.593750000e+01, v11;
	[tilespmem:$0x1F970] =	vst v2;
	v4 =	vmov v60;
	v12 =	vld.idx.msk [tilespmem:v41+s5+$0x0], $0xffff;
	v1 =	vmax.f32 v1, $0.0e+00  }
0x4b2: {  	v5 =	vld.idx.msk [tilespmem:v28+s5+$0x0], $0xffff;
	v2 =	vtrunc.f32 v21;
	[tilespmem:$0x1F900] =	vst v4;
	v6 =	vtrunc.f32 v16;
	v1 =	vmin.f32 v1, $1.000000000e+00  }
0x4b3: {  	v4 =	vtrunc.f32 v11;
	v8 =	vld.idx.msk [tilespmem:v29+s5+$0x0], $0xffff;
	v6 =	vcvt.f32.s32 v6;
	[tilespmem:s14+$0x13480] =	vst v1  }
0x4b4: {  	v2 =	vcvt.f32.s32 v2;
	v19 =	vld.idx.msk [tilespmem:v19+s5+$0x0], $0xffff;
	v25 =	vmul.f32 v13, v0;
	v0 =	vmov v48  }
0x4b5: {  	v28 =	vcvt.s32.f32 v6;
	[tilespmem:$0x1F960] =	vst v0;
	v0 =	vmul.f32 $1.593750000e+01, v14;
	v14 =	vld.idx.msk [tilespmem:v36+s5+$0x0], $0xffff  }
0x4b6: {  	v29 =	vld.idx.msk [tilespmem:v27+s5+$0x0], $0xffff;
	v63 =	vmul.f32 v31, v42;
	v12 =	vmul.f32 v12, v38  }
0x4b7: {  	v18 =	vmul.f32 v18, v33;
	v16 =	vsub.f32 v16, v28;
	v28 =	vmul.f32 v5, v37  }
0x4b8: {  	v8 =	vmul.f32 v8, v40;
	v17 =	vadd.f32 v17, v3;
	v3 =	vcvt.f32.s32 v4  }
0x4b9: {  	v18 =	vadd.f32 v18, v63;
	v4 =	vcvt.s32.f32 v2;
	v2 =	vmul.u32 $0x121, v2  }
0x4ba: {  	v34 =	vcvt.s32.f32 v3;
	v3 =	vmul.u32 $0x11, v3;
	[tilespmem:$0x1F9D0] =	vst v19;
	v19 =	vld [tilespmem:$0x1FA40];
	v14 =	vmul.f32 v14, v32  }
0x4bb: {  	v27 =	vmul.f32 v29, v55;
	v12 =	vadd.f32 v28, v12;
	v21 =	vsub.f32 v21, v4  }
0x4bc: {  	v11 =	vsub.f32 v11, v34;
	v2 =	vadd.s32 v2, v3;
	v8 =	vadd.f32 v8, v14  }
0x4bd: {  	v26 =	vadd.f32 v27, v26;
	v39 =	vsub.f32 $1.000000000e+00, v16;
	v41 =	vadd.s32 v6, v2  }
0x4be: {  	v2 =	vld.idx.msk [tilespmem:v35+s4+$0x0], $0xffff;
	v27 =	vmul.f32 v11, v21;
	v37 =	vsub.f32 $1.000000000e+00, v11;
	v8 =	vadd.f32 v8, v12  }
0x4bf: {  	v12 =	vadd.f32 v26, v18;
	v18 =	vmul.f32 $1.593750000e+01, v20;
	v20 =	vsub.f32 $1.000000000e+00, v21  }
0x4c0: {  	v40 =	vadd.s32 $0x11, v41;
	v24 =	vmul.f32 v39, v27;
	v7 =	vadd.f32 v7, v9  }
0x4c1: {  	v8 =	vadd.f32 v12, v8;
	v12 =	vmul.f32 v37, v20;
	v9 =	vmul.f32 v11, v20  }
0x4c2: {  	v38 =	vadd.s32 $0x12, v41;
	v27 =	vmul.f32 v16, v27;
	v19 =	vld.idx.msk [tilespmem:v19+s5+$0x0], $0xffff;
	v11 =	vmul.f32 v37, v21  }
0x4c3: {  	[tilespmem:$0x1F8D0] =	vst v2;
	v2 =	vld.idx.msk [tilespmem:v10+s4+$0x0], $0xffff;
	v32 =	vmul.f32 v12, v16;
	v26 =	vmul.f32 v16, v9  }
0x4c4: {  	v30 =	vadd.s32 $0x122, v41;
	v33 =	vmul.f32 v39, v11;
	v11 =	vmul.f32 v11, v16;
	v16 =	vld [tilespmem:$0x1FA00]  }
0x4c5: {  	v62 =	vadd.s32 $0x1, v41  }
0x4c6: {  	v55 =	vld.idx.msk [tilespmem:v40+s3+$0x0], $0xffff  }
0x4c7: {  	v56 =	vmov v59;
	v59 =	vld.idx.msk [tilespmem:v38+s3+$0x0], $0xffff;
	v13 =	vmov v52;
	[tilespmem:$0x1F9E0] =	vst v19;
	v19 =	vmov v51  }
0x4c8: {  	v34 =	vadd.s32 $0x121, v41;
	[tilespmem:$0x1FA00] =	vst v19;
	v19 =	vld [tilespmem:$0x1FAB0]  }
0x4c9: {  	v42 =	vld.idx.msk [tilespmem:v30+s3+$0x0], $0xffff;
	[tilespmem:$0x1F8F0] =	vst v2;
	v2 =	vadd.s32 $0x132, v41  }
0x4ca: {  	v3 =	vadd.s32 $0x133, v41;
	[tilespmem:$0x1F990] =	vst v13;
	v13 =	vmov v54;
	v54 =	vld.idx.msk [tilespmem:v62+s3+$0x0], $0xffff  }
0x4cb: {  	v14 =	vld.idx.msk [tilespmem:v41+s3+$0x0], $0xffff  }
0x4cc: {  	v16 =	vld.idx.msk [tilespmem:v16+s5+$0x0], $0xffff  }
0x4cd: {  	v52 =	vld.idx.msk [tilespmem:v34+s3+$0x0], $0xffff  }
0x4ce: {  	v47 =	vtrunc.f32 v0;
	v20 =	vld.idx.msk [tilespmem:v2+s3+$0x0], $0xffff;
	v37 =	vmul.f32 v39, v12  }
0x4cf: {  	v60 =	vcvt.f32.s32 v47;
	v8 =	vmax.f32 v8, $0.0e+00;
	v12 =	vld.idx.msk [tilespmem:v3+s3+$0x0], $0xffff;
	v47 =	vmul.f32 v39, v9  }
0x4d0: {  	v8 =	vmin.f32 v8, $1.000000000e+00;
	v9 =	vmul.f32 v37, v14;
	v14 =	vmul.f32 v32, v54;
	v19 =	vld.idx.msk [tilespmem:v19+s5+$0x0], $0xffff  }
0x4d1: {  	[tilespmem:$0x1F9B0] =	vst v16;
	v16 =	vadd.f32 v17, v22;
	v17 =	vmul.f32 v47, v55;
	v22 =	vmul.f32 v26, v59  }
0x4d2: {  	[tilespmem:s14+$0x17490] =	vst v8;
	v8 =	vld [tilespmem:$0x1F9F0]  }
0x4d3: {  	v9 =	vadd.f32 v14, v9;
	v14 =	vadd.f32 v17, v22;
	v17 =	vld [tilespmem:$0x1FAC0];
	_ =	sdelay $0x1  }
0x4d4: {  	[tilespmem:$0x1FA20] =	vst v19;
	v19 =	vld [tilespmem:$0x1FAD0];
	_ =	sdelay $0x4  }
0x4d5: {  	v63 =	vld.idx.msk [tilespmem:v8+s5+$0x0], $0xffff;
	v8 =	vadd.f32 v25, v50  }
0x4d6: {  	v42 =	vmul.f32 v42, v11;
	v20 =	vmul.f32 v20, v24;
	v17 =	vld.idx.msk [tilespmem:v17+s5+$0x0], $0xffff  }
0x4d7: {  	v12 =	vmul.f32 v12, v27;
	v7 =	vadd.f32 v8, v7;
	v8 =	vmul.f32 v33, v52  }
0x4d8: {  	v19 =	vld.idx.msk [tilespmem:v19+s5+$0x0], $0xffff  }
0x4d9: {  	v50 =	vmov v24;
	v24 =	vadd.f32 v12, v20;
	v8 =	vadd.f32 v42, v8;
	_ =	sdelay $0x1  }
0x4da: {  	v8 =	vadd.f32 v24, v8;
	v9 =	vadd.f32 v14, v9;
	[tilespmem:$0x1FA60] =	vst v17;
	v17 =	vmov v35  }
0x4db: {  	v31 =	vld [tilespmem:$0x1F8B0];
	[tilespmem:$0x1FA30] =	vst v17;
	v17 =	vtrunc.f32 v18  }
0x4dc: {  	v1 =	vld.idx.msk [tilespmem:v46+s4+$0x0], $0xffff;
	v8 =	vadd.f32 v8, v9;
	[tilespmem:$0x1FA80] =	vst v19;
	v19 =	vmov v10;
	v17 =	vcvt.f32.s32 v17  }
0x4dd: {  	v12 =	vmov v23;
	[tilespmem:$0x1FA40] =	vst v19;
	v19 =	vld [tilespmem:$0x1FAE0]  }
0x4de: {  	v5 =	vld.idx.msk [tilespmem:v45+s4+$0x0], $0xffff;
	v8 =	vmax.f32 v8, $0.0e+00;
	[tilespmem:$0x1FAE0] =	vst v12;
	v12 =	vcvt.s32.f32 v17  }
0x4df: {  	v53 =	vtrunc.f32 v57;
	v48 =	vmov v58;
	v58 =	vld.idx.msk [tilespmem:v51+s4+$0x0], $0xffff;
	v8 =	vmin.f32 v8, $1.000000000e+00  }
0x4e0: {  	v7 =	vadd.f32 v7, v16;
	v16 =	vcvt.f32.s32 v53;
	[tilespmem:s18+$0x13490] =	vst v8;
	v8 =	vsub.f32 v18, v12;
	v18 =	vld [tilespmem:$0x1F8C0]  }
0x4e1: {  	v4 =	vld.idx.msk [tilespmem:v44+s4+$0x0], $0xffff;
	v20 =	vcvt.s32.f32 v60  }
0x4e2: {  	v6 =	vld.idx.msk [tilespmem:v49+s4+$0x0], $0xffff;
	v21 =	vmul.u32 $0x121, v60;
	v22 =	vmul.u32 $0x11, v16;
	v16 =	vcvt.s32.f32 v16  }
0x4e3: {  	v1 =	vmul.f32 v1, v31;
	[tilespmem:$0x1F980] =	vst v13;
	v13 =	vld.idx.msk [tilespmem:v23+s4+$0x0], $0xffff;
	v0 =	vsub.f32 v0, v20  }
0x4e4: {  	v7 =	vmax.f32 v7, $0.0e+00;
	v14 =	vadd.s32 v21, v22;
	v16 =	vsub.f32 v57, v16;
	v22 =	vld.idx.msk [tilespmem:v40+s4+$0x0], $0xffff  }
0x4e5: {  	v15 =	vmovc v46;
	v7 =	vmin.f32 v7, $1.000000000e+00;
	v10 =	vld.idx.msk [tilespmem:v19+s5+$0x0], $0xffff;
	v24 =	vmov v18;
	v18 =	vmul.f32 v58, v18  }
0x4e6: {  	v9 =	vsub.f32 $1.000000000e+00, v0;
	v46 =	vadd.s32 v17, v14;
	v14 =	vsub.f32 $1.000000000e+00, v16;
	v19 =	vmovc v45;
	[tilespmem:s12+$0x17480] =	vst v7;
	v7 =	vld.idx.msk [tilespmem:v2+s4+$0x0], $0xffff  }
0x4e7: {  	[tilespmem:$0x1FAC0] =	vst v19;
	v19 =	vadd.f32 v18, v1;
	v18 =	vld.idx.msk [tilespmem:v34+s4+$0x0], $0xffff  }
0x4e8: {  	v36 =	vmovc v40;
	v39 =	vmov v34;
	v17 =	vmul.f32 v16, v0;
	v20 =	vmul.f32 v14, v9;
	v34 =	vld.idx.msk [tilespmem:v30+s4+$0x0], $0xffff  }
0x4e9: {  	v40 =	vmovc v26;
	v26 =	vmovc v30;
	v9 =	vmul.f32 v16, v9;
	v14 =	vmul.f32 v14, v0;
	v30 =	vmov v2;
	v2 =	vld [tilespmem:$0x1F8D0]  }
0x4ea: {  	v28 =	vmovc v62;
	v21 =	vld.idx.msk [tilespmem:v62+s4+$0x0], $0xffff;
	v16 =	vsub.f32 $1.000000000e+00, v8;
	v57 =	vmul.f32 v8, v17;
	v0 =	vmul.f32 v20, v8  }
0x4eb: {  	v62 =	vmul.f32 v8, v9;
	v58 =	vmul.f32 v14, v8;
	v8 =	vld.idx.msk [tilespmem:v3+s4+$0x0], $0xffff;
	[tilespmem:$0x1FAA0] =	vst v10;
	v10 =	vmov v49  }
0x4ec: {  	v60 =	vmul.f32 v16, v14;
	v14 =	vld [tilespmem:$0x1F900];
	[tilespmem:$0x1FAD0] =	vst v10;
	v10 =	vadd.s32 $0x11, v46  }
0x4ed: {  	v43 =	vmovc v61;
	v55 =	vmovc v27;
	v27 =	vmov v3;
	v61 =	vmul.f32 v16, v9;
	v59 =	vmul.f32 v16, v17;
	v3 =	vld [tilespmem:$0x1F8F0]  }
0x4ee: {  	v1 =	vmul.f32 v16, v20;
	v16 =	vmov v43;
	v2 =	vmul.f32 v2, v43;
	v43 =	vld [tilespmem:$0x1F8E0]  }
0x4ef: {  	v12 =	vld.idx.msk [tilespmem:v41+s4+$0x0], $0xffff  }
0x4f0: {  	v5 =	vmul.f32 v5, v48;
	v53 =	vmov v48;
	v45 =	vld.idx.msk [tilespmem:v38+s4+$0x0], $0xffff  }
0x4f1: {  	v54 =	vadd.s32 $0x1, v46;
	v4 =	vmul.f32 v4, v14;
	v48 =	vmovc v14;
	v14 =	vmul.f32 v6, v56;
	v6 =	vld.idx.msk [tilespmem:v10+s3+$0x0], $0xffff  }
0x4f2: {  	v35 =	vmov v10;
	v10 =	vld [tilespmem:$0x1F910]  }
0x4f3: {  	[tilespmem:$0x1F9F0] =	vst v15;
	v15 =	vmov v44;
	v42 =	vadd.s32 $0x121, v46;
	v3 =	vmul.f32 v3, v43  }
0x4f4: {  	v29 =	vmov v38;
	[tilespmem:$0x1FAB0] =	vst v15;
	v44 =	vadd.s32 $0x12, v46;
	v15 =	vadd.s32 $0x122, v46  }
0x4f5: {  	p0 =	slt.u32 s15, $0x1FE0;
	v23 =	vadd.s32 $0x133, v46;
	v51 =	vmovc v54;
	v38 =	vmovc v37;
	v17 =	vmul.f32 v21, v32;
	v3 =	vadd.f32 v3, v2;
	v2 =	vld [tilespmem:$0x1F920]  }
.Ltmp3:
0x4f6: {  	v9 =	vld.idx.msk [tilespmem:v54+s3+$0x0], $0xffff;
	v54 =	vmovc v56;
	v49 =	vadd.s32 $0x132, v46;
	v20 =	vmul.f32 v22, v47;
	v22 =	vmul.f32 v45, v40;
	(pc) =	sbr.rel @p0 .LBB2_8-.Ltmp3, $4  }
0x4f7: {  	v45 =	vmovc v15;
	v56 =	vmovc v16;
	v16 =	vmul.f32 v12, v37;
	v37 =	vmov v32;
	v13 =	vmul.f32 v13, v10  }
0x4f8: {  	v12 =	vld.idx.msk [tilespmem:v42+s3+$0x0], $0xffff;
	v4 =	vadd.f32 v5, v4;
	v18 =	vmul.f32 v18, v33;
	v21 =	vmul.f32 v34, v11  }
0x4f9: {  	v32 =	vmovc v47;
	v52 =	vmov v10;
	v5 =	vadd.f32 v13, v14;
	v14 =	vld.idx.msk [tilespmem:v15+s3+$0x0], $0xffff;
	v3 =	vadd.f32 v3, v19  }
0x4fa: {  	s12 =	smov.u32 s13;
	s13 =	smov.u32 s14;
	s14 =	smov.u32 s18;
	v10 =	vmovc v44;
	v2 =	vmul.f32 v63, v2;
	v63 =	vld.idx.msk [tilespmem:v44+s3+$0x0], $0xffff;
	v44 =	vmovc v42;
	v42 =	vmov v33;
	v33 =	vmov v11  }
0x4fb: {  	_ =	sdelay $0x3  }
0x4fc: {  	v11 =	vld.idx.msk [tilespmem:v49+s3+$0x0], $0xffff  }
0x4fd: {  	v13 =	vld.idx.msk [tilespmem:v23+s3+$0x0], $0xffff;
	_ =	sdelay $0x1  }
0x4fe: {  	v7 =	vmul.f32 v7, v50;
	v8 =	vmul.f32 v8, v55  }
0x4ff: {  	v16 =	vadd.f32 v17, v16  }
0x500: {  	v15 =	vld.idx.msk [tilespmem:v46+s3+$0x0], $0xffff;
	v18 =	vadd.f32 v21, v18;
	v7 =	vadd.f32 v8, v7  }
0x501: {  	v17 =	vadd.f32 v22, v20;
	v11 =	vmul.f32 v11, v59;
	v8 =	vmul.f32 v13, v57  }
0x502: {  	v9 =	vmul.f32 v0, v9;
	v7 =	vadd.f32 v7, v18  }
0x503: {  	v6 =	vmul.f32 v61, v6;
	v8 =	vadd.f32 v8, v11;
	v11 =	vadd.f32 v17, v16  }
0x504: {  	v12 =	vmul.f32 v60, v12;
	v14 =	vmul.f32 v14, v58  }
0x505: {  	v19 =	vmul.f32 v62, v63;
	v13 =	vmul.f32 v1, v15;
	v7 =	vadd.f32 v7, v11  }
0x506: {  	v12 =	vadd.f32 v14, v12  }
0x507: {  	v6 =	vadd.f32 v6, v19;
	v9 =	vadd.f32 v9, v13;
	v7 =	vmax.f32 v7, $0.0e+00  }
0x508: {  	v7 =	vmin.f32 v7, $1.000000000e+00  }
0x509: {  	v8 =	vadd.f32 v8, v12;
	v6 =	vadd.f32 v6, v9;
	[tilespmem:s14+$0x15490] =	vst v7  }
0x50a: {  	v4 =	vadd.f32 v5, v4;
	v5 =	vld.idx.msk [tilespmem:v28+s5+$0x0], $0xffff  }
0x50b: {  	v6 =	vadd.f32 v8, v6;
	v16 =	vld.idx.msk [tilespmem:v36+s5+$0x0], $0xffff  }
0x50c: {  	v3 =	vadd.f32 v4, v3;
	v4 =	vld.idx.msk [tilespmem:v29+s5+$0x0], $0xffff  }
0x50d: {  	v6 =	vmax.f32 v6, $0.0e+00;
	v17 =	vld.idx.msk [tilespmem:v39+s5+$0x0], $0xffff  }
0x50e: {  	v6 =	vmin.f32 v6, $1.000000000e+00;
	v18 =	vld.idx.msk [tilespmem:v26+s5+$0x0], $0xffff  }
0x50f: {  	[tilespmem:s14+$0x13480] =	vst v6;
	v6 =	vld.idx.msk [tilespmem:v41+s5+$0x0], $0xffff  }
0x510: {  	v7 =	vld.idx.msk [tilespmem:v46+s4+$0x0], $0xffff  }
0x511: {  	v8 =	vld.idx.msk [tilespmem:v51+s4+$0x0], $0xffff  }
0x512: {  	v9 =	vld.idx.msk [tilespmem:v35+s4+$0x0], $0xffff  }
0x513: {  	v11 =	vld.idx.msk [tilespmem:v10+s4+$0x0], $0xffff  }
0x514: {  	v12 =	vld.idx.msk [tilespmem:v44+s4+$0x0], $0xffff  }
0x515: {  	v3 =	vmax.f32 v3, $0.0e+00;
	v13 =	vld.idx.msk [tilespmem:v45+s4+$0x0], $0xffff  }
0x516: {  	v3 =	vmin.f32 v3, $1.000000000e+00;
	v14 =	vld.idx.msk [tilespmem:v49+s4+$0x0], $0xffff  }
0x517: {  	[tilespmem:s13+$0x15480] =	vst v3;
	v15 =	vld.idx.msk [tilespmem:v23+s4+$0x0], $0xffff  }
0x518: {  	v19 =	vld [tilespmem:$0x1F950]  }
0x519: {  	v20 =	vld [tilespmem:$0x1F9E0];
	v7 =	vmul.f32 v7, v1;
	v8 =	vmul.f32 v8, v0  }
0x51a: {  	v21 =	vld [tilespmem:$0x1FA20];
	v9 =	vmul.f32 v9, v61;
	v11 =	vmul.f32 v11, v62  }
0x51b: {  	v22 =	vld [tilespmem:$0x1FAC0];
	v12 =	vmul.f32 v12, v60;
	v13 =	vmul.f32 v13, v58  }
0x51c: {  	v34 =	vmov v23;
	v23 =	vld [tilespmem:$0x1FAD0];
	v14 =	vmul.f32 v14, v59;
	v15 =	vmul.f32 v15, v57  }
0x51d: {  	v26 =	vld [tilespmem:$0x1FAE0];
	v7 =	vadd.f32 v8, v7;
	v8 =	vadd.f32 v11, v9  }
0x51e: {  	v19 =	vmul.f32 v20, v19;
	v20 =	vld [tilespmem:$0x1F960];
	v3 =	vadd.f32 v13, v12;
	v11 =	vadd.f32 v15, v14  }
0x51f: {  	v14 =	vld [tilespmem:$0x1F9B0]  }
0x520: {  	v3 =	vadd.f32 v11, v3;
	v11 =	vld [tilespmem:$0x1F930]  }
0x521: {  	v9 =	vld.idx.msk [tilespmem:v30+s5+$0x0], $0xffff  }
0x522: {  	v12 =	vld.idx.msk [tilespmem:v27+s5+$0x0], $0xffff  }
0x523: {  	v13 =	vld [tilespmem:$0x1F9F0]  }
0x524: {  	v15 =	vld [tilespmem:$0x1F9D0];
	v7 =	vadd.f32 v8, v7  }
0x525: {  	v11 =	vmul.f32 v14, v11;
	v14 =	vld [tilespmem:$0x1F940]  }
0x526: {  	v22 =	vld.idx.msk [tilespmem:v22+s5+$0x0], $0xffff;
	v3 =	vadd.f32 v3, v7  }
0x527: {  	v8 =	vld [tilespmem:$0x1FA00]  }
0x528: {  	v20 =	vmul.f32 v21, v20;
	v21 =	vld [tilespmem:$0x1FA40];
	v3 =	vmax.f32 v3, $0.0e+00  }
0x529: {  	v7 =	vld [tilespmem:$0x1FAB0];
	v3 =	vmin.f32 v3, $1.000000000e+00  }
0x52a: {  	v14 =	vmul.f32 v15, v14;
	v15 =	vld [tilespmem:$0x1FA30];
	[tilespmem:s14+$0x15480] =	vst v3  }
0x52b: {  	v3 =	vld [tilespmem:$0x1F970]  }
0x52c: {  	v25 =	vld [tilespmem:$0x1FA60]  }
0x52d: {  	v23 =	vld.idx.msk [tilespmem:v23+s5+$0x0], $0xffff  }
0x52e: {  	v16 =	vmul.f32 v16, v32;
	v4 =	vmul.f32 v4, v40;
	v26 =	vld.idx.msk [tilespmem:v26+s5+$0x0], $0xffff  }
0x52f: {  	v13 =	vld.idx.msk [tilespmem:v13+s5+$0x0], $0xffff  }
0x530: {  	v4 =	vadd.f32 v4, v16;
	v16 =	vld [tilespmem:$0x1F980]  }
0x531: {  	v3 =	vmul.f32 v25, v3;
	v25 =	vld [tilespmem:$0x1FA80]  }
0x532: {  	v8 =	vld.idx.msk [tilespmem:v8+s5+$0x0], $0xffff  }
0x533: {  	v17 =	vmul.f32 v17, v42;
	v18 =	vmul.f32 v18, v33;
	v21 =	vld.idx.msk [tilespmem:v21+s5+$0x0], $0xffff  }
0x534: {  	v5 =	vmul.f32 v5, v37;
	v6 =	vmul.f32 v6, v38;
	v7 =	vld.idx.msk [tilespmem:v7+s5+$0x0], $0xffff  }
0x535: {  	v17 =	vadd.f32 v18, v17;
	v9 =	vmul.f32 v9, v50;
	v12 =	vmul.f32 v12, v55;
	v18 =	vld [tilespmem:$0x1F990]  }
0x536: {  	v16 =	vmul.f32 v25, v16;
	v25 =	vld [tilespmem:$0x1FAA0]  }
0x537: {  	v5 =	vadd.f32 v5, v6;
	v9 =	vadd.f32 v12, v9;
	v6 =	vld.idx.msk [tilespmem:v46+s5+$0x0], $0xffff  }
0x538: {  	v12 =	vld.idx.msk [tilespmem:v51+s5+$0x0], $0xffff  }
0x539: {  	v4 =	vadd.f32 v4, v5;
	v5 =	vadd.f32 v9, v17;
	v9 =	vld.idx.msk [tilespmem:v10+s5+$0x0], $0xffff  }
0x53a: {  	v2 =	vadd.f32 v11, v2;
	v17 =	vld.idx.msk [tilespmem:v44+s5+$0x0], $0xffff;
	v11 =	vadd.f32 v19, v14  }
0x53b: {  	v14 =	vld.idx.msk [tilespmem:v35+s5+$0x0], $0xffff;
	v18 =	vmul.f32 v25, v18  }
0x53c: {  	v10 =	vmul.f32 v13, v31;
	v2 =	vadd.f32 v11, v2;
	v11 =	vld.idx.msk [tilespmem:v45+s5+$0x0], $0xffff  }
0x53d: {  	v19 =	vmul.f32 v26, v52;
	v15 =	vld.idx.msk [tilespmem:v15+s5+$0x0], $0xffff;
	v3 =	vadd.f32 v3, v20;
	v16 =	vadd.f32 v18, v16  }
0x53e: {  	v4 =	vadd.f32 v5, v4;
	v8 =	vmul.f32 v8, v24;
	v5 =	vmul.f32 v7, v48;
	v18 =	vld.idx.msk [tilespmem:v34+s5+$0x0], $0xffff  }
0x53f: {  	v7 =	vmul.f32 v22, v53;
	v1 =	vmul.f32 v6, v1;
	v3 =	vadd.f32 v16, v3;
	v16 =	vld.idx.msk [tilespmem:v49+s5+$0x0], $0xffff  }
0x540: {  	v8 =	vadd.f32 v8, v10;
	v0 =	vmul.f32 v12, v0;
	v9 =	vmul.f32 v9, v62  }
0x541: {  	v10 =	vmul.f32 v14, v61;
	v5 =	vadd.f32 v7, v5;
	v7 =	vmul.f32 v17, v60  }
0x542: {  	v0 =	vadd.f32 v0, v1;
	v13 =	vmul.f32 v15, v56;
	v15 =	vmul.f32 v21, v43  }
0x543: {  	v11 =	vmul.f32 v11, v58;
	v2 =	vadd.f32 v3, v2;
	v3 =	vmul.f32 v23, v54  }
0x544: {  	v6 =	vadd.f32 v15, v13;
	v13 =	vmul.f32 v18, v57;
	v12 =	vmul.f32 v16, v59  }
0x545: {  	v1 =	vadd.f32 v9, v10;
	v3 =	vadd.f32 v19, v3  }
0x546: {  	v7 =	vadd.f32 v11, v7;
	v9 =	vadd.f32 v13, v12  }
0x547: {  	v6 =	vadd.f32 v6, v8;
	v3 =	vadd.f32 v3, v5  }
0x548: {  	v0 =	vadd.f32 v1, v0;
	v1 =	vadd.f32 v9, v7  }
0x549: {  	v4 =	vmax.f32 v4, $0.0e+00;
	v3 =	vadd.f32 v3, v6  }
0x54a: {  	v4 =	vmin.f32 v4, $1.000000000e+00;
	v2 =	vmax.f32 v2, $0.0e+00;
	v0 =	vadd.f32 v1, v0  }
0x54b: {  	[tilespmem:s14+$0x17490] =	vst v4;
	v1 =	vmin.f32 v2, $1.000000000e+00;
	v2 =	vmax.f32 v3, $0.0e+00  }
0x54c: {  	[tilespmem:s12+$0x17480] =	vst v1;
	v1 =	vmin.f32 v2, $1.000000000e+00;
	v0 =	vmax.f32 v0, $0.0e+00  }
0x54d: {  	[tilespmem:s13+$0x17480] =	vst v1;
	v0 =	vmin.f32 v0, $1.000000000e+00  }
0x54e: {  	[tilespmem:s14+$0x17480] =	vst v0  }
0x54f: {  	s21 =	simm.s32 $0x0;
	s15 =	simm.s32 $0x13480;
	s13 =	rddreg [dreg:$0x16]  }
0x550: {  	[hbm4b:s13+s21] =	stream.linear.scatter [tilespmem:s15], [sflag:$0x6], $0x2000, $0x38;
	[tilespmem:$0x19480] =	vst v63  }
0x551: {  	s16 =	simm.s32 $0x15480  }
0x552: {  	[hbm4b:s22+s21] =	stream.linear.scatter [tilespmem:s16], [sflag:$0x6], $0x2000, $0x38;
	[tilespmem:$0x19480] =	vst v63  }
0x553: {  	s17 =	simm.s32 $0x17480  }
0x554: {  	[hbm4b:s23+s21] =	stream.linear.scatter [tilespmem:s17], [sflag:$0x6], $0x2000, $0x38;
	[tilespmem:$0x19480] =	vst v63  }
0x555: {  	_ =	swait.ge [sflag:s2], $0x2000  }
0x556: {  	[sflag:s2] =	ssyncset.done $0x0  }
0x557: {  	[sflag:s2] =	ssyncadd.s32 $0xFFFFE000  }
0x558: {  	_ =	swait.ge [sflag:s2], $0x2000  }
0x559: {  	s18 =	simm.s32 $0x0;
	[sflag:s2] =	ssyncset.done $0x0  }
0x55a: {  	s19 =	sand.u32 $0x1000, s18;
	s15 =	sand.u32 $0xC00, s21;
	[sflag:s2] =	ssyncadd.s32 $0xFFFFE000  }
0x55b: {  	s12 =	sand.u32 $0x380, s21;
	s14 =	sor.u32 s19, s15;
	_ =	swait.ge [sflag:s2], $0x2000  }
0x55c: {  	s13 =	sand.u32 $0x60, s18;
	s12 =	sor.u32 s12, s14;
	[sflag:s2] =	ssyncset.done $0x0  }
0x55d: {  	s12 =	sor.u32 s13, s12;
	[sflag:s2] =	ssyncadd.s32 $0xFFFFE000  }
0x55e: {  	v0 =	vld [tilespmem:s12+$0x7490]  }
0x55f: {  	v1 =	vld [tilespmem:s12+$0x9490]  }
0x560: {  	v2 =	vld [tilespmem:s12+$0xB490];
	_ =	sdelay $0x3  }
0x561: {  	v0 =	vmul.f32 $1.593750000e+01, v0;
	v1 =	vmul.f32 $1.593750000e+01, v1  }
0x562: {  	v2 =	vmul.f32 $1.593750000e+01, v2  }
0x563: {  	v3 =	vtrunc.f32 v0;
	v4 =	vtrunc.f32 v1  }
0x564: {  	v3 =	vcvt.f32.s32 v3;
	v5 =	vcvt.f32.s32 v4;
	_ =	sdelay $0x1  }
0x565: {  	v4 =	vtrunc.f32 v2;
	v6 =	vmul.u32 $0x121, v3;
	v7 =	vmul.u32 $0x11, v5  }
0x566: {  	v4 =	vcvt.f32.s32 v4  }
0x567: {  	v6 =	vadd.s32 v6, v7  }
0x568: {  	v6 =	vadd.s32 v4, v6  }
0x569: {  	v7 =	vcvt.s32.f32 v4;
	v4 =	vadd.s32 $0x1, v6  }
0x56a: {  	v3 =	vcvt.s32.f32 v3;
	v8 =	vcvt.s32.f32 v5;
	v5 =	vadd.s32 $0x11, v6  }
0x56b: {  	v7 =	vsub.f32 v2, v7;
	v2 =	vadd.s32 $0x12, v6  }
0x56c: {  	v3 =	vsub.f32 v0, v3;
	v8 =	vsub.f32 v1, v8;
	v13 =	vadd.s32 $0x121, v6  }
0x56d: {  	v12 =	vadd.s32 $0x122, v6;
	v9 =	vld.idx.msk [tilespmem:v6+s3+$0x0], $0xffff  }
0x56e: {  	v10 =	vadd.s32 $0x132, v6;
	v15 =	vsub.f32 $1.000000000e+00, v3;
	v16 =	vsub.f32 $1.000000000e+00, v8;
	v19 =	vld.idx.msk [tilespmem:v4+s3+$0x0], $0xffff  }
0x56f: {  	v11 =	vadd.s32 $0x133, v6;
	v20 =	vld.idx.msk [tilespmem:v5+s3+$0x0], $0xffff  }
0x570: {  	v0 =	vmul.f32 v8, v3;
	v14 =	vsub.f32 $1.000000000e+00, v7;
	v18 =	vmul.f32 v16, v15;
	v21 =	vld.idx.msk [tilespmem:v2+s3+$0x0], $0xffff  }
0x571: {  	v8 =	vmul.f32 v8, v15;
	v24 =	vmul.f32 v16, v3;
	v22 =	vld.idx.msk [tilespmem:v13+s3+$0x0], $0xffff  }
0x572: {  	v1 =	vmul.f32 v14, v0;
	v0 =	vmul.f32 v7, v0;
	v23 =	vld.idx.msk [tilespmem:v12+s3+$0x0], $0xffff  }
0x573: {  	v17 =	vmul.f32 v14, v18;
	v16 =	vmul.f32 v18, v7;
	v25 =	vld.idx.msk [tilespmem:v10+s3+$0x0], $0xffff  }
0x574: {  	v18 =	vmul.f32 v14, v8;
	v3 =	vmul.f32 v7, v8;
	v26 =	vld.idx.msk [tilespmem:v11+s3+$0x0], $0xffff  }
0x575: {  	v15 =	vmul.f32 v14, v24;
	v14 =	vmul.f32 v24, v7  }
0x576: {  	v7 =	vmul.f32 v17, v9;
	v8 =	vmul.f32 v16, v19  }
0x577: {  	v9 =	vld [tilespmem:s12+$0x7480];
	v19 =	vmul.f32 v18, v20;
	v20 =	vmul.f32 v3, v21  }
0x578: {  	v21 =	vld [tilespmem:s12+$0x9480];
	v22 =	vmul.f32 v15, v22;
	v23 =	vmul.f32 v23, v14  }
0x579: {  	v24 =	vmul.f32 v25, v1;
	v25 =	vmul.f32 v26, v0  }
0x57a: {  	v7 =	vadd.f32 v8, v7;
	v8 =	vadd.f32 v19, v20  }
0x57b: {  	v19 =	vld [tilespmem:s12+$0xB480];
	v20 =	vadd.f32 v23, v22;
	v22 =	vadd.f32 v25, v24  }
0x57c: {  	v9 =	vmul.f32 $1.593750000e+01, v9  }
0x57d: {  	v7 =	vadd.f32 v8, v7;
	v8 =	vadd.f32 v22, v20;
	v21 =	vmul.f32 $1.593750000e+01, v21;
	_ =	sdelay $0x1  }
0x57e: {  	v20 =	vtrunc.f32 v9;
	v7 =	vadd.f32 v8, v7;
	v22 =	vtrunc.f32 v21  }
0x57f: {  	v8 =	vmul.f32 $1.593750000e+01, v19;
	v19 =	vcvt.f32.s32 v20  }
0x580: {  	v20 =	vcvt.f32.s32 v22;
	v7 =	vmax.f32 v7, $0.0e+00  }
0x581: {  	v22 =	vmul.u32 $0x121, v19;
	v23 =	vtrunc.f32 v8;
	v7 =	vmin.f32 v7, $1.000000000e+00  }
0x582: {  	v19 =	vcvt.s32.f32 v19;
	v24 =	vmul.u32 $0x11, v20;
	v20 =	vcvt.s32.f32 v20;
	[tilespmem:s12+$0x7490] =	vst v7  }
0x583: {  	v7 =	vcvt.f32.s32 v23;
	v23 =	vld.idx.msk [tilespmem:v6+s4+$0x0], $0xffff  }
0x584: {  	v9 =	vsub.f32 v9, v19;
	v25 =	vld.idx.msk [tilespmem:v2+s4+$0x0], $0xffff;
	v19 =	vadd.s32 v22, v24;
	v20 =	vsub.f32 v21, v20  }
0x585: {  	v28 =	vld.idx.msk [tilespmem:v12+s4+$0x0], $0xffff;
	v22 =	vcvt.s32.f32 v7;
	v32 =	vadd.s32 v7, v19  }
0x586: {  	v29 =	vld.idx.msk [tilespmem:v11+s4+$0x0], $0xffff;
	v19 =	vsub.f32 $1.000000000e+00, v9;
	v43 =	vadd.s32 $0x1, v32;
	v24 =	vsub.f32 $1.000000000e+00, v20  }
0x587: {  	v21 =	vld.idx.msk [tilespmem:v4+s4+$0x0], $0xffff;
	v46 =	vadd.s32 $0x11, v32;
	v45 =	vadd.s32 $0x12, v32;
	v8 =	vsub.f32 v8, v22  }
0x588: {  	v7 =	vld.idx.msk [tilespmem:v5+s4+$0x0], $0xffff;
	v42 =	vadd.s32 $0x121, v32;
	v26 =	vmul.f32 v20, v9;
	v27 =	vmul.f32 v24, v19  }
0x589: {  	v22 =	vld.idx.msk [tilespmem:v13+s4+$0x0], $0xffff;
	v19 =	vmul.f32 v20, v19;
	v20 =	vsub.f32 $1.000000000e+00, v8;
	v9 =	vmul.f32 v24, v9  }
0x58a: {  	s16 =	simm.s32 $0x100;
	s21 =	simm.s32 $0x20;
	v24 =	vld.idx.msk [tilespmem:v10+s4+$0x0], $0xffff;
	v63 =	vmul.f32 v8, v26;
	v23 =	vmul.f32 v23, v17  }
0x58b: {  	s14 =	sand.u32 $0xC00, s16;
	s16 =	simm.s32 $0x8;
	s17 =	sand.u32 $0x1000, s21;
	v56 =	vmul.f32 v27, v8;
	v40 =	vmul.f32 v20, v27;
	v27 =	vld.idx.msk [tilespmem:v43+s3+$0x0], $0xffff  }
0x58c: {  	s18 =	sand.u32 $0x380, s16;
	s14 =	sor.u32 s17, s14;
	v57 =	vmul.f32 v8, v19;
	v58 =	vmul.f32 v20, v19;
	v19 =	vld.idx.msk [tilespmem:v46+s3+$0x0], $0xffff;
	[tilespmem:$0x1F740] =	vst v46  }
0x58d: {  	s13 =	sand.u32 $0x60, s21;
	s14 =	sor.u32 s18, s14;
	v62 =	vadd.s32 $0x122, v32;
	v25 =	vmul.f32 v25, v3;
	v28 =	vmul.f32 v28, v14;
	v30 =	vld.idx.msk [tilespmem:v45+s3+$0x0], $0xffff;
	[tilespmem:$0x1F760] =	vst v45  }
0x58e: {  	s13 =	sor.u32 s13, s14;
	v29 =	vmul.f32 v29, v0;
	v21 =	vmul.f32 v21, v16;
	v31 =	vld.idx.msk [tilespmem:v42+s3+$0x0], $0xffff;
	[tilespmem:$0x1F790] =	vst v42  }
0x58f: {  	v49 =	vadd.s32 $0x132, v32;
	v59 =	vmul.f32 v20, v9;
	v7 =	vmul.f32 v7, v18;
	v41 =	vld [tilespmem:s13+$0x7490]  }
0x590: {  	v48 =	vadd.s32 $0x133, v32;
	v60 =	vmul.f32 v9, v8;
	v22 =	vmul.f32 v22, v15;
	v44 =	vld [tilespmem:s13+$0x9490]  }
0x591: {  	v8 =	vadd.f32 v21, v23;
	v7 =	vadd.f32 v25, v7;
	v24 =	vmul.f32 v24, v1;
	v9 =	vld [tilespmem:s13+$0xB490]  }
0x592: {  	v61 =	vmul.f32 v20, v26;
	v20 =	vadd.f32 v28, v22;
	v22 =	vld.idx.msk [tilespmem:v62+s3+$0x0], $0xffff  }
0x593: {  	[tilespmem:$0x1F7D0] =	vst v62;
	v7 =	vadd.f32 v7, v8;
	v21 =	vadd.f32 v29, v24;
	v23 =	vmul.f32 v56, v27  }
0x594: {  	v24 =	vld.idx.msk [tilespmem:v49+s3+$0x0], $0xffff;
	[tilespmem:$0x1F7F0] =	vst v49;
	v19 =	vmul.f32 v58, v19;
	v25 =	vmul.f32 v57, v30  }
0x595: {  	v8 =	vadd.f32 v21, v20;
	v20 =	vld.idx.msk [tilespmem:v48+s3+$0x0], $0xffff;
	[tilespmem:$0x1F810] =	vst v48;
	v36 =	vmul.f32 v59, v31  }
0x596: {  	v27 =	vld.idx.msk [tilespmem:v32+s3+$0x0], $0xffff;
	v21 =	vmul.f32 $1.593750000e+01, v41;
	v26 =	vmul.f32 $1.593750000e+01, v44  }
0x597: {  	v30 =	vld [tilespmem:s13+$0x9480];
	v7 =	vadd.f32 v8, v7;
	v8 =	vmul.f32 $1.593750000e+01, v9;
	v22 =	vmul.f32 v22, v60  }
0x598: {  	v9 =	vld [tilespmem:s13+$0x7480];
	v28 =	vtrunc.f32 v21;
	v29 =	vtrunc.f32 v26  }
0x599: {  	v7 =	vmax.f32 v7, $0.0e+00;
	v28 =	vcvt.f32.s32 v28;
	v29 =	vcvt.f32.s32 v29  }
0x59a: {  	v24 =	vmul.f32 v24, v61;
	v7 =	vmin.f32 v7, $1.000000000e+00;
	v20 =	vmul.f32 v20, v63  }
0x59b: {  	[tilespmem:s12+$0x9490] =	vst v7;
	v7 =	vtrunc.f32 v8;
	v31 =	vmul.u32 $0x121, v28;
	v47 =	vmul.u32 $0x11, v29  }
0x59c: {  	v19 =	vadd.f32 v19, v25;
	v41 =	vmul.f32 $1.593750000e+01, v30;
	v6 =	vld.idx.msk [tilespmem:v6+s5+$0x0], $0xffff;
	v7 =	vcvt.f32.s32 v7;
	[tilespmem:$0x1F880] =	vst v40  }
0x59d: {  	v25 =	vmul.f32 v40, v27;
	v9 =	vmul.f32 $1.593750000e+01, v9;
	v4 =	vld.idx.msk [tilespmem:v4+s5+$0x0], $0xffff;
	v27 =	vadd.s32 v31, v47  }
0x59e: {  	v28 =	vcvt.s32.f32 v28;
	v5 =	vld.idx.msk [tilespmem:v5+s5+$0x0], $0xffff;
	v52 =	vtrunc.f32 v41;
	v35 =	vadd.s32 v7, v27  }
0x59f: {  	v2 =	vld.idx.msk [tilespmem:v2+s5+$0x0], $0xffff;
	v7 =	vcvt.s32.f32 v7;
	v27 =	vcvt.s32.f32 v29;
	v44 =	vadd.s32 $0x1, v35  }
0x5a0: {  	v13 =	vld.idx.msk [tilespmem:v13+s5+$0x0], $0xffff;
	v31 =	vadd.s32 $0x11, v35;
	v29 =	vadd.s32 $0x12, v35;
	v33 =	vadd.s32 $0x121, v35  }
0x5a1: {  	v10 =	vld.idx.msk [tilespmem:v10+s5+$0x0], $0xffff;
	v30 =	vadd.s32 $0x122, v35;
	v7 =	vsub.f32 v8, v7;
	v8 =	vsub.f32 v21, v28  }
0x5a2: {  	v21 =	vsub.f32 v26, v27;
	v6 =	vmul.f32 v6, v17;
	v27 =	vadd.s32 $0x132, v35  }
0x5a3: {  	v26 =	vadd.s32 $0x133, v35;
	v4 =	vmul.f32 v4, v16;
	v5 =	vmul.f32 v5, v18;
	v16 =	vld.idx.msk [tilespmem:v35+s3+$0x0], $0xffff  }
0x5a4: {  	v3 =	vmul.f32 v2, v3;
	v17 =	vsub.f32 $1.000000000e+00, v7;
	v18 =	vmul.f32 v21, v8;
	v53 =	vld.idx.msk [tilespmem:v44+s3+$0x0], $0xffff  }
0x5a5: {  	v34 =	vmovc v40;
	v13 =	vmul.f32 v13, v15;
	v37 =	vsub.f32 $1.000000000e+00, v8;
	v38 =	vsub.f32 $1.000000000e+00, v21;
	v54 =	vld.idx.msk [tilespmem:v31+s3+$0x0], $0xffff  }
0x5a6: {  	v22 =	vadd.f32 v22, v36;
	v1 =	vmul.f32 v10, v1;
	v55 =	vld.idx.msk [tilespmem:v29+s3+$0x0], $0xffff;
	v2 =	vmul.f32 v17, v18  }
0x5a7: {  	v20 =	vadd.f32 v20, v24;
	v24 =	vld.idx.msk [tilespmem:v33+s3+$0x0], $0xffff;
	v50 =	vmul.f32 v38, v37;
	v47 =	vmul.f32 v7, v18  }
0x5a8: {  	v18 =	vadd.f32 v23, v25;
	v23 =	vld.idx.msk [tilespmem:v30+s3+$0x0], $0xffff;
	v21 =	vmul.f32 v21, v37;
	v8 =	vmul.f32 v38, v8  }
0x5a9: {  	v20 =	vadd.f32 v20, v22;
	v22 =	vld.idx.msk [tilespmem:v27+s3+$0x0], $0xffff;
	v36 =	vmul.f32 v17, v50;
	v37 =	vmul.f32 v50, v7  }
0x5aa: {  	v18 =	vadd.f32 v19, v18;
	v19 =	vld.idx.msk [tilespmem:v26+s3+$0x0], $0xffff;
	v40 =	vmul.f32 v17, v21;
	v50 =	vmul.f32 v7, v21  }
0x5ab: {  	v38 =	vmul.f32 v17, v8;
	v39 =	vmul.f32 v8, v7  }
0x5ac: {  	v8 =	vld.idx.msk [tilespmem:v12+s5+$0x0], $0xffff;
	v12 =	vmul.f32 v36, v16;
	v16 =	vmul.f32 v37, v53  }
0x5ad: {  	v11 =	vld.idx.msk [tilespmem:v11+s5+$0x0], $0xffff;
	v7 =	vadd.f32 v20, v18;
	v17 =	vmul.f32 v40, v54;
	v18 =	vmul.f32 v50, v55  }
0x5ae: {  	v20 =	vmul.f32 v38, v24;
	v21 =	vmul.f32 v23, v39  }
0x5af: {  	v7 =	vmax.f32 v7, $0.0e+00;
	v22 =	vmul.f32 v22, v2;
	v19 =	vmul.f32 v19, v47  }
0x5b0: {  	v23 =	vld [tilespmem:s13+$0xB480];
	v7 =	vmin.f32 v7, $1.000000000e+00;
	v12 =	vadd.f32 v16, v12;
	v15 =	vadd.f32 v17, v18  }
0x5b1: {  	[tilespmem:s12+$0x7480] =	vst v7;
	v7 =	vmul.f32 v8, v14;
	v8 =	vadd.f32 v21, v20;
	v14 =	vadd.f32 v19, v22  }
0x5b2: {  	v0 =	vmul.f32 v11, v0;
	v4 =	vadd.f32 v4, v6;
	v3 =	vadd.f32 v3, v5;
	v16 =	vld.idx.msk [tilespmem:v32+s4+$0x0], $0xffff  }
0x5b3: {  	v51 =	vtrunc.f32 v9;
	v5 =	vld.idx.msk [tilespmem:v43+s4+$0x0], $0xffff;
	v6 =	vadd.f32 v15, v12;
	v8 =	vadd.f32 v14, v8  }
0x5b4: {  	v11 =	vcvt.f32.s32 v51;
	v0 =	vadd.f32 v0, v1;
	v12 =	vld.idx.msk [tilespmem:v46+s4+$0x0], $0xffff;
	v7 =	vadd.f32 v7, v13  }
0x5b5: {  	v1 =	vcvt.f32.s32 v52;
	v15 =	vld.idx.msk [tilespmem:v62+s4+$0x0], $0xffff;
	v10 =	vmul.f32 $1.593750000e+01, v23;
	v6 =	vadd.f32 v8, v6  }
0x5b6: {  	v3 =	vadd.f32 v3, v4;
	v4 =	vmul.u32 $0x121, v11;
	v18 =	vld.idx.msk [tilespmem:v49+s4+$0x0], $0xffff;
	v0 =	vadd.f32 v0, v7  }
0x5b7: {  	v17 =	vmul.u32 $0x11, v1;
	v13 =	vld.idx.msk [tilespmem:v45+s4+$0x0], $0xffff;
	v14 =	vtrunc.f32 v10;
	v6 =	vmax.f32 v6, $0.0e+00  }
0x5b8: {  	v7 =	vld.idx.msk [tilespmem:v48+s4+$0x0], $0xffff;
	v14 =	vcvt.f32.s32 v14;
	v0 =	vadd.f32 v0, v3;
	v6 =	vmin.f32 v6, $1.000000000e+00  }
0x5b9: {  	v4 =	vadd.s32 v4, v17;
	v8 =	vld.idx.msk [tilespmem:v42+s4+$0x0], $0xffff;
	[tilespmem:s13+$0x7490] =	vst v6  }
0x5ba: {  	v25 =	vadd.s32 v14, v4;
	v4 =	vld.idx.msk [tilespmem:v35+s4+$0x0], $0xffff;
	[tilespmem:$0x1F8A0] =	vst v0  }
0x5bb: {  	v11 =	vcvt.s32.f32 v11;
	v1 =	vcvt.s32.f32 v1;
	v3 =	vld.idx.msk [tilespmem:v44+s4+$0x0], $0xffff  }
0x5bc: {  	v16 =	vmul.f32 v16, v34;
	v0 =	vcvt.s32.f32 v14;
	v14 =	vld.idx.msk [tilespmem:v31+s4+$0x0], $0xffff  }
0x5bd: {  	v1 =	vsub.f32 v41, v1;
	v5 =	vmul.f32 v5, v56;
	v12 =	vmul.f32 v12, v58;
	v19 =	vld.idx.msk [tilespmem:v29+s4+$0x0], $0xffff  }
0x5be: {  	v15 =	vmul.f32 v15, v60;
	v18 =	vmul.f32 v18, v61;
	v24 =	vadd.s32 $0x1, v25;
	v20 =	vld.idx.msk [tilespmem:v33+s4+$0x0], $0xffff;
	[tilespmem:$0x1F6D0] =	vst v56  }
0x5bf: {  	v13 =	vmul.f32 v13, v57;
	v54 =	vadd.s32 $0x11, v25;
	v62 =	vadd.s32 $0x12, v25;
	v21 =	vld.idx.msk [tilespmem:v30+s4+$0x0], $0xffff  }
0x5c0: {  	v46 =	vadd.s32 $0x121, v25;
	v45 =	vadd.s32 $0x122, v25;
	v6 =	vsub.f32 v9, v11;
	v22 =	vld.idx.msk [tilespmem:v27+s4+$0x0], $0xffff;
	[tilespmem:$0x1F6E0] =	vst v58  }
0x5c1: {  	v5 =	vadd.f32 v5, v16;
	v11 =	vsub.f32 $1.000000000e+00, v1;
	v7 =	vmul.f32 v7, v63;
	v23 =	vld.idx.msk [tilespmem:v26+s4+$0x0], $0xffff;
	[tilespmem:$0x1F6F0] =	vst v57  }
0x5c2: {  	v8 =	vmul.f32 v8, v59;
	v9 =	vsub.f32 $1.000000000e+00, v6;
	v17 =	vmul.f32 v1, v6;
	[tilespmem:$0x1F700] =	vst v59  }
0x5c3: {  	v42 =	vadd.s32 $0x132, v25;
	v6 =	vmul.f32 v11, v6;
	v0 =	vsub.f32 v10, v0;
	v41 =	vld.idx.msk [tilespmem:v24+s3+$0x0], $0xffff;
	[tilespmem:$0x1F710] =	vst v60  }
0x5c4: {  	v12 =	vadd.f32 v13, v12;
	v10 =	vmul.f32 v11, v9;
	v1 =	vmul.f32 v1, v9;
	[tilespmem:$0x1F720] =	vst v61  }
0x5c5: {  	v55 =	vmovc v43;
	v57 =	vadd.s32 $0x133, v25;
	v49 =	vmul.f32 v0, v17;
	v34 =	vmul.f32 v6, v0;
	v59 =	vld.idx.msk [tilespmem:v54+s3+$0x0], $0xffff  }
0x5c6: {  	s15 =	simm.s32 $0x40;
	s16 =	simm.s32 $0x200;
	v8 =	vadd.f32 v15, v8;
	v4 =	vmul.f32 v4, v36;
	v43 =	vld.idx.msk [tilespmem:v62+s3+$0x0], $0xffff;
	v3 =	vmul.f32 v3, v37  }
0x5c7: {  	s19 =	sand.u32 $0x1000, s15;
	s17 =	simm.s32 $0x10;
	s18 =	sand.u32 $0xC00, s16;
	v9 =	vsub.f32 $1.000000000e+00, v0;
	v15 =	vld.idx.msk [tilespmem:v46+s3+$0x0], $0xffff;
	v13 =	vmul.f32 v14, v40;
	v14 =	vmul.f32 v19, v50  }
0x5c8: {  	s21 =	sand.u32 $0x380, s17;
	s14 =	sor.u32 s19, s18;
	v19 =	vld.idx.msk [tilespmem:v45+s3+$0x0], $0xffff;
	v3 =	vadd.f32 v3, v4;
	v4 =	vmul.f32 v20, v38;
	v20 =	vmul.f32 v22, v2  }
0x5c9: {  	s19 =	sand.u32 $0x60, s15;
	s14 =	sor.u32 s21, s14;
	v16 =	vmul.f32 v21, v39;
	v21 =	vmul.f32 v23, v47;
	v23 =	vmov v25;
	v22 =	vld.idx.msk [tilespmem:v42+s3+$0x0], $0xffff;
	[tilespmem:$0x1F730] =	vst v63  }
0x5ca: {  	s14 =	sor.u32 s19, s14;
	v48 =	vmul.f32 v10, v0;
	v28 =	vmul.f32 v9, v10;
	v14 =	vadd.f32 v14, v13;
	v56 =	vld.idx.msk [tilespmem:v57+s3+$0x0], $0xffff  }
0x5cb: {  	v25 =	vmul.f32 v0, v1;
	v0 =	vld [tilespmem:s14+$0xB490];
	v4 =	vadd.f32 v16, v4;
	v21 =	vadd.f32 v21, v20  }
0x5cc: {  	v7 =	vadd.f32 v7, v18;
	v63 =	vmul.f32 v9, v17;
	v20 =	vmovc v24;
	v24 =	vmul.f32 v9, v6;
	v6 =	vld [tilespmem:s14+$0x7490]  }
0x5cd: {  	v16 =	vmul.f32 v9, v1;
	v3 =	vadd.f32 v14, v3;
	v4 =	vadd.f32 v21, v4;
	v9 =	vld [tilespmem:s14+$0x9490]  }
0x5ce: {  	v5 =	vadd.f32 v12, v5;
	v7 =	vadd.f32 v7, v8;
	v8 =	vmul.f32 v48, v41;
	v1 =	vld.idx.msk [tilespmem:v23+s3+$0x0], $0xffff  }
0x5cf: {  	v14 =	vmul.f32 v25, v43;
	v12 =	vmul.f32 v16, v59;
	v3 =	vadd.f32 v4, v3  }
0x5d0: {  	v4 =	vadd.f32 v7, v5;
	v5 =	vmul.f32 v24, v15;
	v7 =	vmul.f32 v19, v34  }
0x5d1: {  	v15 =	vmul.f32 v22, v63;
	v17 =	vmul.f32 v56, v49;
	v3 =	vmax.f32 v3, $0.0e+00  }
0x5d2: {  	v0 =	vmul.f32 $1.593750000e+01, v0;
	v3 =	vmin.f32 v3, $1.000000000e+00;
	v6 =	vmul.f32 $1.593750000e+01, v6  }
0x5d3: {  	v1 =	vmul.f32 v28, v1;
	[tilespmem:s13+$0x9490] =	vst v3;
	v3 =	vmul.f32 $1.593750000e+01, v9  }
0x5d4: {  	v12 =	vadd.f32 v12, v14;
	v14 =	vld [tilespmem:s14+$0x7480];
	v9 =	vtrunc.f32 v0;
	v18 =	vtrunc.f32 v6  }
0x5d5: {  	v15 =	vadd.f32 v17, v15;
	v17 =	vld.idx.msk [tilespmem:v44+s5+$0x0], $0xffff;
	v9 =	vcvt.f32.s32 v9;
	v19 =	vtrunc.f32 v3  }
0x5d6: {  	v21 =	vld.idx.msk [tilespmem:v31+s5+$0x0], $0xffff;
	v18 =	vcvt.f32.s32 v18;
	v19 =	vcvt.f32.s32 v19  }
0x5d7: {  	v5 =	vadd.f32 v7, v5;
	v4 =	vmax.f32 v4, $0.0e+00;
	v10 =	vld.idx.msk [tilespmem:v26+s5+$0x0], $0xffff;
	v1 =	vadd.f32 v8, v1  }
0x5d8: {  	v8 =	vld.idx.msk [tilespmem:v29+s5+$0x0], $0xffff;
	v22 =	vcvt.s32.f32 v9;
	v29 =	vmul.u32 $0x121, v18;
	v31 =	vmul.u32 $0x11, v19  }
0x5d9: {  	v4 =	vmin.f32 v4, $1.000000000e+00;
	v5 =	vadd.f32 v15, v5;
	v7 =	vld.idx.msk [tilespmem:v35+s5+$0x0], $0xffff;
	v18 =	vcvt.s32.f32 v18  }
0x5da: {  	v15 =	vld.idx.msk [tilespmem:v33+s5+$0x0], $0xffff;
	v1 =	vadd.f32 v12, v1;
	v0 =	vsub.f32 v0, v22;
	v22 =	vadd.s32 v29, v31  }
0x5db: {  	v27 =	vld.idx.msk [tilespmem:v27+s5+$0x0], $0xffff;
	v19 =	vcvt.s32.f32 v19;
	v6 =	vsub.f32 v6, v18;
	v41 =	vadd.s32 v9, v22  }
0x5dc: {  	[tilespmem:s12+$0x9480] =	vst v4;
	v12 =	vld.idx.msk [tilespmem:v30+s5+$0x0], $0xffff;
	v58 =	vmul.f32 v10, v47;
	v18 =	vadd.s32 $0x1, v41;
	v56 =	vadd.s32 $0x11, v41  }
0x5dd: {  	v10 =	vld.idx.msk [tilespmem:v32+s5+$0x0], $0xffff;
	v9 =	vmul.f32 v17, v37;
	v17 =	vmul.f32 v21, v40;
	v40 =	vmov v18  }
0x5de: {  	v3 =	vsub.f32 v3, v19;
	v19 =	vld [tilespmem:s14+$0xB480]  }
0x5df: {  	v18 =	vld [tilespmem:s14+$0x9480]  }
0x5e0: {  	v59 =	vld.idx.msk [tilespmem:v41+s3+$0x0], $0xffff  }
0x5e1: {  	v4 =	vld.idx.msk [tilespmem:v56+s3+$0x0], $0xffff  }
0x5e2: {  	v61 =	vld.idx.msk [tilespmem:v40+s3+$0x0], $0xffff  }
0x5e3: {  	[tilespmem:$0x1F890] =	vst v10;
	v10 =	vld [tilespmem:$0x1F740];
	_ =	sdelay $0x1  }
0x5e4: {  	v7 =	vmul.f32 v7, v36;
	v30 =	vadd.s32 $0x12, v41  }
0x5e5: {  	v15 =	vmul.f32 v15, v38;
	v2 =	vmul.f32 v27, v2  }
0x5e6: {  	v1 =	vadd.f32 v5, v1;
	v60 =	vsub.f32 $1.000000000e+00, v0;
	v36 =	vadd.s32 $0x121, v41  }
0x5e7: {  	v21 =	vsub.f32 $1.000000000e+00, v6;
	v22 =	vsub.f32 $1.000000000e+00, v3;
	v26 =	vadd.s32 $0x122, v41  }
0x5e8: {  	v12 =	vmul.f32 v12, v39;
	v27 =	vmul.f32 v3, v6;
	v11 =	vadd.s32 $0x132, v41  }
0x5e9: {  	v38 =	vadd.s32 $0x133, v41;
	v3 =	vmul.f32 v3, v21;
	v44 =	vmul.f32 v22, v21;
	v5 =	vld.idx.msk [tilespmem:v30+s3+$0x0], $0xffff  }
0x5ea: {  	v6 =	vmul.f32 v22, v6;
	v47 =	vmul.f32 v0, v27;
	v10 =	vld.idx.msk [tilespmem:v10+s5+$0x0], $0xffff  }
0x5eb: {  	v43 =	vmul.f32 v60, v3;
	v31 =	vmul.f32 v0, v3;
	v3 =	vld.idx.msk [tilespmem:v36+s3+$0x0], $0xffff  }
0x5ec: {  	v32 =	vmul.f32 v44, v0;
	v39 =	vmul.f32 v6, v0;
	v0 =	vld.idx.msk [tilespmem:v26+s3+$0x0], $0xffff  }
0x5ed: {  	v8 =	vmul.f32 v8, v50;
	v13 =	vmul.f32 v60, v6;
	v6 =	vadd.f32 v12, v15;
	v15 =	vld.idx.msk [tilespmem:v11+s3+$0x0], $0xffff  }
0x5ee: {  	v1 =	vmax.f32 v1, $0.0e+00;
	v7 =	vadd.f32 v9, v7;
	v9 =	vmul.f32 $1.593750000e+01, v18;
	v18 =	vld.idx.msk [tilespmem:v38+s3+$0x0], $0xffff  }
0x5ef: {  	v1 =	vmin.f32 v1, $1.000000000e+00;
	v8 =	vadd.f32 v8, v17;
	v51 =	vld.idx.msk [tilespmem:v55+s5+$0x0], $0xffff;
	[tilespmem:$0x1F750] =	vst v10  }
0x5f0: {  	[tilespmem:s13+$0x7480] =	vst v1  }
0x5f1: {  	v1 =	vadd.f32 v8, v7;
	v7 =	vld [tilespmem:$0x1F760];
	_ =	sdelay $0x3  }
0x5f2: {  	v4 =	vmul.f32 v43, v4;
	v5 =	vmul.f32 v31, v5;
	_ =	sdelay $0x1  }
0x5f3: {  	v4 =	vadd.f32 v4, v5;
	v5 =	vld [tilespmem:$0x1F790]  }
0x5f4: {  	v37 =	vmul.f32 v60, v44  }
0x5f5: {  	v17 =	vmul.f32 $1.593750000e+01, v19;
	v7 =	vld.idx.msk [tilespmem:v7+s5+$0x0], $0xffff  }
0x5f6: {  	v19 =	vmul.f32 v37, v59;
	v22 =	vmul.f32 v32, v61;
	_ =	sdelay $0x1  }
0x5f7: {  	v8 =	vadd.f32 v22, v19  }
0x5f8: {  	[tilespmem:$0x1F780] =	vst v23  }
0x5f9: {  	v21 =	vmul.f32 v60, v27;
	v4 =	vadd.f32 v4, v8;
	v8 =	vld [tilespmem:$0x1F7D0];
	[tilespmem:$0x1F770] =	vst v7  }
0x5fa: {  	v2 =	vadd.f32 v58, v2;
	v3 =	vmul.f32 v13, v3;
	v0 =	vmul.f32 v0, v39;
	v5 =	vld.idx.msk [tilespmem:v5+s5+$0x0], $0xffff  }
0x5fb: {  	v15 =	vmul.f32 v15, v21;
	v18 =	vmul.f32 v18, v47  }
0x5fc: {  	v2 =	vadd.f32 v2, v6;
	v7 =	vtrunc.f32 v9  }
0x5fd: {  	v0 =	vadd.f32 v0, v3;
	v3 =	vadd.f32 v18, v15;
	v6 =	vcvt.f32.s32 v7;
	v7 =	vld.idx.msk [tilespmem:v23+s4+$0x0], $0xffff  }
0x5fe: {  	v19 =	vld.idx.msk [tilespmem:v20+s4+$0x0], $0xffff;
	[tilespmem:$0x1F7B0] =	vst v54  }
0x5ff: {  	v14 =	vmul.f32 $1.593750000e+01, v14;
	v0 =	vadd.f32 v3, v0;
	v3 =	vld [tilespmem:$0x1F7F0];
	[tilespmem:$0x1F7A0] =	vst v5  }
0x600: {  	v54 =	vld.idx.msk [tilespmem:v54+s4+$0x0], $0xffff;
	[tilespmem:$0x1F7C0] =	vst v62  }
0x601: {  	v12 =	vtrunc.f32 v14;
	v8 =	vld.idx.msk [tilespmem:v8+s5+$0x0], $0xffff  }
0x602: {  	v12 =	vcvt.f32.s32 v12;
	_ =	sdelay $0x1  }
0x603: {  	v5 =	vcvt.s32.f32 v12  }
0x604: {  	v55 =	vmov v47;
	v18 =	vtrunc.f32 v17;
	v47 =	vadd.f32 v2, v1;
	v1 =	vld [tilespmem:$0x1F810]  }
0x605: {  	v5 =	vsub.f32 v14, v5;
	v14 =	vcvt.f32.s32 v18;
	v18 =	vld.idx.msk [tilespmem:v62+s4+$0x0], $0xffff;
	[tilespmem:$0x1F7E0] =	vst v8  }
0x606: {  	v3 =	vld.idx.msk [tilespmem:v3+s5+$0x0], $0xffff;
	_ =	sdelay $0x4  }
0x607: {  	[tilespmem:$0x1F800] =	vst v3  }
0x608: {  	v22 =	vcvt.s32.f32 v6;
	v1 =	vld.idx.msk [tilespmem:v1+s5+$0x0], $0xffff;
	_ =	sdelay $0x1  }
0x609: {  	v9 =	vsub.f32 v9, v22  }
0x60a: {  	v8 =	vsub.f32 $1.000000000e+00, v5  }
0x60b: {  	v0 =	vadd.f32 v0, v4;
	v22 =	vsub.f32 $1.000000000e+00, v9;
	[tilespmem:$0x1F830] =	vst v46  }
0x60c: {  	v4 =	vmul.f32 v9, v8;
	[tilespmem:$0x1F820] =	vst v1  }
0x60d: {  	v0 =	vmax.f32 v0, $0.0e+00;
	v3 =	vcvt.s32.f32 v14;
	v1 =	vmul.f32 v22, v8;
	v8 =	vld.idx.msk [tilespmem:v46+s4+$0x0], $0xffff;
	[tilespmem:$0x1F840] =	vst v45  }
0x60e: {  	v0 =	vmin.f32 v0, $1.000000000e+00;
	v2 =	vmul.f32 v9, v5;
	v9 =	vmul.u32 $0x121, v12;
	v12 =	vld.idx.msk [tilespmem:v45+s4+$0x0], $0xffff;
	[tilespmem:$0x1F850] =	vst v42  }
0x60f: {  	v3 =	vsub.f32 v17, v3;
	[tilespmem:s14+$0x7490] =	vst v0  }
0x610: {  	v53 =	vmovc v24;
	v24 =	vmov v48;
	v6 =	vmul.u32 $0x11, v6;
	v5 =	vmul.f32 v22, v5;
	v17 =	vld.idx.msk [tilespmem:v42+s4+$0x0], $0xffff;
	[tilespmem:$0x1F860] =	vst v57  }
0x611: {  	v27 =	vmovc v21;
	v7 =	vmul.f32 v7, v28;
	v19 =	vmul.f32 v19, v48;
	v22 =	vsub.f32 $1.000000000e+00, v3;
	v42 =	vld.idx.msk [tilespmem:v57+s4+$0x0], $0xffff  }
0x612: {  	v6 =	vadd.s32 v9, v6;
	v62 =	vmul.f32 v3, v4;
	v58 =	vmul.f32 v5, v3;
	v48 =	vld.idx.msk [tilespmem:v41+s4+$0x0], $0xffff  }
0x613: {  	v46 =	vadd.s32 v14, v6;
	v61 =	vmul.f32 v22, v4;
	v60 =	vmul.f32 v22, v5;
	v21 =	vld.idx.msk [tilespmem:v40+s4+$0x0], $0xffff  }
0x614: {  	v6 =	vadd.f32 v19, v7;
	v59 =	vmul.f32 v22, v2;
	v0 =	vmul.f32 v1, v3;
	v19 =	vld.idx.msk [tilespmem:v56+s4+$0x0], $0xffff  }
0x615: {  	v1 =	vmul.f32 v22, v1;
	v57 =	vmul.f32 v3, v2;
	v22 =	vld.idx.msk [tilespmem:v30+s4+$0x0], $0xffff  }
0x616: {  	v2 =	vmul.f32 v54, v16;
	v3 =	vmul.f32 v18, v25;
	v18 =	vld.idx.msk [tilespmem:v36+s4+$0x0], $0xffff  }
0x617: {  	v15 =	vld.idx.msk [tilespmem:v26+s4+$0x0], $0xffff;
	v4 =	vmul.f32 v8, v53;
	v5 =	vmul.f32 v12, v34  }
0x618: {  	v10 =	vadd.s32 $0x12, v46;
	v8 =	vld [tilespmem:$0x1F890];
	v9 =	vmul.f32 v17, v63;
	v12 =	vmul.f32 v42, v49  }
0x619: {  	v50 =	vmov v16;
	v16 =	vadd.s32 $0x11, v46;
	v3 =	vadd.f32 v3, v2;
	v2 =	vld [tilespmem:$0x1F880]  }
0x61a: {  	v52 =	vmov v49;
	[tilespmem:$0x1F870] =	vst v63;
	v4 =	vadd.f32 v5, v4;
	v5 =	vadd.f32 v12, v9;
	v9 =	vld [tilespmem:$0x1F8A0]  }
0x61b: {  	v29 =	vmovc v53;
	v35 =	vmovc v30;
	v53 =	vmov v34;
	v7 =	vld.idx.msk [tilespmem:v11+s4+$0x0], $0xffff;
	v34 =	vmov v11;
	v11 =	vadd.s32 $0x122, v46  }
0x61c: {  	v33 =	vmovc v36;
	v47 =	vmax.f32 v47, $0.0e+00;
	v14 =	vadd.s32 $0x1, v46;
	v23 =	vadd.s32 $0x121, v46;
	v45 =	vmovc v10  }
0x61d: {  	v44 =	vmovc v23;
	v36 =	vmovc v39;
	v30 =	vmov v26;
	v26 =	vmov v38;
	v39 =	vmov v31;
	v63 =	vld.idx.msk [tilespmem:v10+s3+$0x0], $0xffff  }
0x61e: {  	v3 =	vadd.f32 v3, v6;
	v6 =	vld.idx.msk [tilespmem:v16+s3+$0x0], $0xffff;
	v17 =	vmul.f32 v21, v32;
	v19 =	vmul.f32 v19, v43  }
0x61f: {  	v10 =	vmovc v11;
	v49 =	vmovc v14;
	v21 =	vmin.f32 v47, $1.000000000e+00;
	v2 =	vmul.f32 v8, v2;
	v8 =	vld.idx.msk [tilespmem:v38+s4+$0x0], $0xffff;
	v12 =	vmax.f32 v9, $0.0e+00  }
0x620: {  	v22 =	vmul.f32 v22, v31;
	[tilespmem:s13+$0xB490] =	vst v21;
	v21 =	vmul.f32 v15, v36;
	v15 =	vld.idx.msk [tilespmem:v11+s3+$0x0], $0xffff;
	v12 =	vmin.f32 v12, $1.000000000e+00  }
0x621: {  	v42 =	vmovc v16;
	v16 =	vmov v13;
	v18 =	vmul.f32 v18, v13;
	[tilespmem:s12+$0xB490] =	vst v12;
	v12 =	vld.idx.msk [tilespmem:v23+s3+$0x0], $0xffff;
	v23 =	vadd.s32 $0x132, v46  }
0x622: {  	v38 =	vmovc v37;
	v9 =	vld.idx.msk [tilespmem:v14+s3+$0x0], $0xffff;
	v14 =	vmul.f32 v48, v37;
	v37 =	vmovc v32;
	v48 =	vmov v43;
	v43 =	vadd.s32 $0x133, v46  }
.LBB2_10:
0x623: {  	_ = 	snop  }
0x624: {  	v4 =	vadd.f32 v5, v4;
	_ =	sdelay $0x1  }
0x625: {  	v11 =	vld.idx.msk [tilespmem:v23+s3+$0x0], $0xffff;
	v3 =	vadd.f32 v4, v3  }
0x626: {  	v13 =	vmov v0;
	v14 =	vadd.f32 v17, v14;
	v17 =	vadd.f32 v22, v19;
	v19 =	vld.idx.msk [tilespmem:v46+s3+$0x0], $0xffff  }
0x627: {  	[tilespmem:$0x1F650] =	vst v13;
	v13 =	vld [tilespmem:$0x1F750];
	v3 =	vmax.f32 v3, $0.0e+00  }
0x628: {  	v5 =	vmul.f32 v0, v9;
	v9 =	vld.idx.msk [tilespmem:v43+s3+$0x0], $0xffff;
	v3 =	vmin.f32 v3, $1.000000000e+00  }
0x629: {  	[tilespmem:s13+$0x9480] =	vst v3;
	v3 =	vld [tilespmem:$0x1F6E0];
	_ =	sdelay $0x1  }
0x62a: {  	v12 =	vmul.f32 v60, v12;
	v15 =	vmul.f32 v15, v58  }
0x62b: {  	v8 =	vmul.f32 v8, v55;
	v14 =	vadd.f32 v17, v14;
	v17 =	vmov v1  }
0x62c: {  	[tilespmem:$0x1F640] =	vst v17;
	v12 =	vadd.f32 v15, v12;
	v15 =	vmul.f32 v17, v19;
	v17 =	vld [tilespmem:$0x1F770]  }
0x62d: {  	v7 =	vmul.f32 v7, v27;
	v3 =	vmul.f32 v13, v3;
	v13 =	vld [tilespmem:$0x1F6F0];
	_ =	sdelay $0x1  }
0x62e: {  	v7 =	vadd.f32 v8, v7;
	v8 =	vmov v28  }
0x62f: {  	s15 =	sadd.s32 $0x20, s15;
	s16 =	sadd.s32 $0x100, s16;
	v18 =	vadd.f32 v21, v18;
	[tilespmem:$0x1F6B0] =	vst v8;
	v8 =	vmul.f32 v11, v59;
	v9 =	vmul.f32 v9, v57  }
0x630: {  	s17 =	sadd.s32 $0x8, s17;
	s18 =	sand.u32 $0x1000, s15;
	s19 =	sand.u32 $0xC00, s16  }
0x631: {  	s18 =	sor.u32 s18, s19;
	s19 =	sand.u32 $0x380, s17;
	v7 =	vadd.f32 v7, v18;
	v8 =	vadd.f32 v9, v8;
	v9 =	vld [tilespmem:$0x1F700];
	v17 =	vmul.f32 v17, v13;
	v13 =	vmovc v62  }
0x632: {  	s21 =	sand.u32 $0x60, s15;
	s18 =	sor.u32 s19, s18;
	[tilespmem:$0x1F660] =	vst v13;
	v13 =	vld [tilespmem:$0x1F7A0]  }
0x633: {  	s18 =	sor.u32 s21, s18;
	v7 =	vadd.f32 v7, v14  }
0x634: {  	v0 =	vld [tilespmem:s18+$0xB490]  }
0x635: {  	v1 =	vld [tilespmem:s18+$0x7490];
	v7 =	vmax.f32 v7, $0.0e+00  }
0x636: {  	v11 =	vld [tilespmem:s18+$0x9490];
	v7 =	vmin.f32 v7, $1.000000000e+00  }
0x637: {  	[tilespmem:s14+$0x9490] =	vst v7;
	v7 =	vld [tilespmem:$0x1F710];
	v9 =	vmul.f32 v13, v9;
	v13 =	vmov v50  }
0x638: {  	[tilespmem:$0x1F6E0] =	vst v13;
	v13 =	vld [tilespmem:$0x1F7E0];
	_ =	sdelay $0x2  }
0x639: {  	v4 =	vld [tilespmem:$0x1F6D0]  }
0x63a: {  	v5 =	vadd.f32 v5, v15;
	v15 =	vld [tilespmem:$0x1F800]  }
0x63b: {  	v7 =	vmul.f32 v13, v7;
	v13 =	vld [tilespmem:$0x1F720];
	_ =	sdelay $0x1  }
0x63c: {  	v6 =	vmul.f32 v61, v6;
	v22 =	vmul.f32 v62, v63;
	v14 =	vld [tilespmem:s18+$0x7480]  }
0x63d: {  	v18 =	vmov v25;
	v31 =	vld.idx.msk [tilespmem:v33+s5+$0x0], $0xffff  }
0x63e: {  	v6 =	vadd.f32 v6, v22;
	v4 =	vmul.f32 v51, v4;
	[tilespmem:$0x1F6F0] =	vst v18;
	v18 =	vld [tilespmem:s18+$0x9480]  }
0x63f: {  	v21 =	vmov v24;
	v50 =	vmul.f32 v15, v13;
	v15 =	vmul.f32 $1.593750000e+01, v0;
	v0 =	vld [tilespmem:$0x1F730]  }
0x640: {  	[tilespmem:$0x1F6D0] =	vst v21;
	v21 =	vmul.f32 $1.593750000e+01, v1;
	v1 =	vadd.f32 v6, v5;
	v13 =	vld [tilespmem:$0x1F820]  }
0x641: {  	v11 =	vmul.f32 $1.593750000e+01, v11;
	v22 =	vadd.f32 v4, v2;
	v2 =	vmovc v53;
	v5 =	vld.idx.msk [tilespmem:v40+s5+$0x0], $0xffff;
	v8 =	vadd.f32 v8, v12  }
0x642: {  	[tilespmem:$0x1F710] =	vst v2;
	v4 =	vmov v60;
	v12 =	vld.idx.msk [tilespmem:v41+s5+$0x0], $0xffff  }
0x643: {  	v2 =	vtrunc.f32 v21;
	[tilespmem:$0x1F680] =	vst v4;
	v4 =	vtrunc.f32 v11;
	v1 =	vadd.f32 v8, v1;
	v8 =	vld.idx.msk [tilespmem:v35+s5+$0x0], $0xffff  }
0x644: {  	v6 =	vmov v57;
	v2 =	vcvt.f32.s32 v2;
	v57 =	vmul.f32 $1.593750000e+01, v18;
	v18 =	vld.idx.msk [tilespmem:v30+s5+$0x0], $0xffff  }
0x645: {  	[tilespmem:$0x1F6A0] =	vst v6;
	v32 =	vmul.f32 v31, v16;
	v30 =	vld.idx.msk [tilespmem:v34+s5+$0x0], $0xffff;
	v51 =	vmul.f32 v13, v0;
	v0 =	vmov v29  }
0x646: {  	v6 =	vtrunc.f32 v15;
	[tilespmem:$0x1F700] =	vst v0;
	v0 =	vmul.f32 $1.593750000e+01, v14;
	v14 =	vld.idx.msk [tilespmem:v56+s5+$0x0], $0xffff  }
0x647: {  	v12 =	vmul.f32 v12, v38;
	v17 =	vadd.f32 v17, v3;
	v3 =	vmovc v59;
	v6 =	vcvt.f32.s32 v6;
	v29 =	vld.idx.msk [tilespmem:v26+s5+$0x0], $0xffff  }
0x648: {  	v24 =	vld [tilespmem:$0x1F870];
	v28 =	vmov v58;
	[tilespmem:$0x1F870] =	vst v3;
	v3 =	vcvt.f32.s32 v4;
	v4 =	vcvt.s32.f32 v2  }
0x649: {  	[tilespmem:$0x1F690] =	vst v28;
	v8 =	vmul.f32 v8, v39;
	v28 =	vcvt.s32.f32 v6  }
0x64a: {  	v62 =	vcvt.s32.f32 v3;
	v21 =	vsub.f32 v21, v4;
	v18 =	vmul.f32 v18, v36  }
0x64b: {  	v19 =	vld [tilespmem:s18+$0xB480];
	v15 =	vsub.f32 v15, v28;
	v28 =	vmul.f32 v5, v37;
	v14 =	vmul.f32 v14, v48  }
0x64c: {  	v11 =	vsub.f32 v11, v62;
	v26 =	vmul.f32 v30, v27;
	v27 =	vmul.f32 v29, v55  }
0x64d: {  	v12 =	vadd.f32 v28, v12;
	v8 =	vadd.f32 v8, v14  }
0x64e: {  	v18 =	vadd.f32 v18, v32;
	v26 =	vadd.f32 v27, v26  }
0x64f: {  	v1 =	vmax.f32 v1, $0.0e+00;
	v48 =	vsub.f32 $1.000000000e+00, v11;
	v8 =	vadd.f32 v8, v12  }
0x650: {  	v13 =	vmovc v52;
	v12 =	vadd.f32 v26, v18;
	v18 =	vmul.f32 $1.593750000e+01, v19;
	v19 =	vsub.f32 $1.000000000e+00, v21  }
0x651: {  	v7 =	vadd.f32 v7, v9;
	v47 =	vsub.f32 $1.000000000e+00, v15;
	v27 =	vmul.f32 v11, v21  }
0x652: {  	v8 =	vadd.f32 v12, v8;
	v12 =	vmul.f32 v48, v19;
	v9 =	vmul.f32 v11, v19  }
0x653: {  	v1 =	vmin.f32 v1, $1.000000000e+00;
	[tilespmem:$0x1F730] =	vst v13;
	v13 =	vmovc v24;
	v24 =	vmul.f32 v47, v27;
	v11 =	vmul.f32 v48, v21  }
0x654: {  	[tilespmem:s14+$0x7480] =	vst v1;
	v37 =	vmul.f32 v47, v12;
	v48 =	vmul.f32 v47, v9  }
0x655: {  	v36 =	vmul.f32 v47, v11;
	v47 =	vmul.f32 v11, v15;
	v11 =	vld.idx.msk [tilespmem:v20+s5+$0x0], $0xffff  }
0x656: {  	v20 =	vld [tilespmem:$0x1F7B0];
	_ =	sdelay $0x3  }
0x657: {  	v2 =	vmul.u32 $0x121, v2;
	v3 =	vmul.u32 $0x11, v3;
	_ =	sdelay $0x1  }
0x658: {  	v2 =	vadd.s32 v2, v3  }
0x659: {  	v41 =	vadd.s32 v6, v2  }
0x65a: {  	v40 =	vadd.s32 $0x1, v41;
	v16 =	vld.idx.msk [tilespmem:v20+s5+$0x0], $0xffff  }
0x65b: {  	v56 =	vadd.s32 $0x11, v41;
	v20 =	vld [tilespmem:$0x1F7C0];
	_ =	sdelay $0x1  }
0x65c: {  	v3 =	vld.idx.msk [tilespmem:v45+s4+$0x0], $0xffff;
	v35 =	vadd.s32 $0x12, v41;
	_ =	sdelay $0x1  }
0x65d: {  	v54 =	vld.idx.msk [tilespmem:v40+s3+$0x0], $0xffff  }
0x65e: {  	v30 =	vadd.s32 $0x121, v41;
	v55 =	vld.idx.msk [tilespmem:v56+s3+$0x0], $0xffff  }
0x65f: {  	v29 =	vadd.s32 $0x132, v41;
	v14 =	vld.idx.msk [tilespmem:v41+s3+$0x0], $0xffff  }
0x660: {  	[tilespmem:$0x1F670] =	vst v3;
	v3 =	vadd.s32 $0x133, v41;
	v59 =	vld.idx.msk [tilespmem:v35+s3+$0x0], $0xffff  }
0x661: {  	v38 =	vadd.s32 $0x122, v41;
	[tilespmem:$0x1F750] =	vst v16;
	v16 =	vld.idx.msk [tilespmem:v20+s5+$0x0], $0xffff  }
0x662: {  	v32 =	vmul.f32 v12, v15;
	v20 =	vld [tilespmem:$0x1F830]  }
0x663: {  	v52 =	vld.idx.msk [tilespmem:v30+s3+$0x0], $0xffff;
	v62 =	vmul.f32 v15, v27;
	v31 =	vmul.f32 v15, v9  }
0x664: {  	v19 =	vld.idx.msk [tilespmem:v29+s3+$0x0], $0xffff;
	v9 =	vmul.f32 v37, v14;
	v14 =	vmul.f32 v32, v54  }
0x665: {  	v12 =	vld.idx.msk [tilespmem:v3+s3+$0x0], $0xffff;
	v15 =	vadd.f32 v17, v22;
	v17 =	vmul.f32 v48, v55;
	v22 =	vmul.f32 v31, v59  }
0x666: {  	v25 =	vmov v61;
	v61 =	vld.idx.msk [tilespmem:v38+s3+$0x0], $0xffff;
	v8 =	vmax.f32 v8, $0.0e+00  }
0x667: {  	v8 =	vmin.f32 v8, $1.000000000e+00;
	v9 =	vadd.f32 v14, v9;
	v14 =	vadd.f32 v17, v22;
	v17 =	vld [tilespmem:$0x1F840]  }
0x668: {  	[tilespmem:s14+$0xB490] =	vst v8;
	v8 =	vld [tilespmem:$0x1F780]  }
0x669: {  	[tilespmem:$0x1F770] =	vst v16;
	v16 =	vmov v46  }
0x66a: {  	v19 =	vmul.f32 v19, v24;
	v12 =	vmul.f32 v12, v62;
	[tilespmem:$0x1F780] =	vst v16;
	v16 =	vld.idx.msk [tilespmem:v20+s5+$0x0], $0xffff;
	_ =	sdelay $0x1  }
0x66b: {  	v27 =	vmov v24;
	v24 =	vadd.f32 v12, v19;
	v19 =	vld [tilespmem:$0x1F850];
	_ =	sdelay $0x2  }
0x66c: {  	v63 =	vtrunc.f32 v0;
	[tilespmem:$0x1F7A0] =	vst v16;
	v16 =	vld.idx.msk [tilespmem:v17+s5+$0x0], $0xffff  }
0x66d: {  	v60 =	vcvt.f32.s32 v63;
	v63 =	vld.idx.msk [tilespmem:v8+s5+$0x0], $0xffff;
	v8 =	vadd.f32 v51, v50  }
0x66e: {  	v20 =	vld [tilespmem:$0x1F860]  }
0x66f: {  	v61 =	vmul.f32 v61, v47;
	v7 =	vadd.f32 v8, v7;
	v8 =	vmul.f32 v36, v52;
	_ =	sdelay $0x1  }
0x670: {  	v8 =	vadd.f32 v61, v8;
	[tilespmem:$0x1F7E0] =	vst v16;
	v16 =	vld.idx.msk [tilespmem:v19+s5+$0x0], $0xffff;
	_ =	sdelay $0x1  }
0x671: {  	v53 =	vtrunc.f32 v57;
	v9 =	vadd.f32 v14, v9;
	v8 =	vadd.f32 v24, v8  }
0x672: {  	v1 =	vld.idx.msk [tilespmem:v46+s4+$0x0], $0xffff;
	v7 =	vadd.f32 v7, v15;
	v15 =	vcvt.f32.s32 v53  }
0x673: {  	v58 =	vld.idx.msk [tilespmem:v49+s4+$0x0], $0xffff;
	[tilespmem:$0x1F720] =	vst v13;
	v8 =	vadd.f32 v8, v9  }
0x674: {  	v21 =	vmul.u32 $0x121, v60;
	v22 =	vmul.u32 $0x11, v15;
	v17 =	vmov v42;
	[tilespmem:$0x1F800] =	vst v16;
	v16 =	vld.idx.msk [tilespmem:v20+s5+$0x0], $0xffff  }
0x675: {  	v4 =	vld.idx.msk [tilespmem:v44+s4+$0x0], $0xffff;
	v15 =	vcvt.s32.f32 v15;
	v8 =	vmax.f32 v8, $0.0e+00;
	[tilespmem:$0x1F7B0] =	vst v17;
	v17 =	vtrunc.f32 v18;
	v19 =	vmovc v45  }
0x676: {  	v2 =	vld.idx.msk [tilespmem:v42+s4+$0x0], $0xffff;
	v8 =	vmin.f32 v8, $1.000000000e+00;
	v17 =	vcvt.f32.s32 v17;
	[tilespmem:$0x1F7C0] =	vst v19;
	v19 =	vcvt.s32.f32 v60  }
0x677: {  	v6 =	vld.idx.msk [tilespmem:v23+s4+$0x0], $0xffff;
	v12 =	vmov v43;
	v15 =	vsub.f32 v57, v15;
	[tilespmem:s18+$0x7490] =	vst v8  }
0x678: {  	v5 =	vld.idx.msk [tilespmem:v10+s4+$0x0], $0xffff;
	v14 =	vadd.s32 v21, v22;
	[tilespmem:$0x1F860] =	vst v12;
	v12 =	vcvt.s32.f32 v17;
	v0 =	vsub.f32 v0, v19  }
0x679: {  	v13 =	vld.idx.msk [tilespmem:v43+s4+$0x0], $0xffff;
	v46 =	vadd.s32 v17, v14;
	v14 =	vsub.f32 $1.000000000e+00, v15;
	[tilespmem:$0x1F820] =	vst v16;
	v16 =	vmov v44  }
0x67a: {  	v8 =	vsub.f32 v18, v12;
	v9 =	vsub.f32 $1.000000000e+00, v0;
	[tilespmem:$0x1F830] =	vst v16;
	v16 =	vld [tilespmem:$0x1F650]  }
0x67b: {  	v28 =	vld [tilespmem:$0x1F640];
	v2 =	vmul.f32 v2, v25;
	v17 =	vmul.f32 v15, v0  }
0x67c: {  	v50 =	vmovc v25;
	v25 =	vld [tilespmem:$0x1F660];
	v21 =	vsub.f32 $1.000000000e+00, v8;
	v19 =	vmul.f32 v14, v9;
	v14 =	vmul.f32 v14, v0  }
0x67d: {  	v22 =	vld.idx.msk [tilespmem:v56+s4+$0x0], $0xffff;
	v9 =	vmul.f32 v15, v9  }
0x67e: {  	v51 =	vld.idx.msk [tilespmem:v38+s4+$0x0], $0xffff;
	v57 =	vmul.f32 v8, v17;
	v60 =	vmul.f32 v21, v14  }
0x67f: {  	v18 =	vmul.f32 v58, v16;
	v58 =	vmul.f32 v14, v8;
	v14 =	vld [tilespmem:$0x1F690]  }
0x680: {  	v55 =	vmovc v62;
	v7 =	vmax.f32 v7, $0.0e+00;
	v0 =	vmul.f32 v19, v8;
	v62 =	vmul.f32 v8, v9;
	v8 =	vld.idx.msk [tilespmem:v3+s4+$0x0], $0xffff  }
0x681: {  	v26 =	vmov v3;
	v7 =	vmin.f32 v7, $1.000000000e+00;
	v3 =	vld [tilespmem:$0x1F670]  }
0x682: {  	[tilespmem:s12+$0xB480] =	vst v7;
	v7 =	vld.idx.msk [tilespmem:v29+s4+$0x0], $0xffff  }
0x683: {  	v34 =	vmov v29;
	v29 =	vld [tilespmem:$0x1F680]  }
0x684: {  	v53 =	vmov v14;
	v5 =	vmul.f32 v5, v14;
	v14 =	vld [tilespmem:$0x1F870]  }
0x685: {  	v1 =	vmul.f32 v1, v28;
	v15 =	vld.idx.msk [tilespmem:v40+s4+$0x0], $0xffff  }
0x686: {  	v42 =	vadd.s32 $0x1, v46;
	v20 =	vmovc v10;
	v24 =	vmov v16;
	v16 =	vld.idx.msk [tilespmem:v35+s4+$0x0], $0xffff;
	v3 =	vmul.f32 v3, v25  }
0x687: {  	v54 =	vadd.s32 $0x122, v46;
	[tilespmem:$0x1F840] =	vst v20;
	v59 =	vmul.f32 v21, v17;
	v20 =	vadd.f32 v18, v1;
	v18 =	vld.idx.msk [tilespmem:v30+s4+$0x0], $0xffff  }
0x688: {  	v10 =	vmovc v23;
	v61 =	vmul.f32 v21, v9;
	v44 =	vadd.s32 $0x11, v46;
	v3 =	vadd.f32 v3, v2;
	v2 =	vld [tilespmem:$0x1F6B0]  }
0x689: {  	[tilespmem:$0x1F850] =	vst v10;
	v10 =	vadd.s32 $0x12, v46;
	v1 =	vmul.f32 v21, v19;
	v21 =	vmul.f32 v6, v14;
	v14 =	vld [tilespmem:$0x1F6A0]  }
0x68a: {  	v33 =	vmovc v30;
	[tilespmem:$0x1F6C0] =	vst v11;
	v11 =	vmovc v49;
	v39 =	vadd.s32 $0x121, v46;
	v43 =	vadd.s32 $0x133, v46;
	v12 =	vld.idx.msk [tilespmem:v41+s4+$0x0], $0xffff;
	v49 =	vmov v42  }
0x68b: {  	p0 =	slt.u32 s15, $0x1FE0;
	v23 =	vadd.s32 $0x132, v46;
	v45 =	vmovc v10;
	v9 =	vld.idx.msk [tilespmem:v42+s3+$0x0], $0xffff;
	v4 =	vmul.f32 v4, v29;
	v17 =	vmul.f32 v15, v32  }
.Ltmp4:
0x68c: {  	v42 =	vmovc v44;
	v15 =	vld.idx.msk [tilespmem:v54+s3+$0x0], $0xffff;
	v30 =	vmov v38;
	v19 =	vmul.f32 v22, v48;
	v22 =	vmul.f32 v16, v31;
	(pc) =	sbr.rel @p0 .LBB2_10-.Ltmp4, $4  }
0x68d: {  	v38 =	vmovc v37;
	v16 =	vmov v36;
	v4 =	vadd.f32 v5, v4;
	v18 =	vmul.f32 v18, v36;
	v6 =	vld.idx.msk [tilespmem:v44+s3+$0x0], $0xffff  }
0x68e: {  	v3 =	vadd.f32 v3, v20;
	v2 =	vmul.f32 v63, v2;
	v63 =	vld.idx.msk [tilespmem:v10+s3+$0x0], $0xffff;
	v13 =	vmul.f32 v13, v14  }
0x68f: {  	v36 =	vmovc v47;
	v20 =	vmovc v11;
	v44 =	vmov v39;
	v52 =	vmov v14;
	v14 =	vmul.f32 v12, v37;
	v12 =	vld.idx.msk [tilespmem:v39+s3+$0x0], $0xffff  }
0x690: {  	s12 =	smov.u32 s13;
	s13 =	smov.u32 s14;
	s14 =	smov.u32 s18;
	v10 =	vmovc v54;
	v37 =	vmovc v32;
	v39 =	vmov v31;
	v5 =	vadd.f32 v13, v21;
	v21 =	vmul.f32 v51, v47;
	v51 =	vld [tilespmem:$0x1F6C0]  }
0x691: {  	_ =	sdelay $0x3  }
0x692: {  	v11 =	vld.idx.msk [tilespmem:v23+s3+$0x0], $0xffff  }
0x693: {  	v13 =	vld.idx.msk [tilespmem:v43+s3+$0x0], $0xffff;
	v7 =	vmul.f32 v7, v27;
	v8 =	vmul.f32 v8, v55  }
0x694: {  	v54 =	vld.idx.msk [tilespmem:v46+s3+$0x0], $0xffff;
	v14 =	vadd.f32 v17, v14;
	v17 =	vadd.f32 v22, v19  }
0x695: {  	v9 =	vmul.f32 v0, v9;
	v18 =	vadd.f32 v21, v18;
	v7 =	vadd.f32 v8, v7  }
0x696: {  	v15 =	vmul.f32 v15, v58;
	v6 =	vmul.f32 v61, v6  }
0x697: {  	v19 =	vmul.f32 v62, v63;
	v32 =	vadd.f32 v17, v14;
	v7 =	vadd.f32 v7, v18  }
0x698: {  	v12 =	vmul.f32 v60, v12;
	v11 =	vmul.f32 v11, v59  }
0x699: {  	v22 =	vmul.f32 v13, v57;
	v31 =	vmul.f32 v1, v54;
	v7 =	vadd.f32 v7, v32  }
0x69a: {  	v6 =	vadd.f32 v6, v19;
	v12 =	vadd.f32 v15, v12  }
0x69b: {  	v8 =	vadd.f32 v22, v11;
	v9 =	vadd.f32 v9, v31;
	v7 =	vmax.f32 v7, $0.0e+00  }
0x69c: {  	v7 =	vmin.f32 v7, $1.000000000e+00  }
0x69d: {  	v8 =	vadd.f32 v8, v12;
	v6 =	vadd.f32 v6, v9;
	[tilespmem:s14+$0x9490] =	vst v7  }
0x69e: {  	v4 =	vadd.f32 v5, v4;
	v5 =	vld.idx.msk [tilespmem:v40+s5+$0x0], $0xffff  }
0x69f: {  	v6 =	vadd.f32 v8, v6;
	v63 =	vld.idx.msk [tilespmem:v56+s5+$0x0], $0xffff  }
0x6a0: {  	v3 =	vadd.f32 v4, v3;
	v4 =	vld.idx.msk [tilespmem:v35+s5+$0x0], $0xffff  }
0x6a1: {  	v17 =	vld.idx.msk [tilespmem:v33+s5+$0x0], $0xffff;
	v6 =	vmax.f32 v6, $0.0e+00  }
0x6a2: {  	v18 =	vld.idx.msk [tilespmem:v30+s5+$0x0], $0xffff;
	v6 =	vmin.f32 v6, $1.000000000e+00  }
0x6a3: {  	[tilespmem:s14+$0x7480] =	vst v6;
	v6 =	vld.idx.msk [tilespmem:v41+s5+$0x0], $0xffff  }
0x6a4: {  	v7 =	vld.idx.msk [tilespmem:v46+s4+$0x0], $0xffff  }
0x6a5: {  	v47 =	vmov v23;
	v8 =	vld.idx.msk [tilespmem:v49+s4+$0x0], $0xffff  }
0x6a6: {  	v9 =	vld.idx.msk [tilespmem:v42+s4+$0x0], $0xffff  }
0x6a7: {  	v11 =	vld.idx.msk [tilespmem:v45+s4+$0x0], $0xffff  }
0x6a8: {  	v12 =	vld.idx.msk [tilespmem:v44+s4+$0x0], $0xffff  }
0x6a9: {  	v3 =	vmax.f32 v3, $0.0e+00;
	v41 =	vld.idx.msk [tilespmem:v10+s4+$0x0], $0xffff  }
0x6aa: {  	v3 =	vmin.f32 v3, $1.000000000e+00;
	v54 =	vld.idx.msk [tilespmem:v47+s4+$0x0], $0xffff  }
0x6ab: {  	[tilespmem:s13+$0x9480] =	vst v3;
	v15 =	vld.idx.msk [tilespmem:v43+s4+$0x0], $0xffff  }
0x6ac: {  	v33 =	vld [tilespmem:$0x1F780]  }
0x6ad: {  	v35 =	vld [tilespmem:$0x1F6E0]  }
0x6ae: {  	v40 =	vld [tilespmem:$0x1F750]  }
0x6af: {  	v19 =	vld [tilespmem:$0x1F6F0]  }
0x6b0: {  	v56 =	vld [tilespmem:$0x1F830];
	v9 =	vmul.f32 v9, v61  }
0x6b1: {  	v11 =	vmul.f32 v11, v62;
	v13 =	vmul.f32 v41, v58;
	v41 =	vld [tilespmem:$0x1F770]  }
0x6b2: {  	v12 =	vmul.f32 v12, v60;
	v14 =	vmul.f32 v54, v59;
	v54 =	vld [tilespmem:$0x1F7C0]  }
0x6b3: {  	v7 =	vmul.f32 v7, v1;
	v8 =	vmul.f32 v8, v0;
	v23 =	vadd.f32 v11, v9;
	v9 =	vld.idx.msk [tilespmem:v34+s5+$0x0], $0xffff  }
0x6b4: {  	v30 =	vadd.f32 v13, v12;
	v12 =	vld.idx.msk [tilespmem:v26+s5+$0x0], $0xffff  }
0x6b5: {  	v15 =	vmul.f32 v15, v57;
	v7 =	vadd.f32 v8, v7;
	v8 =	vld.idx.msk [tilespmem:v20+s5+$0x0], $0xffff  }
0x6b6: {  	v34 =	vld [tilespmem:$0x1F6D0]  }
0x6b7: {  	v32 =	vadd.f32 v15, v14;
	v15 =	vld [tilespmem:$0x1F7B0]  }
0x6b8: {  	v26 =	vld [tilespmem:$0x1F840]  }
0x6b9: {  	v20 =	vld [tilespmem:$0x1F700]  }
0x6ba: {  	v13 =	vld.idx.msk [tilespmem:v33+s5+$0x0], $0xffff;
	v7 =	vadd.f32 v23, v7;
	v3 =	vadd.f32 v32, v30  }
0x6bb: {  	v21 =	vld.idx.msk [tilespmem:v56+s5+$0x0], $0xffff  }
0x6bc: {  	v32 =	vld [tilespmem:$0x1F850];
	v3 =	vadd.f32 v3, v7  }
0x6bd: {  	v11 =	vmul.f32 v51, v34;
	v51 =	vld [tilespmem:$0x1F7A0]  }
0x6be: {  	v7 =	vld.idx.msk [tilespmem:v54+s5+$0x0], $0xffff;
	v3 =	vmax.f32 v3, $0.0e+00  }
0x6bf: {  	v3 =	vmin.f32 v3, $1.000000000e+00;
	v15 =	vld.idx.msk [tilespmem:v15+s5+$0x0], $0xffff  }
0x6c0: {  	v22 =	vld.idx.msk [tilespmem:v26+s5+$0x0], $0xffff;
	[tilespmem:s14+$0x9480] =	vst v3  }
0x6c1: {  	v3 =	vld [tilespmem:$0x1F860]  }
0x6c2: {  	v33 =	vld [tilespmem:$0x1F710]  }
0x6c3: {  	v34 =	vld [tilespmem:$0x1F7E0]  }
0x6c4: {  	v14 =	vmul.f32 v40, v35;
	v35 =	vld.idx.msk [tilespmem:v46+s5+$0x0], $0xffff  }
0x6c5: {  	v17 =	vmul.f32 v17, v16;
	v16 =	vld [tilespmem:$0x1F720]  }
0x6c6: {  	v18 =	vmul.f32 v18, v36;
	v36 =	vld [tilespmem:$0x1F800]  }
0x6c7: {  	v31 =	vmov v10;
	v5 =	vmul.f32 v5, v37;
	v37 =	vld.idx.msk [tilespmem:v49+s5+$0x0], $0xffff  }
0x6c8: {  	v63 =	vmul.f32 v63, v48;
	v17 =	vadd.f32 v18, v17;
	v18 =	vld [tilespmem:$0x1F730]  }
0x6c9: {  	v4 =	vmul.f32 v4, v39;
	v6 =	vmul.f32 v6, v38;
	v38 =	vld [tilespmem:$0x1F820]  }
0x6ca: {  	v19 =	vmul.f32 v41, v19;
	v40 =	vld.idx.msk [tilespmem:v42+s5+$0x0], $0xffff  }
0x6cb: {  	v4 =	vadd.f32 v4, v63;
	v9 =	vmul.f32 v9, v27;
	v12 =	vmul.f32 v12, v55;
	v42 =	vld.idx.msk [tilespmem:v45+s5+$0x0], $0xffff  }
0x6cc: {  	v5 =	vadd.f32 v5, v6;
	v39 =	vadd.f32 v19, v14;
	v8 =	vmul.f32 v8, v24;
	v45 =	vld.idx.msk [tilespmem:v31+s5+$0x0], $0xffff  }
0x6cd: {  	v9 =	vadd.f32 v12, v9;
	v19 =	vld.idx.msk [tilespmem:v43+s5+$0x0], $0xffff;
	v20 =	vmul.f32 v51, v20;
	v26 =	vmul.f32 v34, v33  }
0x6ce: {  	v4 =	vadd.f32 v4, v5;
	v48 =	vld [tilespmem:$0x1F870];
	v16 =	vmul.f32 v36, v16;
	v18 =	vmul.f32 v38, v18  }
0x6cf: {  	v2 =	vadd.f32 v11, v2;
	v41 =	vadd.f32 v9, v17;
	v23 =	vld.idx.msk [tilespmem:v32+s5+$0x0], $0xffff;
	v7 =	vmul.f32 v7, v25  }
0x6d0: {  	v15 =	vmul.f32 v15, v50;
	v17 =	vadd.f32 v26, v20;
	v16 =	vadd.f32 v18, v16;
	v18 =	vld.idx.msk [tilespmem:v44+s5+$0x0], $0xffff  }
0x6d1: {  	v2 =	vadd.f32 v39, v2;
	v49 =	vmul.f32 v35, v1;
	v50 =	vmul.f32 v37, v0;
	v3 =	vld.idx.msk [tilespmem:v3+s5+$0x0], $0xffff  }
0x6d2: {  	v9 =	vmul.f32 v42, v62;
	v11 =	vmul.f32 v45, v58;
	v46 =	vadd.f32 v16, v17;
	v16 =	vld.idx.msk [tilespmem:v47+s5+$0x0], $0xffff  }
0x6d3: {  	v4 =	vadd.f32 v41, v4;
	v55 =	vmul.f32 v19, v57;
	v44 =	vmul.f32 v13, v28  }
0x6d4: {  	v51 =	vadd.f32 v7, v15;
	v13 =	vmul.f32 v23, v48;
	v0 =	vadd.f32 v50, v49  }
0x6d5: {  	v47 =	vmul.f32 v21, v29;
	v17 =	vmul.f32 v22, v53;
	v8 =	vadd.f32 v8, v44  }
0x6d6: {  	v2 =	vadd.f32 v46, v2;
	v53 =	vmul.f32 v18, v60;
	v3 =	vmul.f32 v3, v52  }
0x6d7: {  	v5 =	vadd.f32 v17, v47;
	v52 =	vmul.f32 v40, v61;
	v54 =	vmul.f32 v16, v59  }
0x6d8: {  	v57 =	vadd.f32 v11, v53;
	v3 =	vadd.f32 v3, v13  }
0x6d9: {  	v56 =	vadd.f32 v9, v52;
	v58 =	vadd.f32 v55, v54  }
0x6da: {  	v6 =	vadd.f32 v51, v8;
	v3 =	vadd.f32 v3, v5  }
0x6db: {  	v0 =	vadd.f32 v56, v0;
	v59 =	vadd.f32 v58, v57  }
0x6dc: {  	v4 =	vmax.f32 v4, $0.0e+00;
	v3 =	vadd.f32 v3, v6  }
0x6dd: {  	v60 =	vmin.f32 v4, $1.000000000e+00;
	v2 =	vmax.f32 v2, $0.0e+00;
	v0 =	vadd.f32 v59, v0  }
0x6de: {  	[tilespmem:s14+$0xB490] =	vst v60;
	v61 =	vmin.f32 v2, $1.000000000e+00;
	v62 =	vmax.f32 v3, $0.0e+00  }
0x6df: {  	[tilespmem:s12+$0xB480] =	vst v61;
	v63 =	vmin.f32 v62, $1.000000000e+00;
	v0 =	vmax.f32 v0, $0.0e+00  }
0x6e0: {  	[tilespmem:s13+$0xB480] =	vst v63;
	v0 =	vmin.f32 v0, $1.000000000e+00  }
0x6e1: {  	[tilespmem:s14+$0xB480] =	vst v0  }
0x6e2: {  	[hbm4b:s24+s1] =	stream.linear.scatter [tilespmem:s30], [sflag:$0x4], $0x2000, $0x38;
	[tilespmem:$0x19480] =	vst v63  }
0x6e3: {  	_ = 	snop  }
0x6e4: {  	[hbm4b:s25+s1] =	stream.linear.scatter [tilespmem:s31], [sflag:$0x4], $0x2000, $0x38;
	[tilespmem:$0x19480] =	vst v63  }
0x6e5: {  	_ = 	snop  }
0x6e6: {  	[hbm4b:s26+s1] =	stream.linear.scatter [tilespmem:s20], [sflag:$0x4], $0x2000, $0x38;
	[tilespmem:$0x19480] =	vst v63  }
0x6e7: {  	_ =	swait.ge [sflag:s9], $0x2000  }
0x6e8: {  	[sflag:s9] =	ssyncset.done $0x0  }
0x6e9: {  	[sflag:s9] =	ssyncadd.s32 $0xFFFFE000  }
0x6ea: {  	_ =	swait.ge [sflag:s9], $0x2000  }
0x6eb: {  	[sflag:s9] =	ssyncset.done $0x0  }
0x6ec: {  	[sflag:s9] =	ssyncadd.s32 $0xFFFFE000  }
0x6ed: {  	_ =	swait.ge [sflag:s9], $0x2000  }
0x6ee: {  	[sflag:s9] =	ssyncset.done $0x0  }
0x6ef: {  	[sflag:s9] =	ssyncadd.s32 $0xFFFFE000  }
0x6f0: {  	_ =	swait.ge [sflag:s10], $0x2000  }
0x6f1: {  	[sflag:s10] =	ssyncset.done $0x0  }
0x6f2: {  	[sflag:s10] =	ssyncadd.s32 $0xFFFFE000  }
0x6f3: {  	_ =	swait.ge [sflag:s10], $0x2000  }
0x6f4: {  	[sflag:s10] =	ssyncset.done $0x0  }
0x6f5: {  	[sflag:s10] =	ssyncadd.s32 $0xFFFFE000  }
0x6f6: {  	_ =	swait.ge [sflag:s10], $0x2000  }
0x6f7: {  	[sflag:s10] =	ssyncset.done $0x0  }
0x6f8: {  	[sflag:s10] =	ssyncadd.s32 $0xFFFFE000  }
0x6f9: {  	_ =	swait.ge [sflag:s7], $0x2000  }
0x6fa: {  	[sflag:s7] =	ssyncset.done $0x0  }
0x6fb: {  	[sflag:s7] =	ssyncadd.s32 $0xFFFFE000  }
0x6fc: {  	_ =	swait.ge [sflag:s7], $0x2000  }
0x6fd: {  	[sflag:s7] =	ssyncset.done $0x0  }
0x6fe: {  	[sflag:s7] =	ssyncadd.s32 $0xFFFFE000  }
0x6ff: {  	s11 =	sadd.s32 $0x1, s11;
	_ =	swait.ge [sflag:s7], $0x2000  }
0x700: {  	p0 =	sne.s32 s11, s29;
	v17 =	vld [tilespmem:$0x1FFD0]  }
.Ltmp5:
0x701: {  	v18 =	vld [tilespmem:$0x1FFE0];
	(pc) =	sbr.rel @p0 .LBB2_1-.Ltmp5, $4  }
0x702: {  	_ = 	snop  }
0x703: {  	v19 =	vld [tilespmem:$0x1FFF0]  }
0x704: {  	[sflag:s7] =	ssyncset.done $0x0  }
0x705: {  	[sflag:s7] =	ssyncadd.s32 $0xFFFFE000  }
0x706: {  	_ =	sfence.sel $0x180000  }
0x707: {  	[bflag:$0x0] =	sbarrier.arrive $0xFFFF  }
0x708: {  	_ =	strace $0x90000047  }
0x709: {  	s0 =	stileid.u32;
	[bflag:$0x2] =	sbarrier.arrive $0xFFFF  }
0x70a: {  	p0 =	sne.s32 s0, $0x0;
	s0 =	rddreg [dreg:$0x3]  }
0x70b: {  	s0 =	sadd.s32 @!p0 $0x100000, s0  }
0x70c: {  	[sflag:s0] =	ssyncadd.tile.s32 @!p0 $0x1;
	_ =	shalt  }
.Lfunc_end2:
_tile_overlayer_lowered:
.L_overlay_start_2:
0x70d: {  	(tag) =	ssettag $0x2  }
0x70e: {  	s0 =	rddreg [dreg:$0x0];
	s2 =	stileid.u32  }
0x70f: {  	s1 =	rddreg [dreg:$0x1];
	p0 =	sne.s32 s2, $0x0  }
0x710: {  	s3 =	rddreg [dreg:$0x2];
	[bflag:$0x3] =	sbarrier.arrive $0xFFFF;
	s2 =	simm.s32 @!p0 $0x1C07  }
0x711: {  	[timem:s3], [sflag:s2] =	dma.local @!p0 [hbm:s0], s1  }
0x712: {  	s0 =	simm.s32 @!p0 $0x7  }
0x713: {  	_ =	swait.ge @!p0 [sflag:s0], s1  }
0x714: {  	s1 =	ssub.s32 @!p0 $0x0, s1;
	[sflag:s0] =	ssyncset.done @!p0 $0x0  }
0x715: {  	[sflag:s0] =	ssyncadd.s32 @!p0 s1  }
0x716: {  	[bflag:$0x3] =	sbarrier.arrive $0xFFFF  }
0x717: {  	_ =	shalt  }

</sc_bundles>
